<compile_context>
chip_gen: v7x
topology: tpu7x:2x2x1
jax: 0.10.2.dev20260603
libtpu: 0.0.44.dev20260713+nightly
codegen_flags: <defaults>
</compile_context>

<pallas_src>
import jax
import jax.numpy as jnp
from jax import lax
from jax.experimental import pallas as pl
from jax.experimental.pallas import tpu as pltpu
from jax.experimental.pallas import tpu_sc as plsc

NC, NS, L = 2, 16, 16
NW = NC * NS
BATCH, SEQ, DIM = 4096, 200, 64
RPW = BATCH // NW
C0, C1 = 104, 96
NBUF = 4


def _body(x_hbm, wt_hbm, pt_hbm, out_hbm, idx_v, pos_v, buf, gsem, osem):
    wid = lax.axis_index("s") * NC + lax.axis_index("c")
    base = wid * RPW
    pltpu.sync_copy(pt_hbm, pos_v)
    pltpu.sync_copy(x_hbm.at[pl.ds(base, RPW)], idx_v)

    def fire_gather(j, r):
        pltpu.async_copy(wt_hbm.at[idx_v.at[r, pl.ds(0, C0)]],
                         buf.at[j, pl.ds(0, C0)], gsem.at[j])
        pltpu.async_copy(wt_hbm.at[idx_v.at[r, pl.ds(C0, C1)]],
                         buf.at[j, pl.ds(C0, C1)], gsem.at[j])

    def wait_gather(j):
        pltpu.make_async_copy(wt_hbm.at[pl.ds(0, SEQ)], buf.at[j],
                              gsem.at[j]).wait()

    def pos_add(j):
        @pl.loop(0, SEQ, unroll=8)
        def _seq(s):
            for c in range(DIM // L):
                plsc.addupdate(buf.at[j, s, pl.ds(c * L, L)],
                               pos_v[s, pl.ds(c * L, L)])

    def fire_out(j, r):
        pltpu.async_copy(buf.at[j], out_hbm.at[base + r], osem.at[j])

    def wait_out(j):
        pltpu.make_async_copy(buf.at[j], out_hbm.at[0], osem.at[j]).wait()

    for j in range(NBUF):
        fire_gather(j, j)

    @pl.loop(0, RPW - NBUF, step=NBUF)
    def _ring(g):
        for j in range(NBUF):
            wait_gather(j)
            pos_add(j)
            fire_out(j, g + j)
        for j in range(NBUF):
            wait_out(j)
            fire_gather(j, g + NBUF + j)

    for j in range(NBUF):
        wait_gather(j)
        pos_add(j)
        fire_out(j, RPW - NBUF + j)
    for j in range(NBUF):
        wait_out(j)


def kernel(x, word_table, pos_table):
    x = x.astype(jnp.int32)
    mesh = plsc.VectorSubcoreMesh(core_axis_name="c", subcore_axis_name="s")
    f = pl.kernel(
        _body,
        out_type=jax.ShapeDtypeStruct((BATCH, SEQ, DIM), jnp.float32),
        mesh=mesh,
        scratch_types=[
            pltpu.VMEM((RPW, SEQ), jnp.int32),
            pltpu.VMEM((SEQ, DIM), jnp.float32),
            pltpu.VMEM((NBUF, SEQ, DIM), jnp.float32),
            pltpu.SemaphoreType.DMA((NBUF,)),
            pltpu.SemaphoreType.DMA((NBUF,)),
        ],
        compiler_params=pltpu.CompilerParams(use_tc_tiling_on_sc=False),
    )
    return f(x, word_table, pos_table)

# --- scband reference (transcript-rebuilt; emitter-appended) ---
"""Pipeline reference for scband-position-embedding-5274219840138 (READ-ONLY COPY).

The authoritative reference and input builder live on the scoring server;
editing this copy changes nothing except your own understanding.
"""

import jax, jax.numpy as jnp
import numpy as np

N_EMB = 1000000
DIM = 64
MAX_LEN = 200
BATCH = 4096
SEQ = 200


def setup_inputs(seed: int = 0) -> dict:
    key = jax.random.key(seed)
    k_x, k_w, k_p = jax.random.split(key, 3)
    x = jax.random.randint(k_x, (BATCH, SEQ), 0, N_EMB, dtype=jnp.int64 if jax.config.jax_enable_x64 else jnp.int32)
    word_table = jax.random.normal(k_w, (N_EMB, DIM), dtype=jnp.float32)
    pos_table = jax.random.normal(k_p, (MAX_LEN, DIM), dtype=jnp.float32)
    return {"x": x, "word_table": word_table, "pos_table": pos_table}


def reference(x, word_table, pos_table):
    # PositionEmbedding.forward (dropout p=0.0 -> identity)
    max_len = x.shape[-1]
    ids = jnp.arange(max_len, dtype=x.dtype)
    ids = jnp.broadcast_to(ids[None, :], x.shape)
    word_emb = jnp.take(word_table, x, axis=0)
    pos_emb = jnp.take(pos_table, ids, axis=0)
    emb = word_emb + pos_emb
    return emb

if __name__ == "__main__":
    import jax
    _d = setup_inputs()
    print(jax.jit(kernel)(*tuple(_d.values())))

</pallas_src>

<mosaic_0001>
#map = affine_map<(d0, d1) -> (0, 0)>
#map1 = affine_map<(d0, d1) -> (0, 0, 0)>
module attributes {stable_mosaic.version = 14 : i64} {
  func.func @_body(%arg0: i32, %arg1: i32, %arg2: memref<4096x200xi32, #tpu.memory_space<hbm>>, %arg3: memref<1000000x64xf32, #tpu.memory_space<hbm>>, %arg4: memref<200x64xf32, #tpu.memory_space<hbm>>, %arg5: memref<4096x200x64xf32, #tpu.memory_space<hbm>>, %arg6: memref<128x200xi32, #tpu.memory_space<vmem>>, %arg7: memref<200x64xf32, #tpu.memory_space<vmem>>, %arg8: memref<4x200x64xf32, #tpu.memory_space<vmem>>, %arg9: memref<4x!tpu.dma_semaphore, #tpu.memory_space<semaphore_mem>>, %arg10: memref<4x!tpu.dma_semaphore, #tpu.memory_space<semaphore_mem>>) attributes {dimension_semantics = [#tpu.dimension_semantics<core_parallel>, #tpu.dimension_semantics<subcore_parallel>], iteration_bounds = array<i64: 2, 16>, scalar_prefetch = 0 : i64, scratch_operands = 5 : i64, tpu.core_type = #tpu.core_type<sc_vector_subcore>, window_params = [{transform_indices = #map}, {transform_indices = #map}, {transform_indices = #map}, {transform_indices = #map1}]} {
    %mul3A = arith.constant 2 : i32
    %mul3A_0 = arith.muli %arg1, %mul3A : i32
    %add3A = arith.addi %mul3A_0, %arg0 : i32
    %mul3A_1 = arith.constant 128 : i32
    %mul3A_2 = arith.muli %add3A, %mul3A_1 : i32
    "tpu.region"() ({
      %run_scoped3A = tpu.sem_alloc : memref<!tpu.dma_semaphore, #tpu.memory_space<semaphore_mem>>
      tpu.enqueue_dma source(%arg4 : memref<200x64xf32, #tpu.memory_space<hbm>>) target(%arg7 : memref<200x64xf32, #tpu.memory_space<vmem>>) target_semaphore(%run_scoped3A : memref<!tpu.dma_semaphore, #tpu.memory_space<semaphore_mem>>)
      tpu.wait_dma2 semaphore(%run_scoped3A : memref<!tpu.dma_semaphore, #tpu.memory_space<semaphore_mem>>) src(%arg4 : memref<200x64xf32, #tpu.memory_space<hbm>>) dst(%arg7 : memref<200x64xf32, #tpu.memory_space<vmem>>)
      tpu.yield
    }) : () -> ()
    "tpu.region"() ({
      %run_scoped3A = tpu.sem_alloc : memref<!tpu.dma_semaphore, #tpu.memory_space<semaphore_mem>>
      %dma_start3A_389 = arith.constant 0 : i32
      %dma_start3A_390 = tpu.memref_slice %arg2[%mul3A_2, %dma_start3A_389] : memref<4096x200xi32, #tpu.memory_space<hbm>> -> memref<128x200xi32, #tpu.memory_space<hbm>>
      %dma_start3A_391 = arith.constant 0 : i32
      %dma_start3A_392 = tpu.memref_slice %arg2[%mul3A_2, %dma_start3A_391] : memref<4096x200xi32, #tpu.memory_space<hbm>> -> memref<128x200xi32, #tpu.memory_space<hbm>>
      tpu.enqueue_dma source(%dma_start3A_392 : memref<128x200xi32, #tpu.memory_space<hbm>>) target(%arg6 : memref<128x200xi32, #tpu.memory_space<vmem>>) target_semaphore(%run_scoped3A : memref<!tpu.dma_semaphore, #tpu.memory_space<semaphore_mem>>)
      %dma_wait3A_393 = arith.constant 0 : i32
      %dma_wait3A_394 = tpu.memref_slice %arg2[%mul3A_2, %dma_wait3A_393] : memref<4096x200xi32, #tpu.memory_space<hbm>> -> memref<128x200xi32, #tpu.memory_space<hbm>>
      %dma_wait3A_395 = arith.constant 0 : i32
      %dma_wait3A_396 = tpu.memref_slice %arg2[%mul3A_2, %dma_wait3A_395] : memref<4096x200xi32, #tpu.memory_space<hbm>> -> memref<128x200xi32, #tpu.memory_space<hbm>>
      tpu.wait_dma2 semaphore(%run_scoped3A : memref<!tpu.dma_semaphore, #tpu.memory_space<semaphore_mem>>) src(%dma_wait3A_396 : memref<128x200xi32, #tpu.memory_space<hbm>>) dst(%arg6 : memref<128x200xi32, #tpu.memory_space<vmem>>)
      tpu.yield
    }) : () -> ()
    %dma_start3A = arith.constant 0 : i32
    %dma_start3A_3 = arith.constant 0 : i32
    %dma_start3A_4 = arith.constant 0 : i32
    %dma_start3A_5 = arith.constant 0 : i32
    %dma_start3A_6 = arith.constant 0 : i32
    %dma_start3A_7 = tpu.memref_slice %arg8[%dma_start3A_3, %dma_start3A_5, %dma_start3A_6] : memref<4x200x64xf32, #tpu.memory_space<vmem>> -> memref<1x104x64xf32, #tpu.memory_space<vmem>>
    %dma_start3A_8 = tpu.memref_squeeze %dma_start3A_7 : memref<1x104x64xf32, #tpu.memory_space<vmem>> -> memref<104x64xf32, #tpu.memory_space<vmem>>
    %dma_start3A_9 = arith.constant 0 : i32
    %dma_start3A_10 = tpu.memref_slice %arg6[%dma_start3A, %dma_start3A_9] : memref<128x200xi32, #tpu.memory_space<vmem>> -> memref<1x104xi32, #tpu.memory_space<vmem>>
    %dma_start3A_11 = tpu.memref_squeeze %dma_start3A_10 : memref<1x104xi32, #tpu.memory_space<vmem>> -> memref<104xi32, #tpu.memory_space<vmem>>
    %dma_start3A_12 = arith.constant 0 : i32
    %dma_start3A_13 = arith.constant 0 : i32
    %dma_start3A_14 = tpu.memref_slice %arg3[%dma_start3A_12, %dma_start3A_13] : memref<1000000x64xf32, #tpu.memory_space<hbm>> -> memref<1000000x64xf32, #tpu.memory_space<hbm>>
    %dma_start3A_15 = tpu.memref_slice %arg9[%dma_start3A_4] : memref<4x!tpu.dma_semaphore, #tpu.memory_space<semaphore_mem>> -> memref<1x!tpu.dma_semaphore, #tpu.memory_space<semaphore_mem>>
    %dma_start3A_16 = tpu.memref_squeeze %dma_start3A_15 : memref<1x!tpu.dma_semaphore, #tpu.memory_space<semaphore_mem>> -> memref<!tpu.dma_semaphore, #tpu.memory_space<semaphore_mem>>
    tpu.enqueue_indirect_dma source(%dma_start3A_14 : memref<1000000x64xf32, #tpu.memory_space<hbm>>) target(%dma_start3A_8 : memref<104x64xf32, #tpu.memory_space<vmem>>) offsets(%dma_start3A_11 : memref<104xi32, #tpu.memory_space<vmem>>) semaphore(%dma_start3A_16 : memref<!tpu.dma_semaphore, #tpu.memory_space<semaphore_mem>>)
    %dma_start3A_17 = arith.constant 0 : i32
    %dma_start3A_18 = arith.constant 0 : i32
    %dma_start3A_19 = arith.constant 0 : i32
    %dma_start3A_20 = arith.constant 104 : i32
    %dma_start3A_21 = arith.constant 0 : i32
    %dma_start3A_22 = tpu.memref_slice %arg8[%dma_start3A_18, %dma_start3A_20, %dma_start3A_21] : memref<4x200x64xf32, #tpu.memory_space<vmem>> -> memref<1x96x64xf32, #tpu.memory_space<vmem>>
    %dma_start3A_23 = tpu.memref_squeeze %dma_start3A_22 : memref<1x96x64xf32, #tpu.memory_space<vmem>> -> memref<96x64xf32, #tpu.memory_space<vmem>>
    %dma_start3A_24 = arith.constant 104 : i32
    %dma_start3A_25 = tpu.memref_slice %arg6[%dma_start3A_17, %dma_start3A_24] : memref<128x200xi32, #tpu.memory_space<vmem>> -> memref<1x96xi32, #tpu.memory_space<vmem>>
    %dma_start3A_26 = tpu.memref_squeeze %dma_start3A_25 : memref<1x96xi32, #tpu.memory_space<vmem>> -> memref<96xi32, #tpu.memory_space<vmem>>
    %dma_start3A_27 = arith.constant 0 : i32
    %dma_start3A_28 = arith.constant 0 : i32
    %dma_start3A_29 = tpu.memref_slice %arg3[%dma_start3A_27, %dma_start3A_28] : memref<1000000x64xf32, #tpu.memory_space<hbm>> -> memref<1000000x64xf32, #tpu.memory_space<hbm>>
    %dma_start3A_30 = tpu.memref_slice %arg9[%dma_start3A_19] : memref<4x!tpu.dma_semaphore, #tpu.memory_space<semaphore_mem>> -> memref<1x!tpu.dma_semaphore, #tpu.memory_space<semaphore_mem>>
    %dma_start3A_31 = tpu.memref_squeeze %dma_start3A_30 : memref<1x!tpu.dma_semaphore, #tpu.memory_space<semaphore_mem>> -> memref<!tpu.dma_semaphore, #tpu.memory_space<semaphore_mem>>
    tpu.enqueue_indirect_dma source(%dma_start3A_29 : memref<1000000x64xf32, #tpu.memory_space<hbm>>) target(%dma_start3A_23 : memref<96x64xf32, #tpu.memory_space<vmem>>) offsets(%dma_start3A_26 : memref<96xi32, #tpu.memory_space<vmem>>) semaphore(%dma_start3A_31 : memref<!tpu.dma_semaphore, #tpu.memory_space<semaphore_mem>>)
    %dma_start3A_32 = arith.constant 1 : i32
    %dma_start3A_33 = arith.constant 1 : i32
    %dma_start3A_34 = arith.constant 1 : i32
    %dma_start3A_35 = arith.constant 0 : i32
    %dma_start3A_36 = arith.constant 0 : i32
    %dma_start3A_37 = tpu.memref_slice %arg8[%dma_start3A_33, %dma_start3A_35, %dma_start3A_36] : memref<4x200x64xf32, #tpu.memory_space<vmem>> -> memref<1x104x64xf32, #tpu.memory_space<vmem>>
    %dma_start3A_38 = tpu.memref_squeeze %dma_start3A_37 : memref<1x104x64xf32, #tpu.memory_space<vmem>> -> memref<104x64xf32, #tpu.memory_space<vmem>>
    %dma_start3A_39 = arith.constant 0 : i32
    %dma_start3A_40 = tpu.memref_slice %arg6[%dma_start3A_32, %dma_start3A_39] : memref<128x200xi32, #tpu.memory_space<vmem>> -> memref<1x104xi32, #tpu.memory_space<vmem>>
    %dma_start3A_41 = tpu.memref_squeeze %dma_start3A_40 : memref<1x104xi32, #tpu.memory_space<vmem>> -> memref<104xi32, #tpu.memory_space<vmem>>
    %dma_start3A_42 = arith.constant 0 : i32
    %dma_start3A_43 = arith.constant 0 : i32
    %dma_start3A_44 = tpu.memref_slice %arg3[%dma_start3A_42, %dma_start3A_43] : memref<1000000x64xf32, #tpu.memory_space<hbm>> -> memref<1000000x64xf32, #tpu.memory_space<hbm>>
    %dma_start3A_45 = tpu.memref_slice %arg9[%dma_start3A_34] : memref<4x!tpu.dma_semaphore, #tpu.memory_space<semaphore_mem>> -> memref<1x!tpu.dma_semaphore, #tpu.memory_space<semaphore_mem>>
    %dma_start3A_46 = tpu.memref_squeeze %dma_start3A_45 : memref<1x!tpu.dma_semaphore, #tpu.memory_space<semaphore_mem>> -> memref<!tpu.dma_semaphore, #tpu.memory_space<semaphore_mem>>
    tpu.enqueue_indirect_dma source(%dma_start3A_44 : memref<1000000x64xf32, #tpu.memory_space<hbm>>) target(%dma_start3A_38 : memref<104x64xf32, #tpu.memory_space<vmem>>) offsets(%dma_start3A_41 : memref<104xi32, #tpu.memory_space<vmem>>) semaphore(%dma_start3A_46 : memref<!tpu.dma_semaphore, #tpu.memory_space<semaphore_mem>>)
    %dma_start3A_47 = arith.constant 1 : i32
    %dma_start3A_48 = arith.constant 1 : i32
    %dma_start3A_49 = arith.constant 1 : i32
    %dma_start3A_50 = arith.constant 104 : i32
    %dma_start3A_51 = arith.constant 0 : i32
    %dma_start3A_52 = tpu.memref_slice %arg8[%dma_start3A_48, %dma_start3A_50, %dma_start3A_51] : memref<4x200x64xf32, #tpu.memory_space<vmem>> -> memref<1x96x64xf32, #tpu.memory_space<vmem>>
    %dma_start3A_53 = tpu.memref_squeeze %dma_start3A_52 : memref<1x96x64xf32, #tpu.memory_space<vmem>> -> memref<96x64xf32, #tpu.memory_space<vmem>>
    %dma_start3A_54 = arith.constant 104 : i32
    %dma_start3A_55 = tpu.memref_slice %arg6[%dma_start3A_47, %dma_start3A_54] : memref<128x200xi32, #tpu.memory_space<vmem>> -> memref<1x96xi32, #tpu.memory_space<vmem>>
    %dma_start3A_56 = tpu.memref_squeeze %dma_start3A_55 : memref<1x96xi32, #tpu.memory_space<vmem>> -> memref<96xi32, #tpu.memory_space<vmem>>
    %dma_start3A_57 = arith.constant 0 : i32
    %dma_start3A_58 = arith.constant 0 : i32
    %dma_start3A_59 = tpu.memref_slice %arg3[%dma_start3A_57, %dma_start3A_58] : memref<1000000x64xf32, #tpu.memory_space<hbm>> -> memref<1000000x64xf32, #tpu.memory_space<hbm>>
    %dma_start3A_60 = tpu.memref_slice %arg9[%dma_start3A_49] : memref<4x!tpu.dma_semaphore, #tpu.memory_space<semaphore_mem>> -> memref<1x!tpu.dma_semaphore, #tpu.memory_space<semaphore_mem>>
    %dma_start3A_61 = tpu.memref_squeeze %dma_start3A_60 : memref<1x!tpu.dma_semaphore, #tpu.memory_space<semaphore_mem>> -> memref<!tpu.dma_semaphore, #tpu.memory_space<semaphore_mem>>
    tpu.enqueue_indirect_dma source(%dma_start3A_59 : memref<1000000x64xf32, #tpu.memory_space<hbm>>) target(%dma_start3A_53 : memref<96x64xf32, #tpu.memory_space<vmem>>) offsets(%dma_start3A_56 : memref<96xi32, #tpu.memory_space<vmem>>) semaphore(%dma_start3A_61 : memref<!tpu.dma_semaphore, #tpu.memory_space<semaphore_mem>>)
    %dma_start3A_62 = arith.constant 2 : i32
    %dma_start3A_63 = arith.constant 2 : i32
    %dma_start3A_64 = arith.constant 2 : i32
    %dma_start3A_65 = arith.constant 0 : i32
    %dma_start3A_66 = arith.constant 0 : i32
    %dma_start3A_67 = tpu.memref_slice %arg8[%dma_start3A_63, %dma_start3A_65, %dma_start3A_66] : memref<4x200x64xf32, #tpu.memory_space<vmem>> -> memref<1x104x64xf32, #tpu.memory_space<vmem>>
    %dma_start3A_68 = tpu.memref_squeeze %dma_start3A_67 : memref<1x104x64xf32, #tpu.memory_space<vmem>> -> memref<104x64xf32, #tpu.memory_space<vmem>>
    %dma_start3A_69 = arith.constant 0 : i32
    %dma_start3A_70 = tpu.memref_slice %arg6[%dma_start3A_62, %dma_start3A_69] : memref<128x200xi32, #tpu.memory_space<vmem>> -> memref<1x104xi32, #tpu.memory_space<vmem>>
    %dma_start3A_71 = tpu.memref_squeeze %dma_start3A_70 : memref<1x104xi32, #tpu.memory_space<vmem>> -> memref<104xi32, #tpu.memory_space<vmem>>
    %dma_start3A_72 = arith.constant 0 : i32
    %dma_start3A_73 = arith.constant 0 : i32
    %dma_start3A_74 = tpu.memref_slice %arg3[%dma_start3A_72, %dma_start3A_73] : memref<1000000x64xf32, #tpu.memory_space<hbm>> -> memref<1000000x64xf32, #tpu.memory_space<hbm>>
    %dma_start3A_75 = tpu.memref_slice %arg9[%dma_start3A_64] : memref<4x!tpu.dma_semaphore, #tpu.memory_space<semaphore_mem>> -> memref<1x!tpu.dma_semaphore, #tpu.memory_space<semaphore_mem>>
    %dma_start3A_76 = tpu.memref_squeeze %dma_start3A_75 : memref<1x!tpu.dma_semaphore, #tpu.memory_space<semaphore_mem>> -> memref<!tpu.dma_semaphore, #tpu.memory_space<semaphore_mem>>
    tpu.enqueue_indirect_dma source(%dma_start3A_74 : memref<1000000x64xf32, #tpu.memory_space<hbm>>) target(%dma_start3A_68 : memref<104x64xf32, #tpu.memory_space<vmem>>) offsets(%dma_start3A_71 : memref<104xi32, #tpu.memory_space<vmem>>) semaphore(%dma_start3A_76 : memref<!tpu.dma_semaphore, #tpu.memory_space<semaphore_mem>>)
    %dma_start3A_77 = arith.constant 2 : i32
    %dma_start3A_78 = arith.constant 2 : i32
    %dma_start3A_79 = arith.constant 2 : i32
    %dma_start3A_80 = arith.constant 104 : i32
    %dma_start3A_81 = arith.constant 0 : i32
    %dma_start3A_82 = tpu.memref_slice %arg8[%dma_start3A_78, %dma_start3A_80, %dma_start3A_81] : memref<4x200x64xf32, #tpu.memory_space<vmem>> -> memref<1x96x64xf32, #tpu.memory_space<vmem>>
    %dma_start3A_83 = tpu.memref_squeeze %dma_start3A_82 : memref<1x96x64xf32, #tpu.memory_space<vmem>> -> memref<96x64xf32, #tpu.memory_space<vmem>>
    %dma_start3A_84 = arith.constant 104 : i32
    %dma_start3A_85 = tpu.memref_slice %arg6[%dma_start3A_77, %dma_start3A_84] : memref<128x200xi32, #tpu.memory_space<vmem>> -> memref<1x96xi32, #tpu.memory_space<vmem>>
    %dma_start3A_86 = tpu.memref_squeeze %dma_start3A_85 : memref<1x96xi32, #tpu.memory_space<vmem>> -> memref<96xi32, #tpu.memory_space<vmem>>
    %dma_start3A_87 = arith.constant 0 : i32
    %dma_start3A_88 = arith.constant 0 : i32
    %dma_start3A_89 = tpu.memref_slice %arg3[%dma_start3A_87, %dma_start3A_88] : memref<1000000x64xf32, #tpu.memory_space<hbm>> -> memref<1000000x64xf32, #tpu.memory_space<hbm>>
    %dma_start3A_90 = tpu.memref_slice %arg9[%dma_start3A_79] : memref<4x!tpu.dma_semaphore, #tpu.memory_space<semaphore_mem>> -> memref<1x!tpu.dma_semaphore, #tpu.memory_space<semaphore_mem>>
    %dma_start3A_91 = tpu.memref_squeeze %dma_start3A_90 : memref<1x!tpu.dma_semaphore, #tpu.memory_space<semaphore_mem>> -> memref<!tpu.dma_semaphore, #tpu.memory_space<semaphore_mem>>
    tpu.enqueue_indirect_dma source(%dma_start3A_89 : memref<1000000x64xf32, #tpu.memory_space<hbm>>) target(%dma_start3A_83 : memref<96x64xf32, #tpu.memory_space<vmem>>) offsets(%dma_start3A_86 : memref<96xi32, #tpu.memory_space<vmem>>) semaphore(%dma_start3A_91 : memref<!tpu.dma_semaphore, #tpu.memory_space<semaphore_mem>>)
    %dma_start3A_92 = arith.constant 3 : i32
    %dma_start3A_93 = arith.constant 3 : i32
    %dma_start3A_94 = arith.constant 3 : i32
    %dma_start3A_95 = arith.constant 0 : i32
    %dma_start3A_96 = arith.constant 0 : i32
    %dma_start3A_97 = tpu.memref_slice %arg8[%dma_start3A_93, %dma_start3A_95, %dma_start3A_96] : memref<4x200x64xf32, #tpu.memory_space<vmem>> -> memref<1x104x64xf32, #tpu.memory_space<vmem>>
    %dma_start3A_98 = tpu.memref_squeeze %dma_start3A_97 : memref<1x104x64xf32, #tpu.memory_space<vmem>> -> memref<104x64xf32, #tpu.memory_space<vmem>>
    %dma_start3A_99 = arith.constant 0 : i32
    %dma_start3A_100 = tpu.memref_slice %arg6[%dma_start3A_92, %dma_start3A_99] : memref<128x200xi32, #tpu.memory_space<vmem>> -> memref<1x104xi32, #tpu.memory_space<vmem>>
    %dma_start3A_101 = tpu.memref_squeeze %dma_start3A_100 : memref<1x104xi32, #tpu.memory_space<vmem>> -> memref<104xi32, #tpu.memory_space<vmem>>
    %dma_start3A_102 = arith.constant 0 : i32
    %dma_start3A_103 = arith.constant 0 : i32
    %dma_start3A_104 = tpu.memref_slice %arg3[%dma_start3A_102, %dma_start3A_103] : memref<1000000x64xf32, #tpu.memory_space<hbm>> -> memref<1000000x64xf32, #tpu.memory_space<hbm>>
    %dma_start3A_105 = tpu.memref_slice %arg9[%dma_start3A_94] : memref<4x!tpu.dma_semaphore, #tpu.memory_space<semaphore_mem>> -> memref<1x!tpu.dma_semaphore, #tpu.memory_space<semaphore_mem>>
    %dma_start3A_106 = tpu.memref_squeeze %dma_start3A_105 : memref<1x!tpu.dma_semaphore, #tpu.memory_space<semaphore_mem>> -> memref<!tpu.dma_semaphore, #tpu.memory_space<semaphore_mem>>
    tpu.enqueue_indirect_dma source(%dma_start3A_104 : memref<1000000x64xf32, #tpu.memory_space<hbm>>) target(%dma_start3A_98 : memref<104x64xf32, #tpu.memory_space<vmem>>) offsets(%dma_start3A_101 : memref<104xi32, #tpu.memory_space<vmem>>) semaphore(%dma_start3A_106 : memref<!tpu.dma_semaphore, #tpu.memory_space<semaphore_mem>>)
    %dma_start3A_107 = arith.constant 3 : i32
    %dma_start3A_108 = arith.constant 3 : i32
    %dma_start3A_109 = arith.constant 3 : i32
    %dma_start3A_110 = arith.constant 104 : i32
    %dma_start3A_111 = arith.constant 0 : i32
    %dma_start3A_112 = tpu.memref_slice %arg8[%dma_start3A_108, %dma_start3A_110, %dma_start3A_111] : memref<4x200x64xf32, #tpu.memory_space<vmem>> -> memref<1x96x64xf32, #tpu.memory_space<vmem>>
    %dma_start3A_113 = tpu.memref_squeeze %dma_start3A_112 : memref<1x96x64xf32, #tpu.memory_space<vmem>> -> memref<96x64xf32, #tpu.memory_space<vmem>>
    %dma_start3A_114 = arith.constant 104 : i32
    %dma_start3A_115 = tpu.memref_slice %arg6[%dma_start3A_107, %dma_start3A_114] : memref<128x200xi32, #tpu.memory_space<vmem>> -> memref<1x96xi32, #tpu.memory_space<vmem>>
    %dma_start3A_116 = tpu.memref_squeeze %dma_start3A_115 : memref<1x96xi32, #tpu.memory_space<vmem>> -> memref<96xi32, #tpu.memory_space<vmem>>
    %dma_start3A_117 = arith.constant 0 : i32
    %dma_start3A_118 = arith.constant 0 : i32
    %dma_start3A_119 = tpu.memref_slice %arg3[%dma_start3A_117, %dma_start3A_118] : memref<1000000x64xf32, #tpu.memory_space<hbm>> -> memref<1000000x64xf32, #tpu.memory_space<hbm>>
    %dma_start3A_120 = tpu.memref_slice %arg9[%dma_start3A_109] : memref<4x!tpu.dma_semaphore, #tpu.memory_space<semaphore_mem>> -> memref<1x!tpu.dma_semaphore, #tpu.memory_space<semaphore_mem>>
    %dma_start3A_121 = tpu.memref_squeeze %dma_start3A_120 : memref<1x!tpu.dma_semaphore, #tpu.memory_space<semaphore_mem>> -> memref<!tpu.dma_semaphore, #tpu.memory_space<semaphore_mem>>
    tpu.enqueue_indirect_dma source(%dma_start3A_119 : memref<1000000x64xf32, #tpu.memory_space<hbm>>) target(%dma_start3A_113 : memref<96x64xf32, #tpu.memory_space<vmem>>) offsets(%dma_start3A_116 : memref<96xi32, #tpu.memory_space<vmem>>) semaphore(%dma_start3A_121 : memref<!tpu.dma_semaphore, #tpu.memory_space<semaphore_mem>>)
    %scan3A = arith.constant 0 : i32
    %scan3A_122 = arith.constant 31 : i32
    %scan3A_123 = arith.addi %scan3A, %scan3A_122 : i32
    %scan3A_124 = arith.constant 1 : i32
    scf.for %scan3A_389 = %scan3A to %scan3A_123 step %scan3A_124  : i32 {
      %mul3A_390 = arith.constant 4 : i32
      %mul3A_391 = arith.muli %scan3A_389, %mul3A_390 : i32
      %add3A_392 = arith.constant 0 : i32
      %add3A_393 = arith.addi %add3A_392, %mul3A_391 : i32
      %dma_wait3A_394 = arith.constant 0 : i32
      %dma_wait3A_395 = arith.constant 0 : i32
      %dma_wait3A_396 = arith.constant 0 : i32
      %dma_wait3A_397 = arith.constant 0 : i32
      %dma_wait3A_398 = tpu.memref_slice %arg8[%dma_wait3A_394, %dma_wait3A_396, %dma_wait3A_397] : memref<4x200x64xf32, #tpu.memory_space<vmem>> -> memref<1x200x64xf32, #tpu.memory_space<vmem>>
      %dma_wait3A_399 = tpu.memref_squeeze %dma_wait3A_398 : memref<1x200x64xf32, #tpu.memory_space<vmem>> -> memref<200x64xf32, #tpu.memory_space<vmem>>
      %dma_wait3A_400 = arith.constant 0 : i32
      %dma_wait3A_401 = arith.constant 0 : i32
      %dma_wait3A_402 = tpu.memref_slice %arg3[%dma_wait3A_400, %dma_wait3A_401] : memref<1000000x64xf32, #tpu.memory_space<hbm>> -> memref<200x64xf32, #tpu.memory_space<hbm>>
      %dma_wait3A_403 = tpu.memref_slice %arg9[%dma_wait3A_395] : memref<4x!tpu.dma_semaphore, #tpu.memory_space<semaphore_mem>> -> memref<1x!tpu.dma_semaphore, #tpu.memory_space<semaphore_mem>>
      %dma_wait3A_404 = tpu.memref_squeeze %dma_wait3A_403 : memref<1x!tpu.dma_semaphore, #tpu.memory_space<semaphore_mem>> -> memref<!tpu.dma_semaphore, #tpu.memory_space<semaphore_mem>>
      %dma_wait3A_405 = arith.constant 0 : i32
      %dma_wait3A_406 = arith.constant 0 : i32
      %dma_wait3A_407 = tpu.memref_slice %arg8[%dma_wait3A_394, %dma_wait3A_405, %dma_wait3A_406] : memref<4x200x64xf32, #tpu.memory_space<vmem>> -> memref<1x200x64xf32, #tpu.memory_space<vmem>>
      %dma_wait3A_408 = tpu.memref_squeeze %dma_wait3A_407 : memref<1x200x64xf32, #tpu.memory_space<vmem>> -> memref<200x64xf32, #tpu.memory_space<vmem>>
      %dma_wait3A_409 = arith.constant 0 : i32
      %dma_wait3A_410 = arith.constant 0 : i32
      %dma_wait3A_411 = tpu.memref_slice %arg3[%dma_wait3A_409, %dma_wait3A_410] : memref<1000000x64xf32, #tpu.memory_space<hbm>> -> memref<200x64xf32, #tpu.memory_space<hbm>>
      tpu.wait_dma2 semaphore(%dma_wait3A_404 : memref<!tpu.dma_semaphore, #tpu.memory_space<semaphore_mem>>) src(%dma_wait3A_411 : memref<200x64xf32, #tpu.memory_space<hbm>>) dst(%dma_wait3A_408 : memref<200x64xf32, #tpu.memory_space<vmem>>)
      %scan3A_412 = arith.constant 0 : i32
      %scan3A_413 = arith.constant 200 : i32
      %scan3A_414 = arith.addi %scan3A_412, %scan3A_413 : i32
      %scan3A_415 = arith.constant 8 : i32
      scf.for %scan3A_790 = %scan3A_412 to %scan3A_414 step %scan3A_415  : i32 {
        %mul3A_791 = arith.constant 1 : i32
        %mul3A_792 = arith.muli %scan3A_790, %mul3A_791 : i32
        %add3A_793 = arith.constant 0 : i32
        %add3A_794 = arith.addi %add3A_793, %mul3A_792 : i32
        %get3A = arith.index_cast %add3A_794 : i32 to index
        %get3A_795 = arith.constant 0 : index
        %get3A_796 = tpu.vector_load %arg7[%get3A, %get3A_795] {strides = array<i32>} : memref<200x64xf32, #tpu.memory_space<vmem>>, vector<1x16xf32>,
        %get3A_797 = vector.shape_cast %get3A_796 : vector<1x16xf32> to vector<16xf32>
        %swap3A = arith.constant 0 : i32
        %swap3A_798 = arith.index_cast %swap3A : i32 to index
        %swap3A_799 = arith.index_cast %add3A_794 : i32 to index
        %swap3A_800 = arith.constant 0 : index
        %swap3A_801 = tpu.vector_load %arg8[%swap3A_798, %swap3A_799, %swap3A_800] {strides = array<i32>} : memref<4x200x64xf32, #tpu.memory_space<vmem>>, vector<1x1x16xf32>,
        %swap3A_802 = vector.shape_cast %swap3A_801 : vector<1x1x16xf32> to vector<16xf32>
        %swap3A_803 = vector.shape_cast %get3A_797 : vector<16xf32> to vector<1x1x16xf32>
        tpu.vector_store %arg8[%swap3A_798, %swap3A_799, %swap3A_800], %swap3A_803 {add = true, strides = array<i32>} : memref<4x200x64xf32, #tpu.memory_space<vmem>>, vector<1x1x16xf32>,
        %get3A_804 = arith.index_cast %add3A_794 : i32 to index
        %get3A_805 = arith.constant 16 : index
        %get3A_806 = tpu.vector_load %arg7[%get3A_804, %get3A_805] {strides = array<i32>} : memref<200x64xf32, #tpu.memory_space<vmem>>, vector<1x16xf32>,
        %get3A_807 = vector.shape_cast %get3A_806 : vector<1x16xf32> to vector<16xf32>
        %swap3A_808 = arith.constant 0 : i32
        %swap3A_809 = arith.index_cast %swap3A_808 : i32 to index
        %swap3A_810 = arith.index_cast %add3A_794 : i32 to index
        %swap3A_811 = arith.constant 16 : index
        %swap3A_812 = tpu.vector_load %arg8[%swap3A_809, %swap3A_810, %swap3A_811] {strides = array<i32>} : memref<4x200x64xf32, #tpu.memory_space<vmem>>, vector<1x1x16xf32>,
        %swap3A_813 = vector.shape_cast %swap3A_812 : vector<1x1x16xf32> to vector<16xf32>
        %swap3A_814 = vector.shape_cast %get3A_807 : vector<16xf32> to vector<1x1x16xf32>
        tpu.vector_store %arg8[%swap3A_809, %swap3A_810, %swap3A_811], %swap3A_814 {add = true, strides = array<i32>} : memref<4x200x64xf32, #tpu.memory_space<vmem>>, vector<1x1x16xf32>,
        %get3A_815 = arith.index_cast %add3A_794 : i32 to index
        %get3A_816 = arith.constant 32 : index
        %get3A_817 = tpu.vector_load %arg7[%get3A_815, %get3A_816] {strides = array<i32>} : memref<200x64xf32, #tpu.memory_space<vmem>>, vector<1x16xf32>,
        %get3A_818 = vector.shape_cast %get3A_817 : vector<1x16xf32> to vector<16xf32>
        %swap3A_819 = arith.constant 0 : i32
        %swap3A_820 = arith.index_cast %swap3A_819 : i32 to index
        %swap3A_821 = arith.index_cast %add3A_794 : i32 to index
        %swap3A_822 = arith.constant 32 : index
        %swap3A_823 = tpu.vector_load %arg8[%swap3A_820, %swap3A_821, %swap3A_822] {strides = array<i32>} : memref<4x200x64xf32, #tpu.memory_space<vmem>>, vector<1x1x16xf32>,
        %swap3A_824 = vector.shape_cast %swap3A_823 : vector<1x1x16xf32> to vector<16xf32>
        %swap3A_825 = vector.shape_cast %get3A_818 : vector<16xf32> to vector<1x1x16xf32>
        tpu.vector_store %arg8[%swap3A_820, %swap3A_821, %swap3A_822], %swap3A_825 {add = true, strides = array<i32>} : memref<4x200x64xf32, #tpu.memory_space<vmem>>, vector<1x1x16xf32>,
        %get3A_826 = arith.index_cast %add3A_794 : i32 to index
        %get3A_827 = arith.constant 48 : index
        %get3A_828 = tpu.vector_load %arg7[%get3A_826, %get3A_827] {strides = array<i32>} : memref<200x64xf32, #tpu.memory_space<vmem>>, vector<1x16xf32>,
        %get3A_829 = vector.shape_cast %get3A_828 : vector<1x16xf32> to vector<16xf32>
        %swap3A_830 = arith.constant 0 : i32
        %swap3A_831 = arith.index_cast %swap3A_830 : i32 to index
        %swap3A_832 = arith.index_cast %add3A_794 : i32 to index
        %swap3A_833 = arith.constant 48 : index
        %swap3A_834 = tpu.vector_load %arg8[%swap3A_831, %swap3A_832, %swap3A_833] {strides = array<i32>} : memref<4x200x64xf32, #tpu.memory_space<vmem>>, vector<1x1x16xf32>,
        %swap3A_835 = vector.shape_cast %swap3A_834 : vector<1x1x16xf32> to vector<16xf32>
        %swap3A_836 = vector.shape_cast %get3A_829 : vector<16xf32> to vector<1x1x16xf32>
        tpu.vector_store %arg8[%swap3A_831, %swap3A_832, %swap3A_833], %swap3A_836 {add = true, strides = array<i32>} : memref<4x200x64xf32, #tpu.memory_space<vmem>>, vector<1x1x16xf32>,
        %scan3A_837 = arith.constant 1 : i32
        %scan3A_838 = arith.addi %scan3A_790, %scan3A_837 : i32
        %mul3A_839 = arith.constant 1 : i32
        %mul3A_840 = arith.muli %scan3A_838, %mul3A_839 : i32
        %add3A_841 = arith.constant 0 : i32
        %add3A_842 = arith.addi %add3A_841, %mul3A_840 : i32
        %get3A_843 = arith.index_cast %add3A_842 : i32 to index
        %get3A_844 = arith.constant 0 : index
        %get3A_845 = tpu.vector_load %arg7[%get3A_843, %get3A_844] {strides = array<i32>} : memref<200x64xf32, #tpu.memory_space<vmem>>, vector<1x16xf32>,
        %get3A_846 = vector.shape_cast %get3A_845 : vector<1x16xf32> to vector<16xf32>
        %swap3A_847 = arith.constant 0 : i32
        %swap3A_848 = arith.index_cast %swap3A_847 : i32 to index
        %swap3A_849 = arith.index_cast %add3A_842 : i32 to index
        %swap3A_850 = arith.constant 0 : index
        %swap3A_851 = tpu.vector_load %arg8[%swap3A_848, %swap3A_849, %swap3A_850] {strides = array<i32>} : memref<4x200x64xf32, #tpu.memory_space<vmem>>, vector<1x1x16xf32>,
        %swap3A_852 = vector.shape_cast %swap3A_851 : vector<1x1x16xf32> to vector<16xf32>
        %swap3A_853 = vector.shape_cast %get3A_846 : vector<16xf32> to vector<1x1x16xf32>
        tpu.vector_store %arg8[%swap3A_848, %swap3A_849, %swap3A_850], %swap3A_853 {add = true, strides = array<i32>} : memref<4x200x64xf32, #tpu.memory_space<vmem>>, vector<1x1x16xf32>,
        %get3A_854 = arith.index_cast %add3A_842 : i32 to index
        %get3A_855 = arith.constant 16 : index
        %get3A_856 = tpu.vector_load %arg7[%get3A_854, %get3A_855] {strides = array<i32>} : memref<200x64xf32, #tpu.memory_space<vmem>>, vector<1x16xf32>,
        %get3A_857 = vector.shape_cast %get3A_856 : vector<1x16xf32> to vector<16xf32>
        %swap3A_858 = arith.constant 0 : i32
        %swap3A_859 = arith.index_cast %swap3A_858 : i32 to index
        %swap3A_860 = arith.index_cast %add3A_842 : i32 to index
        %swap3A_861 = arith.constant 16 : index
        %swap3A_862 = tpu.vector_load %arg8[%swap3A_859, %swap3A_860, %swap3A_861] {strides = array<i32>} : memref<4x200x64xf32, #tpu.memory_space<vmem>>, vector<1x1x16xf32>,
        %swap3A_863 = vector.shape_cast %swap3A_862 : vector<1x1x16xf32> to vector<16xf32>
        %swap3A_864 = vector.shape_cast %get3A_857 : vector<16xf32> to vector<1x1x16xf32>
        tpu.vector_store %arg8[%swap3A_859, %swap3A_860, %swap3A_861], %swap3A_864 {add = true, strides = array<i32>} : memref<4x200x64xf32, #tpu.memory_space<vmem>>, vector<1x1x16xf32>,
        %get3A_865 = arith.index_cast %add3A_842 : i32 to index
        %get3A_866 = arith.constant 32 : index
        %get3A_867 = tpu.vector_load %arg7[%get3A_865, %get3A_866] {strides = array<i32>} : memref<200x64xf32, #tpu.memory_space<vmem>>, vector<1x16xf32>,
        %get3A_868 = vector.shape_cast %get3A_867 : vector<1x16xf32> to vector<16xf32>
        %swap3A_869 = arith.constant 0 : i32
        %swap3A_870 = arith.index_cast %swap3A_869 : i32 to index
        %swap3A_871 = arith.index_cast %add3A_842 : i32 to index
        %swap3A_872 = arith.constant 32 : index
        %swap3A_873 = tpu.vector_load %arg8[%swap3A_870, %swap3A_871, %swap3A_872] {strides = array<i32>} : memref<4x200x64xf32, #tpu.memory_space<vmem>>, vector<1x1x16xf32>,
        %swap3A_874 = vector.shape_cast %swap3A_873 : vector<1x1x16xf32> to vector<16xf32>
        %swap3A_875 = vector.shape_cast %get3A_868 : vector<16xf32> to vector<1x1x16xf32>
        tpu.vector_store %arg8[%swap3A_870, %swap3A_871, %swap3A_872], %swap3A_875 {add = true, strides = array<i32>} : memref<4x200x64xf32, #tpu.memory_space<vmem>>, vector<1x1x16xf32>,
        %get3A_876 = arith.index_cast %add3A_842 : i32 to index
        %get3A_877 = arith.constant 48 : index
        %get3A_878 = tpu.vector_load %arg7[%get3A_876, %get3A_877] {strides = array<i32>} : memref<200x64xf32, #tpu.memory_space<vmem>>, vector<1x16xf32>,
        %get3A_879 = vector.shape_cast %get3A_878 : vector<1x16xf32> to vector<16xf32>
        %swap3A_880 = arith.constant 0 : i32
        %swap3A_881 = arith.index_cast %swap3A_880 : i32 to index
        %swap3A_882 = arith.index_cast %add3A_842 : i32 to index
        %swap3A_883 = arith.constant 48 : index
        %swap3A_884 = tpu.vector_load %arg8[%swap3A_881, %swap3A_882, %swap3A_883] {strides = array<i32>} : memref<4x200x64xf32, #tpu.memory_space<vmem>>, vector<1x1x16xf32>,
        %swap3A_885 = vector.shape_cast %swap3A_884 : vector<1x1x16xf32> to vector<16xf32>
        %swap3A_886 = vector.shape_cast %get3A_879 : vector<16xf32> to vector<1x1x16xf32>
        tpu.vector_store %arg8[%swap3A_881, %swap3A_882, %swap3A_883], %swap3A_886 {add = true, strides = array<i32>} : memref<4x200x64xf32, #tpu.memory_space<vmem>>, vector<1x1x16xf32>,
        %scan3A_887 = arith.constant 2 : i32
        %scan3A_888 = arith.addi %scan3A_790, %scan3A_887 : i32
        %mul3A_889 = arith.constant 1 : i32
        %mul3A_890 = arith.muli %scan3A_888, %mul3A_889 : i32
        %add3A_891 = arith.constant 0 : i32
        %add3A_892 = arith.addi %add3A_891, %mul3A_890 : i32
        %get3A_893 = arith.index_cast %add3A_892 : i32 to index
        %get3A_894 = arith.constant 0 : index
        %get3A_895 = tpu.vector_load %arg7[%get3A_893, %get3A_894] {strides = array<i32>} : memref<200x64xf32, #tpu.memory_space<vmem>>, vector<1x16xf32>,
        %get3A_896 = vector.shape_cast %get3A_895 : vector<1x16xf32> to vector<16xf32>
        %swap3A_897 = arith.constant 0 : i32
        %swap3A_898 = arith.index_cast %swap3A_897 : i32 to index
        %swap3A_899 = arith.index_cast %add3A_892 : i32 to index
        %swap3A_900 = arith.constant 0 : index
        %swap3A_901 = tpu.vector_load %arg8[%swap3A_898, %swap3A_899, %swap3A_900] {strides = array<i32>} : memref<4x200x64xf32, #tpu.memory_space<vmem>>, vector<1x1x16xf32>,
        %swap3A_902 = vector.shape_cast %swap3A_901 : vector<1x1x16xf32> to vector<16xf32>
        %swap3A_903 = vector.shape_cast %get3A_896 : vector<16xf32> to vector<1x1x16xf32>
        tpu.vector_store %arg8[%swap3A_898, %swap3A_899, %swap3A_900], %swap3A_903 {add = true, strides = array<i32>} : memref<4x200x64xf32, #tpu.memory_space<vmem>>, vector<1x1x16xf32>,
        %get3A_904 = arith.index_cast %add3A_892 : i32 to index
        %get3A_905 = arith.constant 16 : index
        %get3A_906 = tpu.vector_load %arg7[%get3A_904, %get3A_905] {strides = array<i32>} : memref<200x64xf32, #tpu.memory_space<vmem>>, vector<1x16xf32>,
        %get3A_907 = vector.shape_cast %get3A_906 : vector<1x16xf32> to vector<16xf32>
        %swap3A_908 = arith.constant 0 : i32
        %swap3A_909 = arith.index_cast %swap3A_908 : i32 to index
        %swap3A_910 = arith.index_cast %add3A_892 : i32 to index
        %swap3A_911 = arith.constant 16 : index
        %swap3A_912 = tpu.vector_load %arg8[%swap3A_909, %swap3A_910, %swap3A_911] {strides = array<i32>} : memref<4x200x64xf32, #tpu.memory_space<vmem>>, vector<1x1x16xf32>,
        %swap3A_913 = vector.shape_cast %swap3A_912 : vector<1x1x16xf32> to vector<16xf32>
        %swap3A_914 = vector.shape_cast %get3A_907 : vector<16xf32> to vector<1x1x16xf32>
        tpu.vector_store %arg8[%swap3A_909, %swap3A_910, %swap3A_911], %swap3A_914 {add = true, strides = array<i32>} : memref<4x200x64xf32, #tpu.memory_space<vmem>>, vector<1x1x16xf32>,
        %get3A_915 = arith.index_cast %add3A_892 : i32 to index
        %get3A_916 = arith.constant 32 : index
        %get3A_917 = tpu.vector_load %arg7[%get3A_915, %get3A_916] {strides = array<i32>} : memref<200x64xf32, #tpu.memory_space<vmem>>, vector<1x16xf32>,
        %get3A_918 = vector.shape_cast %get3A_917 : vector<1x16xf32> to vector<16xf32>
        %swap3A_919 = arith.constant 0 : i32
        %swap3A_920 = arith.index_cast %swap3A_919 : i32 to index
        %swap3A_921 = arith.index_cast %add3A_892 : i32 to index
        %swap3A_922 = arith.constant 32 : index
        %swap3A_923 = tpu.vector_load %arg8[%swap3A_920, %swap3A_921, %swap3A_922] {strides = array<i32>} : memref<4x200x64xf32, #tpu.memory_space<vmem>>, vector<1x1x16xf32>,
        %swap3A_924 = vector.shape_cast %swap3A_923 : vector<1x1x16xf32> to vector<16xf32>
        %swap3A_925 = vector.shape_cast %get3A_918 : vector<16xf32> to vector<1x1x16xf32>
        tpu.vector_store %arg8[%swap3A_920, %swap3A_921, %swap3A_922], %swap3A_925 {add = true, strides = array<i32>} : memref<4x200x64xf32, #tpu.memory_space<vmem>>, vector<1x1x16xf32>,
        %get3A_926 = arith.index_cast %add3A_892 : i32 to index
        %get3A_927 = arith.constant 48 : index
        %get3A_928 = tpu.vector_load %arg7[%get3A_926, %get3A_927] {strides = array<i32>} : memref<200x64xf32, #tpu.memory_space<vmem>>, vector<1x16xf32>,
        %get3A_929 = vector.shape_cast %get3A_928 : vector<1x16xf32> to vector<16xf32>
        %swap3A_930 = arith.constant 0 : i32
        %swap3A_931 = arith.index_cast %swap3A_930 : i32 to index
        %swap3A_932 = arith.index_cast %add3A_892 : i32 to index
        %swap3A_933 = arith.constant 48 : index
        %swap3A_934 = tpu.vector_load %arg8[%swap3A_931, %swap3A_932, %swap3A_933] {strides = array<i32>} : memref<4x200x64xf32, #tpu.memory_space<vmem>>, vector<1x1x16xf32>,
        %swap3A_935 = vector.shape_cast %swap3A_934 : vector<1x1x16xf32> to vector<16xf32>
        %swap3A_936 = vector.shape_cast %get3A_929 : vector<16xf32> to vector<1x1x16xf32>
        tpu.vector_store %arg8[%swap3A_931, %swap3A_932, %swap3A_933], %swap3A_936 {add = true, strides = array<i32>} : memref<4x200x64xf32, #tpu.memory_space<vmem>>, vector<1x1x16xf32>,
        %scan3A_937 = arith.constant 3 : i32
        %scan3A_938 = arith.addi %scan3A_790, %scan3A_937 : i32
        %mul3A_939 = arith.constant 1 : i32
        %mul3A_940 = arith.muli %scan3A_938, %mul3A_939 : i32
        %add3A_941 = arith.constant 0 : i32
        %add3A_942 = arith.addi %add3A_941, %mul3A_940 : i32
        %get3A_943 = arith.index_cast %add3A_942 : i32 to index
        %get3A_944 = arith.constant 0 : index
        %get3A_945 = tpu.vector_load %arg7[%get3A_943, %get3A_944] {strides = array<i32>} : memref<200x64xf32, #tpu.memory_space<vmem>>, vector<1x16xf32>,
        %get3A_946 = vector.shape_cast %get3A_945 : vector<1x16xf32> to vector<16xf32>
        %swap3A_947 = arith.constant 0 : i32
        %swap3A_948 = arith.index_cast %swap3A_947 : i32 to index
        %swap3A_949 = arith.index_cast %add3A_942 : i32 to index
        %swap3A_950 = arith.constant 0 : index
        %swap3A_951 = tpu.vector_load %arg8[%swap3A_948, %swap3A_949, %swap3A_950] {strides = array<i32>} : memref<4x200x64xf32, #tpu.memory_space<vmem>>, vector<1x1x16xf32>,
        %swap3A_952 = vector.shape_cast %swap3A_951 : vector<1x1x16xf32> to vector<16xf32>
        %swap3A_953 = vector.shape_cast %get3A_946 : vector<16xf32> to vector<1x1x16xf32>
        tpu.vector_store %arg8[%swap3A_948, %swap3A_949, %swap3A_950], %swap3A_953 {add = true, strides = array<i32>} : memref<4x200x64xf32, #tpu.memory_space<vmem>>, vector<1x1x16xf32>,
        %get3A_954 = arith.index_cast %add3A_942 : i32 to index
        %get3A_955 = arith.constant 16 : index
        %get3A_956 = tpu.vector_load %arg7[%get3A_954, %get3A_955] {strides = array<i32>} : memref<200x64xf32, #tpu.memory_space<vmem>>, vector<1x16xf32>,
        %get3A_957 = vector.shape_cast %get3A_956 : vector<1x16xf32> to vector<16xf32>
        %swap3A_958 = arith.constant 0 : i32
        %swap3A_959 = arith.index_cast %swap3A_958 : i32 to index
        %swap3A_960 = arith.index_cast %add3A_942 : i32 to index
        %swap3A_961 = arith.constant 16 : index
        %swap3A_962 = tpu.vector_load %arg8[%swap3A_959, %swap3A_960, %swap3A_961] {strides = array<i32>} : memref<4x200x64xf32, #tpu.memory_space<vmem>>, vector<1x1x16xf32>,
        %swap3A_963 = vector.shape_cast %swap3A_962 : vector<1x1x16xf32> to vector<16xf32>
        %swap3A_964 = vector.shape_cast %get3A_957 : vector<16xf32> to vector<1x1x16xf32>
        tpu.vector_store %arg8[%swap3A_959, %swap3A_960, %swap3A_961], %swap3A_964 {add = true, strides = array<i32>} : memref<4x200x64xf32, #tpu.memory_space<vmem>>, vector<1x1x16xf32>,
        %get3A_965 = arith.index_cast %add3A_942 : i32 to index
        %get3A_966 = arith.constant 32 : index
        %get3A_967 = tpu.vector_load %arg7[%get3A_965, %get3A_966] {strides = array<i32>} : memref<200x64xf32, #tpu.memory_space<vmem>>, vector<1x16xf32>,
        %get3A_968 = vector.shape_cast %get3A_967 : vector<1x16xf32> to vector<16xf32>
        %swap3A_969 = arith.constant 0 : i32
        %swap3A_970 = arith.index_cast %swap3A_969 : i32 to index
        %swap3A_971 = arith.index_cast %add3A_942 : i32 to index
        %swap3A_972 = arith.constant 32 : index
        %swap3A_973 = tpu.vector_load %arg8[%swap3A_970, %swap3A_971, %swap3A_972] {strides = array<i32>} : memref<4x200x64xf32, #tpu.memory_space<vmem>>, vector<1x1x16xf32>,
        %swap3A_974 = vector.shape_cast %swap3A_973 : vector<1x1x16xf32> to vector<16xf32>
        %swap3A_975 = vector.shape_cast %get3A_968 : vector<16xf32> to vector<1x1x16xf32>
        tpu.vector_store %arg8[%swap3A_970, %swap3A_971, %swap3A_972], %swap3A_975 {add = true, strides = array<i32>} : memref<4x200x64xf32, #tpu.memory_space<vmem>>, vector<1x1x16xf32>,
        %get3A_976 = arith.index_cast %add3A_942 : i32 to index
        %get3A_977 = arith.constant 48 : index
        %get3A_978 = tpu.vector_load %arg7[%get3A_976, %get3A_977] {strides = array<i32>} : memref<200x64xf32, #tpu.memory_space<vmem>>, vector<1x16xf32>,
        %get3A_979 = vector.shape_cast %get3A_978 : vector<1x16xf32> to vector<16xf32>
        %swap3A_980 = arith.constant 0 : i32
        %swap3A_981 = arith.index_cast %swap3A_980 : i32 to index
        %swap3A_982 = arith.index_cast %add3A_942 : i32 to index
        %swap3A_983 = arith.constant 48 : index
        %swap3A_984 = tpu.vector_load %arg8[%swap3A_981, %swap3A_982, %swap3A_983] {strides = array<i32>} : memref<4x200x64xf32, #tpu.memory_space<vmem>>, vector<1x1x16xf32>,
        %swap3A_985 = vector.shape_cast %swap3A_984 : vector<1x1x16xf32> to vector<16xf32>
        %swap3A_986 = vector.shape_cast %get3A_979 : vector<16xf32> to vector<1x1x16xf32>
        tpu.vector_store %arg8[%swap3A_981, %swap3A_982, %swap3A_983], %swap3A_986 {add = true, strides = array<i32>} : memref<4x200x64xf32, #tpu.memory_space<vmem>>, vector<1x1x16xf32>,
        %scan3A_987 = arith.constant 4 : i32
        %scan3A_988 = arith.addi %scan3A_790, %scan3A_987 : i32
        %mul3A_989 = arith.constant 1 : i32
        %mul3A_990 = arith.muli %scan3A_988, %mul3A_989 : i32
        %add3A_991 = arith.constant 0 : i32
        %add3A_992 = arith.addi %add3A_991, %mul3A_990 : i32
        %get3A_993 = arith.index_cast %add3A_992 : i32 to index
        %get3A_994 = arith.constant 0 : index
        %get3A_995 = tpu.vector_load %arg7[%get3A_993, %get3A_994] {strides = array<i32>} : memref<200x64xf32, #tpu.memory_space<vmem>>, vector<1x16xf32>,
        %get3A_996 = vector.shape_cast %get3A_995 : vector<1x16xf32> to vector<16xf32>
        %swap3A_997 = arith.constant 0 : i32
        %swap3A_998 = arith.index_cast %swap3A_997 : i32 to index
        %swap3A_999 = arith.index_cast %add3A_992 : i32 to index
        %swap3A_1000 = arith.constant 0 : index
        %swap3A_1001 = tpu.vector_load %arg8[%swap3A_998, %swap3A_999, %swap3A_1000] {strides = array<i32>} : memref<4x200x64xf32, #tpu.memory_space<vmem>>, vector<1x1x16xf32>,
        %swap3A_1002 = vector.shape_cast %swap3A_1001 : vector<1x1x16xf32> to vector<16xf32>
        %swap3A_1003 = vector.shape_cast %get3A_996 : vector<16xf32> to vector<1x1x16xf32>
        tpu.vector_store %arg8[%swap3A_998, %swap3A_999, %swap3A_1000], %swap3A_1003 {add = true, strides = array<i32>} : memref<4x200x64xf32, #tpu.memory_space<vmem>>, vector<1x1x16xf32>,
        %get3A_1004 = arith.index_cast %add3A_992 : i32 to index
        %get3A_1005 = arith.constant 16 : index
        %get3A_1006 = tpu.vector_load %arg7[%get3A_1004, %get3A_1005] {strides = array<i32>} : memref<200x64xf32, #tpu.memory_space<vmem>>, vector<1x16xf32>,
        %get3A_1007 = vector.shape_cast %get3A_1006 : vector<1x16xf32> to vector<16xf32>
        %swap3A_1008 = arith.constant 0 : i32
        %swap3A_1009 = arith.index_cast %swap3A_1008 : i32 to index
        %swap3A_1010 = arith.index_cast %add3A_992 : i32 to index
        %swap3A_1011 = arith.constant 16 : index
        %swap3A_1012 = tpu.vector_load %arg8[%swap3A_1009, %swap3A_1010, %swap3A_1011] {strides = array<i32>} : memref<4x200x64xf32, #tpu.memory_space<vmem>>, vector<1x1x16xf32>,
        %swap3A_1013 = vector.shape_cast %swap3A_1012 : vector<1x1x16xf32> to vector<16xf32>
        %swap3A_1014 = vector.shape_cast %get3A_1007 : vector<16xf32> to vector<1x1x16xf32>
        tpu.vector_store %arg8[%swap3A_1009, %swap3A_1010, %swap3A_1011], %swap3A_1014 {add = true, strides = array<i32>} : memref<4x200x64xf32, #tpu.memory_space<vmem>>, vector<1x1x16xf32>,
        %get3A_1015 = arith.index_cast %add3A_992 : i32 to index
        %get3A_1016 = arith.constant 32 : index
        %get3A_1017 = tpu.vector_load %arg7[%get3A_1015, %get3A_1016] {strides = array<i32>} : memref<200x64xf32, #tpu.memory_space<vmem>>, vector<1x16xf32>,
        %get3A_1018 = vector.shape_cast %get3A_1017 : vector<1x16xf32> to vector<16xf32>
        %swap3A_1019 = arith.constant 0 : i32
        %swap3A_1020 = arith.index_cast %swap3A_1019 : i32 to index
        %swap3A_1021 = arith.index_cast %add3A_992 : i32 to index
        %swap3A_1022 = arith.constant 32 : index
        %swap3A_1023 = tpu.vector_load %arg8[%swap3A_1020, %swap3A_1021, %swap3A_1022] {strides = array<i32>} : memref<4x200x64xf32, #tpu.memory_space<vmem>>, vector<1x1x16xf32>,
        %swap3A_1024 = vector.shape_cast %swap3A_1023 : vector<1x1x16xf32> to vector<16xf32>
        %swap3A_1025 = vector.shape_cast %get3A_1018 : vector<16xf32> to vector<1x1x16xf32>
        tpu.vector_store %arg8[%swap3A_1020, %swap3A_1021, %swap3A_1022], %swap3A_1025 {add = true, strides = array<i32>} : memref<4x200x64xf32, #tpu.memory_space<vmem>>, vector<1x1x16xf32>,
        %get3A_1026 = arith.index_cast %add3A_992 : i32 to index
        %get3A_1027 = arith.constant 48 : index
        %get3A_1028 = tpu.vector_load %arg7[%get3A_1026, %get3A_1027] {strides = array<i32>} : memref<200x64xf32, #tpu.memory_space<vmem>>, vector<1x16xf32>,
        %get3A_1029 = vector.shape_cast %get3A_1028 : vector<1x16xf32> to vector<16xf32>
        %swap3A_1030 = arith.constant 0 : i32
        %swap3A_1031 = arith.index_cast %swap3A_1030 : i32 to index
        %swap3A_1032 = arith.index_cast %add3A_992 : i32 to index
        %swap3A_1033 = arith.constant 48 : index
        %swap3A_1034 = tpu.vector_load %arg8[%swap3A_1031, %swap3A_1032, %swap3A_1033] {strides = array<i32>} : memref<4x200x64xf32, #tpu.memory_space<vmem>>, vector<1x1x16xf32>,
        %swap3A_1035 = vector.shape_cast %swap3A_1034 : vector<1x1x16xf32> to vector<16xf32>
        %swap3A_1036 = vector.shape_cast %get3A_1029 : vector<16xf32> to vector<1x1x16xf32>
        tpu.vector_store %arg8[%swap3A_1031, %swap3A_1032, %swap3A_1033], %swap3A_1036 {add = true, strides = array<i32>} : memref<4x200x64xf32, #tpu.memory_space<vmem>>, vector<1x1x16xf32>,
        %scan3A_1037 = arith.constant 5 : i32
        %scan3A_1038 = arith.addi %scan3A_790, %scan3A_1037 : i32
        %mul3A_1039 = arith.constant 1 : i32
        %mul3A_1040 = arith.muli %scan3A_1038, %mul3A_1039 : i32
        %add3A_1041 = arith.constant 0 : i32
        %add3A_1042 = arith.addi %add3A_1041, %mul3A_1040 : i32
        %get3A_1043 = arith.index_cast %add3A_1042 : i32 to index
        %get3A_1044 = arith.constant 0 : index
        %get3A_1045 = tpu.vector_load %arg7[%get3A_1043, %get3A_1044] {strides = array<i32>} : memref<200x64xf32, #tpu.memory_space<vmem>>, vector<1x16xf32>,
        %get3A_1046 = vector.shape_cast %get3A_1045 : vector<1x16xf32> to vector<16xf32>
        %swap3A_1047 = arith.constant 0 : i32
        %swap3A_1048 = arith.index_cast %swap3A_1047 : i32 to index
        %swap3A_1049 = arith.index_cast %add3A_1042 : i32 to index
        %swap3A_1050 = arith.constant 0 : index
        %swap3A_1051 = tpu.vector_load %arg8[%swap3A_1048, %swap3A_1049, %swap3A_1050] {strides = array<i32>} : memref<4x200x64xf32, #tpu.memory_space<vmem>>, vector<1x1x16xf32>,
        %swap3A_1052 = vector.shape_cast %swap3A_1051 : vector<1x1x16xf32> to vector<16xf32>
        %swap3A_1053 = vector.shape_cast %get3A_1046 : vector<16xf32> to vector<1x1x16xf32>
        tpu.vector_store %arg8[%swap3A_1048, %swap3A_1049, %swap3A_1050], %swap3A_1053 {add = true, strides = array<i32>} : memref<4x200x64xf32, #tpu.memory_space<vmem>>, vector<1x1x16xf32>,
        %get3A_1054 = arith.index_cast %add3A_1042 : i32 to index
        %get3A_1055 = arith.constant 16 : index
        %get3A_1056 = tpu.vector_load %arg7[%get3A_1054, %get3A_1055] {strides = array<i32>} : memref<200x64xf32, #tpu.memory_space<vmem>>, vector<1x16xf32>,
        %get3A_1057 = vector.shape_cast %get3A_1056 : vector<1x16xf32> to vector<16xf32>
        %swap3A_1058 = arith.constant 0 : i32
        %swap3A_1059 = arith.index_cast %swap3A_1058 : i32 to index
        %swap3A_1060 = arith.index_cast %add3A_1042 : i32 to index
        %swap3A_1061 = arith.constant 16 : index
        %swap3A_1062 = tpu.vector_load %arg8[%swap3A_1059, %swap3A_1060, %swap3A_1061] {strides = array<i32>} : memref<4x200x64xf32, #tpu.memory_space<vmem>>, vector<1x1x16xf32>,
        %swap3A_1063 = vector.shape_cast %swap3A_1062 : vector<1x1x16xf32> to vector<16xf32>
        %swap3A_1064 = vector.shape_cast %get3A_1057 : vector<16xf32> to vector<1x1x16xf32>
        tpu.vector_store %arg8[%swap3A_1059, %swap3A_1060, %swap3A_1061], %swap3A_1064 {add = true, strides = array<i32>} : memref<4x200x64xf32, #tpu.memory_space<vmem>>, vector<1x1x16xf32>,
        %get3A_1065 = arith.index_cast %add3A_1042 : i32 to index
        %get3A_1066 = arith.constant 32 : index
        %get3A_1067 = tpu.vector_load %arg7[%get3A_1065, %get3A_1066] {strides = array<i32>} : memref<200x64xf32, #tpu.memory_space<vmem>>, vector<1x16xf32>,
        %get3A_1068 = vector.shape_cast %get3A_1067 : vector<1x16xf32> to vector<16xf32>
        %swap3A_1069 = arith.constant 0 : i32
        %swap3A_1070 = arith.index_cast %swap3A_1069 : i32 to index
        %swap3A_1071 = arith.index_cast %add3A_1042 : i32 to index
        %swap3A_1072 = arith.constant 32 : index
        %swap3A_1073 = tpu.vector_load %arg8[%swap3A_1070, %swap3A_1071, %swap3A_1072] {strides = array<i32>} : memref<4x200x64xf32, #tpu.memory_space<vmem>>, vector<1x1x16xf32>,
        %swap3A_1074 = vector.shape_cast %swap3A_1073 : vector<1x1x16xf32> to vector<16xf32>
        %swap3A_1075 = vector.shape_cast %get3A_1068 : vector<16xf32> to vector<1x1x16xf32>
        tpu.vector_store %arg8[%swap3A_1070, %swap3A_1071, %swap3A_1072], %swap3A_1075 {add = true, strides = array<i32>} : memref<4x200x64xf32, #tpu.memory_space<vmem>>, vector<1x1x16xf32>,
        %get3A_1076 = arith.index_cast %add3A_1042 : i32 to index
        %get3A_1077 = arith.constant 48 : index
        %get3A_1078 = tpu.vector_load %arg7[%get3A_1076, %get3A_1077] {strides = array<i32>} : memref<200x64xf32, #tpu.memory_space<vmem>>, vector<1x16xf32>,
        %get3A_1079 = vector.shape_cast %get3A_1078 : vector<1x16xf32> to vector<16xf32>
        %swap3A_1080 = arith.constant 0 : i32
        %swap3A_1081 = arith.index_cast %swap3A_1080 : i32 to index
        %swap3A_1082 = arith.index_cast %add3A_1042 : i32 to index
        %swap3A_1083 = arith.constant 48 : index
        %swap3A_1084 = tpu.vector_load %arg8[%swap3A_1081, %swap3A_1082, %swap3A_1083] {strides = array<i32>} : memref<4x200x64xf32, #tpu.memory_space<vmem>>, vector<1x1x16xf32>,
        %swap3A_1085 = vector.shape_cast %swap3A_1084 : vector<1x1x16xf32> to vector<16xf32>
        %swap3A_1086 = vector.shape_cast %get3A_1079 : vector<16xf32> to vector<1x1x16xf32>
        tpu.vector_store %arg8[%swap3A_1081, %swap3A_1082, %swap3A_1083], %swap3A_1086 {add = true, strides = array<i32>} : memref<4x200x64xf32, #tpu.memory_space<vmem>>, vector<1x1x16xf32>,
        %scan3A_1087 = arith.constant 6 : i32
        %scan3A_1088 = arith.addi %scan3A_790, %scan3A_1087 : i32
        %mul3A_1089 = arith.constant 1 : i32
        %mul3A_1090 = arith.muli %scan3A_1088, %mul3A_1089 : i32
        %add3A_1091 = arith.constant 0 : i32
        %add3A_1092 = arith.addi %add3A_1091, %mul3A_1090 : i32
        %get3A_1093 = arith.index_cast %add3A_1092 : i32 to index
        %get3A_1094 = arith.constant 0 : index
        %get3A_1095 = tpu.vector_load %arg7[%get3A_1093, %get3A_1094] {strides = array<i32>} : memref<200x64xf32, #tpu.memory_space<vmem>>, vector<1x16xf32>,
        %get3A_1096 = vector.shape_cast %get3A_1095 : vector<1x16xf32> to vector<16xf32>
        %swap3A_1097 = arith.constant 0 : i32
        %swap3A_1098 = arith.index_cast %swap3A_1097 : i32 to index
        %swap3A_1099 = arith.index_cast %add3A_1092 : i32 to index
        %swap3A_1100 = arith.constant 0 : index
        %swap3A_1101 = tpu.vector_load %arg8[%swap3A_1098, %swap3A_1099, %swap3A_1100] {strides = array<i32>} : memref<4x200x64xf32, #tpu.memory_space<vmem>>, vector<1x1x16xf32>,
        %swap3A_1102 = vector.shape_cast %swap3A_1101 : vector<1x1x16xf32> to vector<16xf32>
        %swap3A_1103 = vector.shape_cast %get3A_1096 : vector<16xf32> to vector<1x1x16xf32>
        tpu.vector_store %arg8[%swap3A_1098, %swap3A_1099, %swap3A_1100], %swap3A_1103 {add = true, strides = array<i32>} : memref<4x200x64xf32, #tpu.memory_space<vmem>>, vector<1x1x16xf32>,
        %get3A_1104 = arith.index_cast %add3A_1092 : i32 to index
        %get3A_1105 = arith.constant 16 : index
        %get3A_1106 = tpu.vector_load %arg7[%get3A_1104, %get3A_1105] {strides = array<i32>} : memref<200x64xf32, #tpu.memory_space<vmem>>, vector<1x16xf32>,
        %get3A_1107 = vector.shape_cast %get3A_1106 : vector<1x16xf32> to vector<16xf32>
        %swap3A_1108 = arith.constant 0 : i32
        %swap3A_1109 = arith.index_cast %swap3A_1108 : i32 to index
        %swap3A_1110 = arith.index_cast %add3A_1092 : i32 to index
        %swap3A_1111 = arith.constant 16 : index
        %swap3A_1112 = tpu.vector_load %arg8[%swap3A_1109, %swap3A_1110, %swap3A_1111] {strides = array<i32>} : memref<4x200x64xf32, #tpu.memory_space<vmem>>, vector<1x1x16xf32>,
        %swap3A_1113 = vector.shape_cast %swap3A_1112 : vector<1x1x16xf32> to vector<16xf32>
        %swap3A_1114 = vector.shape_cast %get3A_1107 : vector<16xf32> to vector<1x1x16xf32>
        tpu.vector_store %arg8[%swap3A_1109, %swap3A_1110, %swap3A_1111], %swap3A_1114 {add = true, strides = array<i32>} : memref<4x200x64xf32, #tpu.memory_space<vmem>>, vector<1x1x16xf32>,
        %get3A_1115 = arith.index_cast %add3A_1092 : i32 to index
        %get3A_1116 = arith.constant 32 : index
        %get3A_1117 = tpu.vector_load %arg7[%get3A_1115, %get3A_1116] {strides = array<i32>} : memref<200x64xf32, #tpu.memory_space<vmem>>, vector<1x16xf32>,
        %get3A_1118 = vector.shape_cast %get3A_1117 : vector<1x16xf32> to vector<16xf32>
        %swap3A_1119 = arith.constant 0 : i32
        %swap3A_1120 = arith.index_cast %swap3A_1119 : i32 to index
        %swap3A_1121 = arith.index_cast %add3A_1092 : i32 to index
        %swap3A_1122 = arith.constant 32 : index
        %swap3A_1123 = tpu.vector_load %arg8[%swap3A_1120, %swap3A_1121, %swap3A_1122] {strides = array<i32>} : memref<4x200x64xf32, #tpu.memory_space<vmem>>, vector<1x1x16xf32>,
        %swap3A_1124 = vector.shape_cast %swap3A_1123 : vector<1x1x16xf32> to vector<16xf32>
        %swap3A_1125 = vector.shape_cast %get3A_1118 : vector<16xf32> to vector<1x1x16xf32>
        tpu.vector_store %arg8[%swap3A_1120, %swap3A_1121, %swap3A_1122], %swap3A_1125 {add = true, strides = array<i32>} : memref<4x200x64xf32, #tpu.memory_space<vmem>>, vector<1x1x16xf32>,
        %get3A_1126 = arith.index_cast %add3A_1092 : i32 to index
        %get3A_1127 = arith.constant 48 : index
        %get3A_1128 = tpu.vector_load %arg7[%get3A_1126, %get3A_1127] {strides = array<i32>} : memref<200x64xf32, #tpu.memory_space<vmem>>, vector<1x16xf32>,
        %get3A_1129 = vector.shape_cast %get3A_1128 : vector<1x16xf32> to vector<16xf32>
        %swap3A_1130 = arith.constant 0 : i32
        %swap3A_1131 = arith.index_cast %swap3A_1130 : i32 to index
        %swap3A_1132 = arith.index_cast %add3A_1092 : i32 to index
        %swap3A_1133 = arith.constant 48 : index
        %swap3A_1134 = tpu.vector_load %arg8[%swap3A_1131, %swap3A_1132, %swap3A_1133] {strides = array<i32>} : memref<4x200x64xf32, #tpu.memory_space<vmem>>, vector<1x1x16xf32>,
        %swap3A_1135 = vector.shape_cast %swap3A_1134 : vector<1x1x16xf32> to vector<16xf32>
        %swap3A_1136 = vector.shape_cast %get3A_1129 : vector<16xf32> to vector<1x1x16xf32>
        tpu.vector_store %arg8[%swap3A_1131, %swap3A_1132, %swap3A_1133], %swap3A_1136 {add = true, strides = array<i32>} : memref<4x200x64xf32, #tpu.memory_space<vmem>>, vector<1x1x16xf32>,
        %scan3A_1137 = arith.constant 7 : i32
        %scan3A_1138 = arith.addi %scan3A_790, %scan3A_1137 : i32
        %mul3A_1139 = arith.constant 1 : i32
        %mul3A_1140 = arith.muli %scan3A_1138, %mul3A_1139 : i32
        %add3A_1141 = arith.constant 0 : i32
        %add3A_1142 = arith.addi %add3A_1141, %mul3A_1140 : i32
        %get3A_1143 = arith.index_cast %add3A_1142 : i32 to index
        %get3A_1144 = arith.constant 0 : index
        %get3A_1145 = tpu.vector_load %arg7[%get3A_1143, %get3A_1144] {strides = array<i32>} : memref<200x64xf32, #tpu.memory_space<vmem>>, vector<1x16xf32>,
        %get3A_1146 = vector.shape_cast %get3A_1145 : vector<1x16xf32> to vector<16xf32>
        %swap3A_1147 = arith.constant 0 : i32
        %swap3A_1148 = arith.index_cast %swap3A_1147 : i32 to index
        %swap3A_1149 = arith.index_cast %add3A_1142 : i32 to index
        %swap3A_1150 = arith.constant 0 : index
        %swap3A_1151 = tpu.vector_load %arg8[%swap3A_1148, %swap3A_1149, %swap3A_1150] {strides = array<i32>} : memref<4x200x64xf32, #tpu.memory_space<vmem>>, vector<1x1x16xf32>,
        %swap3A_1152 = vector.shape_cast %swap3A_1151 : vector<1x1x16xf32> to vector<16xf32>
        %swap3A_1153 = vector.shape_cast %get3A_1146 : vector<16xf32> to vector<1x1x16xf32>
        tpu.vector_store %arg8[%swap3A_1148, %swap3A_1149, %swap3A_1150], %swap3A_1153 {add = true, strides = array<i32>} : memref<4x200x64xf32, #tpu.memory_space<vmem>>, vector<1x1x16xf32>,
        %get3A_1154 = arith.index_cast %add3A_1142 : i32 to index
        %get3A_1155 = arith.constant 16 : index
        %get3A_1156 = tpu.vector_load %arg7[%get3A_1154, %get3A_1155] {strides = array<i32>} : memref<200x64xf32, #tpu.memory_space<vmem>>, vector<1x16xf32>,
        %get3A_1157 = vector.shape_cast %get3A_1156 : vector<1x16xf32> to vector<16xf32>
        %swap3A_1158 = arith.constant 0 : i32
        %swap3A_1159 = arith.index_cast %swap3A_1158 : i32 to index
        %swap3A_1160 = arith.index_cast %add3A_1142 : i32 to index
        %swap3A_1161 = arith.constant 16 : index
        %swap3A_1162 = tpu.vector_load %arg8[%swap3A_1159, %swap3A_1160, %swap3A_1161] {strides = array<i32>} : memref<4x200x64xf32, #tpu.memory_space<vmem>>, vector<1x1x16xf32>,
        %swap3A_1163 = vector.shape_cast %swap3A_1162 : vector<1x1x16xf32> to vector<16xf32>
        %swap3A_1164 = vector.shape_cast %get3A_1157 : vector<16xf32> to vector<1x1x16xf32>
        tpu.vector_store %arg8[%swap3A_1159, %swap3A_1160, %swap3A_1161], %swap3A_1164 {add = true, strides = array<i32>} : memref<4x200x64xf32, #tpu.memory_space<vmem>>, vector<1x1x16xf32>,
        %get3A_1165 = arith.index_cast %add3A_1142 : i32 to index
        %get3A_1166 = arith.constant 32 : index
        %get3A_1167 = tpu.vector_load %arg7[%get3A_1165, %get3A_1166] {strides = array<i32>} : memref<200x64xf32, #tpu.memory_space<vmem>>, vector<1x16xf32>,
        %get3A_1168 = vector.shape_cast %get3A_1167 : vector<1x16xf32> to vector<16xf32>
        %swap3A_1169 = arith.constant 0 : i32
        %swap3A_1170 = arith.index_cast %swap3A_1169 : i32 to index
        %swap3A_1171 = arith.index_cast %add3A_1142 : i32 to index
        %swap3A_1172 = arith.constant 32 : index
        %swap3A_1173 = tpu.vector_load %arg8[%swap3A_1170, %swap3A_1171, %swap3A_1172] {strides = array<i32>} : memref<4x200x64xf32, #tpu.memory_space<vmem>>, vector<1x1x16xf32>,
        %swap3A_1174 = vector.shape_cast %swap3A_1173 : vector<1x1x16xf32> to vector<16xf32>
        %swap3A_1175 = vector.shape_cast %get3A_1168 : vector<16xf32> to vector<1x1x16xf32>
        tpu.vector_store %arg8[%swap3A_1170, %swap3A_1171, %swap3A_1172], %swap3A_1175 {add = true, strides = array<i32>} : memref<4x200x64xf32, #tpu.memory_space<vmem>>, vector<1x1x16xf32>,
        %get3A_1176 = arith.index_cast %add3A_1142 : i32 to index
        %get3A_1177 = arith.constant 48 : index
        %get3A_1178 = tpu.vector_load %arg7[%get3A_1176, %get3A_1177] {strides = array<i32>} : memref<200x64xf32, #tpu.memory_space<vmem>>, vector<1x16xf32>,
        %get3A_1179 = vector.shape_cast %get3A_1178 : vector<1x16xf32> to vector<16xf32>
        %swap3A_1180 = arith.constant 0 : i32
        %swap3A_1181 = arith.index_cast %swap3A_1180 : i32 to index
        %swap3A_1182 = arith.index_cast %add3A_1142 : i32 to index
        %swap3A_1183 = arith.constant 48 : index
        %swap3A_1184 = tpu.vector_load %arg8[%swap3A_1181, %swap3A_1182, %swap3A_1183] {strides = array<i32>} : memref<4x200x64xf32, #tpu.memory_space<vmem>>, vector<1x1x16xf32>,
        %swap3A_1185 = vector.shape_cast %swap3A_1184 : vector<1x1x16xf32> to vector<16xf32>
        %swap3A_1186 = vector.shape_cast %get3A_1179 : vector<16xf32> to vector<1x1x16xf32>
        tpu.vector_store %arg8[%swap3A_1181, %swap3A_1182, %swap3A_1183], %swap3A_1186 {add = true, strides = array<i32>} : memref<4x200x64xf32, #tpu.memory_space<vmem>>, vector<1x1x16xf32>,
      }
      %scan3A_416 = arith.constant 200 : i32
      %add3A_417 = arith.constant 0 : i32
      %add3A_418 = arith.addi %add3A_393, %add3A_417 : i32
      %add3A_419 = arith.addi %mul3A_2, %add3A_418 : i32
      %dma_start3A_420 = arith.constant 0 : i32
      %dma_start3A_421 = arith.constant 0 : i32
      %dma_start3A_422 = arith.constant 0 : i32
      %dma_start3A_423 = arith.constant 0 : i32
      %dma_start3A_424 = tpu.memref_slice %arg8[%dma_start3A_420, %dma_start3A_422, %dma_start3A_423] : memref<4x200x64xf32, #tpu.memory_space<vmem>> -> memref<1x200x64xf32, #tpu.memory_space<vmem>>
      %dma_start3A_425 = tpu.memref_squeeze %dma_start3A_424 : memref<1x200x64xf32, #tpu.memory_space<vmem>> -> memref<200x64xf32, #tpu.memory_space<vmem>>
      %dma_start3A_426 = arith.constant 0 : i32
      %dma_start3A_427 = arith.constant 0 : i32
      %dma_start3A_428 = tpu.memref_slice %arg5[%add3A_419, %dma_start3A_426, %dma_start3A_427] : memref<4096x200x64xf32, #tpu.memory_space<hbm>> -> memref<1x200x64xf32, #tpu.memory_space<hbm>>
      %dma_start3A_429 = tpu.memref_squeeze %dma_start3A_428 : memref<1x200x64xf32, #tpu.memory_space<hbm>> -> memref<200x64xf32, #tpu.memory_space<hbm>>
      %dma_start3A_430 = tpu.memref_slice %arg10[%dma_start3A_421] : memref<4x!tpu.dma_semaphore, #tpu.memory_space<semaphore_mem>> -> memref<1x!tpu.dma_semaphore, #tpu.memory_space<semaphore_mem>>
      %dma_start3A_431 = tpu.memref_squeeze %dma_start3A_430 : memref<1x!tpu.dma_semaphore, #tpu.memory_space<semaphore_mem>> -> memref<!tpu.dma_semaphore, #tpu.memory_space<semaphore_mem>>
      %dma_start3A_432 = arith.constant 0 : i32
      %dma_start3A_433 = arith.constant 0 : i32
      %dma_start3A_434 = tpu.memref_slice %arg5[%add3A_419, %dma_start3A_432, %dma_start3A_433] : memref<4096x200x64xf32, #tpu.memory_space<hbm>> -> memref<1x200x64xf32, #tpu.memory_space<hbm>>
      %dma_start3A_435 = tpu.memref_squeeze %dma_start3A_434 : memref<1x200x64xf32, #tpu.memory_space<hbm>> -> memref<200x64xf32, #tpu.memory_space<hbm>>
      %dma_start3A_436 = arith.constant 0 : i32
      %dma_start3A_437 = arith.constant 0 : i32
      %dma_start3A_438 = tpu.memref_slice %arg8[%dma_start3A_420, %dma_start3A_436, %dma_start3A_437] : memref<4x200x64xf32, #tpu.memory_space<vmem>> -> memref<1x200x64xf32, #tpu.memory_space<vmem>>
      %dma_start3A_439 = tpu.memref_squeeze %dma_start3A_438 : memref<1x200x64xf32, #tpu.memory_space<vmem>> -> memref<200x64xf32, #tpu.memory_space<vmem>>
      tpu.enqueue_dma source(%dma_start3A_439 : memref<200x64xf32, #tpu.memory_space<vmem>>) target(%dma_start3A_435 : memref<200x64xf32, #tpu.memory_space<hbm>>) target_semaphore(%dma_start3A_431 : memref<!tpu.dma_semaphore, #tpu.memory_space<semaphore_mem>>)
      %dma_wait3A_440 = arith.constant 1 : i32
      %dma_wait3A_441 = arith.constant 1 : i32
      %dma_wait3A_442 = arith.constant 0 : i32
      %dma_wait3A_443 = arith.constant 0 : i32
      %dma_wait3A_444 = tpu.memref_slice %arg8[%dma_wait3A_440, %dma_wait3A_442, %dma_wait3A_443] : memref<4x200x64xf32, #tpu.memory_space<vmem>> -> memref<1x200x64xf32, #tpu.memory_space<vmem>>
      %dma_wait3A_445 = tpu.memref_squeeze %dma_wait3A_444 : memref<1x200x64xf32, #tpu.memory_space<vmem>> -> memref<200x64xf32, #tpu.memory_space<vmem>>
      %dma_wait3A_446 = arith.constant 0 : i32
      %dma_wait3A_447 = arith.constant 0 : i32
      %dma_wait3A_448 = tpu.memref_slice %arg3[%dma_wait3A_446, %dma_wait3A_447] : memref<1000000x64xf32, #tpu.memory_space<hbm>> -> memref<200x64xf32, #tpu.memory_space<hbm>>
      %dma_wait3A_449 = tpu.memref_slice %arg9[%dma_wait3A_441] : memref<4x!tpu.dma_semaphore, #tpu.memory_space<semaphore_mem>> -> memref<1x!tpu.dma_semaphore, #tpu.memory_space<semaphore_mem>>
      %dma_wait3A_450 = tpu.memref_squeeze %dma_wait3A_449 : memref<1x!tpu.dma_semaphore, #tpu.memory_space<semaphore_mem>> -> memref<!tpu.dma_semaphore, #tpu.memory_space<semaphore_mem>>
      %dma_wait3A_451 = arith.constant 0 : i32
      %dma_wait3A_452 = arith.constant 0 : i32
      %dma_wait3A_453 = tpu.memref_slice %arg8[%dma_wait3A_440, %dma_wait3A_451, %dma_wait3A_452] : memref<4x200x64xf32, #tpu.memory_space<vmem>> -> memref<1x200x64xf32, #tpu.memory_space<vmem>>
      %dma_wait3A_454 = tpu.memref_squeeze %dma_wait3A_453 : memref<1x200x64xf32, #tpu.memory_space<vmem>> -> memref<200x64xf32, #tpu.memory_space<vmem>>
      %dma_wait3A_455 = arith.constant 0 : i32
      %dma_wait3A_456 = arith.constant 0 : i32
      %dma_wait3A_457 = tpu.memref_slice %arg3[%dma_wait3A_455, %dma_wait3A_456] : memref<1000000x64xf32, #tpu.memory_space<hbm>> -> memref<200x64xf32, #tpu.memory_space<hbm>>
      tpu.wait_dma2 semaphore(%dma_wait3A_450 : memref<!tpu.dma_semaphore, #tpu.memory_space<semaphore_mem>>) src(%dma_wait3A_457 : memref<200x64xf32, #tpu.memory_space<hbm>>) dst(%dma_wait3A_454 : memref<200x64xf32, #tpu.memory_space<vmem>>)
      %scan3A_458 = arith.constant 0 : i32
      %scan3A_459 = arith.constant 200 : i32
      %scan3A_460 = arith.addi %scan3A_458, %scan3A_459 : i32
      %scan3A_461 = arith.constant 8 : i32
      scf.for %scan3A_790 = %scan3A_458 to %scan3A_460 step %scan3A_461  : i32 {
        %mul3A_791 = arith.constant 1 : i32
        %mul3A_792 = arith.muli %scan3A_790, %mul3A_791 : i32
        %add3A_793 = arith.constant 0 : i32
        %add3A_794 = arith.addi %add3A_793, %mul3A_792 : i32
        %get3A = arith.index_cast %add3A_794 : i32 to index
        %get3A_795 = arith.constant 0 : index
        %get3A_796 = tpu.vector_load %arg7[%get3A, %get3A_795] {strides = array<i32>} : memref<200x64xf32, #tpu.memory_space<vmem>>, vector<1x16xf32>,
        %get3A_797 = vector.shape_cast %get3A_796 : vector<1x16xf32> to vector<16xf32>
        %swap3A = arith.constant 1 : i32
        %swap3A_798 = arith.index_cast %swap3A : i32 to index
        %swap3A_799 = arith.index_cast %add3A_794 : i32 to index
        %swap3A_800 = arith.constant 0 : index
        %swap3A_801 = tpu.vector_load %arg8[%swap3A_798, %swap3A_799, %swap3A_800] {strides = array<i32>} : memref<4x200x64xf32, #tpu.memory_space<vmem>>, vector<1x1x16xf32>,
        %swap3A_802 = vector.shape_cast %swap3A_801 : vector<1x1x16xf32> to vector<16xf32>
        %swap3A_803 = vector.shape_cast %get3A_797 : vector<16xf32> to vector<1x1x16xf32>
        tpu.vector_store %arg8[%swap3A_798, %swap3A_799, %swap3A_800], %swap3A_803 {add = true, strides = array<i32>} : memref<4x200x64xf32, #tpu.memory_space<vmem>>, vector<1x1x16xf32>,
        %get3A_804 = arith.index_cast %add3A_794 : i32 to index
        %get3A_805 = arith.constant 16 : index
        %get3A_806 = tpu.vector_load %arg7[%get3A_804, %get3A_805] {strides = array<i32>} : memref<200x64xf32, #tpu.memory_space<vmem>>, vector<1x16xf32>,
        %get3A_807 = vector.shape_cast %get3A_806 : vector<1x16xf32> to vector<16xf32>
        %swap3A_808 = arith.constant 1 : i32
        %swap3A_809 = arith.index_cast %swap3A_808 : i32 to index
        %swap3A_810 = arith.index_cast %add3A_794 : i32 to index
        %swap3A_811 = arith.constant 16 : index
        %swap3A_812 = tpu.vector_load %arg8[%swap3A_809, %swap3A_810, %swap3A_811] {strides = array<i32>} : memref<4x200x64xf32, #tpu.memory_space<vmem>>, vector<1x1x16xf32>,
        %swap3A_813 = vector.shape_cast %swap3A_812 : vector<1x1x16xf32> to vector<16xf32>
        %swap3A_814 = vector.shape_cast %get3A_807 : vector<16xf32> to vector<1x1x16xf32>
        tpu.vector_store %arg8[%swap3A_809, %swap3A_810, %swap3A_811], %swap3A_814 {add = true, strides = array<i32>} : memref<4x200x64xf32, #tpu.memory_space<vmem>>, vector<1x1x16xf32>,
        %get3A_815 = arith.index_cast %add3A_794 : i32 to index
        %get3A_816 = arith.constant 32 : index
        %get3A_817 = tpu.vector_load %arg7[%get3A_815, %get3A_816] {strides = array<i32>} : memref<200x64xf32, #tpu.memory_space<vmem>>, vector<1x16xf32>,
        %get3A_818 = vector.shape_cast %get3A_817 : vector<1x16xf32> to vector<16xf32>
        %swap3A_819 = arith.constant 1 : i32
        %swap3A_820 = arith.index_cast %swap3A_819 : i32 to index
        %swap3A_821 = arith.index_cast %add3A_794 : i32 to index
        %swap3A_822 = arith.constant 32 : index
        %swap3A_823 = tpu.vector_load %arg8[%swap3A_820, %swap3A_821, %swap3A_822] {strides = array<i32>} : memref<4x200x64xf32, #tpu.memory_space<vmem>>, vector<1x1x16xf32>,
        %swap3A_824 = vector.shape_cast %swap3A_823 : vector<1x1x16xf32> to vector<16xf32>
        %swap3A_825 = vector.shape_cast %get3A_818 : vector<16xf32> to vector<1x1x16xf32>
        tpu.vector_store %arg8[%swap3A_820, %swap3A_821, %swap3A_822], %swap3A_825 {add = true, strides = array<i32>} : memref<4x200x64xf32, #tpu.memory_space<vmem>>, vector<1x1x16xf32>,
        %get3A_826 = arith.index_cast %add3A_794 : i32 to index
        %get3A_827 = arith.constant 48 : index
        %get3A_828 = tpu.vector_load %arg7[%get3A_826, %get3A_827] {strides = array<i32>} : memref<200x64xf32, #tpu.memory_space<vmem>>, vector<1x16xf32>,
        %get3A_829 = vector.shape_cast %get3A_828 : vector<1x16xf32> to vector<16xf32>
        %swap3A_830 = arith.constant 1 : i32
        %swap3A_831 = arith.index_cast %swap3A_830 : i32 to index
        %swap3A_832 = arith.index_cast %add3A_794 : i32 to index
        %swap3A_833 = arith.constant 48 : index
        %swap3A_834 = tpu.vector_load %arg8[%swap3A_831, %swap3A_832, %swap3A_833] {strides = array<i32>} : memref<4x200x64xf32, #tpu.memory_space<vmem>>, vector<1x1x16xf32>,
        %swap3A_835 = vector.shape_cast %swap3A_834 : vector<1x1x16xf32> to vector<16xf32>
        %swap3A_836 = vector.shape_cast %get3A_829 : vector<16xf32> to vector<1x1x16xf32>
        tpu.vector_store %arg8[%swap3A_831, %swap3A_832, %swap3A_833], %swap3A_836 {add = true, strides = array<i32>} : memref<4x200x64xf32, #tpu.memory_space<vmem>>, vector<1x1x16xf32>,
        %scan3A_837 = arith.constant 1 : i32
        %scan3A_838 = arith.addi %scan3A_790, %scan3A_837 : i32
        %mul3A_839 = arith.constant 1 : i32
        %mul3A_840 = arith.muli %scan3A_838, %mul3A_839 : i32
        %add3A_841 = arith.constant 0 : i32
        %add3A_842 = arith.addi %add3A_841, %mul3A_840 : i32
        %get3A_843 = arith.index_cast %add3A_842 : i32 to index
        %get3A_844 = arith.constant 0 : index
        %get3A_845 = tpu.vector_load %arg7[%get3A_843, %get3A_844] {strides = array<i32>} : memref<200x64xf32, #tpu.memory_space<vmem>>, vector<1x16xf32>,
        %get3A_846 = vector.shape_cast %get3A_845 : vector<1x16xf32> to vector<16xf32>
        %swap3A_847 = arith.constant 1 : i32
        %swap3A_848 = arith.index_cast %swap3A_847 : i32 to index
        %swap3A_849 = arith.index_cast %add3A_842 : i32 to index
        %swap3A_850 = arith.constant 0 : index
        %swap3A_851 = tpu.vector_load %arg8[%swap3A_848, %swap3A_849, %swap3A_850] {strides = array<i32>} : memref<4x200x64xf32, #tpu.memory_space<vmem>>, vector<1x1x16xf32>,
        %swap3A_852 = vector.shape_cast %swap3A_851 : vector<1x1x16xf32> to vector<16xf32>
        %swap3A_853 = vector.shape_cast %get3A_846 : vector<16xf32> to vector<1x1x16xf32>
        tpu.vector_store %arg8[%swap3A_848, %swap3A_849, %swap3A_850], %swap3A_853 {add = true, strides = array<i32>} : memref<4x200x64xf32, #tpu.memory_space<vmem>>, vector<1x1x16xf32>,
        %get3A_854 = arith.index_cast %add3A_842 : i32 to index
        %get3A_855 = arith.constant 16 : index
        %get3A_856 = tpu.vector_load %arg7[%get3A_854, %get3A_855] {strides = array<i32>} : memref<200x64xf32, #tpu.memory_space<vmem>>, vector<1x16xf32>,
        %get3A_857 = vector.shape_cast %get3A_856 : vector<1x16xf32> to vector<16xf32>
        %swap3A_858 = arith.constant 1 : i32
        %swap3A_859 = arith.index_cast %swap3A_858 : i32 to index
        %swap3A_860 = arith.index_cast %add3A_842 : i32 to index
        %swap3A_861 = arith.constant 16 : index
        %swap3A_862 = tpu.vector_load %arg8[%swap3A_859, %swap3A_860, %swap3A_861] {strides = array<i32>} : memref<4x200x64xf32, #tpu.memory_space<vmem>>, vector<1x1x16xf32>,
        %swap3A_863 = vector.shape_cast %swap3A_862 : vector<1x1x16xf32> to vector<16xf32>
        %swap3A_864 = vector.shape_cast %get3A_857 : vector<16xf32> to vector<1x1x16xf32>
        tpu.vector_store %arg8[%swap3A_859, %swap3A_860, %swap3A_861], %swap3A_864 {add = true, strides = array<i32>} : memref<4x200x64xf32, #tpu.memory_space<vmem>>, vector<1x1x16xf32>,
        %get3A_865 = arith.index_cast %add3A_842 : i32 to index
        %get3A_866 = arith.constant 32 : index
        %get3A_867 = tpu.vector_load %arg7[%get3A_865, %get3A_866] {strides = array<i32>} : memref<200x64xf32, #tpu.memory_space<vmem>>, vector<1x16xf32>,
        %get3A_868 = vector.shape_cast %get3A_867 : vector<1x16xf32> to vector<16xf32>
        %swap3A_869 = arith.constant 1 : i32
        %swap3A_870 = arith.index_cast %swap3A_869 : i32 to index
        %swap3A_871 = arith.index_cast %add3A_842 : i32 to index
        %swap3A_872 = arith.constant 32 : index
        %swap3A_873 = tpu.vector_load %arg8[%swap3A_870, %swap3A_871, %swap3A_872] {strides = array<i32>} : memref<4x200x64xf32, #tpu.memory_space<vmem>>, vector<1x1x16xf32>,
        %swap3A_874 = vector.shape_cast %swap3A_873 : vector<1x1x16xf32> to vector<16xf32>
        %swap3A_875 = vector.shape_cast %get3A_868 : vector<16xf32> to vector<1x1x16xf32>
        tpu.vector_store %arg8[%swap3A_870, %swap3A_871, %swap3A_872], %swap3A_875 {add = true, strides = array<i32>} : memref<4x200x64xf32, #tpu.memory_space<vmem>>, vector<1x1x16xf32>,
        %get3A_876 = arith.index_cast %add3A_842 : i32 to index
        %get3A_877 = arith.constant 48 : index
        %get3A_878 = tpu.vector_load %arg7[%get3A_876, %get3A_877] {strides = array<i32>} : memref<200x64xf32, #tpu.memory_space<vmem>>, vector<1x16xf32>,
        %get3A_879 = vector.shape_cast %get3A_878 : vector<1x16xf32> to vector<16xf32>
        %swap3A_880 = arith.constant 1 : i32
        %swap3A_881 = arith.index_cast %swap3A_880 : i32 to index
        %swap3A_882 = arith.index_cast %add3A_842 : i32 to index
        %swap3A_883 = arith.constant 48 : index
        %swap3A_884 = tpu.vector_load %arg8[%swap3A_881, %swap3A_882, %swap3A_883] {strides = array<i32>} : memref<4x200x64xf32, #tpu.memory_space<vmem>>, vector<1x1x16xf32>,
        %swap3A_885 = vector.shape_cast %swap3A_884 : vector<1x1x16xf32> to vector<16xf32>
        %swap3A_886 = vector.shape_cast %get3A_879 : vector<16xf32> to vector<1x1x16xf32>
        tpu.vector_store %arg8[%swap3A_881, %swap3A_882, %swap3A_883], %swap3A_886 {add = true, strides = array<i32>} : memref<4x200x64xf32, #tpu.memory_space<vmem>>, vector<1x1x16xf32>,
        %scan3A_887 = arith.constant 2 : i32
        %scan3A_888 = arith.addi %scan3A_790, %scan3A_887 : i32
        %mul3A_889 = arith.constant 1 : i32
        %mul3A_890 = arith.muli %scan3A_888, %mul3A_889 : i32
        %add3A_891 = arith.constant 0 : i32
        %add3A_892 = arith.addi %add3A_891, %mul3A_890 : i32
        %get3A_893 = arith.index_cast %add3A_892 : i32 to index
        %get3A_894 = arith.constant 0 : index
        %get3A_895 = tpu.vector_load %arg7[%get3A_893, %get3A_894] {strides = array<i32>} : memref<200x64xf32, #tpu.memory_space<vmem>>, vector<1x16xf32>,
        %get3A_896 = vector.shape_cast %get3A_895 : vector<1x16xf32> to vector<16xf32>
        %swap3A_897 = arith.constant 1 : i32
        %swap3A_898 = arith.index_cast %swap3A_897 : i32 to index
        %swap3A_899 = arith.index_cast %add3A_892 : i32 to index
        %swap3A_900 = arith.constant 0 : index
        %swap3A_901 = tpu.vector_load %arg8[%swap3A_898, %swap3A_899, %swap3A_900] {strides = array<i32>} : memref<4x200x64xf32, #tpu.memory_space<vmem>>, vector<1x1x16xf32>,
        %swap3A_902 = vector.shape_cast %swap3A_901 : vector<1x1x16xf32> to vector<16xf32>
        %swap3A_903 = vector.shape_cast %get3A_896 : vector<16xf32> to vector<1x1x16xf32>
        tpu.vector_store %arg8[%swap3A_898, %swap3A_899, %swap3A_900], %swap3A_903 {add = true, strides = array<i32>} : memref<4x200x64xf32, #tpu.memory_space<vmem>>, vector<1x1x16xf32>,
        %get3A_904 = arith.index_cast %add3A_892 : i32 to index
        %get3A_905 = arith.constant 16 : index
        %get3A_906 = tpu.vector_load %arg7[%get3A_904, %get3A_905] {strides = array<i32>} : memref<200x64xf32, #tpu.memory_space<vmem>>, vector<1x16xf32>,
        %get3A_907 = vector.shape_cast %get3A_906 : vector<1x16xf32> to vector<16xf32>
        %swap3A_908 = arith.constant 1 : i32
        %swap3A_909 = arith.index_cast %swap3A_908 : i32 to index
        %swap3A_910 = arith.index_cast %add3A_892 : i32 to index
        %swap3A_911 = arith.constant 16 : index
        %swap3A_912 = tpu.vector_load %arg8[%swap3A_909, %swap3A_910, %swap3A_911] {strides = array<i32>} : memref<4x200x64xf32, #tpu.memory_space<vmem>>, vector<1x1x16xf32>,
        %swap3A_913 = vector.shape_cast %swap3A_912 : vector<1x1x16xf32> to vector<16xf32>
        %swap3A_914 = vector.shape_cast %get3A_907 : vector<16xf32> to vector<1x1x16xf32>
        tpu.vector_store %arg8[%swap3A_909, %swap3A_910, %swap3A_911], %swap3A_914 {add = true, strides = array<i32>} : memref<4x200x64xf32, #tpu.memory_space<vmem>>, vector<1x1x16xf32>,
        %get3A_915 = arith.index_cast %add3A_892 : i32 to index
        %get3A_916 = arith.constant 32 : index
        %get3A_917 = tpu.vector_load %arg7[%get3A_915, %get3A_916] {strides = array<i32>} : memref<200x64xf32, #tpu.memory_space<vmem>>, vector<1x16xf32>,
        %get3A_918 = vector.shape_cast %get3A_917 : vector<1x16xf32> to vector<16xf32>
        %swap3A_919 = arith.constant 1 : i32
        %swap3A_920 = arith.index_cast %swap3A_919 : i32 to index
        %swap3A_921 = arith.index_cast %add3A_892 : i32 to index
        %swap3A_922 = arith.constant 32 : index
        %swap3A_923 = tpu.vector_load %arg8[%swap3A_920, %swap3A_921, %swap3A_922] {strides = array<i32>} : memref<4x200x64xf32, #tpu.memory_space<vmem>>, vector<1x1x16xf32>,
        %swap3A_924 = vector.shape_cast %swap3A_923 : vector<1x1x16xf32> to vector<16xf32>
        %swap3A_925 = vector.shape_cast %get3A_918 : vector<16xf32> to vector<1x1x16xf32>
        tpu.vector_store %arg8[%swap3A_920, %swap3A_921, %swap3A_922], %swap3A_925 {add = true, strides = array<i32>} : memref<4x200x64xf32, #tpu.memory_space<vmem>>, vector<1x1x16xf32>,
        %get3A_926 = arith.index_cast %add3A_892 : i32 to index
        %get3A_927 = arith.constant 48 : index
        %get3A_928 = tpu.vector_load %arg7[%get3A_926, %get3A_927] {strides = array<i32>} : memref<200x64xf32, #tpu.memory_space<vmem>>, vector<1x16xf32>,
        %get3A_929 = vector.shape_cast %get3A_928 : vector<1x16xf32> to vector<16xf32>
        %swap3A_930 = arith.constant 1 : i32
        %swap3A_931 = arith.index_cast %swap3A_930 : i32 to index
        %swap3A_932 = arith.index_cast %add3A_892 : i32 to index
        %swap3A_933 = arith.constant 48 : index
        %swap3A_934 = tpu.vector_load %arg8[%swap3A_931, %swap3A_932, %swap3A_933] {strides = array<i32>} : memref<4x200x64xf32, #tpu.memory_space<vmem>>, vector<1x1x16xf32>,
        %swap3A_935 = vector.shape_cast %swap3A_934 : vector<1x1x16xf32> to vector<16xf32>
        %swap3A_936 = vector.shape_cast %get3A_929 : vector<16xf32> to vector<1x1x16xf32>
        tpu.vector_store %arg8[%swap3A_931, %swap3A_932, %swap3A_933], %swap3A_936 {add = true, strides = array<i32>} : memref<4x200x64xf32, #tpu.memory_space<vmem>>, vector<1x1x16xf32>,
        %scan3A_937 = arith.constant 3 : i32
        %scan3A_938 = arith.addi %scan3A_790, %scan3A_937 : i32
        %mul3A_939 = arith.constant 1 : i32
        %mul3A_940 = arith.muli %scan3A_938, %mul3A_939 : i32
        %add3A_941 = arith.constant 0 : i32
        %add3A_942 = arith.addi %add3A_941, %mul3A_940 : i32
        %get3A_943 = arith.index_cast %add3A_942 : i32 to index
        %get3A_944 = arith.constant 0 : index
        %get3A_945 = tpu.vector_load %arg7[%get3A_943, %get3A_944] {strides = array<i32>} : memref<200x64xf32, #tpu.memory_space<vmem>>, vector<1x16xf32>,
        %get3A_946 = vector.shape_cast %get3A_945 : vector<1x16xf32> to vector<16xf32>
        %swap3A_947 = arith.constant 1 : i32
        %swap3A_948 = arith.index_cast %swap3A_947 : i32 to index
        %swap3A_949 = arith.index_cast %add3A_942 : i32 to index
        %swap3A_950 = arith.constant 0 : index
        %swap3A_951 = tpu.vector_load %arg8[%swap3A_948, %swap3A_949, %swap3A_950] {strides = array<i32>} : memref<4x200x64xf32, #tpu.memory_space<vmem>>, vector<1x1x16xf32>,
        %swap3A_952 = vector.shape_cast %swap3A_951 : vector<1x1x16xf32> to vector<16xf32>
        %swap3A_953 = vector.shape_cast %get3A_946 : vector<16xf32> to vector<1x1x16xf32>
        tpu.vector_store %arg8[%swap3A_948, %swap3A_949, %swap3A_950], %swap3A_953 {add = true, strides = array<i32>} : memref<4x200x64xf32, #tpu.memory_space<vmem>>, vector<1x1x16xf32>,
        %get3A_954 = arith.index_cast %add3A_942 : i32 to index
        %get3A_955 = arith.constant 16 : index
        %get3A_956 = tpu.vector_load %arg7[%get3A_954, %get3A_955] {strides = array<i32>} : memref<200x64xf32, #tpu.memory_space<vmem>>, vector<1x16xf32>,
        %get3A_957 = vector.shape_cast %get3A_956 : vector<1x16xf32> to vector<16xf32>
        %swap3A_958 = arith.constant 1 : i32
        %swap3A_959 = arith.index_cast %swap3A_958 : i32 to index
        %swap3A_960 = arith.index_cast %add3A_942 : i32 to index
        %swap3A_961 = arith.constant 16 : index
        %swap3A_962 = tpu.vector_load %arg8[%swap3A_959, %swap3A_960, %swap3A_961] {strides = array<i32>} : memref<4x200x64xf32, #tpu.memory_space<vmem>>, vector<1x1x16xf32>,
        %swap3A_963 = vector.shape_cast %swap3A_962 : vector<1x1x16xf32> to vector<16xf32>
        %swap3A_964 = vector.shape_cast %get3A_957 : vector<16xf32> to vector<1x1x16xf32>
        tpu.vector_store %arg8[%swap3A_959, %swap3A_960, %swap3A_961], %swap3A_964 {add = true, strides = array<i32>} : memref<4x200x64xf32, #tpu.memory_space<vmem>>, vector<1x1x16xf32>,
        %get3A_965 = arith.index_cast %add3A_942 : i32 to index
        %get3A_966 = arith.constant 32 : index
        %get3A_967 = tpu.vector_load %arg7[%get3A_965, %get3A_966] {strides = array<i32>} : memref<200x64xf32, #tpu.memory_space<vmem>>, vector<1x16xf32>,
        %get3A_968 = vector.shape_cast %get3A_967 : vector<1x16xf32> to vector<16xf32>
        %swap3A_969 = arith.constant 1 : i32
        %swap3A_970 = arith.index_cast %swap3A_969 : i32 to index
        %swap3A_971 = arith.index_cast %add3A_942 : i32 to index
        %swap3A_972 = arith.constant 32 : index
        %swap3A_973 = tpu.vector_load %arg8[%swap3A_970, %swap3A_971, %swap3A_972] {strides = array<i32>} : memref<4x200x64xf32, #tpu.memory_space<vmem>>, vector<1x1x16xf32>,
        %swap3A_974 = vector.shape_cast %swap3A_973 : vector<1x1x16xf32> to vector<16xf32>
        %swap3A_975 = vector.shape_cast %get3A_968 : vector<16xf32> to vector<1x1x16xf32>
        tpu.vector_store %arg8[%swap3A_970, %swap3A_971, %swap3A_972], %swap3A_975 {add = true, strides = array<i32>} : memref<4x200x64xf32, #tpu.memory_space<vmem>>, vector<1x1x16xf32>,
        %get3A_976 = arith.index_cast %add3A_942 : i32 to index
        %get3A_977 = arith.constant 48 : index
        %get3A_978 = tpu.vector_load %arg7[%get3A_976, %get3A_977] {strides = array<i32>} : memref<200x64xf32, #tpu.memory_space<vmem>>, vector<1x16xf32>,
        %get3A_979 = vector.shape_cast %get3A_978 : vector<1x16xf32> to vector<16xf32>
        %swap3A_980 = arith.constant 1 : i32
        %swap3A_981 = arith.index_cast %swap3A_980 : i32 to index
        %swap3A_982 = arith.index_cast %add3A_942 : i32 to index
        %swap3A_983 = arith.constant 48 : index
        %swap3A_984 = tpu.vector_load %arg8[%swap3A_981, %swap3A_982, %swap3A_983] {strides = array<i32>} : memref<4x200x64xf32, #tpu.memory_space<vmem>>, vector<1x1x16xf32>,
        %swap3A_985 = vector.shape_cast %swap3A_984 : vector<1x1x16xf32> to vector<16xf32>
        %swap3A_986 = vector.shape_cast %get3A_979 : vector<16xf32> to vector<1x1x16xf32>
        tpu.vector_store %arg8[%swap3A_981, %swap3A_982, %swap3A_983], %swap3A_986 {add = true, strides = array<i32>} : memref<4x200x64xf32, #tpu.memory_space<vmem>>, vector<1x1x16xf32>,
        %scan3A_987 = arith.constant 4 : i32
        %scan3A_988 = arith.addi %scan3A_790, %scan3A_987 : i32
        %mul3A_989 = arith.constant 1 : i32
        %mul3A_990 = arith.muli %scan3A_988, %mul3A_989 : i32
        %add3A_991 = arith.constant 0 : i32
        %add3A_992 = arith.addi %add3A_991, %mul3A_990 : i32
        %get3A_993 = arith.index_cast %add3A_992 : i32 to index
        %get3A_994 = arith.constant 0 : index
        %get3A_995 = tpu.vector_load %arg7[%get3A_993, %get3A_994] {strides = array<i32>} : memref<200x64xf32, #tpu.memory_space<vmem>>, vector<1x16xf32>,
        %get3A_996 = vector.shape_cast %get3A_995 : vector<1x16xf32> to vector<16xf32>
        %swap3A_997 = arith.constant 1 : i32
        %swap3A_998 = arith.index_cast %swap3A_997 : i32 to index
        %swap3A_999 = arith.index_cast %add3A_992 : i32 to index
        %swap3A_1000 = arith.constant 0 : index
        %swap3A_1001 = tpu.vector_load %arg8[%swap3A_998, %swap3A_999, %swap3A_1000] {strides = array<i32>} : memref<4x200x64xf32, #tpu.memory_space<vmem>>, vector<1x1x16xf32>,
        %swap3A_1002 = vector.shape_cast %swap3A_1001 : vector<1x1x16xf32> to vector<16xf32>
        %swap3A_1003 = vector.shape_cast %get3A_996 : vector<16xf32> to vector<1x1x16xf32>
        tpu.vector_store %arg8[%swap3A_998, %swap3A_999, %swap3A_1000], %swap3A_1003 {add = true, strides = array<i32>} : memref<4x200x64xf32, #tpu.memory_space<vmem>>, vector<1x1x16xf32>,
        %get3A_1004 = arith.index_cast %add3A_992 : i32 to index
        %get3A_1005 = arith.constant 16 : index
        %get3A_1006 = tpu.vector_load %arg7[%get3A_1004, %get3A_1005] {strides = array<i32>} : memref<200x64xf32, #tpu.memory_space<vmem>>, vector<1x16xf32>,
        %get3A_1007 = vector.shape_cast %get3A_1006 : vector<1x16xf32> to vector<16xf32>
        %swap3A_1008 = arith.constant 1 : i32
        %swap3A_1009 = arith.index_cast %swap3A_1008 : i32 to index
        %swap3A_1010 = arith.index_cast %add3A_992 : i32 to index
        %swap3A_1011 = arith.constant 16 : index
        %swap3A_1012 = tpu.vector_load %arg8[%swap3A_1009, %swap3A_1010, %swap3A_1011] {strides = array<i32>} : memref<4x200x64xf32, #tpu.memory_space<vmem>>, vector<1x1x16xf32>,
        %swap3A_1013 = vector.shape_cast %swap3A_1012 : vector<1x1x16xf32> to vector<16xf32>
        %swap3A_1014 = vector.shape_cast %get3A_1007 : vector<16xf32> to vector<1x1x16xf32>
        tpu.vector_store %arg8[%swap3A_1009, %swap3A_1010, %swap3A_1011], %swap3A_1014 {add = true, strides = array<i32>} : memref<4x200x64xf32, #tpu.memory_space<vmem>>, vector<1x1x16xf32>,
        %get3A_1015 = arith.index_cast %add3A_992 : i32 to index
        %get3A_1016 = arith.constant 32 : index
        %get3A_1017 = tpu.vector_load %arg7[%get3A_1015, %get3A_1016] {strides = array<i32>} : memref<200x64xf32, #tpu.memory_space<vmem>>, vector<1x16xf32>,
        %get3A_1018 = vector.shape_cast %get3A_1017 : vector<1x16xf32> to vector<16xf32>
        %swap3A_1019 = arith.constant 1 : i32
        %swap3A_1020 = arith.index_cast %swap3A_1019 : i32 to index
        %swap3A_1021 = arith.index_cast %add3A_992 : i32 to index
        %swap3A_1022 = arith.constant 32 : index
        %swap3A_1023 = tpu.vector_load %arg8[%swap3A_1020, %swap3A_1021, %swap3A_1022] {strides = array<i32>} : memref<4x200x64xf32, #tpu.memory_space<vmem>>, vector<1x1x16xf32>,
        %swap3A_1024 = vector.shape_cast %swap3A_1023 : vector<1x1x16xf32> to vector<16xf32>
        %swap3A_1025 = vector.shape_cast %get3A_1018 : vector<16xf32> to vector<1x1x16xf32>
        tpu.vector_store %arg8[%swap3A_1020, %swap3A_1021, %swap3A_1022], %swap3A_1025 {add = true, strides = array<i32>} : memref<4x200x64xf32, #tpu.memory_space<vmem>>, vector<1x1x16xf32>,
        %get3A_1026 = arith.index_cast %add3A_992 : i32 to index
        %get3A_1027 = arith.constant 48 : index
        %get3A_1028 = tpu.vector_load %arg7[%get3A_1026, %get3A_1027] {strides = array<i32>} : memref<200x64xf32, #tpu.memory_space<vmem>>, vector<1x16xf32>,
        %get3A_1029 = vector.shape_cast %get3A_1028 : vector<1x16xf32> to vector<16xf32>
        %swap3A_1030 = arith.constant 1 : i32
        %swap3A_1031 = arith.index_cast %swap3A_1030 : i32 to index
        %swap3A_1032 = arith.index_cast %add3A_992 : i32 to index
        %swap3A_1033 = arith.constant 48 : index
        %swap3A_1034 = tpu.vector_load %arg8[%swap3A_1031, %swap3A_1032, %swap3A_1033] {strides = array<i32>} : memref<4x200x64xf32, #tpu.memory_space<vmem>>, vector<1x1x16xf32>,
        %swap3A_1035 = vector.shape_cast %swap3A_1034 : vector<1x1x16xf32> to vector<16xf32>
        %swap3A_1036 = vector.shape_cast %get3A_1029 : vector<16xf32> to vector<1x1x16xf32>
        tpu.vector_store %arg8[%swap3A_1031, %swap3A_1032, %swap3A_1033], %swap3A_1036 {add = true, strides = array<i32>} : memref<4x200x64xf32, #tpu.memory_space<vmem>>, vector<1x1x16xf32>,
        %scan3A_1037 = arith.constant 5 : i32
        %scan3A_1038 = arith.addi %scan3A_790, %scan3A_1037 : i32
        %mul3A_1039 = arith.constant 1 : i32
        %mul3A_1040 = arith.muli %scan3A_1038, %mul3A_1039 : i32
        %add3A_1041 = arith.constant 0 : i32
        %add3A_1042 = arith.addi %add3A_1041, %mul3A_1040 : i32
        %get3A_1043 = arith.index_cast %add3A_1042 : i32 to index
        %get3A_1044 = arith.constant 0 : index
        %get3A_1045 = tpu.vector_load %arg7[%get3A_1043, %get3A_1044] {strides = array<i32>} : memref<200x64xf32, #tpu.memory_space<vmem>>, vector<1x16xf32>,
        %get3A_1046 = vector.shape_cast %get3A_1045 : vector<1x16xf32> to vector<16xf32>
        %swap3A_1047 = arith.constant 1 : i32
        %swap3A_1048 = arith.index_cast %swap3A_1047 : i32 to index
        %swap3A_1049 = arith.index_cast %add3A_1042 : i32 to index
        %swap3A_1050 = arith.constant 0 : index
        %swap3A_1051 = tpu.vector_load %arg8[%swap3A_1048, %swap3A_1049, %swap3A_1050] {strides = array<i32>} : memref<4x200x64xf32, #tpu.memory_space<vmem>>, vector<1x1x16xf32>,
        %swap3A_1052 = vector.shape_cast %swap3A_1051 : vector<1x1x16xf32> to vector<16xf32>
        %swap3A_1053 = vector.shape_cast %get3A_1046 : vector<16xf32> to vector<1x1x16xf32>
        tpu.vector_store %arg8[%swap3A_1048, %swap3A_1049, %swap3A_1050], %swap3A_1053 {add = true, strides = array<i32>} : memref<4x200x64xf32, #tpu.memory_space<vmem>>, vector<1x1x16xf32>,
        %get3A_1054 = arith.index_cast %add3A_1042 : i32 to index
        %get3A_1055 = arith.constant 16 : index
        %get3A_1056 = tpu.vector_load %arg7[%get3A_1054, %get3A_1055] {strides = array<i32>} : memref<200x64xf32, #tpu.memory_space<vmem>>, vector<1x16xf32>,
        %get3A_1057 = vector.shape_cast %get3A_1056 : vector<1x16xf32> to vector<16xf32>
        %swap3A_1058 = arith.constant 1 : i32
        %swap3A_1059 = arith.index_cast %swap3A_1058 : i32 to index
        %swap3A_1060 = arith.index_cast %add3A_1042 : i32 to index
        %swap3A_1061 = arith.constant 16 : index
        %swap3A_1062 = tpu.vector_load %arg8[%swap3A_1059, %swap3A_1060, %swap3A_1061] {strides = array<i32>} : memref<4x200x64xf32, #tpu.memory_space<vmem>>, vector<1x1x16xf32>,
        %swap3A_1063 = vector.shape_cast %swap3A_1062 : vector<1x1x16xf32> to vector<16xf32>
        %swap3A_1064 = vector.shape_cast %get3A_1057 : vector<16xf32> to vector<1x1x16xf32>
        tpu.vector_store %arg8[%swap3A_1059, %swap3A_1060, %swap3A_1061], %swap3A_1064 {add = true, strides = array<i32>} : memref<4x200x64xf32, #tpu.memory_space<vmem>>, vector<1x1x16xf32>,
        %get3A_1065 = arith.index_cast %add3A_1042 : i32 to index
        %get3A_1066 = arith.constant 32 : index
        %get3A_1067 = tpu.vector_load %arg7[%get3A_1065, %get3A_1066] {strides = array<i32>} : memref<200x64xf32, #tpu.memory_space<vmem>>, vector<1x16xf32>,
        %get3A_1068 = vector.shape_cast %get3A_1067 : vector<1x16xf32> to vector<16xf32>
        %swap3A_1069 = arith.constant 1 : i32
        %swap3A_1070 = arith.index_cast %swap3A_1069 : i32 to index
        %swap3A_1071 = arith.index_cast %add3A_1042 : i32 to index
        %swap3A_1072 = arith.constant 32 : index
        %swap3A_1073 = tpu.vector_load %arg8[%swap3A_1070, %swap3A_1071, %swap3A_1072] {strides = array<i32>} : memref<4x200x64xf32, #tpu.memory_space<vmem>>, vector<1x1x16xf32>,
        %swap3A_1074 = vector.shape_cast %swap3A_1073 : vector<1x1x16xf32> to vector<16xf32>
        %swap3A_1075 = vector.shape_cast %get3A_1068 : vector<16xf32> to vector<1x1x16xf32>
        tpu.vector_store %arg8[%swap3A_1070, %swap3A_1071, %swap3A_1072], %swap3A_1075 {add = true, strides = array<i32>} : memref<4x200x64xf32, #tpu.memory_space<vmem>>, vector<1x1x16xf32>,
        %get3A_1076 = arith.index_cast %add3A_1042 : i32 to index
        %get3A_1077 = arith.constant 48 : index
        %get3A_1078 = tpu.vector_load %arg7[%get3A_1076, %get3A_1077] {strides = array<i32>} : memref<200x64xf32, #tpu.memory_space<vmem>>, vector<1x16xf32>,
        %get3A_1079 = vector.shape_cast %get3A_1078 : vector<1x16xf32> to vector<16xf32>
        %swap3A_1080 = arith.constant 1 : i32
        %swap3A_1081 = arith.index_cast %swap3A_1080 : i32 to index
        %swap3A_1082 = arith.index_cast %add3A_1042 : i32 to index
        %swap3A_1083 = arith.constant 48 : index
        %swap3A_1084 = tpu.vector_load %arg8[%swap3A_1081, %swap3A_1082, %swap3A_1083] {strides = array<i32>} : memref<4x200x64xf32, #tpu.memory_space<vmem>>, vector<1x1x16xf32>,
        %swap3A_1085 = vector.shape_cast %swap3A_1084 : vector<1x1x16xf32> to vector<16xf32>
        %swap3A_1086 = vector.shape_cast %get3A_1079 : vector<16xf32> to vector<1x1x16xf32>
        tpu.vector_store %arg8[%swap3A_1081, %swap3A_1082, %swap3A_1083], %swap3A_1086 {add = true, strides = array<i32>} : memref<4x200x64xf32, #tpu.memory_space<vmem>>, vector<1x1x16xf32>,
        %scan3A_1087 = arith.constant 6 : i32
        %scan3A_1088 = arith.addi %scan3A_790, %scan3A_1087 : i32
        %mul3A_1089 = arith.constant 1 : i32
        %mul3A_1090 = arith.muli %scan3A_1088, %mul3A_1089 : i32
        %add3A_1091 = arith.constant 0 : i32
        %add3A_1092 = arith.addi %add3A_1091, %mul3A_1090 : i32
        %get3A_1093 = arith.index_cast %add3A_1092 : i32 to index
        %get3A_1094 = arith.constant 0 : index
        %get3A_1095 = tpu.vector_load %arg7[%get3A_1093, %get3A_1094] {strides = array<i32>} : memref<200x64xf32, #tpu.memory_space<vmem>>, vector<1x16xf32>,
        %get3A_1096 = vector.shape_cast %get3A_1095 : vector<1x16xf32> to vector<16xf32>
        %swap3A_1097 = arith.constant 1 : i32
        %swap3A_1098 = arith.index_cast %swap3A_1097 : i32 to index
        %swap3A_1099 = arith.index_cast %add3A_1092 : i32 to index
        %swap3A_1100 = arith.constant 0 : index
        %swap3A_1101 = tpu.vector_load %arg8[%swap3A_1098, %swap3A_1099, %swap3A_1100] {strides = array<i32>} : memref<4x200x64xf32, #tpu.memory_space<vmem>>, vector<1x1x16xf32>,
        %swap3A_1102 = vector.shape_cast %swap3A_1101 : vector<1x1x16xf32> to vector<16xf32>
        %swap3A_1103 = vector.shape_cast %get3A_1096 : vector<16xf32> to vector<1x1x16xf32>
        tpu.vector_store %arg8[%swap3A_1098, %swap3A_1099, %swap3A_1100], %swap3A_1103 {add = true, strides = array<i32>} : memref<4x200x64xf32, #tpu.memory_space<vmem>>, vector<1x1x16xf32>,
        %get3A_1104 = arith.index_cast %add3A_1092 : i32 to index
        %get3A_1105 = arith.constant 16 : index
        %get3A_1106 = tpu.vector_load %arg7[%get3A_1104, %get3A_1105] {strides = array<i32>} : memref<200x64xf32, #tpu.memory_space<vmem>>, vector<1x16xf32>,
        %get3A_1107 = vector.shape_cast %get3A_1106 : vector<1x16xf32> to vector<16xf32>
        %swap3A_1108 = arith.constant 1 : i32
        %swap3A_1109 = arith.index_cast %swap3A_1108 : i32 to index
        %swap3A_1110 = arith.index_cast %add3A_1092 : i32 to index
        %swap3A_1111 = arith.constant 16 : index
        %swap3A_1112 = tpu.vector_load %arg8[%swap3A_1109, %swap3A_1110, %swap3A_1111] {strides = array<i32>} : memref<4x200x64xf32, #tpu.memory_space<vmem>>, vector<1x1x16xf32>,
        %swap3A_1113 = vector.shape_cast %swap3A_1112 : vector<1x1x16xf32> to vector<16xf32>
        %swap3A_1114 = vector.shape_cast %get3A_1107 : vector<16xf32> to vector<1x1x16xf32>
        tpu.vector_store %arg8[%swap3A_1109, %swap3A_1110, %swap3A_1111], %swap3A_1114 {add = true, strides = array<i32>} : memref<4x200x64xf32, #tpu.memory_space<vmem>>, vector<1x1x16xf32>,
        %get3A_1115 = arith.index_cast %add3A_1092 : i32 to index
        %get3A_1116 = arith.constant 32 : index
        %get3A_1117 = tpu.vector_load %arg7[%get3A_1115, %get3A_1116] {strides = array<i32>} : memref<200x64xf32, #tpu.memory_space<vmem>>, vector<1x16xf32>,
        %get3A_1118 = vector.shape_cast %get3A_1117 : vector<1x16xf32> to vector<16xf32>
        %swap3A_1119 = arith.constant 1 : i32
        %swap3A_1120 = arith.index_cast %swap3A_1119 : i32 to index
        %swap3A_1121 = arith.index_cast %add3A_1092 : i32 to index
        %swap3A_1122 = arith.constant 32 : index
        %swap3A_1123 = tpu.vector_load %arg8[%swap3A_1120, %swap3A_1121, %swap3A_1122] {strides = array<i32>} : memref<4x200x64xf32, #tpu.memory_space<vmem>>, vector<1x1x16xf32>,
        %swap3A_1124 = vector.shape_cast %swap3A_1123 : vector<1x1x16xf32> to vector<16xf32>
        %swap3A_1125 = vector.shape_cast %get3A_1118 : vector<16xf32> to vector<1x1x16xf32>
        tpu.vector_store %arg8[%swap3A_1120, %swap3A_1121, %swap3A_1122], %swap3A_1125 {add = true, strides = array<i32>} : memref<4x200x64xf32, #tpu.memory_space<vmem>>, vector<1x1x16xf32>,
        %get3A_1126 = arith.index_cast %add3A_1092 : i32 to index
        %get3A_1127 = arith.constant 48 : index
        %get3A_1128 = tpu.vector_load %arg7[%get3A_1126, %get3A_1127] {strides = array<i32>} : memref<200x64xf32, #tpu.memory_space<vmem>>, vector<1x16xf32>,
        %get3A_1129 = vector.shape_cast %get3A_1128 : vector<1x16xf32> to vector<16xf32>
        %swap3A_1130 = arith.constant 1 : i32
        %swap3A_1131 = arith.index_cast %swap3A_1130 : i32 to index
        %swap3A_1132 = arith.index_cast %add3A_1092 : i32 to index
        %swap3A_1133 = arith.constant 48 : index
        %swap3A_1134 = tpu.vector_load %arg8[%swap3A_1131, %swap3A_1132, %swap3A_1133] {strides = array<i32>} : memref<4x200x64xf32, #tpu.memory_space<vmem>>, vector<1x1x16xf32>,
        %swap3A_1135 = vector.shape_cast %swap3A_1134 : vector<1x1x16xf32> to vector<16xf32>
        %swap3A_1136 = vector.shape_cast %get3A_1129 : vector<16xf32> to vector<1x1x16xf32>
        tpu.vector_store %arg8[%swap3A_1131, %swap3A_1132, %swap3A_1133], %swap3A_1136 {add = true, strides = array<i32>} : memref<4x200x64xf32, #tpu.memory_space<vmem>>, vector<1x1x16xf32>,
        %scan3A_1137 = arith.constant 7 : i32
        %scan3A_1138 = arith.addi %scan3A_790, %scan3A_1137 : i32
        %mul3A_1139 = arith.constant 1 : i32
        %mul3A_1140 = arith.muli %scan3A_1138, %mul3A_1139 : i32
        %add3A_1141 = arith.constant 0 : i32
        %add3A_1142 = arith.addi %add3A_1141, %mul3A_1140 : i32
        %get3A_1143 = arith.index_cast %add3A_1142 : i32 to index
        %get3A_1144 = arith.constant 0 : index
        %get3A_1145 = tpu.vector_load %arg7[%get3A_1143, %get3A_1144] {strides = array<i32>} : memref<200x64xf32, #tpu.memory_space<vmem>>, vector<1x16xf32>,
        %get3A_1146 = vector.shape_cast %get3A_1145 : vector<1x16xf32> to vector<16xf32>
        %swap3A_1147 = arith.constant 1 : i32
        %swap3A_1148 = arith.index_cast %swap3A_1147 : i32 to index
        %swap3A_1149 = arith.index_cast %add3A_1142 : i32 to index
        %swap3A_1150 = arith.constant 0 : index
        %swap3A_1151 = tpu.vector_load %arg8[%swap3A_1148, %swap3A_1149, %swap3A_1150] {strides = array<i32>} : memref<4x200x64xf32, #tpu.memory_space<vmem>>, vector<1x1x16xf32>,
        %swap3A_1152 = vector.shape_cast %swap3A_1151 : vector<1x1x16xf32> to vector<16xf32>
        %swap3A_1153 = vector.shape_cast %get3A_1146 : vector<16xf32> to vector<1x1x16xf32>
        tpu.vector_store %arg8[%swap3A_1148, %swap3A_1149, %swap3A_1150], %swap3A_1153 {add = true, strides = array<i32>} : memref<4x200x64xf32, #tpu.memory_space<vmem>>, vector<1x1x16xf32>,
        %get3A_1154 = arith.index_cast %add3A_1142 : i32 to index
        %get3A_1155 = arith.constant 16 : index
        %get3A_1156 = tpu.vector_load %arg7[%get3A_1154, %get3A_1155] {strides = array<i32>} : memref<200x64xf32, #tpu.memory_space<vmem>>, vector<1x16xf32>,
        %get3A_1157 = vector.shape_cast %get3A_1156 : vector<1x16xf32> to vector<16xf32>
        %swap3A_1158 = arith.constant 1 : i32
        %swap3A_1159 = arith.index_cast %swap3A_1158 : i32 to index
        %swap3A_1160 = arith.index_cast %add3A_1142 : i32 to index
        %swap3A_1161 = arith.constant 16 : index
        %swap3A_1162 = tpu.vector_load %arg8[%swap3A_1159, %swap3A_1160, %swap3A_1161] {strides = array<i32>} : memref<4x200x64xf32, #tpu.memory_space<vmem>>, vector<1x1x16xf32>,
        %swap3A_1163 = vector.shape_cast %swap3A_1162 : vector<1x1x16xf32> to vector<16xf32>
        %swap3A_1164 = vector.shape_cast %get3A_1157 : vector<16xf32> to vector<1x1x16xf32>
        tpu.vector_store %arg8[%swap3A_1159, %swap3A_1160, %swap3A_1161], %swap3A_1164 {add = true, strides = array<i32>} : memref<4x200x64xf32, #tpu.memory_space<vmem>>, vector<1x1x16xf32>,
        %get3A_1165 = arith.index_cast %add3A_1142 : i32 to index
        %get3A_1166 = arith.constant 32 : index
        %get3A_1167 = tpu.vector_load %arg7[%get3A_1165, %get3A_1166] {strides = array<i32>} : memref<200x64xf32, #tpu.memory_space<vmem>>, vector<1x16xf32>,
        %get3A_1168 = vector.shape_cast %get3A_1167 : vector<1x16xf32> to vector<16xf32>
        %swap3A_1169 = arith.constant 1 : i32
        %swap3A_1170 = arith.index_cast %swap3A_1169 : i32 to index
        %swap3A_1171 = arith.index_cast %add3A_1142 : i32 to index
        %swap3A_1172 = arith.constant 32 : index
        %swap3A_1173 = tpu.vector_load %arg8[%swap3A_1170, %swap3A_1171, %swap3A_1172] {strides = array<i32>} : memref<4x200x64xf32, #tpu.memory_space<vmem>>, vector<1x1x16xf32>,
        %swap3A_1174 = vector.shape_cast %swap3A_1173 : vector<1x1x16xf32> to vector<16xf32>
        %swap3A_1175 = vector.shape_cast %get3A_1168 : vector<16xf32> to vector<1x1x16xf32>
        tpu.vector_store %arg8[%swap3A_1170, %swap3A_1171, %swap3A_1172], %swap3A_1175 {add = true, strides = array<i32>} : memref<4x200x64xf32, #tpu.memory_space<vmem>>, vector<1x1x16xf32>,
        %get3A_1176 = arith.index_cast %add3A_1142 : i32 to index
        %get3A_1177 = arith.constant 48 : index
        %get3A_1178 = tpu.vector_load %arg7[%get3A_1176, %get3A_1177] {strides = array<i32>} : memref<200x64xf32, #tpu.memory_space<vmem>>, vector<1x16xf32>,
        %get3A_1179 = vector.shape_cast %get3A_1178 : vector<1x16xf32> to vector<16xf32>
        %swap3A_1180 = arith.constant 1 : i32
        %swap3A_1181 = arith.index_cast %swap3A_1180 : i32 to index
        %swap3A_1182 = arith.index_cast %add3A_1142 : i32 to index
        %swap3A_1183 = arith.constant 48 : index
        %swap3A_1184 = tpu.vector_load %arg8[%swap3A_1181, %swap3A_1182, %swap3A_1183] {strides = array<i32>} : memref<4x200x64xf32, #tpu.memory_space<vmem>>, vector<1x1x16xf32>,
        %swap3A_1185 = vector.shape_cast %swap3A_1184 : vector<1x1x16xf32> to vector<16xf32>
        %swap3A_1186 = vector.shape_cast %get3A_1179 : vector<16xf32> to vector<1x1x16xf32>
        tpu.vector_store %arg8[%swap3A_1181, %swap3A_1182, %swap3A_1183], %swap3A_1186 {add = true, strides = array<i32>} : memref<4x200x64xf32, #tpu.memory_space<vmem>>, vector<1x1x16xf32>,
      }
      %scan3A_462 = arith.constant 200 : i32
      %add3A_463 = arith.constant 1 : i32
      %add3A_464 = arith.addi %add3A_393, %add3A_463 : i32
      %add3A_465 = arith.addi %mul3A_2, %add3A_464 : i32
      %dma_start3A_466 = arith.constant 1 : i32
      %dma_start3A_467 = arith.constant 1 : i32
      %dma_start3A_468 = arith.constant 0 : i32
      %dma_start3A_469 = arith.constant 0 : i32
      %dma_start3A_470 = tpu.memref_slice %arg8[%dma_start3A_466, %dma_start3A_468, %dma_start3A_469] : memref<4x200x64xf32, #tpu.memory_space<vmem>> -> memref<1x200x64xf32, #tpu.memory_space<vmem>>
      %dma_start3A_471 = tpu.memref_squeeze %dma_start3A_470 : memref<1x200x64xf32, #tpu.memory_space<vmem>> -> memref<200x64xf32, #tpu.memory_space<vmem>>
      %dma_start3A_472 = arith.constant 0 : i32
      %dma_start3A_473 = arith.constant 0 : i32
      %dma_start3A_474 = tpu.memref_slice %arg5[%add3A_465, %dma_start3A_472, %dma_start3A_473] : memref<4096x200x64xf32, #tpu.memory_space<hbm>> -> memref<1x200x64xf32, #tpu.memory_space<hbm>>
      %dma_start3A_475 = tpu.memref_squeeze %dma_start3A_474 : memref<1x200x64xf32, #tpu.memory_space<hbm>> -> memref<200x64xf32, #tpu.memory_space<hbm>>
      %dma_start3A_476 = tpu.memref_slice %arg10[%dma_start3A_467] : memref<4x!tpu.dma_semaphore, #tpu.memory_space<semaphore_mem>> -> memref<1x!tpu.dma_semaphore, #tpu.memory_space<semaphore_mem>>
      %dma_start3A_477 = tpu.memref_squeeze %dma_start3A_476 : memref<1x!tpu.dma_semaphore, #tpu.memory_space<semaphore_mem>> -> memref<!tpu.dma_semaphore, #tpu.memory_space<semaphore_mem>>
      %dma_start3A_478 = arith.constant 0 : i32
      %dma_start3A_479 = arith.constant 0 : i32
      %dma_start3A_480 = tpu.memref_slice %arg5[%add3A_465, %dma_start3A_478, %dma_start3A_479] : memref<4096x200x64xf32, #tpu.memory_space<hbm>> -> memref<1x200x64xf32, #tpu.memory_space<hbm>>
      %dma_start3A_481 = tpu.memref_squeeze %dma_start3A_480 : memref<1x200x64xf32, #tpu.memory_space<hbm>> -> memref<200x64xf32, #tpu.memory_space<hbm>>
      %dma_start3A_482 = arith.constant 0 : i32
      %dma_start3A_483 = arith.constant 0 : i32
      %dma_start3A_484 = tpu.memref_slice %arg8[%dma_start3A_466, %dma_start3A_482, %dma_start3A_483] : memref<4x200x64xf32, #tpu.memory_space<vmem>> -> memref<1x200x64xf32, #tpu.memory_space<vmem>>
      %dma_start3A_485 = tpu.memref_squeeze %dma_start3A_484 : memref<1x200x64xf32, #tpu.memory_space<vmem>> -> memref<200x64xf32, #tpu.memory_space<vmem>>
      tpu.enqueue_dma source(%dma_start3A_485 : memref<200x64xf32, #tpu.memory_space<vmem>>) target(%dma_start3A_481 : memref<200x64xf32, #tpu.memory_space<hbm>>) target_semaphore(%dma_start3A_477 : memref<!tpu.dma_semaphore, #tpu.memory_space<semaphore_mem>>)
      %dma_wait3A_486 = arith.constant 2 : i32
      %dma_wait3A_487 = arith.constant 2 : i32
      %dma_wait3A_488 = arith.constant 0 : i32
      %dma_wait3A_489 = arith.constant 0 : i32
      %dma_wait3A_490 = tpu.memref_slice %arg8[%dma_wait3A_486, %dma_wait3A_488, %dma_wait3A_489] : memref<4x200x64xf32, #tpu.memory_space<vmem>> -> memref<1x200x64xf32, #tpu.memory_space<vmem>>
      %dma_wait3A_491 = tpu.memref_squeeze %dma_wait3A_490 : memref<1x200x64xf32, #tpu.memory_space<vmem>> -> memref<200x64xf32, #tpu.memory_space<vmem>>
      %dma_wait3A_492 = arith.constant 0 : i32
      %dma_wait3A_493 = arith.constant 0 : i32
      %dma_wait3A_494 = tpu.memref_slice %arg3[%dma_wait3A_492, %dma_wait3A_493] : memref<1000000x64xf32, #tpu.memory_space<hbm>> -> memref<200x64xf32, #tpu.memory_space<hbm>>
      %dma_wait3A_495 = tpu.memref_slice %arg9[%dma_wait3A_487] : memref<4x!tpu.dma_semaphore, #tpu.memory_space<semaphore_mem>> -> memref<1x!tpu.dma_semaphore, #tpu.memory_space<semaphore_mem>>
      %dma_wait3A_496 = tpu.memref_squeeze %dma_wait3A_495 : memref<1x!tpu.dma_semaphore, #tpu.memory_space<semaphore_mem>> -> memref<!tpu.dma_semaphore, #tpu.memory_space<semaphore_mem>>
      %dma_wait3A_497 = arith.constant 0 : i32
      %dma_wait3A_498 = arith.constant 0 : i32
      %dma_wait3A_499 = tpu.memref_slice %arg8[%dma_wait3A_486, %dma_wait3A_497, %dma_wait3A_498] : memref<4x200x64xf32, #tpu.memory_space<vmem>> -> memref<1x200x64xf32, #tpu.memory_space<vmem>>
      %dma_wait3A_500 = tpu.memref_squeeze %dma_wait3A_499 : memref<1x200x64xf32, #tpu.memory_space<vmem>> -> memref<200x64xf32, #tpu.memory_space<vmem>>
      %dma_wait3A_501 = arith.constant 0 : i32
      %dma_wait3A_502 = arith.constant 0 : i32
      %dma_wait3A_503 = tpu.memref_slice %arg3[%dma_wait3A_501, %dma_wait3A_502] : memref<1000000x64xf32, #tpu.memory_space<hbm>> -> memref<200x64xf32, #tpu.memory_space<hbm>>
      tpu.wait_dma2 semaphore(%dma_wait3A_496 : memref<!tpu.dma_semaphore, #tpu.memory_space<semaphore_mem>>) src(%dma_wait3A_503 : memref<200x64xf32, #tpu.memory_space<hbm>>) dst(%dma_wait3A_500 : memref<200x64xf32, #tpu.memory_space<vmem>>)
      %scan3A_504 = arith.constant 0 : i32
      %scan3A_505 = arith.constant 200 : i32
      %scan3A_506 = arith.addi %scan3A_504, %scan3A_505 : i32
      %scan3A_507 = arith.constant 8 : i32
      scf.for %scan3A_790 = %scan3A_504 to %scan3A_506 step %scan3A_507  : i32 {
        %mul3A_791 = arith.constant 1 : i32
        %mul3A_792 = arith.muli %scan3A_790, %mul3A_791 : i32
        %add3A_793 = arith.constant 0 : i32
        %add3A_794 = arith.addi %add3A_793, %mul3A_792 : i32
        %get3A = arith.index_cast %add3A_794 : i32 to index
        %get3A_795 = arith.constant 0 : index
        %get3A_796 = tpu.vector_load %arg7[%get3A, %get3A_795] {strides = array<i32>} : memref<200x64xf32, #tpu.memory_space<vmem>>, vector<1x16xf32>,
        %get3A_797 = vector.shape_cast %get3A_796 : vector<1x16xf32> to vector<16xf32>
        %swap3A = arith.constant 2 : i32
        %swap3A_798 = arith.index_cast %swap3A : i32 to index
        %swap3A_799 = arith.index_cast %add3A_794 : i32 to index
        %swap3A_800 = arith.constant 0 : index
        %swap3A_801 = tpu.vector_load %arg8[%swap3A_798, %swap3A_799, %swap3A_800] {strides = array<i32>} : memref<4x200x64xf32, #tpu.memory_space<vmem>>, vector<1x1x16xf32>,
        %swap3A_802 = vector.shape_cast %swap3A_801 : vector<1x1x16xf32> to vector<16xf32>
        %swap3A_803 = vector.shape_cast %get3A_797 : vector<16xf32> to vector<1x1x16xf32>
        tpu.vector_store %arg8[%swap3A_798, %swap3A_799, %swap3A_800], %swap3A_803 {add = true, strides = array<i32>} : memref<4x200x64xf32, #tpu.memory_space<vmem>>, vector<1x1x16xf32>,
        %get3A_804 = arith.index_cast %add3A_794 : i32 to index
        %get3A_805 = arith.constant 16 : index
        %get3A_806 = tpu.vector_load %arg7[%get3A_804, %get3A_805] {strides = array<i32>} : memref<200x64xf32, #tpu.memory_space<vmem>>, vector<1x16xf32>,
        %get3A_807 = vector.shape_cast %get3A_806 : vector<1x16xf32> to vector<16xf32>
        %swap3A_808 = arith.constant 2 : i32
        %swap3A_809 = arith.index_cast %swap3A_808 : i32 to index
        %swap3A_810 = arith.index_cast %add3A_794 : i32 to index
        %swap3A_811 = arith.constant 16 : index
        %swap3A_812 = tpu.vector_load %arg8[%swap3A_809, %swap3A_810, %swap3A_811] {strides = array<i32>} : memref<4x200x64xf32, #tpu.memory_space<vmem>>, vector<1x1x16xf32>,
        %swap3A_813 = vector.shape_cast %swap3A_812 : vector<1x1x16xf32> to vector<16xf32>
        %swap3A_814 = vector.shape_cast %get3A_807 : vector<16xf32> to vector<1x1x16xf32>
        tpu.vector_store %arg8[%swap3A_809, %swap3A_810, %swap3A_811], %swap3A_814 {add = true, strides = array<i32>} : memref<4x200x64xf32, #tpu.memory_space<vmem>>, vector<1x1x16xf32>,
        %get3A_815 = arith.index_cast %add3A_794 : i32 to index
        %get3A_816 = arith.constant 32 : index
        %get3A_817 = tpu.vector_load %arg7[%get3A_815, %get3A_816] {strides = array<i32>} : memref<200x64xf32, #tpu.memory_space<vmem>>, vector<1x16xf32>,
        %get3A_818 = vector.shape_cast %get3A_817 : vector<1x16xf32> to vector<16xf32>
        %swap3A_819 = arith.constant 2 : i32
        %swap3A_820 = arith.index_cast %swap3A_819 : i32 to index
        %swap3A_821 = arith.index_cast %add3A_794 : i32 to index
        %swap3A_822 = arith.constant 32 : index
        %swap3A_823 = tpu.vector_load %arg8[%swap3A_820, %swap3A_821, %swap3A_822] {strides = array<i32>} : memref<4x200x64xf32, #tpu.memory_space<vmem>>, vector<1x1x16xf32>,
        %swap3A_824 = vector.shape_cast %swap3A_823 : vector<1x1x16xf32> to vector<16xf32>
        %swap3A_825 = vector.shape_cast %get3A_818 : vector<16xf32> to vector<1x1x16xf32>
        tpu.vector_store %arg8[%swap3A_820, %swap3A_821, %swap3A_822], %swap3A_825 {add = true, strides = array<i32>} : memref<4x200x64xf32, #tpu.memory_space<vmem>>, vector<1x1x16xf32>,
        %get3A_826 = arith.index_cast %add3A_794 : i32 to index
        %get3A_827 = arith.constant 48 : index
        %get3A_828 = tpu.vector_load %arg7[%get3A_826, %get3A_827] {strides = array<i32>} : memref<200x64xf32, #tpu.memory_space<vmem>>, vector<1x16xf32>,
        %get3A_829 = vector.shape_cast %get3A_828 : vector<1x16xf32> to vector<16xf32>
        %swap3A_830 = arith.constant 2 : i32
        %swap3A_831 = arith.index_cast %swap3A_830 : i32 to index
        %swap3A_832 = arith.index_cast %add3A_794 : i32 to index
        %swap3A_833 = arith.constant 48 : index
        %swap3A_834 = tpu.vector_load %arg8[%swap3A_831, %swap3A_832, %swap3A_833] {strides = array<i32>} : memref<4x200x64xf32, #tpu.memory_space<vmem>>, vector<1x1x16xf32>,
        %swap3A_835 = vector.shape_cast %swap3A_834 : vector<1x1x16xf32> to vector<16xf32>
        %swap3A_836 = vector.shape_cast %get3A_829 : vector<16xf32> to vector<1x1x16xf32>
        tpu.vector_store %arg8[%swap3A_831, %swap3A_832, %swap3A_833], %swap3A_836 {add = true, strides = array<i32>} : memref<4x200x64xf32, #tpu.memory_space<vmem>>, vector<1x1x16xf32>,
        %scan3A_837 = arith.constant 1 : i32
        %scan3A_838 = arith.addi %scan3A_790, %scan3A_837 : i32
        %mul3A_839 = arith.constant 1 : i32
        %mul3A_840 = arith.muli %scan3A_838, %mul3A_839 : i32
        %add3A_841 = arith.constant 0 : i32
        %add3A_842 = arith.addi %add3A_841, %mul3A_840 : i32
        %get3A_843 = arith.index_cast %add3A_842 : i32 to index
        %get3A_844 = arith.constant 0 : index
        %get3A_845 = tpu.vector_load %arg7[%get3A_843, %get3A_844] {strides = array<i32>} : memref<200x64xf32, #tpu.memory_space<vmem>>, vector<1x16xf32>,
        %get3A_846 = vector.shape_cast %get3A_845 : vector<1x16xf32> to vector<16xf32>
        %swap3A_847 = arith.constant 2 : i32
        %swap3A_848 = arith.index_cast %swap3A_847 : i32 to index
        %swap3A_849 = arith.index_cast %add3A_842 : i32 to index
        %swap3A_850 = arith.constant 0 : index
        %swap3A_851 = tpu.vector_load %arg8[%swap3A_848, %swap3A_849, %swap3A_850] {strides = array<i32>} : memref<4x200x64xf32, #tpu.memory_space<vmem>>, vector<1x1x16xf32>,
        %swap3A_852 = vector.shape_cast %swap3A_851 : vector<1x1x16xf32> to vector<16xf32>
        %swap3A_853 = vector.shape_cast %get3A_846 : vector<16xf32> to vector<1x1x16xf32>
        tpu.vector_store %arg8[%swap3A_848, %swap3A_849, %swap3A_850], %swap3A_853 {add = true, strides = array<i32>} : memref<4x200x64xf32, #tpu.memory_space<vmem>>, vector<1x1x16xf32>,
        %get3A_854 = arith.index_cast %add3A_842 : i32 to index
        %get3A_855 = arith.constant 16 : index
        %get3A_856 = tpu.vector_load %arg7[%get3A_854, %get3A_855] {strides = array<i32>} : memref<200x64xf32, #tpu.memory_space<vmem>>, vector<1x16xf32>,
        %get3A_857 = vector.shape_cast %get3A_856 : vector<1x16xf32> to vector<16xf32>
        %swap3A_858 = arith.constant 2 : i32
        %swap3A_859 = arith.index_cast %swap3A_858 : i32 to index
        %swap3A_860 = arith.index_cast %add3A_842 : i32 to index
        %swap3A_861 = arith.constant 16 : index
        %swap3A_862 = tpu.vector_load %arg8[%swap3A_859, %swap3A_860, %swap3A_861] {strides = array<i32>} : memref<4x200x64xf32, #tpu.memory_space<vmem>>, vector<1x1x16xf32>,
        %swap3A_863 = vector.shape_cast %swap3A_862 : vector<1x1x16xf32> to vector<16xf32>
        %swap3A_864 = vector.shape_cast %get3A_857 : vector<16xf32> to vector<1x1x16xf32>
        tpu.vector_store %arg8[%swap3A_859, %swap3A_860, %swap3A_861], %swap3A_864 {add = true, strides = array<i32>} : memref<4x200x64xf32, #tpu.memory_space<vmem>>, vector<1x1x16xf32>,
        %get3A_865 = arith.index_cast %add3A_842 : i32 to index
        %get3A_866 = arith.constant 32 : index
        %get3A_867 = tpu.vector_load %arg7[%get3A_865, %get3A_866] {strides = array<i32>} : memref<200x64xf32, #tpu.memory_space<vmem>>, vector<1x16xf32>,
        %get3A_868 = vector.shape_cast %get3A_867 : vector<1x16xf32> to vector<16xf32>
        %swap3A_869 = arith.constant 2 : i32
        %swap3A_870 = arith.index_cast %swap3A_869 : i32 to index
        %swap3A_871 = arith.index_cast %add3A_842 : i32 to index
        %swap3A_872 = arith.constant 32 : index
        %swap3A_873 = tpu.vector_load %arg8[%swap3A_870, %swap3A_871, %swap3A_872] {strides = array<i32>} : memref<4x200x64xf32, #tpu.memory_space<vmem>>, vector<1x1x16xf32>,
        %swap3A_874 = vector.shape_cast %swap3A_873 : vector<1x1x16xf32> to vector<16xf32>
        %swap3A_875 = vector.shape_cast %get3A_868 : vector<16xf32> to vector<1x1x16xf32>
        tpu.vector_store %arg8[%swap3A_870, %swap3A_871, %swap3A_872], %swap3A_875 {add = true, strides = array<i32>} : memref<4x200x64xf32, #tpu.memory_space<vmem>>, vector<1x1x16xf32>,
        %get3A_876 = arith.index_cast %add3A_842 : i32 to index
        %get3A_877 = arith.constant 48 : index
        %get3A_878 = tpu.vector_load %arg7[%get3A_876, %get3A_877] {strides = array<i32>} : memref<200x64xf32, #tpu.memory_space<vmem>>, vector<1x16xf32>,
        %get3A_879 = vector.shape_cast %get3A_878 : vector<1x16xf32> to vector<16xf32>
        %swap3A_880 = arith.constant 2 : i32
        %swap3A_881 = arith.index_cast %swap3A_880 : i32 to index
        %swap3A_882 = arith.index_cast %add3A_842 : i32 to index
        %swap3A_883 = arith.constant 48 : index
        %swap3A_884 = tpu.vector_load %arg8[%swap3A_881, %swap3A_882, %swap3A_883] {strides = array<i32>} : memref<4x200x64xf32, #tpu.memory_space<vmem>>, vector<1x1x16xf32>,
        %swap3A_885 = vector.shape_cast %swap3A_884 : vector<1x1x16xf32> to vector<16xf32>
        %swap3A_886 = vector.shape_cast %get3A_879 : vector<16xf32> to vector<1x1x16xf32>
        tpu.vector_store %arg8[%swap3A_881, %swap3A_882, %swap3A_883], %swap3A_886 {add = true, strides = array<i32>} : memref<4x200x64xf32, #tpu.memory_space<vmem>>, vector<1x1x16xf32>,
        %scan3A_887 = arith.constant 2 : i32
        %scan3A_888 = arith.addi %scan3A_790, %scan3A_887 : i32
        %mul3A_889 = arith.constant 1 : i32
        %mul3A_890 = arith.muli %scan3A_888, %mul3A_889 : i32
        %add3A_891 = arith.constant 0 : i32
        %add3A_892 = arith.addi %add3A_891, %mul3A_890 : i32
        %get3A_893 = arith.index_cast %add3A_892 : i32 to index
        %get3A_894 = arith.constant 0 : index
        %get3A_895 = tpu.vector_load %arg7[%get3A_893, %get3A_894] {strides = array<i32>} : memref<200x64xf32, #tpu.memory_space<vmem>>, vector<1x16xf32>,
        %get3A_896 = vector.shape_cast %get3A_895 : vector<1x16xf32> to vector<16xf32>
        %swap3A_897 = arith.constant 2 : i32
        %swap3A_898 = arith.index_cast %swap3A_897 : i32 to index
        %swap3A_899 = arith.index_cast %add3A_892 : i32 to index
        %swap3A_900 = arith.constant 0 : index
        %swap3A_901 = tpu.vector_load %arg8[%swap3A_898, %swap3A_899, %swap3A_900] {strides = array<i32>} : memref<4x200x64xf32, #tpu.memory_space<vmem>>, vector<1x1x16xf32>,
        %swap3A_902 = vector.shape_cast %swap3A_901 : vector<1x1x16xf32> to vector<16xf32>
        %swap3A_903 = vector.shape_cast %get3A_896 : vector<16xf32> to vector<1x1x16xf32>
        tpu.vector_store %arg8[%swap3A_898, %swap3A_899, %swap3A_900], %swap3A_903 {add = true, strides = array<i32>} : memref<4x200x64xf32, #tpu.memory_space<vmem>>, vector<1x1x16xf32>,
        %get3A_904 = arith.index_cast %add3A_892 : i32 to index
        %get3A_905 = arith.constant 16 : index
        %get3A_906 = tpu.vector_load %arg7[%get3A_904, %get3A_905] {strides = array<i32>} : memref<200x64xf32, #tpu.memory_space<vmem>>, vector<1x16xf32>,
        %get3A_907 = vector.shape_cast %get3A_906 : vector<1x16xf32> to vector<16xf32>
        %swap3A_908 = arith.constant 2 : i32
        %swap3A_909 = arith.index_cast %swap3A_908 : i32 to index
        %swap3A_910 = arith.index_cast %add3A_892 : i32 to index
        %swap3A_911 = arith.constant 16 : index
        %swap3A_912 = tpu.vector_load %arg8[%swap3A_909, %swap3A_910, %swap3A_911] {strides = array<i32>} : memref<4x200x64xf32, #tpu.memory_space<vmem>>, vector<1x1x16xf32>,
        %swap3A_913 = vector.shape_cast %swap3A_912 : vector<1x1x16xf32> to vector<16xf32>
        %swap3A_914 = vector.shape_cast %get3A_907 : vector<16xf32> to vector<1x1x16xf32>
        tpu.vector_store %arg8[%swap3A_909, %swap3A_910, %swap3A_911], %swap3A_914 {add = true, strides = array<i32>} : memref<4x200x64xf32, #tpu.memory_space<vmem>>, vector<1x1x16xf32>,
        %get3A_915 = arith.index_cast %add3A_892 : i32 to index
        %get3A_916 = arith.constant 32 : index
        %get3A_917 = tpu.vector_load %arg7[%get3A_915, %get3A_916] {strides = array<i32>} : memref<200x64xf32, #tpu.memory_space<vmem>>, vector<1x16xf32>,
        %get3A_918 = vector.shape_cast %get3A_917 : vector<1x16xf32> to vector<16xf32>
        %swap3A_919 = arith.constant 2 : i32
        %swap3A_920 = arith.index_cast %swap3A_919 : i32 to index
        %swap3A_921 = arith.index_cast %add3A_892 : i32 to index
        %swap3A_922 = arith.constant 32 : index
        %swap3A_923 = tpu.vector_load %arg8[%swap3A_920, %swap3A_921, %swap3A_922] {strides = array<i32>} : memref<4x200x64xf32, #tpu.memory_space<vmem>>, vector<1x1x16xf32>,
        %swap3A_924 = vector.shape_cast %swap3A_923 : vector<1x1x16xf32> to vector<16xf32>
        %swap3A_925 = vector.shape_cast %get3A_918 : vector<16xf32> to vector<1x1x16xf32>
        tpu.vector_store %arg8[%swap3A_920, %swap3A_921, %swap3A_922], %swap3A_925 {add = true, strides = array<i32>} : memref<4x200x64xf32, #tpu.memory_space<vmem>>, vector<1x1x16xf32>,
        %get3A_926 = arith.index_cast %add3A_892 : i32 to index
        %get3A_927 = arith.constant 48 : index
        %get3A_928 = tpu.vector_load %arg7[%get3A_926, %get3A_927] {strides = array<i32>} : memref<200x64xf32, #tpu.memory_space<vmem>>, vector<1x16xf32>,
        %get3A_929 = vector.shape_cast %get3A_928 : vector<1x16xf32> to vector<16xf32>
        %swap3A_930 = arith.constant 2 : i32
        %swap3A_931 = arith.index_cast %swap3A_930 : i32 to index
        %swap3A_932 = arith.index_cast %add3A_892 : i32 to index
        %swap3A_933 = arith.constant 48 : index
        %swap3A_934 = tpu.vector_load %arg8[%swap3A_931, %swap3A_932, %swap3A_933] {strides = array<i32>} : memref<4x200x64xf32, #tpu.memory_space<vmem>>, vector<1x1x16xf32>,
        %swap3A_935 = vector.shape_cast %swap3A_934 : vector<1x1x16xf32> to vector<16xf32>
        %swap3A_936 = vector.shape_cast %get3A_929 : vector<16xf32> to vector<1x1x16xf32>
        tpu.vector_store %arg8[%swap3A_931, %swap3A_932, %swap3A_933], %swap3A_936 {add = true, strides = array<i32>} : memref<4x200x64xf32, #tpu.memory_space<vmem>>, vector<1x1x16xf32>,
        %scan3A_937 = arith.constant 3 : i32
        %scan3A_938 = arith.addi %scan3A_790, %scan3A_937 : i32
        %mul3A_939 = arith.constant 1 : i32
        %mul3A_940 = arith.muli %scan3A_938, %mul3A_939 : i32
        %add3A_941 = arith.constant 0 : i32
        %add3A_942 = arith.addi %add3A_941, %mul3A_940 : i32
        %get3A_943 = arith.index_cast %add3A_942 : i32 to index
        %get3A_944 = arith.constant 0 : index
        %get3A_945 = tpu.vector_load %arg7[%get3A_943, %get3A_944] {strides = array<i32>} : memref<200x64xf32, #tpu.memory_space<vmem>>, vector<1x16xf32>,
        %get3A_946 = vector.shape_cast %get3A_945 : vector<1x16xf32> to vector<16xf32>
        %swap3A_947 = arith.constant 2 : i32
        %swap3A_948 = arith.index_cast %swap3A_947 : i32 to index
        %swap3A_949 = arith.index_cast %add3A_942 : i32 to index
        %swap3A_950 = arith.constant 0 : index
        %swap3A_951 = tpu.vector_load %arg8[%swap3A_948, %swap3A_949, %swap3A_950] {strides = array<i32>} : memref<4x200x64xf32, #tpu.memory_space<vmem>>, vector<1x1x16xf32>,
        %swap3A_952 = vector.shape_cast %swap3A_951 : vector<1x1x16xf32> to vector<16xf32>
        %swap3A_953 = vector.shape_cast %get3A_946 : vector<16xf32> to vector<1x1x16xf32>
        tpu.vector_store %arg8[%swap3A_948, %swap3A_949, %swap3A_950], %swap3A_953 {add = true, strides = array<i32>} : memref<4x200x64xf32, #tpu.memory_space<vmem>>, vector<1x1x16xf32>,
        %get3A_954 = arith.index_cast %add3A_942 : i32 to index
        %get3A_955 = arith.constant 16 : index
        %get3A_956 = tpu.vector_load %arg7[%get3A_954, %get3A_955] {strides = array<i32>} : memref<200x64xf32, #tpu.memory_space<vmem>>, vector<1x16xf32>,
        %get3A_957 = vector.shape_cast %get3A_956 : vector<1x16xf32> to vector<16xf32>
        %swap3A_958 = arith.constant 2 : i32
        %swap3A_959 = arith.index_cast %swap3A_958 : i32 to index
        %swap3A_960 = arith.index_cast %add3A_942 : i32 to index
        %swap3A_961 = arith.constant 16 : index
        %swap3A_962 = tpu.vector_load %arg8[%swap3A_959, %swap3A_960, %swap3A_961] {strides = array<i32>} : memref<4x200x64xf32, #tpu.memory_space<vmem>>, vector<1x1x16xf32>,
        %swap3A_963 = vector.shape_cast %swap3A_962 : vector<1x1x16xf32> to vector<16xf32>
        %swap3A_964 = vector.shape_cast %get3A_957 : vector<16xf32> to vector<1x1x16xf32>
        tpu.vector_store %arg8[%swap3A_959, %swap3A_960, %swap3A_961], %swap3A_964 {add = true, strides = array<i32>} : memref<4x200x64xf32, #tpu.memory_space<vmem>>, vector<1x1x16xf32>,
        %get3A_965 = arith.index_cast %add3A_942 : i32 to index
        %get3A_966 = arith.constant 32 : index
        %get3A_967 = tpu.vector_load %arg7[%get3A_965, %get3A_966] {strides = array<i32>} : memref<200x64xf32, #tpu.memory_space<vmem>>, vector<1x16xf32>,
        %get3A_968 = vector.shape_cast %get3A_967 : vector<1x16xf32> to vector<16xf32>
        %swap3A_969 = arith.constant 2 : i32
        %swap3A_970 = arith.index_cast %swap3A_969 : i32 to index
        %swap3A_971 = arith.index_cast %add3A_942 : i32 to index
        %swap3A_972 = arith.constant 32 : index
        %swap3A_973 = tpu.vector_load %arg8[%swap3A_970, %swap3A_971, %swap3A_972] {strides = array<i32>} : memref<4x200x64xf32, #tpu.memory_space<vmem>>, vector<1x1x16xf32>,
        %swap3A_974 = vector.shape_cast %swap3A_973 : vector<1x1x16xf32> to vector<16xf32>
        %swap3A_975 = vector.shape_cast %get3A_968 : vector<16xf32> to vector<1x1x16xf32>
        tpu.vector_store %arg8[%swap3A_970, %swap3A_971, %swap3A_972], %swap3A_975 {add = true, strides = array<i32>} : memref<4x200x64xf32, #tpu.memory_space<vmem>>, vector<1x1x16xf32>,
        %get3A_976 = arith.index_cast %add3A_942 : i32 to index
        %get3A_977 = arith.constant 48 : index
        %get3A_978 = tpu.vector_load %arg7[%get3A_976, %get3A_977] {strides = array<i32>} : memref<200x64xf32, #tpu.memory_space<vmem>>, vector<1x16xf32>,
        %get3A_979 = vector.shape_cast %get3A_978 : vector<1x16xf32> to vector<16xf32>
        %swap3A_980 = arith.constant 2 : i32
        %swap3A_981 = arith.index_cast %swap3A_980 : i32 to index
        %swap3A_982 = arith.index_cast %add3A_942 : i32 to index
        %swap3A_983 = arith.constant 48 : index
        %swap3A_984 = tpu.vector_load %arg8[%swap3A_981, %swap3A_982, %swap3A_983] {strides = array<i32>} : memref<4x200x64xf32, #tpu.memory_space<vmem>>, vector<1x1x16xf32>,
        %swap3A_985 = vector.shape_cast %swap3A_984 : vector<1x1x16xf32> to vector<16xf32>
        %swap3A_986 = vector.shape_cast %get3A_979 : vector<16xf32> to vector<1x1x16xf32>
        tpu.vector_store %arg8[%swap3A_981, %swap3A_982, %swap3A_983], %swap3A_986 {add = true, strides = array<i32>} : memref<4x200x64xf32, #tpu.memory_space<vmem>>, vector<1x1x16xf32>,
        %scan3A_987 = arith.constant 4 : i32
        %scan3A_988 = arith.addi %scan3A_790, %scan3A_987 : i32
        %mul3A_989 = arith.constant 1 : i32
        %mul3A_990 = arith.muli %scan3A_988, %mul3A_989 : i32
        %add3A_991 = arith.constant 0 : i32
        %add3A_992 = arith.addi %add3A_991, %mul3A_990 : i32
        %get3A_993 = arith.index_cast %add3A_992 : i32 to index
        %get3A_994 = arith.constant 0 : index
        %get3A_995 = tpu.vector_load %arg7[%get3A_993, %get3A_994] {strides = array<i32>} : memref<200x64xf32, #tpu.memory_space<vmem>>, vector<1x16xf32>,
        %get3A_996 = vector.shape_cast %get3A_995 : vector<1x16xf32> to vector<16xf32>
        %swap3A_997 = arith.constant 2 : i32
        %swap3A_998 = arith.index_cast %swap3A_997 : i32 to index
        %swap3A_999 = arith.index_cast %add3A_992 : i32 to index
        %swap3A_1000 = arith.constant 0 : index
        %swap3A_1001 = tpu.vector_load %arg8[%swap3A_998, %swap3A_999, %swap3A_1000] {strides = array<i32>} : memref<4x200x64xf32, #tpu.memory_space<vmem>>, vector<1x1x16xf32>,
        %swap3A_1002 = vector.shape_cast %swap3A_1001 : vector<1x1x16xf32> to vector<16xf32>
        %swap3A_1003 = vector.shape_cast %get3A_996 : vector<16xf32> to vector<1x1x16xf32>
        tpu.vector_store %arg8[%swap3A_998, %swap3A_999, %swap3A_1000], %swap3A_1003 {add = true, strides = array<i32>} : memref<4x200x64xf32, #tpu.memory_space<vmem>>, vector<1x1x16xf32>,
        %get3A_1004 = arith.index_cast %add3A_992 : i32 to index
        %get3A_1005 = arith.constant 16 : index
        %get3A_1006 = tpu.vector_load %arg7[%get3A_1004, %get3A_1005] {strides = array<i32>} : memref<200x64xf32, #tpu.memory_space<vmem>>, vector<1x16xf32>,
        %get3A_1007 = vector.shape_cast %get3A_1006 : vector<1x16xf32> to vector<16xf32>
        %swap3A_1008 = arith.constant 2 : i32
        %swap3A_1009 = arith.index_cast %swap3A_1008 : i32 to index
        %swap3A_1010 = arith.index_cast %add3A_992 : i32 to index
        %swap3A_1011 = arith.constant 16 : index
        %swap3A_1012 = tpu.vector_load %arg8[%swap3A_1009, %swap3A_1010, %swap3A_1011] {strides = array<i32>} : memref<4x200x64xf32, #tpu.memory_space<vmem>>, vector<1x1x16xf32>,
        %swap3A_1013 = vector.shape_cast %swap3A_1012 : vector<1x1x16xf32> to vector<16xf32>
        %swap3A_1014 = vector.shape_cast %get3A_1007 : vector<16xf32> to vector<1x1x16xf32>
        tpu.vector_store %arg8[%swap3A_1009, %swap3A_1010, %swap3A_1011], %swap3A_1014 {add = true, strides = array<i32>} : memref<4x200x64xf32, #tpu.memory_space<vmem>>, vector<1x1x16xf32>,
        %get3A_1015 = arith.index_cast %add3A_992 : i32 to index
        %get3A_1016 = arith.constant 32 : index
        %get3A_1017 = tpu.vector_load %arg7[%get3A_1015, %get3A_1016] {strides = array<i32>} : memref<200x64xf32, #tpu.memory_space<vmem>>, vector<1x16xf32>,
        %get3A_1018 = vector.shape_cast %get3A_1017 : vector<1x16xf32> to vector<16xf32>
        %swap3A_1019 = arith.constant 2 : i32
        %swap3A_1020 = arith.index_cast %swap3A_1019 : i32 to index
        %swap3A_1021 = arith.index_cast %add3A_992 : i32 to index
        %swap3A_1022 = arith.constant 32 : index
        %swap3A_1023 = tpu.vector_load %arg8[%swap3A_1020, %swap3A_1021, %swap3A_1022] {strides = array<i32>} : memref<4x200x64xf32, #tpu.memory_space<vmem>>, vector<1x1x16xf32>,
        %swap3A_1024 = vector.shape_cast %swap3A_1023 : vector<1x1x16xf32> to vector<16xf32>
        %swap3A_1025 = vector.shape_cast %get3A_1018 : vector<16xf32> to vector<1x1x16xf32>
        tpu.vector_store %arg8[%swap3A_1020, %swap3A_1021, %swap3A_1022], %swap3A_1025 {add = true, strides = array<i32>} : memref<4x200x64xf32, #tpu.memory_space<vmem>>, vector<1x1x16xf32>,
        %get3A_1026 = arith.index_cast %add3A_992 : i32 to index
        %get3A_1027 = arith.constant 48 : index
        %get3A_1028 = tpu.vector_load %arg7[%get3A_1026, %get3A_1027] {strides = array<i32>} : memref<200x64xf32, #tpu.memory_space<vmem>>, vector<1x16xf32>,
        %get3A_1029 = vector.shape_cast %get3A_1028 : vector<1x16xf32> to vector<16xf32>
        %swap3A_1030 = arith.constant 2 : i32
        %swap3A_1031 = arith.index_cast %swap3A_1030 : i32 to index
        %swap3A_1032 = arith.index_cast %add3A_992 : i32 to index
        %swap3A_1033 = arith.constant 48 : index
        %swap3A_1034 = tpu.vector_load %arg8[%swap3A_1031, %swap3A_1032, %swap3A_1033] {strides = array<i32>} : memref<4x200x64xf32, #tpu.memory_space<vmem>>, vector<1x1x16xf32>,
        %swap3A_1035 = vector.shape_cast %swap3A_1034 : vector<1x1x16xf32> to vector<16xf32>
        %swap3A_1036 = vector.shape_cast %get3A_1029 : vector<16xf32> to vector<1x1x16xf32>
        tpu.vector_store %arg8[%swap3A_1031, %swap3A_1032, %swap3A_1033], %swap3A_1036 {add = true, strides = array<i32>} : memref<4x200x64xf32, #tpu.memory_space<vmem>>, vector<1x1x16xf32>,
        %scan3A_1037 = arith.constant 5 : i32
        %scan3A_1038 = arith.addi %scan3A_790, %scan3A_1037 : i32
        %mul3A_1039 = arith.constant 1 : i32
        %mul3A_1040 = arith.muli %scan3A_1038, %mul3A_1039 : i32
        %add3A_1041 = arith.constant 0 : i32
        %add3A_1042 = arith.addi %add3A_1041, %mul3A_1040 : i32
        %get3A_1043 = arith.index_cast %add3A_1042 : i32 to index
        %get3A_1044 = arith.constant 0 : index
        %get3A_1045 = tpu.vector_load %arg7[%get3A_1043, %get3A_1044] {strides = array<i32>} : memref<200x64xf32, #tpu.memory_space<vmem>>, vector<1x16xf32>,
        %get3A_1046 = vector.shape_cast %get3A_1045 : vector<1x16xf32> to vector<16xf32>
        %swap3A_1047 = arith.constant 2 : i32
        %swap3A_1048 = arith.index_cast %swap3A_1047 : i32 to index
        %swap3A_1049 = arith.index_cast %add3A_1042 : i32 to index
        %swap3A_1050 = arith.constant 0 : index
        %swap3A_1051 = tpu.vector_load %arg8[%swap3A_1048, %swap3A_1049, %swap3A_1050] {strides = array<i32>} : memref<4x200x64xf32, #tpu.memory_space<vmem>>, vector<1x1x16xf32>,
        %swap3A_1052 = vector.shape_cast %swap3A_1051 : vector<1x1x16xf32> to vector<16xf32>
        %swap3A_1053 = vector.shape_cast %get3A_1046 : vector<16xf32> to vector<1x1x16xf32>
        tpu.vector_store %arg8[%swap3A_1048, %swap3A_1049, %swap3A_1050], %swap3A_1053 {add = true, strides = array<i32>} : memref<4x200x64xf32, #tpu.memory_space<vmem>>, vector<1x1x16xf32>,
        %get3A_1054 = arith.index_cast %add3A_1042 : i32 to index
        %get3A_1055 = arith.constant 16 : index
        %get3A_1056 = tpu.vector_load %arg7[%get3A_1054, %get3A_1055] {strides = array<i32>} : memref<200x64xf32, #tpu.memory_space<vmem>>, vector<1x16xf32>,
        %get3A_1057 = vector.shape_cast %get3A_1056 : vector<1x16xf32> to vector<16xf32>
        %swap3A_1058 = arith.constant 2 : i32
        %swap3A_1059 = arith.index_cast %swap3A_1058 : i32 to index
        %swap3A_1060 = arith.index_cast %add3A_1042 : i32 to index
        %swap3A_1061 = arith.constant 16 : index
        %swap3A_1062 = tpu.vector_load %arg8[%swap3A_1059, %swap3A_1060, %swap3A_1061] {strides = array<i32>} : memref<4x200x64xf32, #tpu.memory_space<vmem>>, vector<1x1x16xf32>,
        %swap3A_1063 = vector.shape_cast %swap3A_1062 : vector<1x1x16xf32> to vector<16xf32>
        %swap3A_1064 = vector.shape_cast %get3A_1057 : vector<16xf32> to vector<1x1x16xf32>
        tpu.vector_store %arg8[%swap3A_1059, %swap3A_1060, %swap3A_1061], %swap3A_1064 {add = true, strides = array<i32>} : memref<4x200x64xf32, #tpu.memory_space<vmem>>, vector<1x1x16xf32>,
        %get3A_1065 = arith.index_cast %add3A_1042 : i32 to index
        %get3A_1066 = arith.constant 32 : index
        %get3A_1067 = tpu.vector_load %arg7[%get3A_1065, %get3A_1066] {strides = array<i32>} : memref<200x64xf32, #tpu.memory_space<vmem>>, vector<1x16xf32>,
        %get3A_1068 = vector.shape_cast %get3A_1067 : vector<1x16xf32> to vector<16xf32>
        %swap3A_1069 = arith.constant 2 : i32
        %swap3A_1070 = arith.index_cast %swap3A_1069 : i32 to index
        %swap3A_1071 = arith.index_cast %add3A_1042 : i32 to index
        %swap3A_1072 = arith.constant 32 : index
        %swap3A_1073 = tpu.vector_load %arg8[%swap3A_1070, %swap3A_1071, %swap3A_1072] {strides = array<i32>} : memref<4x200x64xf32, #tpu.memory_space<vmem>>, vector<1x1x16xf32>,
        %swap3A_1074 = vector.shape_cast %swap3A_1073 : vector<1x1x16xf32> to vector<16xf32>
        %swap3A_1075 = vector.shape_cast %get3A_1068 : vector<16xf32> to vector<1x1x16xf32>
        tpu.vector_store %arg8[%swap3A_1070, %swap3A_1071, %swap3A_1072], %swap3A_1075 {add = true, strides = array<i32>} : memref<4x200x64xf32, #tpu.memory_space<vmem>>, vector<1x1x16xf32>,
        %get3A_1076 = arith.index_cast %add3A_1042 : i32 to index
        %get3A_1077 = arith.constant 48 : index
        %get3A_1078 = tpu.vector_load %arg7[%get3A_1076, %get3A_1077] {strides = array<i32>} : memref<200x64xf32, #tpu.memory_space<vmem>>, vector<1x16xf32>,
        %get3A_1079 = vector.shape_cast %get3A_1078 : vector<1x16xf32> to vector<16xf32>
        %swap3A_1080 = arith.constant 2 : i32
        %swap3A_1081 = arith.index_cast %swap3A_1080 : i32 to index
        %swap3A_1082 = arith.index_cast %add3A_1042 : i32 to index
        %swap3A_1083 = arith.constant 48 : index
        %swap3A_1084 = tpu.vector_load %arg8[%swap3A_1081, %swap3A_1082, %swap3A_1083] {strides = array<i32>} : memref<4x200x64xf32, #tpu.memory_space<vmem>>, vector<1x1x16xf32>,
        %swap3A_1085 = vector.shape_cast %swap3A_1084 : vector<1x1x16xf32> to vector<16xf32>
        %swap3A_1086 = vector.shape_cast %get3A_1079 : vector<16xf32> to vector<1x1x16xf32>
        tpu.vector_store %arg8[%swap3A_1081, %swap3A_1082, %swap3A_1083], %swap3A_1086 {add = true, strides = array<i32>} : memref<4x200x64xf32, #tpu.memory_space<vmem>>, vector<1x1x16xf32>,
        %scan3A_1087 = arith.constant 6 : i32
        %scan3A_1088 = arith.addi %scan3A_790, %scan3A_1087 : i32
        %mul3A_1089 = arith.constant 1 : i32
        %mul3A_1090 = arith.muli %scan3A_1088, %mul3A_1089 : i32
        %add3A_1091 = arith.constant 0 : i32
        %add3A_1092 = arith.addi %add3A_1091, %mul3A_1090 : i32
        %get3A_1093 = arith.index_cast %add3A_1092 : i32 to index
        %get3A_1094 = arith.constant 0 : index
        %get3A_1095 = tpu.vector_load %arg7[%get3A_1093, %get3A_1094] {strides = array<i32>} : memref<200x64xf32, #tpu.memory_space<vmem>>, vector<1x16xf32>,
        %get3A_1096 = vector.shape_cast %get3A_1095 : vector<1x16xf32> to vector<16xf32>
        %swap3A_1097 = arith.constant 2 : i32
        %swap3A_1098 = arith.index_cast %swap3A_1097 : i32 to index
        %swap3A_1099 = arith.index_cast %add3A_1092 : i32 to index
        %swap3A_1100 = arith.constant 0 : index
        %swap3A_1101 = tpu.vector_load %arg8[%swap3A_1098, %swap3A_1099, %swap3A_1100] {strides = array<i32>} : memref<4x200x64xf32, #tpu.memory_space<vmem>>, vector<1x1x16xf32>,
        %swap3A_1102 = vector.shape_cast %swap3A_1101 : vector<1x1x16xf32> to vector<16xf32>
        %swap3A_1103 = vector.shape_cast %get3A_1096 : vector<16xf32> to vector<1x1x16xf32>
        tpu.vector_store %arg8[%swap3A_1098, %swap3A_1099, %swap3A_1100], %swap3A_1103 {add = true, strides = array<i32>} : memref<4x200x64xf32, #tpu.memory_space<vmem>>, vector<1x1x16xf32>,
        %get3A_1104 = arith.index_cast %add3A_1092 : i32 to index
        %get3A_1105 = arith.constant 16 : index
        %get3A_1106 = tpu.vector_load %arg7[%get3A_1104, %get3A_1105] {strides = array<i32>} : memref<200x64xf32, #tpu.memory_space<vmem>>, vector<1x16xf32>,
        %get3A_1107 = vector.shape_cast %get3A_1106 : vector<1x16xf32> to vector<16xf32>
        %swap3A_1108 = arith.constant 2 : i32
        %swap3A_1109 = arith.index_cast %swap3A_1108 : i32 to index
        %swap3A_1110 = arith.index_cast %add3A_1092 : i32 to index
        %swap3A_1111 = arith.constant 16 : index
        %swap3A_1112 = tpu.vector_load %arg8[%swap3A_1109, %swap3A_1110, %swap3A_1111] {strides = array<i32>} : memref<4x200x64xf32, #tpu.memory_space<vmem>>, vector<1x1x16xf32>,
        %swap3A_1113 = vector.shape_cast %swap3A_1112 : vector<1x1x16xf32> to vector<16xf32>
        %swap3A_1114 = vector.shape_cast %get3A_1107 : vector<16xf32> to vector<1x1x16xf32>
        tpu.vector_store %arg8[%swap3A_1109, %swap3A_1110, %swap3A_1111], %swap3A_1114 {add = true, strides = array<i32>} : memref<4x200x64xf32, #tpu.memory_space<vmem>>, vector<1x1x16xf32>,
        %get3A_1115 = arith.index_cast %add3A_1092 : i32 to index
        %get3A_1116 = arith.constant 32 : index
        %get3A_1117 = tpu.vector_load %arg7[%get3A_1115, %get3A_1116] {strides = array<i32>} : memref<200x64xf32, #tpu.memory_space<vmem>>, vector<1x16xf32>,
        %get3A_1118 = vector.shape_cast %get3A_1117 : vector<1x16xf32> to vector<16xf32>
        %swap3A_1119 = arith.constant 2 : i32
        %swap3A_1120 = arith.index_cast %swap3A_1119 : i32 to index
        %swap3A_1121 = arith.index_cast %add3A_1092 : i32 to index
        %swap3A_1122 = arith.constant 32 : index
        %swap3A_1123 = tpu.vector_load %arg8[%swap3A_1120, %swap3A_1121, %swap3A_1122] {strides = array<i32>} : memref<4x200x64xf32, #tpu.memory_space<vmem>>, vector<1x1x16xf32>,
        %swap3A_1124 = vector.shape_cast %swap3A_1123 : vector<1x1x16xf32> to vector<16xf32>
        %swap3A_1125 = vector.shape_cast %get3A_1118 : vector<16xf32> to vector<1x1x16xf32>
        tpu.vector_store %arg8[%swap3A_1120, %swap3A_1121, %swap3A_1122], %swap3A_1125 {add = true, strides = array<i32>} : memref<4x200x64xf32, #tpu.memory_space<vmem>>, vector<1x1x16xf32>,
        %get3A_1126 = arith.index_cast %add3A_1092 : i32 to index
        %get3A_1127 = arith.constant 48 : index
        %get3A_1128 = tpu.vector_load %arg7[%get3A_1126, %get3A_1127] {strides = array<i32>} : memref<200x64xf32, #tpu.memory_space<vmem>>, vector<1x16xf32>,
        %get3A_1129 = vector.shape_cast %get3A_1128 : vector<1x16xf32> to vector<16xf32>
        %swap3A_1130 = arith.constant 2 : i32
        %swap3A_1131 = arith.index_cast %swap3A_1130 : i32 to index
        %swap3A_1132 = arith.index_cast %add3A_1092 : i32 to index
        %swap3A_1133 = arith.constant 48 : index
        %swap3A_1134 = tpu.vector_load %arg8[%swap3A_1131, %swap3A_1132, %swap3A_1133] {strides = array<i32>} : memref<4x200x64xf32, #tpu.memory_space<vmem>>, vector<1x1x16xf32>,
        %swap3A_1135 = vector.shape_cast %swap3A_1134 : vector<1x1x16xf32> to vector<16xf32>
        %swap3A_1136 = vector.shape_cast %get3A_1129 : vector<16xf32> to vector<1x1x16xf32>
        tpu.vector_store %arg8[%swap3A_1131, %swap3A_1132, %swap3A_1133], %swap3A_1136 {add = true, strides = array<i32>} : memref<4x200x64xf32, #tpu.memory_space<vmem>>, vector<1x1x16xf32>,
        %scan3A_1137 = arith.constant 7 : i32
        %scan3A_1138 = arith.addi %scan3A_790, %scan3A_1137 : i32
        %mul3A_1139 = arith.constant 1 : i32
        %mul3A_1140 = arith.muli %scan3A_1138, %mul3A_1139 : i32
        %add3A_1141 = arith.constant 0 : i32
        %add3A_1142 = arith.addi %add3A_1141, %mul3A_1140 : i32
        %get3A_1143 = arith.index_cast %add3A_1142 : i32 to index
        %get3A_1144 = arith.constant 0 : index
        %get3A_1145 = tpu.vector_load %arg7[%get3A_1143, %get3A_1144] {strides = array<i32>} : memref<200x64xf32, #tpu.memory_space<vmem>>, vector<1x16xf32>,
        %get3A_1146 = vector.shape_cast %get3A_1145 : vector<1x16xf32> to vector<16xf32>
        %swap3A_1147 = arith.constant 2 : i32
        %swap3A_1148 = arith.index_cast %swap3A_1147 : i32 to index
        %swap3A_1149 = arith.index_cast %add3A_1142 : i32 to index
        %swap3A_1150 = arith.constant 0 : index
        %swap3A_1151 = tpu.vector_load %arg8[%swap3A_1148, %swap3A_1149, %swap3A_1150] {strides = array<i32>} : memref<4x200x64xf32, #tpu.memory_space<vmem>>, vector<1x1x16xf32>,
        %swap3A_1152 = vector.shape_cast %swap3A_1151 : vector<1x1x16xf32> to vector<16xf32>
        %swap3A_1153 = vector.shape_cast %get3A_1146 : vector<16xf32> to vector<1x1x16xf32>
        tpu.vector_store %arg8[%swap3A_1148, %swap3A_1149, %swap3A_1150], %swap3A_1153 {add = true, strides = array<i32>} : memref<4x200x64xf32, #tpu.memory_space<vmem>>, vector<1x1x16xf32>,
        %get3A_1154 = arith.index_cast %add3A_1142 : i32 to index
        %get3A_1155 = arith.constant 16 : index
        %get3A_1156 = tpu.vector_load %arg7[%get3A_1154, %get3A_1155] {strides = array<i32>} : memref<200x64xf32, #tpu.memory_space<vmem>>, vector<1x16xf32>,
        %get3A_1157 = vector.shape_cast %get3A_1156 : vector<1x16xf32> to vector<16xf32>
        %swap3A_1158 = arith.constant 2 : i32
        %swap3A_1159 = arith.index_cast %swap3A_1158 : i32 to index
        %swap3A_1160 = arith.index_cast %add3A_1142 : i32 to index
        %swap3A_1161 = arith.constant 16 : index
        %swap3A_1162 = tpu.vector_load %arg8[%swap3A_1159, %swap3A_1160, %swap3A_1161] {strides = array<i32>} : memref<4x200x64xf32, #tpu.memory_space<vmem>>, vector<1x1x16xf32>,
        %swap3A_1163 = vector.shape_cast %swap3A_1162 : vector<1x1x16xf32> to vector<16xf32>
        %swap3A_1164 = vector.shape_cast %get3A_1157 : vector<16xf32> to vector<1x1x16xf32>
        tpu.vector_store %arg8[%swap3A_1159, %swap3A_1160, %swap3A_1161], %swap3A_1164 {add = true, strides = array<i32>} : memref<4x200x64xf32, #tpu.memory_space<vmem>>, vector<1x1x16xf32>,
        %get3A_1165 = arith.index_cast %add3A_1142 : i32 to index
        %get3A_1166 = arith.constant 32 : index
        %get3A_1167 = tpu.vector_load %arg7[%get3A_1165, %get3A_1166] {strides = array<i32>} : memref<200x64xf32, #tpu.memory_space<vmem>>, vector<1x16xf32>,
        %get3A_1168 = vector.shape_cast %get3A_1167 : vector<1x16xf32> to vector<16xf32>
        %swap3A_1169 = arith.constant 2 : i32
        %swap3A_1170 = arith.index_cast %swap3A_1169 : i32 to index
        %swap3A_1171 = arith.index_cast %add3A_1142 : i32 to index
        %swap3A_1172 = arith.constant 32 : index
        %swap3A_1173 = tpu.vector_load %arg8[%swap3A_1170, %swap3A_1171, %swap3A_1172] {strides = array<i32>} : memref<4x200x64xf32, #tpu.memory_space<vmem>>, vector<1x1x16xf32>,
        %swap3A_1174 = vector.shape_cast %swap3A_1173 : vector<1x1x16xf32> to vector<16xf32>
        %swap3A_1175 = vector.shape_cast %get3A_1168 : vector<16xf32> to vector<1x1x16xf32>
        tpu.vector_store %arg8[%swap3A_1170, %swap3A_1171, %swap3A_1172], %swap3A_1175 {add = true, strides = array<i32>} : memref<4x200x64xf32, #tpu.memory_space<vmem>>, vector<1x1x16xf32>,
        %get3A_1176 = arith.index_cast %add3A_1142 : i32 to index
        %get3A_1177 = arith.constant 48 : index
        %get3A_1178 = tpu.vector_load %arg7[%get3A_1176, %get3A_1177] {strides = array<i32>} : memref<200x64xf32, #tpu.memory_space<vmem>>, vector<1x16xf32>,
        %get3A_1179 = vector.shape_cast %get3A_1178 : vector<1x16xf32> to vector<16xf32>
        %swap3A_1180 = arith.constant 2 : i32
        %swap3A_1181 = arith.index_cast %swap3A_1180 : i32 to index
        %swap3A_1182 = arith.index_cast %add3A_1142 : i32 to index
        %swap3A_1183 = arith.constant 48 : index
        %swap3A_1184 = tpu.vector_load %arg8[%swap3A_1181, %swap3A_1182, %swap3A_1183] {strides = array<i32>} : memref<4x200x64xf32, #tpu.memory_space<vmem>>, vector<1x1x16xf32>,
        %swap3A_1185 = vector.shape_cast %swap3A_1184 : vector<1x1x16xf32> to vector<16xf32>
        %swap3A_1186 = vector.shape_cast %get3A_1179 : vector<16xf32> to vector<1x1x16xf32>
        tpu.vector_store %arg8[%swap3A_1181, %swap3A_1182, %swap3A_1183], %swap3A_1186 {add = true, strides = array<i32>} : memref<4x200x64xf32, #tpu.memory_space<vmem>>, vector<1x1x16xf32>,
      }
      %scan3A_508 = arith.constant 200 : i32
      %add3A_509 = arith.constant 2 : i32
      %add3A_510 = arith.addi %add3A_393, %add3A_509 : i32
      %add3A_511 = arith.addi %mul3A_2, %add3A_510 : i32
      %dma_start3A_512 = arith.constant 2 : i32
      %dma_start3A_513 = arith.constant 2 : i32
      %dma_start3A_514 = arith.constant 0 : i32
      %dma_start3A_515 = arith.constant 0 : i32
      %dma_start3A_516 = tpu.memref_slice %arg8[%dma_start3A_512, %dma_start3A_514, %dma_start3A_515] : memref<4x200x64xf32, #tpu.memory_space<vmem>> -> memref<1x200x64xf32, #tpu.memory_space<vmem>>
      %dma_start3A_517 = tpu.memref_squeeze %dma_start3A_516 : memref<1x200x64xf32, #tpu.memory_space<vmem>> -> memref<200x64xf32, #tpu.memory_space<vmem>>
      %dma_start3A_518 = arith.constant 0 : i32
      %dma_start3A_519 = arith.constant 0 : i32
      %dma_start3A_520 = tpu.memref_slice %arg5[%add3A_511, %dma_start3A_518, %dma_start3A_519] : memref<4096x200x64xf32, #tpu.memory_space<hbm>> -> memref<1x200x64xf32, #tpu.memory_space<hbm>>
      %dma_start3A_521 = tpu.memref_squeeze %dma_start3A_520 : memref<1x200x64xf32, #tpu.memory_space<hbm>> -> memref<200x64xf32, #tpu.memory_space<hbm>>
      %dma_start3A_522 = tpu.memref_slice %arg10[%dma_start3A_513] : memref<4x!tpu.dma_semaphore, #tpu.memory_space<semaphore_mem>> -> memref<1x!tpu.dma_semaphore, #tpu.memory_space<semaphore_mem>>
      %dma_start3A_523 = tpu.memref_squeeze %dma_start3A_522 : memref<1x!tpu.dma_semaphore, #tpu.memory_space<semaphore_mem>> -> memref<!tpu.dma_semaphore, #tpu.memory_space<semaphore_mem>>
      %dma_start3A_524 = arith.constant 0 : i32
      %dma_start3A_525 = arith.constant 0 : i32
      %dma_start3A_526 = tpu.memref_slice %arg5[%add3A_511, %dma_start3A_524, %dma_start3A_525] : memref<4096x200x64xf32, #tpu.memory_space<hbm>> -> memref<1x200x64xf32, #tpu.memory_space<hbm>>
      %dma_start3A_527 = tpu.memref_squeeze %dma_start3A_526 : memref<1x200x64xf32, #tpu.memory_space<hbm>> -> memref<200x64xf32, #tpu.memory_space<hbm>>
      %dma_start3A_528 = arith.constant 0 : i32
      %dma_start3A_529 = arith.constant 0 : i32
      %dma_start3A_530 = tpu.memref_slice %arg8[%dma_start3A_512, %dma_start3A_528, %dma_start3A_529] : memref<4x200x64xf32, #tpu.memory_space<vmem>> -> memref<1x200x64xf32, #tpu.memory_space<vmem>>
      %dma_start3A_531 = tpu.memref_squeeze %dma_start3A_530 : memref<1x200x64xf32, #tpu.memory_space<vmem>> -> memref<200x64xf32, #tpu.memory_space<vmem>>
      tpu.enqueue_dma source(%dma_start3A_531 : memref<200x64xf32, #tpu.memory_space<vmem>>) target(%dma_start3A_527 : memref<200x64xf32, #tpu.memory_space<hbm>>) target_semaphore(%dma_start3A_523 : memref<!tpu.dma_semaphore, #tpu.memory_space<semaphore_mem>>)
      %dma_wait3A_532 = arith.constant 3 : i32
      %dma_wait3A_533 = arith.constant 3 : i32
      %dma_wait3A_534 = arith.constant 0 : i32
      %dma_wait3A_535 = arith.constant 0 : i32
      %dma_wait3A_536 = tpu.memref_slice %arg8[%dma_wait3A_532, %dma_wait3A_534, %dma_wait3A_535] : memref<4x200x64xf32, #tpu.memory_space<vmem>> -> memref<1x200x64xf32, #tpu.memory_space<vmem>>
      %dma_wait3A_537 = tpu.memref_squeeze %dma_wait3A_536 : memref<1x200x64xf32, #tpu.memory_space<vmem>> -> memref<200x64xf32, #tpu.memory_space<vmem>>
      %dma_wait3A_538 = arith.constant 0 : i32
      %dma_wait3A_539 = arith.constant 0 : i32
      %dma_wait3A_540 = tpu.memref_slice %arg3[%dma_wait3A_538, %dma_wait3A_539] : memref<1000000x64xf32, #tpu.memory_space<hbm>> -> memref<200x64xf32, #tpu.memory_space<hbm>>
      %dma_wait3A_541 = tpu.memref_slice %arg9[%dma_wait3A_533] : memref<4x!tpu.dma_semaphore, #tpu.memory_space<semaphore_mem>> -> memref<1x!tpu.dma_semaphore, #tpu.memory_space<semaphore_mem>>
      %dma_wait3A_542 = tpu.memref_squeeze %dma_wait3A_541 : memref<1x!tpu.dma_semaphore, #tpu.memory_space<semaphore_mem>> -> memref<!tpu.dma_semaphore, #tpu.memory_space<semaphore_mem>>
      %dma_wait3A_543 = arith.constant 0 : i32
      %dma_wait3A_544 = arith.constant 0 : i32
      %dma_wait3A_545 = tpu.memref_slice %arg8[%dma_wait3A_532, %dma_wait3A_543, %dma_wait3A_544] : memref<4x200x64xf32, #tpu.memory_space<vmem>> -> memref<1x200x64xf32, #tpu.memory_space<vmem>>
      %dma_wait3A_546 = tpu.memref_squeeze %dma_wait3A_545 : memref<1x200x64xf32, #tpu.memory_space<vmem>> -> memref<200x64xf32, #tpu.memory_space<vmem>>
      %dma_wait3A_547 = arith.constant 0 : i32
      %dma_wait3A_548 = arith.constant 0 : i32
      %dma_wait3A_549 = tpu.memref_slice %arg3[%dma_wait3A_547, %dma_wait3A_548] : memref<1000000x64xf32, #tpu.memory_space<hbm>> -> memref<200x64xf32, #tpu.memory_space<hbm>>
      tpu.wait_dma2 semaphore(%dma_wait3A_542 : memref<!tpu.dma_semaphore, #tpu.memory_space<semaphore_mem>>) src(%dma_wait3A_549 : memref<200x64xf32, #tpu.memory_space<hbm>>) dst(%dma_wait3A_546 : memref<200x64xf32, #tpu.memory_space<vmem>>)
      %scan3A_550 = arith.constant 0 : i32
      %scan3A_551 = arith.constant 200 : i32
      %scan3A_552 = arith.addi %scan3A_550, %scan3A_551 : i32
      %scan3A_553 = arith.constant 8 : i32
      scf.for %scan3A_790 = %scan3A_550 to %scan3A_552 step %scan3A_553  : i32 {
        %mul3A_791 = arith.constant 1 : i32
        %mul3A_792 = arith.muli %scan3A_790, %mul3A_791 : i32
        %add3A_793 = arith.constant 0 : i32
        %add3A_794 = arith.addi %add3A_793, %mul3A_792 : i32
        %get3A = arith.index_cast %add3A_794 : i32 to index
        %get3A_795 = arith.constant 0 : index
        %get3A_796 = tpu.vector_load %arg7[%get3A, %get3A_795] {strides = array<i32>} : memref<200x64xf32, #tpu.memory_space<vmem>>, vector<1x16xf32>,
        %get3A_797 = vector.shape_cast %get3A_796 : vector<1x16xf32> to vector<16xf32>
        %swap3A = arith.constant 3 : i32
        %swap3A_798 = arith.index_cast %swap3A : i32 to index
        %swap3A_799 = arith.index_cast %add3A_794 : i32 to index
        %swap3A_800 = arith.constant 0 : index
        %swap3A_801 = tpu.vector_load %arg8[%swap3A_798, %swap3A_799, %swap3A_800] {strides = array<i32>} : memref<4x200x64xf32, #tpu.memory_space<vmem>>, vector<1x1x16xf32>,
        %swap3A_802 = vector.shape_cast %swap3A_801 : vector<1x1x16xf32> to vector<16xf32>
        %swap3A_803 = vector.shape_cast %get3A_797 : vector<16xf32> to vector<1x1x16xf32>
        tpu.vector_store %arg8[%swap3A_798, %swap3A_799, %swap3A_800], %swap3A_803 {add = true, strides = array<i32>} : memref<4x200x64xf32, #tpu.memory_space<vmem>>, vector<1x1x16xf32>,
        %get3A_804 = arith.index_cast %add3A_794 : i32 to index
        %get3A_805 = arith.constant 16 : index
        %get3A_806 = tpu.vector_load %arg7[%get3A_804, %get3A_805] {strides = array<i32>} : memref<200x64xf32, #tpu.memory_space<vmem>>, vector<1x16xf32>,
        %get3A_807 = vector.shape_cast %get3A_806 : vector<1x16xf32> to vector<16xf32>
        %swap3A_808 = arith.constant 3 : i32
        %swap3A_809 = arith.index_cast %swap3A_808 : i32 to index
        %swap3A_810 = arith.index_cast %add3A_794 : i32 to index
        %swap3A_811 = arith.constant 16 : index
        %swap3A_812 = tpu.vector_load %arg8[%swap3A_809, %swap3A_810, %swap3A_811] {strides = array<i32>} : memref<4x200x64xf32, #tpu.memory_space<vmem>>, vector<1x1x16xf32>,
        %swap3A_813 = vector.shape_cast %swap3A_812 : vector<1x1x16xf32> to vector<16xf32>
        %swap3A_814 = vector.shape_cast %get3A_807 : vector<16xf32> to vector<1x1x16xf32>
        tpu.vector_store %arg8[%swap3A_809, %swap3A_810, %swap3A_811], %swap3A_814 {add = true, strides = array<i32>} : memref<4x200x64xf32, #tpu.memory_space<vmem>>, vector<1x1x16xf32>,
        %get3A_815 = arith.index_cast %add3A_794 : i32 to index
        %get3A_816 = arith.constant 32 : index
        %get3A_817 = tpu.vector_load %arg7[%get3A_815, %get3A_816] {strides = array<i32>} : memref<200x64xf32, #tpu.memory_space<vmem>>, vector<1x16xf32>,
        %get3A_818 = vector.shape_cast %get3A_817 : vector<1x16xf32> to vector<16xf32>
        %swap3A_819 = arith.constant 3 : i32
        %swap3A_820 = arith.index_cast %swap3A_819 : i32 to index
        %swap3A_821 = arith.index_cast %add3A_794 : i32 to index
        %swap3A_822 = arith.constant 32 : index
        %swap3A_823 = tpu.vector_load %arg8[%swap3A_820, %swap3A_821, %swap3A_822] {strides = array<i32>} : memref<4x200x64xf32, #tpu.memory_space<vmem>>, vector<1x1x16xf32>,
        %swap3A_824 = vector.shape_cast %swap3A_823 : vector<1x1x16xf32> to vector<16xf32>
        %swap3A_825 = vector.shape_cast %get3A_818 : vector<16xf32> to vector<1x1x16xf32>
        tpu.vector_store %arg8[%swap3A_820, %swap3A_821, %swap3A_822], %swap3A_825 {add = true, strides = array<i32>} : memref<4x200x64xf32, #tpu.memory_space<vmem>>, vector<1x1x16xf32>,
        %get3A_826 = arith.index_cast %add3A_794 : i32 to index
        %get3A_827 = arith.constant 48 : index
        %get3A_828 = tpu.vector_load %arg7[%get3A_826, %get3A_827] {strides = array<i32>} : memref<200x64xf32, #tpu.memory_space<vmem>>, vector<1x16xf32>,
        %get3A_829 = vector.shape_cast %get3A_828 : vector<1x16xf32> to vector<16xf32>
        %swap3A_830 = arith.constant 3 : i32
        %swap3A_831 = arith.index_cast %swap3A_830 : i32 to index
        %swap3A_832 = arith.index_cast %add3A_794 : i32 to index
        %swap3A_833 = arith.constant 48 : index
        %swap3A_834 = tpu.vector_load %arg8[%swap3A_831, %swap3A_832, %swap3A_833] {strides = array<i32>} : memref<4x200x64xf32, #tpu.memory_space<vmem>>, vector<1x1x16xf32>,
        %swap3A_835 = vector.shape_cast %swap3A_834 : vector<1x1x16xf32> to vector<16xf32>
        %swap3A_836 = vector.shape_cast %get3A_829 : vector<16xf32> to vector<1x1x16xf32>
        tpu.vector_store %arg8[%swap3A_831, %swap3A_832, %swap3A_833], %swap3A_836 {add = true, strides = array<i32>} : memref<4x200x64xf32, #tpu.memory_space<vmem>>, vector<1x1x16xf32>,
        %scan3A_837 = arith.constant 1 : i32
        %scan3A_838 = arith.addi %scan3A_790, %scan3A_837 : i32
        %mul3A_839 = arith.constant 1 : i32
        %mul3A_840 = arith.muli %scan3A_838, %mul3A_839 : i32
        %add3A_841 = arith.constant 0 : i32
        %add3A_842 = arith.addi %add3A_841, %mul3A_840 : i32
        %get3A_843 = arith.index_cast %add3A_842 : i32 to index
        %get3A_844 = arith.constant 0 : index
        %get3A_845 = tpu.vector_load %arg7[%get3A_843, %get3A_844] {strides = array<i32>} : memref<200x64xf32, #tpu.memory_space<vmem>>, vector<1x16xf32>,
        %get3A_846 = vector.shape_cast %get3A_845 : vector<1x16xf32> to vector<16xf32>
        %swap3A_847 = arith.constant 3 : i32
        %swap3A_848 = arith.index_cast %swap3A_847 : i32 to index
        %swap3A_849 = arith.index_cast %add3A_842 : i32 to index
        %swap3A_850 = arith.constant 0 : index
        %swap3A_851 = tpu.vector_load %arg8[%swap3A_848, %swap3A_849, %swap3A_850] {strides = array<i32>} : memref<4x200x64xf32, #tpu.memory_space<vmem>>, vector<1x1x16xf32>,
        %swap3A_852 = vector.shape_cast %swap3A_851 : vector<1x1x16xf32> to vector<16xf32>
        %swap3A_853 = vector.shape_cast %get3A_846 : vector<16xf32> to vector<1x1x16xf32>
        tpu.vector_store %arg8[%swap3A_848, %swap3A_849, %swap3A_850], %swap3A_853 {add = true, strides = array<i32>} : memref<4x200x64xf32, #tpu.memory_space<vmem>>, vector<1x1x16xf32>,
        %get3A_854 = arith.index_cast %add3A_842 : i32 to index
        %get3A_855 = arith.constant 16 : index
        %get3A_856 = tpu.vector_load %arg7[%get3A_854, %get3A_855] {strides = array<i32>} : memref<200x64xf32, #tpu.memory_space<vmem>>, vector<1x16xf32>,
        %get3A_857 = vector.shape_cast %get3A_856 : vector<1x16xf32> to vector<16xf32>
        %swap3A_858 = arith.constant 3 : i32
        %swap3A_859 = arith.index_cast %swap3A_858 : i32 to index
        %swap3A_860 = arith.index_cast %add3A_842 : i32 to index
        %swap3A_861 = arith.constant 16 : index
        %swap3A_862 = tpu.vector_load %arg8[%swap3A_859, %swap3A_860, %swap3A_861] {strides = array<i32>} : memref<4x200x64xf32, #tpu.memory_space<vmem>>, vector<1x1x16xf32>,
        %swap3A_863 = vector.shape_cast %swap3A_862 : vector<1x1x16xf32> to vector<16xf32>
        %swap3A_864 = vector.shape_cast %get3A_857 : vector<16xf32> to vector<1x1x16xf32>
        tpu.vector_store %arg8[%swap3A_859, %swap3A_860, %swap3A_861], %swap3A_864 {add = true, strides = array<i32>} : memref<4x200x64xf32, #tpu.memory_space<vmem>>, vector<1x1x16xf32>,
        %get3A_865 = arith.index_cast %add3A_842 : i32 to index
        %get3A_866 = arith.constant 32 : index
        %get3A_867 = tpu.vector_load %arg7[%get3A_865, %get3A_866] {strides = array<i32>} : memref<200x64xf32, #tpu.memory_space<vmem>>, vector<1x16xf32>,
        %get3A_868 = vector.shape_cast %get3A_867 : vector<1x16xf32> to vector<16xf32>
        %swap3A_869 = arith.constant 3 : i32
        %swap3A_870 = arith.index_cast %swap3A_869 : i32 to index
        %swap3A_871 = arith.index_cast %add3A_842 : i32 to index
        %swap3A_872 = arith.constant 32 : index
        %swap3A_873 = tpu.vector_load %arg8[%swap3A_870, %swap3A_871, %swap3A_872] {strides = array<i32>} : memref<4x200x64xf32, #tpu.memory_space<vmem>>, vector<1x1x16xf32>,
        %swap3A_874 = vector.shape_cast %swap3A_873 : vector<1x1x16xf32> to vector<16xf32>
        %swap3A_875 = vector.shape_cast %get3A_868 : vector<16xf32> to vector<1x1x16xf32>
        tpu.vector_store %arg8[%swap3A_870, %swap3A_871, %swap3A_872], %swap3A_875 {add = true, strides = array<i32>} : memref<4x200x64xf32, #tpu.memory_space<vmem>>, vector<1x1x16xf32>,
        %get3A_876 = arith.index_cast %add3A_842 : i32 to index
        %get3A_877 = arith.constant 48 : index
        %get3A_878 = tpu.vector_load %arg7[%get3A_876, %get3A_877] {strides = array<i32>} : memref<200x64xf32, #tpu.memory_space<vmem>>, vector<1x16xf32>,
        %get3A_879 = vector.shape_cast %get3A_878 : vector<1x16xf32> to vector<16xf32>
        %swap3A_880 = arith.constant 3 : i32
        %swap3A_881 = arith.index_cast %swap3A_880 : i32 to index
        %swap3A_882 = arith.index_cast %add3A_842 : i32 to index
        %swap3A_883 = arith.constant 48 : index
        %swap3A_884 = tpu.vector_load %arg8[%swap3A_881, %swap3A_882, %swap3A_883] {strides = array<i32>} : memref<4x200x64xf32, #tpu.memory_space<vmem>>, vector<1x1x16xf32>,
        %swap3A_885 = vector.shape_cast %swap3A_884 : vector<1x1x16xf32> to vector<16xf32>
        %swap3A_886 = vector.shape_cast %get3A_879 : vector<16xf32> to vector<1x1x16xf32>
        tpu.vector_store %arg8[%swap3A_881, %swap3A_882, %swap3A_883], %swap3A_886 {add = true, strides = array<i32>} : memref<4x200x64xf32, #tpu.memory_space<vmem>>, vector<1x1x16xf32>,
        %scan3A_887 = arith.constant 2 : i32
        %scan3A_888 = arith.addi %scan3A_790, %scan3A_887 : i32
        %mul3A_889 = arith.constant 1 : i32
        %mul3A_890 = arith.muli %scan3A_888, %mul3A_889 : i32
        %add3A_891 = arith.constant 0 : i32
        %add3A_892 = arith.addi %add3A_891, %mul3A_890 : i32
        %get3A_893 = arith.index_cast %add3A_892 : i32 to index
        %get3A_894 = arith.constant 0 : index
        %get3A_895 = tpu.vector_load %arg7[%get3A_893, %get3A_894] {strides = array<i32>} : memref<200x64xf32, #tpu.memory_space<vmem>>, vector<1x16xf32>,
        %get3A_896 = vector.shape_cast %get3A_895 : vector<1x16xf32> to vector<16xf32>
        %swap3A_897 = arith.constant 3 : i32
        %swap3A_898 = arith.index_cast %swap3A_897 : i32 to index
        %swap3A_899 = arith.index_cast %add3A_892 : i32 to index
        %swap3A_900 = arith.constant 0 : index
        %swap3A_901 = tpu.vector_load %arg8[%swap3A_898, %swap3A_899, %swap3A_900] {strides = array<i32>} : memref<4x200x64xf32, #tpu.memory_space<vmem>>, vector<1x1x16xf32>,
        %swap3A_902 = vector.shape_cast %swap3A_901 : vector<1x1x16xf32> to vector<16xf32>
        %swap3A_903 = vector.shape_cast %get3A_896 : vector<16xf32> to vector<1x1x16xf32>
        tpu.vector_store %arg8[%swap3A_898, %swap3A_899, %swap3A_900], %swap3A_903 {add = true, strides = array<i32>} : memref<4x200x64xf32, #tpu.memory_space<vmem>>, vector<1x1x16xf32>,
        %get3A_904 = arith.index_cast %add3A_892 : i32 to index
        %get3A_905 = arith.constant 16 : index
        %get3A_906 = tpu.vector_load %arg7[%get3A_904, %get3A_905] {strides = array<i32>} : memref<200x64xf32, #tpu.memory_space<vmem>>, vector<1x16xf32>,
        %get3A_907 = vector.shape_cast %get3A_906 : vector<1x16xf32> to vector<16xf32>
        %swap3A_908 = arith.constant 3 : i32
        %swap3A_909 = arith.index_cast %swap3A_908 : i32 to index
        %swap3A_910 = arith.index_cast %add3A_892 : i32 to index
        %swap3A_911 = arith.constant 16 : index
        %swap3A_912 = tpu.vector_load %arg8[%swap3A_909, %swap3A_910, %swap3A_911] {strides = array<i32>} : memref<4x200x64xf32, #tpu.memory_space<vmem>>, vector<1x1x16xf32>,
        %swap3A_913 = vector.shape_cast %swap3A_912 : vector<1x1x16xf32> to vector<16xf32>
        %swap3A_914 = vector.shape_cast %get3A_907 : vector<16xf32> to vector<1x1x16xf32>
        tpu.vector_store %arg8[%swap3A_909, %swap3A_910, %swap3A_911], %swap3A_914 {add = true, strides = array<i32>} : memref<4x200x64xf32, #tpu.memory_space<vmem>>, vector<1x1x16xf32>,
        %get3A_915 = arith.index_cast %add3A_892 : i32 to index
        %get3A_916 = arith.constant 32 : index
        %get3A_917 = tpu.vector_load %arg7[%get3A_915, %get3A_916] {strides = array<i32>} : memref<200x64xf32, #tpu.memory_space<vmem>>, vector<1x16xf32>,
        %get3A_918 = vector.shape_cast %get3A_917 : vector<1x16xf32> to vector<16xf32>
        %swap3A_919 = arith.constant 3 : i32
        %swap3A_920 = arith.index_cast %swap3A_919 : i32 to index
        %swap3A_921 = arith.index_cast %add3A_892 : i32 to index
        %swap3A_922 = arith.constant 32 : index
        %swap3A_923 = tpu.vector_load %arg8[%swap3A_920, %swap3A_921, %swap3A_922] {strides = array<i32>} : memref<4x200x64xf32, #tpu.memory_space<vmem>>, vector<1x1x16xf32>,
        %swap3A_924 = vector.shape_cast %swap3A_923 : vector<1x1x16xf32> to vector<16xf32>
        %swap3A_925 = vector.shape_cast %get3A_918 : vector<16xf32> to vector<1x1x16xf32>
        tpu.vector_store %arg8[%swap3A_920, %swap3A_921, %swap3A_922], %swap3A_925 {add = true, strides = array<i32>} : memref<4x200x64xf32, #tpu.memory_space<vmem>>, vector<1x1x16xf32>,
        %get3A_926 = arith.index_cast %add3A_892 : i32 to index
        %get3A_927 = arith.constant 48 : index
        %get3A_928 = tpu.vector_load %arg7[%get3A_926, %get3A_927] {strides = array<i32>} : memref<200x64xf32, #tpu.memory_space<vmem>>, vector<1x16xf32>,
        %get3A_929 = vector.shape_cast %get3A_928 : vector<1x16xf32> to vector<16xf32>
        %swap3A_930 = arith.constant 3 : i32
        %swap3A_931 = arith.index_cast %swap3A_930 : i32 to index
        %swap3A_932 = arith.index_cast %add3A_892 : i32 to index
        %swap3A_933 = arith.constant 48 : index
        %swap3A_934 = tpu.vector_load %arg8[%swap3A_931, %swap3A_932, %swap3A_933] {strides = array<i32>} : memref<4x200x64xf32, #tpu.memory_space<vmem>>, vector<1x1x16xf32>,
        %swap3A_935 = vector.shape_cast %swap3A_934 : vector<1x1x16xf32> to vector<16xf32>
        %swap3A_936 = vector.shape_cast %get3A_929 : vector<16xf32> to vector<1x1x16xf32>
        tpu.vector_store %arg8[%swap3A_931, %swap3A_932, %swap3A_933], %swap3A_936 {add = true, strides = array<i32>} : memref<4x200x64xf32, #tpu.memory_space<vmem>>, vector<1x1x16xf32>,
        %scan3A_937 = arith.constant 3 : i32
        %scan3A_938 = arith.addi %scan3A_790, %scan3A_937 : i32
        %mul3A_939 = arith.constant 1 : i32
        %mul3A_940 = arith.muli %scan3A_938, %mul3A_939 : i32
        %add3A_941 = arith.constant 0 : i32
        %add3A_942 = arith.addi %add3A_941, %mul3A_940 : i32
        %get3A_943 = arith.index_cast %add3A_942 : i32 to index
        %get3A_944 = arith.constant 0 : index
        %get3A_945 = tpu.vector_load %arg7[%get3A_943, %get3A_944] {strides = array<i32>} : memref<200x64xf32, #tpu.memory_space<vmem>>, vector<1x16xf32>,
        %get3A_946 = vector.shape_cast %get3A_945 : vector<1x16xf32> to vector<16xf32>
        %swap3A_947 = arith.constant 3 : i32
        %swap3A_948 = arith.index_cast %swap3A_947 : i32 to index
        %swap3A_949 = arith.index_cast %add3A_942 : i32 to index
        %swap3A_950 = arith.constant 0 : index
        %swap3A_951 = tpu.vector_load %arg8[%swap3A_948, %swap3A_949, %swap3A_950] {strides = array<i32>} : memref<4x200x64xf32, #tpu.memory_space<vmem>>, vector<1x1x16xf32>,
        %swap3A_952 = vector.shape_cast %swap3A_951 : vector<1x1x16xf32> to vector<16xf32>
        %swap3A_953 = vector.shape_cast %get3A_946 : vector<16xf32> to vector<1x1x16xf32>
        tpu.vector_store %arg8[%swap3A_948, %swap3A_949, %swap3A_950], %swap3A_953 {add = true, strides = array<i32>} : memref<4x200x64xf32, #tpu.memory_space<vmem>>, vector<1x1x16xf32>,
        %get3A_954 = arith.index_cast %add3A_942 : i32 to index
        %get3A_955 = arith.constant 16 : index
        %get3A_956 = tpu.vector_load %arg7[%get3A_954, %get3A_955] {strides = array<i32>} : memref<200x64xf32, #tpu.memory_space<vmem>>, vector<1x16xf32>,
        %get3A_957 = vector.shape_cast %get3A_956 : vector<1x16xf32> to vector<16xf32>
        %swap3A_958 = arith.constant 3 : i32
        %swap3A_959 = arith.index_cast %swap3A_958 : i32 to index
        %swap3A_960 = arith.index_cast %add3A_942 : i32 to index
        %swap3A_961 = arith.constant 16 : index
        %swap3A_962 = tpu.vector_load %arg8[%swap3A_959, %swap3A_960, %swap3A_961] {strides = array<i32>} : memref<4x200x64xf32, #tpu.memory_space<vmem>>, vector<1x1x16xf32>,
        %swap3A_963 = vector.shape_cast %swap3A_962 : vector<1x1x16xf32> to vector<16xf32>
        %swap3A_964 = vector.shape_cast %get3A_957 : vector<16xf32> to vector<1x1x16xf32>
        tpu.vector_store %arg8[%swap3A_959, %swap3A_960, %swap3A_961], %swap3A_964 {add = true, strides = array<i32>} : memref<4x200x64xf32, #tpu.memory_space<vmem>>, vector<1x1x16xf32>,
        %get3A_965 = arith.index_cast %add3A_942 : i32 to index
        %get3A_966 = arith.constant 32 : index
        %get3A_967 = tpu.vector_load %arg7[%get3A_965, %get3A_966] {strides = array<i32>} : memref<200x64xf32, #tpu.memory_space<vmem>>, vector<1x16xf32>,
        %get3A_968 = vector.shape_cast %get3A_967 : vector<1x16xf32> to vector<16xf32>
        %swap3A_969 = arith.constant 3 : i32
        %swap3A_970 = arith.index_cast %swap3A_969 : i32 to index
        %swap3A_971 = arith.index_cast %add3A_942 : i32 to index
        %swap3A_972 = arith.constant 32 : index
        %swap3A_973 = tpu.vector_load %arg8[%swap3A_970, %swap3A_971, %swap3A_972] {strides = array<i32>} : memref<4x200x64xf32, #tpu.memory_space<vmem>>, vector<1x1x16xf32>,
        %swap3A_974 = vector.shape_cast %swap3A_973 : vector<1x1x16xf32> to vector<16xf32>
        %swap3A_975 = vector.shape_cast %get3A_968 : vector<16xf32> to vector<1x1x16xf32>
        tpu.vector_store %arg8[%swap3A_970, %swap3A_971, %swap3A_972], %swap3A_975 {add = true, strides = array<i32>} : memref<4x200x64xf32, #tpu.memory_space<vmem>>, vector<1x1x16xf32>,
        %get3A_976 = arith.index_cast %add3A_942 : i32 to index
        %get3A_977 = arith.constant 48 : index
        %get3A_978 = tpu.vector_load %arg7[%get3A_976, %get3A_977] {strides = array<i32>} : memref<200x64xf32, #tpu.memory_space<vmem>>, vector<1x16xf32>,
        %get3A_979 = vector.shape_cast %get3A_978 : vector<1x16xf32> to vector<16xf32>
        %swap3A_980 = arith.constant 3 : i32
        %swap3A_981 = arith.index_cast %swap3A_980 : i32 to index
        %swap3A_982 = arith.index_cast %add3A_942 : i32 to index
        %swap3A_983 = arith.constant 48 : index
        %swap3A_984 = tpu.vector_load %arg8[%swap3A_981, %swap3A_982, %swap3A_983] {strides = array<i32>} : memref<4x200x64xf32, #tpu.memory_space<vmem>>, vector<1x1x16xf32>,
        %swap3A_985 = vector.shape_cast %swap3A_984 : vector<1x1x16xf32> to vector<16xf32>
        %swap3A_986 = vector.shape_cast %get3A_979 : vector<16xf32> to vector<1x1x16xf32>
        tpu.vector_store %arg8[%swap3A_981, %swap3A_982, %swap3A_983], %swap3A_986 {add = true, strides = array<i32>} : memref<4x200x64xf32, #tpu.memory_space<vmem>>, vector<1x1x16xf32>,
        %scan3A_987 = arith.constant 4 : i32
        %scan3A_988 = arith.addi %scan3A_790, %scan3A_987 : i32
        %mul3A_989 = arith.constant 1 : i32
        %mul3A_990 = arith.muli %scan3A_988, %mul3A_989 : i32
        %add3A_991 = arith.constant 0 : i32
        %add3A_992 = arith.addi %add3A_991, %mul3A_990 : i32
        %get3A_993 = arith.index_cast %add3A_992 : i32 to index
        %get3A_994 = arith.constant 0 : index
        %get3A_995 = tpu.vector_load %arg7[%get3A_993, %get3A_994] {strides = array<i32>} : memref<200x64xf32, #tpu.memory_space<vmem>>, vector<1x16xf32>,
        %get3A_996 = vector.shape_cast %get3A_995 : vector<1x16xf32> to vector<16xf32>
        %swap3A_997 = arith.constant 3 : i32
        %swap3A_998 = arith.index_cast %swap3A_997 : i32 to index
        %swap3A_999 = arith.index_cast %add3A_992 : i32 to index
        %swap3A_1000 = arith.constant 0 : index
        %swap3A_1001 = tpu.vector_load %arg8[%swap3A_998, %swap3A_999, %swap3A_1000] {strides = array<i32>} : memref<4x200x64xf32, #tpu.memory_space<vmem>>, vector<1x1x16xf32>,
        %swap3A_1002 = vector.shape_cast %swap3A_1001 : vector<1x1x16xf32> to vector<16xf32>
        %swap3A_1003 = vector.shape_cast %get3A_996 : vector<16xf32> to vector<1x1x16xf32>
        tpu.vector_store %arg8[%swap3A_998, %swap3A_999, %swap3A_1000], %swap3A_1003 {add = true, strides = array<i32>} : memref<4x200x64xf32, #tpu.memory_space<vmem>>, vector<1x1x16xf32>,
        %get3A_1004 = arith.index_cast %add3A_992 : i32 to index
        %get3A_1005 = arith.constant 16 : index
        %get3A_1006 = tpu.vector_load %arg7[%get3A_1004, %get3A_1005] {strides = array<i32>} : memref<200x64xf32, #tpu.memory_space<vmem>>, vector<1x16xf32>,
        %get3A_1007 = vector.shape_cast %get3A_1006 : vector<1x16xf32> to vector<16xf32>
        %swap3A_1008 = arith.constant 3 : i32
        %swap3A_1009 = arith.index_cast %swap3A_1008 : i32 to index
        %swap3A_1010 = arith.index_cast %add3A_992 : i32 to index
        %swap3A_1011 = arith.constant 16 : index
        %swap3A_1012 = tpu.vector_load %arg8[%swap3A_1009, %swap3A_1010, %swap3A_1011] {strides = array<i32>} : memref<4x200x64xf32, #tpu.memory_space<vmem>>, vector<1x1x16xf32>,
        %swap3A_1013 = vector.shape_cast %swap3A_1012 : vector<1x1x16xf32> to vector<16xf32>
        %swap3A_1014 = vector.shape_cast %get3A_1007 : vector<16xf32> to vector<1x1x16xf32>
        tpu.vector_store %arg8[%swap3A_1009, %swap3A_1010, %swap3A_1011], %swap3A_1014 {add = true, strides = array<i32>} : memref<4x200x64xf32, #tpu.memory_space<vmem>>, vector<1x1x16xf32>,
        %get3A_1015 = arith.index_cast %add3A_992 : i32 to index
        %get3A_1016 = arith.constant 32 : index
        %get3A_1017 = tpu.vector_load %arg7[%get3A_1015, %get3A_1016] {strides = array<i32>} : memref<200x64xf32, #tpu.memory_space<vmem>>, vector<1x16xf32>,
        %get3A_1018 = vector.shape_cast %get3A_1017 : vector<1x16xf32> to vector<16xf32>
        %swap3A_1019 = arith.constant 3 : i32
        %swap3A_1020 = arith.index_cast %swap3A_1019 : i32 to index
        %swap3A_1021 = arith.index_cast %add3A_992 : i32 to index
        %swap3A_1022 = arith.constant 32 : index
        %swap3A_1023 = tpu.vector_load %arg8[%swap3A_1020, %swap3A_1021, %swap3A_1022] {strides = array<i32>} : memref<4x200x64xf32, #tpu.memory_space<vmem>>, vector<1x1x16xf32>,
        %swap3A_1024 = vector.shape_cast %swap3A_1023 : vector<1x1x16xf32> to vector<16xf32>
        %swap3A_1025 = vector.shape_cast %get3A_1018 : vector<16xf32> to vector<1x1x16xf32>
        tpu.vector_store %arg8[%swap3A_1020, %swap3A_1021, %swap3A_1022], %swap3A_1025 {add = true, strides = array<i32>} : memref<4x200x64xf32, #tpu.memory_space<vmem>>, vector<1x1x16xf32>,
        %get3A_1026 = arith.index_cast %add3A_992 : i32 to index
        %get3A_1027 = arith.constant 48 : index
        %get3A_1028 = tpu.vector_load %arg7[%get3A_1026, %get3A_1027] {strides = array<i32>} : memref<200x64xf32, #tpu.memory_space<vmem>>, vector<1x16xf32>,
        %get3A_1029 = vector.shape_cast %get3A_1028 : vector<1x16xf32> to vector<16xf32>
        %swap3A_1030 = arith.constant 3 : i32
        %swap3A_1031 = arith.index_cast %swap3A_1030 : i32 to index
        %swap3A_1032 = arith.index_cast %add3A_992 : i32 to index
        %swap3A_1033 = arith.constant 48 : index
        %swap3A_1034 = tpu.vector_load %arg8[%swap3A_1031, %swap3A_1032, %swap3A_1033] {strides = array<i32>} : memref<4x200x64xf32, #tpu.memory_space<vmem>>, vector<1x1x16xf32>,
        %swap3A_1035 = vector.shape_cast %swap3A_1034 : vector<1x1x16xf32> to vector<16xf32>
        %swap3A_1036 = vector.shape_cast %get3A_1029 : vector<16xf32> to vector<1x1x16xf32>
        tpu.vector_store %arg8[%swap3A_1031, %swap3A_1032, %swap3A_1033], %swap3A_1036 {add = true, strides = array<i32>} : memref<4x200x64xf32, #tpu.memory_space<vmem>>, vector<1x1x16xf32>,
        %scan3A_1037 = arith.constant 5 : i32
        %scan3A_1038 = arith.addi %scan3A_790, %scan3A_1037 : i32
        %mul3A_1039 = arith.constant 1 : i32
        %mul3A_1040 = arith.muli %scan3A_1038, %mul3A_1039 : i32
        %add3A_1041 = arith.constant 0 : i32
        %add3A_1042 = arith.addi %add3A_1041, %mul3A_1040 : i32
        %get3A_1043 = arith.index_cast %add3A_1042 : i32 to index
        %get3A_1044 = arith.constant 0 : index
        %get3A_1045 = tpu.vector_load %arg7[%get3A_1043, %get3A_1044] {strides = array<i32>} : memref<200x64xf32, #tpu.memory_space<vmem>>, vector<1x16xf32>,
        %get3A_1046 = vector.shape_cast %get3A_1045 : vector<1x16xf32> to vector<16xf32>
        %swap3A_1047 = arith.constant 3 : i32
        %swap3A_1048 = arith.index_cast %swap3A_1047 : i32 to index
        %swap3A_1049 = arith.index_cast %add3A_1042 : i32 to index
        %swap3A_1050 = arith.constant 0 : index
        %swap3A_1051 = tpu.vector_load %arg8[%swap3A_1048, %swap3A_1049, %swap3A_1050] {strides = array<i32>} : memref<4x200x64xf32, #tpu.memory_space<vmem>>, vector<1x1x16xf32>,
        %swap3A_1052 = vector.shape_cast %swap3A_1051 : vector<1x1x16xf32> to vector<16xf32>
        %swap3A_1053 = vector.shape_cast %get3A_1046 : vector<16xf32> to vector<1x1x16xf32>
        tpu.vector_store %arg8[%swap3A_1048, %swap3A_1049, %swap3A_1050], %swap3A_1053 {add = true, strides = array<i32>} : memref<4x200x64xf32, #tpu.memory_space<vmem>>, vector<1x1x16xf32>,
        %get3A_1054 = arith.index_cast %add3A_1042 : i32 to index
        %get3A_1055 = arith.constant 16 : index
        %get3A_1056 = tpu.vector_load %arg7[%get3A_1054, %get3A_1055] {strides = array<i32>} : memref<200x64xf32, #tpu.memory_space<vmem>>, vector<1x16xf32>,
        %get3A_1057 = vector.shape_cast %get3A_1056 : vector<1x16xf32> to vector<16xf32>
        %swap3A_1058 = arith.constant 3 : i32
        %swap3A_1059 = arith.index_cast %swap3A_1058 : i32 to index
        %swap3A_1060 = arith.index_cast %add3A_1042 : i32 to index
        %swap3A_1061 = arith.constant 16 : index
        %swap3A_1062 = tpu.vector_load %arg8[%swap3A_1059, %swap3A_1060, %swap3A_1061] {strides = array<i32>} : memref<4x200x64xf32, #tpu.memory_space<vmem>>, vector<1x1x16xf32>,
        %swap3A_1063 = vector.shape_cast %swap3A_1062 : vector<1x1x16xf32> to vector<16xf32>
        %swap3A_1064 = vector.shape_cast %get3A_1057 : vector<16xf32> to vector<1x1x16xf32>
        tpu.vector_store %arg8[%swap3A_1059, %swap3A_1060, %swap3A_1061], %swap3A_1064 {add = true, strides = array<i32>} : memref<4x200x64xf32, #tpu.memory_space<vmem>>, vector<1x1x16xf32>,
        %get3A_1065 = arith.index_cast %add3A_1042 : i32 to index
        %get3A_1066 = arith.constant 32 : index
        %get3A_1067 = tpu.vector_load %arg7[%get3A_1065, %get3A_1066] {strides = array<i32>} : memref<200x64xf32, #tpu.memory_space<vmem>>, vector<1x16xf32>,
        %get3A_1068 = vector.shape_cast %get3A_1067 : vector<1x16xf32> to vector<16xf32>
        %swap3A_1069 = arith.constant 3 : i32
        %swap3A_1070 = arith.index_cast %swap3A_1069 : i32 to index
        %swap3A_1071 = arith.index_cast %add3A_1042 : i32 to index
        %swap3A_1072 = arith.constant 32 : index
        %swap3A_1073 = tpu.vector_load %arg8[%swap3A_1070, %swap3A_1071, %swap3A_1072] {strides = array<i32>} : memref<4x200x64xf32, #tpu.memory_space<vmem>>, vector<1x1x16xf32>,
        %swap3A_1074 = vector.shape_cast %swap3A_1073 : vector<1x1x16xf32> to vector<16xf32>
        %swap3A_1075 = vector.shape_cast %get3A_1068 : vector<16xf32> to vector<1x1x16xf32>
        tpu.vector_store %arg8[%swap3A_1070, %swap3A_1071, %swap3A_1072], %swap3A_1075 {add = true, strides = array<i32>} : memref<4x200x64xf32, #tpu.memory_space<vmem>>, vector<1x1x16xf32>,
        %get3A_1076 = arith.index_cast %add3A_1042 : i32 to index
        %get3A_1077 = arith.constant 48 : index
        %get3A_1078 = tpu.vector_load %arg7[%get3A_1076, %get3A_1077] {strides = array<i32>} : memref<200x64xf32, #tpu.memory_space<vmem>>, vector<1x16xf32>,
        %get3A_1079 = vector.shape_cast %get3A_1078 : vector<1x16xf32> to vector<16xf32>
        %swap3A_1080 = arith.constant 3 : i32
        %swap3A_1081 = arith.index_cast %swap3A_1080 : i32 to index
        %swap3A_1082 = arith.index_cast %add3A_1042 : i32 to index
        %swap3A_1083 = arith.constant 48 : index
        %swap3A_1084 = tpu.vector_load %arg8[%swap3A_1081, %swap3A_1082, %swap3A_1083] {strides = array<i32>} : memref<4x200x64xf32, #tpu.memory_space<vmem>>, vector<1x1x16xf32>,
        %swap3A_1085 = vector.shape_cast %swap3A_1084 : vector<1x1x16xf32> to vector<16xf32>
        %swap3A_1086 = vector.shape_cast %get3A_1079 : vector<16xf32> to vector<1x1x16xf32>
        tpu.vector_store %arg8[%swap3A_1081, %swap3A_1082, %swap3A_1083], %swap3A_1086 {add = true, strides = array<i32>} : memref<4x200x64xf32, #tpu.memory_space<vmem>>, vector<1x1x16xf32>,
        %scan3A_1087 = arith.constant 6 : i32
        %scan3A_1088 = arith.addi %scan3A_790, %scan3A_1087 : i32
        %mul3A_1089 = arith.constant 1 : i32
        %mul3A_1090 = arith.muli %scan3A_1088, %mul3A_1089 : i32
        %add3A_1091 = arith.constant 0 : i32
        %add3A_1092 = arith.addi %add3A_1091, %mul3A_1090 : i32
        %get3A_1093 = arith.index_cast %add3A_1092 : i32 to index
        %get3A_1094 = arith.constant 0 : index
        %get3A_1095 = tpu.vector_load %arg7[%get3A_1093, %get3A_1094] {strides = array<i32>} : memref<200x64xf32, #tpu.memory_space<vmem>>, vector<1x16xf32>,
        %get3A_1096 = vector.shape_cast %get3A_1095 : vector<1x16xf32> to vector<16xf32>
        %swap3A_1097 = arith.constant 3 : i32
        %swap3A_1098 = arith.index_cast %swap3A_1097 : i32 to index
        %swap3A_1099 = arith.index_cast %add3A_1092 : i32 to index
        %swap3A_1100 = arith.constant 0 : index
        %swap3A_1101 = tpu.vector_load %arg8[%swap3A_1098, %swap3A_1099, %swap3A_1100] {strides = array<i32>} : memref<4x200x64xf32, #tpu.memory_space<vmem>>, vector<1x1x16xf32>,
        %swap3A_1102 = vector.shape_cast %swap3A_1101 : vector<1x1x16xf32> to vector<16xf32>
        %swap3A_1103 = vector.shape_cast %get3A_1096 : vector<16xf32> to vector<1x1x16xf32>
        tpu.vector_store %arg8[%swap3A_1098, %swap3A_1099, %swap3A_1100], %swap3A_1103 {add = true, strides = array<i32>} : memref<4x200x64xf32, #tpu.memory_space<vmem>>, vector<1x1x16xf32>,
        %get3A_1104 = arith.index_cast %add3A_1092 : i32 to index
        %get3A_1105 = arith.constant 16 : index
        %get3A_1106 = tpu.vector_load %arg7[%get3A_1104, %get3A_1105] {strides = array<i32>} : memref<200x64xf32, #tpu.memory_space<vmem>>, vector<1x16xf32>,
        %get3A_1107 = vector.shape_cast %get3A_1106 : vector<1x16xf32> to vector<16xf32>
        %swap3A_1108 = arith.constant 3 : i32
        %swap3A_1109 = arith.index_cast %swap3A_1108 : i32 to index
        %swap3A_1110 = arith.index_cast %add3A_1092 : i32 to index
        %swap3A_1111 = arith.constant 16 : index
        %swap3A_1112 = tpu.vector_load %arg8[%swap3A_1109, %swap3A_1110, %swap3A_1111] {strides = array<i32>} : memref<4x200x64xf32, #tpu.memory_space<vmem>>, vector<1x1x16xf32>,
        %swap3A_1113 = vector.shape_cast %swap3A_1112 : vector<1x1x16xf32> to vector<16xf32>
        %swap3A_1114 = vector.shape_cast %get3A_1107 : vector<16xf32> to vector<1x1x16xf32>
        tpu.vector_store %arg8[%swap3A_1109, %swap3A_1110, %swap3A_1111], %swap3A_1114 {add = true, strides = array<i32>} : memref<4x200x64xf32, #tpu.memory_space<vmem>>, vector<1x1x16xf32>,
        %get3A_1115 = arith.index_cast %add3A_1092 : i32 to index
        %get3A_1116 = arith.constant 32 : index
        %get3A_1117 = tpu.vector_load %arg7[%get3A_1115, %get3A_1116] {strides = array<i32>} : memref<200x64xf32, #tpu.memory_space<vmem>>, vector<1x16xf32>,
        %get3A_1118 = vector.shape_cast %get3A_1117 : vector<1x16xf32> to vector<16xf32>
        %swap3A_1119 = arith.constant 3 : i32
        %swap3A_1120 = arith.index_cast %swap3A_1119 : i32 to index
        %swap3A_1121 = arith.index_cast %add3A_1092 : i32 to index
        %swap3A_1122 = arith.constant 32 : index
        %swap3A_1123 = tpu.vector_load %arg8[%swap3A_1120, %swap3A_1121, %swap3A_1122] {strides = array<i32>} : memref<4x200x64xf32, #tpu.memory_space<vmem>>, vector<1x1x16xf32>,
        %swap3A_1124 = vector.shape_cast %swap3A_1123 : vector<1x1x16xf32> to vector<16xf32>
        %swap3A_1125 = vector.shape_cast %get3A_1118 : vector<16xf32> to vector<1x1x16xf32>
        tpu.vector_store %arg8[%swap3A_1120, %swap3A_1121, %swap3A_1122], %swap3A_1125 {add = true, strides = array<i32>} : memref<4x200x64xf32, #tpu.memory_space<vmem>>, vector<1x1x16xf32>,
        %get3A_1126 = arith.index_cast %add3A_1092 : i32 to index
        %get3A_1127 = arith.constant 48 : index
        %get3A_1128 = tpu.vector_load %arg7[%get3A_1126, %get3A_1127] {strides = array<i32>} : memref<200x64xf32, #tpu.memory_space<vmem>>, vector<1x16xf32>,
        %get3A_1129 = vector.shape_cast %get3A_1128 : vector<1x16xf32> to vector<16xf32>
        %swap3A_1130 = arith.constant 3 : i32
        %swap3A_1131 = arith.index_cast %swap3A_1130 : i32 to index
        %swap3A_1132 = arith.index_cast %add3A_1092 : i32 to index
        %swap3A_1133 = arith.constant 48 : index
        %swap3A_1134 = tpu.vector_load %arg8[%swap3A_1131, %swap3A_1132, %swap3A_1133] {strides = array<i32>} : memref<4x200x64xf32, #tpu.memory_space<vmem>>, vector<1x1x16xf32>,
        %swap3A_1135 = vector.shape_cast %swap3A_1134 : vector<1x1x16xf32> to vector<16xf32>
        %swap3A_1136 = vector.shape_cast %get3A_1129 : vector<16xf32> to vector<1x1x16xf32>
        tpu.vector_store %arg8[%swap3A_1131, %swap3A_1132, %swap3A_1133], %swap3A_1136 {add = true, strides = array<i32>} : memref<4x200x64xf32, #tpu.memory_space<vmem>>, vector<1x1x16xf32>,
        %scan3A_1137 = arith.constant 7 : i32
        %scan3A_1138 = arith.addi %scan3A_790, %scan3A_1137 : i32
        %mul3A_1139 = arith.constant 1 : i32
        %mul3A_1140 = arith.muli %scan3A_1138, %mul3A_1139 : i32
        %add3A_1141 = arith.constant 0 : i32
        %add3A_1142 = arith.addi %add3A_1141, %mul3A_1140 : i32
        %get3A_1143 = arith.index_cast %add3A_1142 : i32 to index
        %get3A_1144 = arith.constant 0 : index
        %get3A_1145 = tpu.vector_load %arg7[%get3A_1143, %get3A_1144] {strides = array<i32>} : memref<200x64xf32, #tpu.memory_space<vmem>>, vector<1x16xf32>,
        %get3A_1146 = vector.shape_cast %get3A_1145 : vector<1x16xf32> to vector<16xf32>
        %swap3A_1147 = arith.constant 3 : i32
        %swap3A_1148 = arith.index_cast %swap3A_1147 : i32 to index
        %swap3A_1149 = arith.index_cast %add3A_1142 : i32 to index
        %swap3A_1150 = arith.constant 0 : index
        %swap3A_1151 = tpu.vector_load %arg8[%swap3A_1148, %swap3A_1149, %swap3A_1150] {strides = array<i32>} : memref<4x200x64xf32, #tpu.memory_space<vmem>>, vector<1x1x16xf32>,
        %swap3A_1152 = vector.shape_cast %swap3A_1151 : vector<1x1x16xf32> to vector<16xf32>
        %swap3A_1153 = vector.shape_cast %get3A_1146 : vector<16xf32> to vector<1x1x16xf32>
        tpu.vector_store %arg8[%swap3A_1148, %swap3A_1149, %swap3A_1150], %swap3A_1153 {add = true, strides = array<i32>} : memref<4x200x64xf32, #tpu.memory_space<vmem>>, vector<1x1x16xf32>,
        %get3A_1154 = arith.index_cast %add3A_1142 : i32 to index
        %get3A_1155 = arith.constant 16 : index
        %get3A_1156 = tpu.vector_load %arg7[%get3A_1154, %get3A_1155] {strides = array<i32>} : memref<200x64xf32, #tpu.memory_space<vmem>>, vector<1x16xf32>,
        %get3A_1157 = vector.shape_cast %get3A_1156 : vector<1x16xf32> to vector<16xf32>
        %swap3A_1158 = arith.constant 3 : i32
        %swap3A_1159 = arith.index_cast %swap3A_1158 : i32 to index
        %swap3A_1160 = arith.index_cast %add3A_1142 : i32 to index
        %swap3A_1161 = arith.constant 16 : index
        %swap3A_1162 = tpu.vector_load %arg8[%swap3A_1159, %swap3A_1160, %swap3A_1161] {strides = array<i32>} : memref<4x200x64xf32, #tpu.memory_space<vmem>>, vector<1x1x16xf32>,
        %swap3A_1163 = vector.shape_cast %swap3A_1162 : vector<1x1x16xf32> to vector<16xf32>
        %swap3A_1164 = vector.shape_cast %get3A_1157 : vector<16xf32> to vector<1x1x16xf32>
        tpu.vector_store %arg8[%swap3A_1159, %swap3A_1160, %swap3A_1161], %swap3A_1164 {add = true, strides = array<i32>} : memref<4x200x64xf32, #tpu.memory_space<vmem>>, vector<1x1x16xf32>,
        %get3A_1165 = arith.index_cast %add3A_1142 : i32 to index
        %get3A_1166 = arith.constant 32 : index
        %get3A_1167 = tpu.vector_load %arg7[%get3A_1165, %get3A_1166] {strides = array<i32>} : memref<200x64xf32, #tpu.memory_space<vmem>>, vector<1x16xf32>,
        %get3A_1168 = vector.shape_cast %get3A_1167 : vector<1x16xf32> to vector<16xf32>
        %swap3A_1169 = arith.constant 3 : i32
        %swap3A_1170 = arith.index_cast %swap3A_1169 : i32 to index
        %swap3A_1171 = arith.index_cast %add3A_1142 : i32 to index
        %swap3A_1172 = arith.constant 32 : index
        %swap3A_1173 = tpu.vector_load %arg8[%swap3A_1170, %swap3A_1171, %swap3A_1172] {strides = array<i32>} : memref<4x200x64xf32, #tpu.memory_space<vmem>>, vector<1x1x16xf32>,
        %swap3A_1174 = vector.shape_cast %swap3A_1173 : vector<1x1x16xf32> to vector<16xf32>
        %swap3A_1175 = vector.shape_cast %get3A_1168 : vector<16xf32> to vector<1x1x16xf32>
        tpu.vector_store %arg8[%swap3A_1170, %swap3A_1171, %swap3A_1172], %swap3A_1175 {add = true, strides = array<i32>} : memref<4x200x64xf32, #tpu.memory_space<vmem>>, vector<1x1x16xf32>,
        %get3A_1176 = arith.index_cast %add3A_1142 : i32 to index
        %get3A_1177 = arith.constant 48 : index
        %get3A_1178 = tpu.vector_load %arg7[%get3A_1176, %get3A_1177] {strides = array<i32>} : memref<200x64xf32, #tpu.memory_space<vmem>>, vector<1x16xf32>,
        %get3A_1179 = vector.shape_cast %get3A_1178 : vector<1x16xf32> to vector<16xf32>
        %swap3A_1180 = arith.constant 3 : i32
        %swap3A_1181 = arith.index_cast %swap3A_1180 : i32 to index
        %swap3A_1182 = arith.index_cast %add3A_1142 : i32 to index
        %swap3A_1183 = arith.constant 48 : index
        %swap3A_1184 = tpu.vector_load %arg8[%swap3A_1181, %swap3A_1182, %swap3A_1183] {strides = array<i32>} : memref<4x200x64xf32, #tpu.memory_space<vmem>>, vector<1x1x16xf32>,
        %swap3A_1185 = vector.shape_cast %swap3A_1184 : vector<1x1x16xf32> to vector<16xf32>
        %swap3A_1186 = vector.shape_cast %get3A_1179 : vector<16xf32> to vector<1x1x16xf32>
        tpu.vector_store %arg8[%swap3A_1181, %swap3A_1182, %swap3A_1183], %swap3A_1186 {add = true, strides = array<i32>} : memref<4x200x64xf32, #tpu.memory_space<vmem>>, vector<1x1x16xf32>,
      }
      %scan3A_554 = arith.constant 200 : i32
      %add3A_555 = arith.constant 3 : i32
      %add3A_556 = arith.addi %add3A_393, %add3A_555 : i32
      %add3A_557 = arith.addi %mul3A_2, %add3A_556 : i32
      %dma_start3A_558 = arith.constant 3 : i32
      %dma_start3A_559 = arith.constant 3 : i32
      %dma_start3A_560 = arith.constant 0 : i32
      %dma_start3A_561 = arith.constant 0 : i32
      %dma_start3A_562 = tpu.memref_slice %arg8[%dma_start3A_558, %dma_start3A_560, %dma_start3A_561] : memref<4x200x64xf32, #tpu.memory_space<vmem>> -> memref<1x200x64xf32, #tpu.memory_space<vmem>>
      %dma_start3A_563 = tpu.memref_squeeze %dma_start3A_562 : memref<1x200x64xf32, #tpu.memory_space<vmem>> -> memref<200x64xf32, #tpu.memory_space<vmem>>
      %dma_start3A_564 = arith.constant 0 : i32
      %dma_start3A_565 = arith.constant 0 : i32
      %dma_start3A_566 = tpu.memref_slice %arg5[%add3A_557, %dma_start3A_564, %dma_start3A_565] : memref<4096x200x64xf32, #tpu.memory_space<hbm>> -> memref<1x200x64xf32, #tpu.memory_space<hbm>>
      %dma_start3A_567 = tpu.memref_squeeze %dma_start3A_566 : memref<1x200x64xf32, #tpu.memory_space<hbm>> -> memref<200x64xf32, #tpu.memory_space<hbm>>
      %dma_start3A_568 = tpu.memref_slice %arg10[%dma_start3A_559] : memref<4x!tpu.dma_semaphore, #tpu.memory_space<semaphore_mem>> -> memref<1x!tpu.dma_semaphore, #tpu.memory_space<semaphore_mem>>
      %dma_start3A_569 = tpu.memref_squeeze %dma_start3A_568 : memref<1x!tpu.dma_semaphore, #tpu.memory_space<semaphore_mem>> -> memref<!tpu.dma_semaphore, #tpu.memory_space<semaphore_mem>>
      %dma_start3A_570 = arith.constant 0 : i32
      %dma_start3A_571 = arith.constant 0 : i32
      %dma_start3A_572 = tpu.memref_slice %arg5[%add3A_557, %dma_start3A_570, %dma_start3A_571] : memref<4096x200x64xf32, #tpu.memory_space<hbm>> -> memref<1x200x64xf32, #tpu.memory_space<hbm>>
      %dma_start3A_573 = tpu.memref_squeeze %dma_start3A_572 : memref<1x200x64xf32, #tpu.memory_space<hbm>> -> memref<200x64xf32, #tpu.memory_space<hbm>>
      %dma_start3A_574 = arith.constant 0 : i32
      %dma_start3A_575 = arith.constant 0 : i32
      %dma_start3A_576 = tpu.memref_slice %arg8[%dma_start3A_558, %dma_start3A_574, %dma_start3A_575] : memref<4x200x64xf32, #tpu.memory_space<vmem>> -> memref<1x200x64xf32, #tpu.memory_space<vmem>>
      %dma_start3A_577 = tpu.memref_squeeze %dma_start3A_576 : memref<1x200x64xf32, #tpu.memory_space<vmem>> -> memref<200x64xf32, #tpu.memory_space<vmem>>
      tpu.enqueue_dma source(%dma_start3A_577 : memref<200x64xf32, #tpu.memory_space<vmem>>) target(%dma_start3A_573 : memref<200x64xf32, #tpu.memory_space<hbm>>) target_semaphore(%dma_start3A_569 : memref<!tpu.dma_semaphore, #tpu.memory_space<semaphore_mem>>)
      %dma_wait3A_578 = arith.constant 0 : i32
      %dma_wait3A_579 = arith.constant 0 : i32
      %dma_wait3A_580 = arith.constant 0 : i32
      %dma_wait3A_581 = arith.constant 0 : i32
      %dma_wait3A_582 = arith.constant 0 : i32
      %dma_wait3A_583 = tpu.memref_slice %arg8[%dma_wait3A_578, %dma_wait3A_581, %dma_wait3A_582] : memref<4x200x64xf32, #tpu.memory_space<vmem>> -> memref<1x200x64xf32, #tpu.memory_space<vmem>>
      %dma_wait3A_584 = tpu.memref_squeeze %dma_wait3A_583 : memref<1x200x64xf32, #tpu.memory_space<vmem>> -> memref<200x64xf32, #tpu.memory_space<vmem>>
      %dma_wait3A_585 = arith.constant 0 : i32
      %dma_wait3A_586 = arith.constant 0 : i32
      %dma_wait3A_587 = tpu.memref_slice %arg5[%dma_wait3A_579, %dma_wait3A_585, %dma_wait3A_586] : memref<4096x200x64xf32, #tpu.memory_space<hbm>> -> memref<1x200x64xf32, #tpu.memory_space<hbm>>
      %dma_wait3A_588 = tpu.memref_squeeze %dma_wait3A_587 : memref<1x200x64xf32, #tpu.memory_space<hbm>> -> memref<200x64xf32, #tpu.memory_space<hbm>>
      %dma_wait3A_589 = tpu.memref_slice %arg10[%dma_wait3A_580] : memref<4x!tpu.dma_semaphore, #tpu.memory_space<semaphore_mem>> -> memref<1x!tpu.dma_semaphore, #tpu.memory_space<semaphore_mem>>
      %dma_wait3A_590 = tpu.memref_squeeze %dma_wait3A_589 : memref<1x!tpu.dma_semaphore, #tpu.memory_space<semaphore_mem>> -> memref<!tpu.dma_semaphore, #tpu.memory_space<semaphore_mem>>
      %dma_wait3A_591 = arith.constant 0 : i32
      %dma_wait3A_592 = arith.constant 0 : i32
      %dma_wait3A_593 = tpu.memref_slice %arg5[%dma_wait3A_579, %dma_wait3A_591, %dma_wait3A_592] : memref<4096x200x64xf32, #tpu.memory_space<hbm>> -> memref<1x200x64xf32, #tpu.memory_space<hbm>>
      %dma_wait3A_594 = tpu.memref_squeeze %dma_wait3A_593 : memref<1x200x64xf32, #tpu.memory_space<hbm>> -> memref<200x64xf32, #tpu.memory_space<hbm>>
      %dma_wait3A_595 = arith.constant 0 : i32
      %dma_wait3A_596 = arith.constant 0 : i32
      %dma_wait3A_597 = tpu.memref_slice %arg8[%dma_wait3A_578, %dma_wait3A_595, %dma_wait3A_596] : memref<4x200x64xf32, #tpu.memory_space<vmem>> -> memref<1x200x64xf32, #tpu.memory_space<vmem>>
      %dma_wait3A_598 = tpu.memref_squeeze %dma_wait3A_597 : memref<1x200x64xf32, #tpu.memory_space<vmem>> -> memref<200x64xf32, #tpu.memory_space<vmem>>
      tpu.wait_dma2 semaphore(%dma_wait3A_590 : memref<!tpu.dma_semaphore, #tpu.memory_space<semaphore_mem>>) src(%dma_wait3A_598 : memref<200x64xf32, #tpu.memory_space<vmem>>) dst(%dma_wait3A_594 : memref<200x64xf32, #tpu.memory_space<hbm>>)
      %add3A_599 = arith.constant 4 : i32
      %add3A_600 = arith.addi %add3A_393, %add3A_599 : i32
      %add3A_601 = arith.constant 0 : i32
      %add3A_602 = arith.addi %add3A_600, %add3A_601 : i32
      %dma_start3A_603 = arith.constant 0 : i32
      %dma_start3A_604 = arith.constant 0 : i32
      %dma_start3A_605 = arith.constant 0 : i32
      %dma_start3A_606 = arith.constant 0 : i32
      %dma_start3A_607 = tpu.memref_slice %arg8[%dma_start3A_603, %dma_start3A_605, %dma_start3A_606] : memref<4x200x64xf32, #tpu.memory_space<vmem>> -> memref<1x104x64xf32, #tpu.memory_space<vmem>>
      %dma_start3A_608 = tpu.memref_squeeze %dma_start3A_607 : memref<1x104x64xf32, #tpu.memory_space<vmem>> -> memref<104x64xf32, #tpu.memory_space<vmem>>
      %dma_start3A_609 = arith.constant 0 : i32
      %dma_start3A_610 = tpu.memref_slice %arg6[%add3A_602, %dma_start3A_609] : memref<128x200xi32, #tpu.memory_space<vmem>> -> memref<1x104xi32, #tpu.memory_space<vmem>>
      %dma_start3A_611 = tpu.memref_squeeze %dma_start3A_610 : memref<1x104xi32, #tpu.memory_space<vmem>> -> memref<104xi32, #tpu.memory_space<vmem>>
      %dma_start3A_612 = arith.constant 0 : i32
      %dma_start3A_613 = arith.constant 0 : i32
      %dma_start3A_614 = tpu.memref_slice %arg3[%dma_start3A_612, %dma_start3A_613] : memref<1000000x64xf32, #tpu.memory_space<hbm>> -> memref<1000000x64xf32, #tpu.memory_space<hbm>>
      %dma_start3A_615 = tpu.memref_slice %arg9[%dma_start3A_604] : memref<4x!tpu.dma_semaphore, #tpu.memory_space<semaphore_mem>> -> memref<1x!tpu.dma_semaphore, #tpu.memory_space<semaphore_mem>>
      %dma_start3A_616 = tpu.memref_squeeze %dma_start3A_615 : memref<1x!tpu.dma_semaphore, #tpu.memory_space<semaphore_mem>> -> memref<!tpu.dma_semaphore, #tpu.memory_space<semaphore_mem>>
      tpu.enqueue_indirect_dma source(%dma_start3A_614 : memref<1000000x64xf32, #tpu.memory_space<hbm>>) target(%dma_start3A_608 : memref<104x64xf32, #tpu.memory_space<vmem>>) offsets(%dma_start3A_611 : memref<104xi32, #tpu.memory_space<vmem>>) semaphore(%dma_start3A_616 : memref<!tpu.dma_semaphore, #tpu.memory_space<semaphore_mem>>)
      %dma_start3A_617 = arith.constant 0 : i32
      %dma_start3A_618 = arith.constant 0 : i32
      %dma_start3A_619 = arith.constant 104 : i32
      %dma_start3A_620 = arith.constant 0 : i32
      %dma_start3A_621 = tpu.memref_slice %arg8[%dma_start3A_617, %dma_start3A_619, %dma_start3A_620] : memref<4x200x64xf32, #tpu.memory_space<vmem>> -> memref<1x96x64xf32, #tpu.memory_space<vmem>>
      %dma_start3A_622 = tpu.memref_squeeze %dma_start3A_621 : memref<1x96x64xf32, #tpu.memory_space<vmem>> -> memref<96x64xf32, #tpu.memory_space<vmem>>
      %dma_start3A_623 = arith.constant 104 : i32
      %dma_start3A_624 = tpu.memref_slice %arg6[%add3A_602, %dma_start3A_623] : memref<128x200xi32, #tpu.memory_space<vmem>> -> memref<1x96xi32, #tpu.memory_space<vmem>>
      %dma_start3A_625 = tpu.memref_squeeze %dma_start3A_624 : memref<1x96xi32, #tpu.memory_space<vmem>> -> memref<96xi32, #tpu.memory_space<vmem>>
      %dma_start3A_626 = arith.constant 0 : i32
      %dma_start3A_627 = arith.constant 0 : i32
      %dma_start3A_628 = tpu.memref_slice %arg3[%dma_start3A_626, %dma_start3A_627] : memref<1000000x64xf32, #tpu.memory_space<hbm>> -> memref<1000000x64xf32, #tpu.memory_space<hbm>>
      %dma_start3A_629 = tpu.memref_slice %arg9[%dma_start3A_618] : memref<4x!tpu.dma_semaphore, #tpu.memory_space<semaphore_mem>> -> memref<1x!tpu.dma_semaphore, #tpu.memory_space<semaphore_mem>>
      %dma_start3A_630 = tpu.memref_squeeze %dma_start3A_629 : memref<1x!tpu.dma_semaphore, #tpu.memory_space<semaphore_mem>> -> memref<!tpu.dma_semaphore, #tpu.memory_space<semaphore_mem>>
      tpu.enqueue_indirect_dma source(%dma_start3A_628 : memref<1000000x64xf32, #tpu.memory_space<hbm>>) target(%dma_start3A_622 : memref<96x64xf32, #tpu.memory_space<vmem>>) offsets(%dma_start3A_625 : memref<96xi32, #tpu.memory_space<vmem>>) semaphore(%dma_start3A_630 : memref<!tpu.dma_semaphore, #tpu.memory_space<semaphore_mem>>)
      %dma_wait3A_631 = arith.constant 1 : i32
      %dma_wait3A_632 = arith.constant 0 : i32
      %dma_wait3A_633 = arith.constant 1 : i32
      %dma_wait3A_634 = arith.constant 0 : i32
      %dma_wait3A_635 = arith.constant 0 : i32
      %dma_wait3A_636 = tpu.memref_slice %arg8[%dma_wait3A_631, %dma_wait3A_634, %dma_wait3A_635] : memref<4x200x64xf32, #tpu.memory_space<vmem>> -> memref<1x200x64xf32, #tpu.memory_space<vmem>>
      %dma_wait3A_637 = tpu.memref_squeeze %dma_wait3A_636 : memref<1x200x64xf32, #tpu.memory_space<vmem>> -> memref<200x64xf32, #tpu.memory_space<vmem>>
      %dma_wait3A_638 = arith.constant 0 : i32
      %dma_wait3A_639 = arith.constant 0 : i32
      %dma_wait3A_640 = tpu.memref_slice %arg5[%dma_wait3A_632, %dma_wait3A_638, %dma_wait3A_639] : memref<4096x200x64xf32, #tpu.memory_space<hbm>> -> memref<1x200x64xf32, #tpu.memory_space<hbm>>
      %dma_wait3A_641 = tpu.memref_squeeze %dma_wait3A_640 : memref<1x200x64xf32, #tpu.memory_space<hbm>> -> memref<200x64xf32, #tpu.memory_space<hbm>>
      %dma_wait3A_642 = tpu.memref_slice %arg10[%dma_wait3A_633] : memref<4x!tpu.dma_semaphore, #tpu.memory_space<semaphore_mem>> -> memref<1x!tpu.dma_semaphore, #tpu.memory_space<semaphore_mem>>
      %dma_wait3A_643 = tpu.memref_squeeze %dma_wait3A_642 : memref<1x!tpu.dma_semaphore, #tpu.memory_space<semaphore_mem>> -> memref<!tpu.dma_semaphore, #tpu.memory_space<semaphore_mem>>
      %dma_wait3A_644 = arith.constant 0 : i32
      %dma_wait3A_645 = arith.constant 0 : i32
      %dma_wait3A_646 = tpu.memref_slice %arg5[%dma_wait3A_632, %dma_wait3A_644, %dma_wait3A_645] : memref<4096x200x64xf32, #tpu.memory_space<hbm>> -> memref<1x200x64xf32, #tpu.memory_space<hbm>>
      %dma_wait3A_647 = tpu.memref_squeeze %dma_wait3A_646 : memref<1x200x64xf32, #tpu.memory_space<hbm>> -> memref<200x64xf32, #tpu.memory_space<hbm>>
      %dma_wait3A_648 = arith.constant 0 : i32
      %dma_wait3A_649 = arith.constant 0 : i32
      %dma_wait3A_650 = tpu.memref_slice %arg8[%dma_wait3A_631, %dma_wait3A_648, %dma_wait3A_649] : memref<4x200x64xf32, #tpu.memory_space<vmem>> -> memref<1x200x64xf32, #tpu.memory_space<vmem>>
      %dma_wait3A_651 = tpu.memref_squeeze %dma_wait3A_650 : memref<1x200x64xf32, #tpu.memory_space<vmem>> -> memref<200x64xf32, #tpu.memory_space<vmem>>
      tpu.wait_dma2 semaphore(%dma_wait3A_643 : memref<!tpu.dma_semaphore, #tpu.memory_space<semaphore_mem>>) src(%dma_wait3A_651 : memref<200x64xf32, #tpu.memory_space<vmem>>) dst(%dma_wait3A_647 : memref<200x64xf32, #tpu.memory_space<hbm>>)
      %add3A_652 = arith.constant 4 : i32
      %add3A_653 = arith.addi %add3A_393, %add3A_652 : i32
      %add3A_654 = arith.constant 1 : i32
      %add3A_655 = arith.addi %add3A_653, %add3A_654 : i32
      %dma_start3A_656 = arith.constant 1 : i32
      %dma_start3A_657 = arith.constant 1 : i32
      %dma_start3A_658 = arith.constant 0 : i32
      %dma_start3A_659 = arith.constant 0 : i32
      %dma_start3A_660 = tpu.memref_slice %arg8[%dma_start3A_656, %dma_start3A_658, %dma_start3A_659] : memref<4x200x64xf32, #tpu.memory_space<vmem>> -> memref<1x104x64xf32, #tpu.memory_space<vmem>>
      %dma_start3A_661 = tpu.memref_squeeze %dma_start3A_660 : memref<1x104x64xf32, #tpu.memory_space<vmem>> -> memref<104x64xf32, #tpu.memory_space<vmem>>
      %dma_start3A_662 = arith.constant 0 : i32
      %dma_start3A_663 = tpu.memref_slice %arg6[%add3A_655, %dma_start3A_662] : memref<128x200xi32, #tpu.memory_space<vmem>> -> memref<1x104xi32, #tpu.memory_space<vmem>>
      %dma_start3A_664 = tpu.memref_squeeze %dma_start3A_663 : memref<1x104xi32, #tpu.memory_space<vmem>> -> memref<104xi32, #tpu.memory_space<vmem>>
      %dma_start3A_665 = arith.constant 0 : i32
      %dma_start3A_666 = arith.constant 0 : i32
      %dma_start3A_667 = tpu.memref_slice %arg3[%dma_start3A_665, %dma_start3A_666] : memref<1000000x64xf32, #tpu.memory_space<hbm>> -> memref<1000000x64xf32, #tpu.memory_space<hbm>>
      %dma_start3A_668 = tpu.memref_slice %arg9[%dma_start3A_657] : memref<4x!tpu.dma_semaphore, #tpu.memory_space<semaphore_mem>> -> memref<1x!tpu.dma_semaphore, #tpu.memory_space<semaphore_mem>>
      %dma_start3A_669 = tpu.memref_squeeze %dma_start3A_668 : memref<1x!tpu.dma_semaphore, #tpu.memory_space<semaphore_mem>> -> memref<!tpu.dma_semaphore, #tpu.memory_space<semaphore_mem>>
      tpu.enqueue_indirect_dma source(%dma_start3A_667 : memref<1000000x64xf32, #tpu.memory_space<hbm>>) target(%dma_start3A_661 : memref<104x64xf32, #tpu.memory_space<vmem>>) offsets(%dma_start3A_664 : memref<104xi32, #tpu.memory_space<vmem>>) semaphore(%dma_start3A_669 : memref<!tpu.dma_semaphore, #tpu.memory_space<semaphore_mem>>)
      %dma_start3A_670 = arith.constant 1 : i32
      %dma_start3A_671 = arith.constant 1 : i32
      %dma_start3A_672 = arith.constant 104 : i32
      %dma_start3A_673 = arith.constant 0 : i32
      %dma_start3A_674 = tpu.memref_slice %arg8[%dma_start3A_670, %dma_start3A_672, %dma_start3A_673] : memref<4x200x64xf32, #tpu.memory_space<vmem>> -> memref<1x96x64xf32, #tpu.memory_space<vmem>>
      %dma_start3A_675 = tpu.memref_squeeze %dma_start3A_674 : memref<1x96x64xf32, #tpu.memory_space<vmem>> -> memref<96x64xf32, #tpu.memory_space<vmem>>
      %dma_start3A_676 = arith.constant 104 : i32
      %dma_start3A_677 = tpu.memref_slice %arg6[%add3A_655, %dma_start3A_676] : memref<128x200xi32, #tpu.memory_space<vmem>> -> memref<1x96xi32, #tpu.memory_space<vmem>>
      %dma_start3A_678 = tpu.memref_squeeze %dma_start3A_677 : memref<1x96xi32, #tpu.memory_space<vmem>> -> memref<96xi32, #tpu.memory_space<vmem>>
      %dma_start3A_679 = arith.constant 0 : i32
      %dma_start3A_680 = arith.constant 0 : i32
      %dma_start3A_681 = tpu.memref_slice %arg3[%dma_start3A_679, %dma_start3A_680] : memref<1000000x64xf32, #tpu.memory_space<hbm>> -> memref<1000000x64xf32, #tpu.memory_space<hbm>>
      %dma_start3A_682 = tpu.memref_slice %arg9[%dma_start3A_671] : memref<4x!tpu.dma_semaphore, #tpu.memory_space<semaphore_mem>> -> memref<1x!tpu.dma_semaphore, #tpu.memory_space<semaphore_mem>>
      %dma_start3A_683 = tpu.memref_squeeze %dma_start3A_682 : memref<1x!tpu.dma_semaphore, #tpu.memory_space<semaphore_mem>> -> memref<!tpu.dma_semaphore, #tpu.memory_space<semaphore_mem>>
      tpu.enqueue_indirect_dma source(%dma_start3A_681 : memref<1000000x64xf32, #tpu.memory_space<hbm>>) target(%dma_start3A_675 : memref<96x64xf32, #tpu.memory_space<vmem>>) offsets(%dma_start3A_678 : memref<96xi32, #tpu.memory_space<vmem>>) semaphore(%dma_start3A_683 : memref<!tpu.dma_semaphore, #tpu.memory_space<semaphore_mem>>)
      %dma_wait3A_684 = arith.constant 2 : i32
      %dma_wait3A_685 = arith.constant 0 : i32
      %dma_wait3A_686 = arith.constant 2 : i32
      %dma_wait3A_687 = arith.constant 0 : i32
      %dma_wait3A_688 = arith.constant 0 : i32
      %dma_wait3A_689 = tpu.memref_slice %arg8[%dma_wait3A_684, %dma_wait3A_687, %dma_wait3A_688] : memref<4x200x64xf32, #tpu.memory_space<vmem>> -> memref<1x200x64xf32, #tpu.memory_space<vmem>>
      %dma_wait3A_690 = tpu.memref_squeeze %dma_wait3A_689 : memref<1x200x64xf32, #tpu.memory_space<vmem>> -> memref<200x64xf32, #tpu.memory_space<vmem>>
      %dma_wait3A_691 = arith.constant 0 : i32
      %dma_wait3A_692 = arith.constant 0 : i32
      %dma_wait3A_693 = tpu.memref_slice %arg5[%dma_wait3A_685, %dma_wait3A_691, %dma_wait3A_692] : memref<4096x200x64xf32, #tpu.memory_space<hbm>> -> memref<1x200x64xf32, #tpu.memory_space<hbm>>
      %dma_wait3A_694 = tpu.memref_squeeze %dma_wait3A_693 : memref<1x200x64xf32, #tpu.memory_space<hbm>> -> memref<200x64xf32, #tpu.memory_space<hbm>>
      %dma_wait3A_695 = tpu.memref_slice %arg10[%dma_wait3A_686] : memref<4x!tpu.dma_semaphore, #tpu.memory_space<semaphore_mem>> -> memref<1x!tpu.dma_semaphore, #tpu.memory_space<semaphore_mem>>
      %dma_wait3A_696 = tpu.memref_squeeze %dma_wait3A_695 : memref<1x!tpu.dma_semaphore, #tpu.memory_space<semaphore_mem>> -> memref<!tpu.dma_semaphore, #tpu.memory_space<semaphore_mem>>
      %dma_wait3A_697 = arith.constant 0 : i32
      %dma_wait3A_698 = arith.constant 0 : i32
      %dma_wait3A_699 = tpu.memref_slice %arg5[%dma_wait3A_685, %dma_wait3A_697, %dma_wait3A_698] : memref<4096x200x64xf32, #tpu.memory_space<hbm>> -> memref<1x200x64xf32, #tpu.memory_space<hbm>>
      %dma_wait3A_700 = tpu.memref_squeeze %dma_wait3A_699 : memref<1x200x64xf32, #tpu.memory_space<hbm>> -> memref<200x64xf32, #tpu.memory_space<hbm>>
      %dma_wait3A_701 = arith.constant 0 : i32
      %dma_wait3A_702 = arith.constant 0 : i32
      %dma_wait3A_703 = tpu.memref_slice %arg8[%dma_wait3A_684, %dma_wait3A_701, %dma_wait3A_702] : memref<4x200x64xf32, #tpu.memory_space<vmem>> -> memref<1x200x64xf32, #tpu.memory_space<vmem>>
      %dma_wait3A_704 = tpu.memref_squeeze %dma_wait3A_703 : memref<1x200x64xf32, #tpu.memory_space<vmem>> -> memref<200x64xf32, #tpu.memory_space<vmem>>
      tpu.wait_dma2 semaphore(%dma_wait3A_696 : memref<!tpu.dma_semaphore, #tpu.memory_space<semaphore_mem>>) src(%dma_wait3A_704 : memref<200x64xf32, #tpu.memory_space<vmem>>) dst(%dma_wait3A_700 : memref<200x64xf32, #tpu.memory_space<hbm>>)
      %add3A_705 = arith.constant 4 : i32
      %add3A_706 = arith.addi %add3A_393, %add3A_705 : i32
      %add3A_707 = arith.constant 2 : i32
      %add3A_708 = arith.addi %add3A_706, %add3A_707 : i32
      %dma_start3A_709 = arith.constant 2 : i32
      %dma_start3A_710 = arith.constant 2 : i32
      %dma_start3A_711 = arith.constant 0 : i32
      %dma_start3A_712 = arith.constant 0 : i32
      %dma_start3A_713 = tpu.memref_slice %arg8[%dma_start3A_709, %dma_start3A_711, %dma_start3A_712] : memref<4x200x64xf32, #tpu.memory_space<vmem>> -> memref<1x104x64xf32, #tpu.memory_space<vmem>>
      %dma_start3A_714 = tpu.memref_squeeze %dma_start3A_713 : memref<1x104x64xf32, #tpu.memory_space<vmem>> -> memref<104x64xf32, #tpu.memory_space<vmem>>
      %dma_start3A_715 = arith.constant 0 : i32
      %dma_start3A_716 = tpu.memref_slice %arg6[%add3A_708, %dma_start3A_715] : memref<128x200xi32, #tpu.memory_space<vmem>> -> memref<1x104xi32, #tpu.memory_space<vmem>>
      %dma_start3A_717 = tpu.memref_squeeze %dma_start3A_716 : memref<1x104xi32, #tpu.memory_space<vmem>> -> memref<104xi32, #tpu.memory_space<vmem>>
      %dma_start3A_718 = arith.constant 0 : i32
      %dma_start3A_719 = arith.constant 0 : i32
      %dma_start3A_720 = tpu.memref_slice %arg3[%dma_start3A_718, %dma_start3A_719] : memref<1000000x64xf32, #tpu.memory_space<hbm>> -> memref<1000000x64xf32, #tpu.memory_space<hbm>>
      %dma_start3A_721 = tpu.memref_slice %arg9[%dma_start3A_710] : memref<4x!tpu.dma_semaphore, #tpu.memory_space<semaphore_mem>> -> memref<1x!tpu.dma_semaphore, #tpu.memory_space<semaphore_mem>>
      %dma_start3A_722 = tpu.memref_squeeze %dma_start3A_721 : memref<1x!tpu.dma_semaphore, #tpu.memory_space<semaphore_mem>> -> memref<!tpu.dma_semaphore, #tpu.memory_space<semaphore_mem>>
      tpu.enqueue_indirect_dma source(%dma_start3A_720 : memref<1000000x64xf32, #tpu.memory_space<hbm>>) target(%dma_start3A_714 : memref<104x64xf32, #tpu.memory_space<vmem>>) offsets(%dma_start3A_717 : memref<104xi32, #tpu.memory_space<vmem>>) semaphore(%dma_start3A_722 : memref<!tpu.dma_semaphore, #tpu.memory_space<semaphore_mem>>)
      %dma_start3A_723 = arith.constant 2 : i32
      %dma_start3A_724 = arith.constant 2 : i32
      %dma_start3A_725 = arith.constant 104 : i32
      %dma_start3A_726 = arith.constant 0 : i32
      %dma_start3A_727 = tpu.memref_slice %arg8[%dma_start3A_723, %dma_start3A_725, %dma_start3A_726] : memref<4x200x64xf32, #tpu.memory_space<vmem>> -> memref<1x96x64xf32, #tpu.memory_space<vmem>>
      %dma_start3A_728 = tpu.memref_squeeze %dma_start3A_727 : memref<1x96x64xf32, #tpu.memory_space<vmem>> -> memref<96x64xf32, #tpu.memory_space<vmem>>
      %dma_start3A_729 = arith.constant 104 : i32
      %dma_start3A_730 = tpu.memref_slice %arg6[%add3A_708, %dma_start3A_729] : memref<128x200xi32, #tpu.memory_space<vmem>> -> memref<1x96xi32, #tpu.memory_space<vmem>>
      %dma_start3A_731 = tpu.memref_squeeze %dma_start3A_730 : memref<1x96xi32, #tpu.memory_space<vmem>> -> memref<96xi32, #tpu.memory_space<vmem>>
      %dma_start3A_732 = arith.constant 0 : i32
      %dma_start3A_733 = arith.constant 0 : i32
      %dma_start3A_734 = tpu.memref_slice %arg3[%dma_start3A_732, %dma_start3A_733] : memref<1000000x64xf32, #tpu.memory_space<hbm>> -> memref<1000000x64xf32, #tpu.memory_space<hbm>>
      %dma_start3A_735 = tpu.memref_slice %arg9[%dma_start3A_724] : memref<4x!tpu.dma_semaphore, #tpu.memory_space<semaphore_mem>> -> memref<1x!tpu.dma_semaphore, #tpu.memory_space<semaphore_mem>>
      %dma_start3A_736 = tpu.memref_squeeze %dma_start3A_735 : memref<1x!tpu.dma_semaphore, #tpu.memory_space<semaphore_mem>> -> memref<!tpu.dma_semaphore, #tpu.memory_space<semaphore_mem>>
      tpu.enqueue_indirect_dma source(%dma_start3A_734 : memref<1000000x64xf32, #tpu.memory_space<hbm>>) target(%dma_start3A_728 : memref<96x64xf32, #tpu.memory_space<vmem>>) offsets(%dma_start3A_731 : memref<96xi32, #tpu.memory_space<vmem>>) semaphore(%dma_start3A_736 : memref<!tpu.dma_semaphore, #tpu.memory_space<semaphore_mem>>)
      %dma_wait3A_737 = arith.constant 3 : i32
      %dma_wait3A_738 = arith.constant 0 : i32
      %dma_wait3A_739 = arith.constant 3 : i32
      %dma_wait3A_740 = arith.constant 0 : i32
      %dma_wait3A_741 = arith.constant 0 : i32
      %dma_wait3A_742 = tpu.memref_slice %arg8[%dma_wait3A_737, %dma_wait3A_740, %dma_wait3A_741] : memref<4x200x64xf32, #tpu.memory_space<vmem>> -> memref<1x200x64xf32, #tpu.memory_space<vmem>>
      %dma_wait3A_743 = tpu.memref_squeeze %dma_wait3A_742 : memref<1x200x64xf32, #tpu.memory_space<vmem>> -> memref<200x64xf32, #tpu.memory_space<vmem>>
      %dma_wait3A_744 = arith.constant 0 : i32
      %dma_wait3A_745 = arith.constant 0 : i32
      %dma_wait3A_746 = tpu.memref_slice %arg5[%dma_wait3A_738, %dma_wait3A_744, %dma_wait3A_745] : memref<4096x200x64xf32, #tpu.memory_space<hbm>> -> memref<1x200x64xf32, #tpu.memory_space<hbm>>
      %dma_wait3A_747 = tpu.memref_squeeze %dma_wait3A_746 : memref<1x200x64xf32, #tpu.memory_space<hbm>> -> memref<200x64xf32, #tpu.memory_space<hbm>>
      %dma_wait3A_748 = tpu.memref_slice %arg10[%dma_wait3A_739] : memref<4x!tpu.dma_semaphore, #tpu.memory_space<semaphore_mem>> -> memref<1x!tpu.dma_semaphore, #tpu.memory_space<semaphore_mem>>
      %dma_wait3A_749 = tpu.memref_squeeze %dma_wait3A_748 : memref<1x!tpu.dma_semaphore, #tpu.memory_space<semaphore_mem>> -> memref<!tpu.dma_semaphore, #tpu.memory_space<semaphore_mem>>
      %dma_wait3A_750 = arith.constant 0 : i32
      %dma_wait3A_751 = arith.constant 0 : i32
      %dma_wait3A_752 = tpu.memref_slice %arg5[%dma_wait3A_738, %dma_wait3A_750, %dma_wait3A_751] : memref<4096x200x64xf32, #tpu.memory_space<hbm>> -> memref<1x200x64xf32, #tpu.memory_space<hbm>>
      %dma_wait3A_753 = tpu.memref_squeeze %dma_wait3A_752 : memref<1x200x64xf32, #tpu.memory_space<hbm>> -> memref<200x64xf32, #tpu.memory_space<hbm>>
      %dma_wait3A_754 = arith.constant 0 : i32
      %dma_wait3A_755 = arith.constant 0 : i32
      %dma_wait3A_756 = tpu.memref_slice %arg8[%dma_wait3A_737, %dma_wait3A_754, %dma_wait3A_755] : memref<4x200x64xf32, #tpu.memory_space<vmem>> -> memref<1x200x64xf32, #tpu.memory_space<vmem>>
      %dma_wait3A_757 = tpu.memref_squeeze %dma_wait3A_756 : memref<1x200x64xf32, #tpu.memory_space<vmem>> -> memref<200x64xf32, #tpu.memory_space<vmem>>
      tpu.wait_dma2 semaphore(%dma_wait3A_749 : memref<!tpu.dma_semaphore, #tpu.memory_space<semaphore_mem>>) src(%dma_wait3A_757 : memref<200x64xf32, #tpu.memory_space<vmem>>) dst(%dma_wait3A_753 : memref<200x64xf32, #tpu.memory_space<hbm>>)
      %add3A_758 = arith.constant 4 : i32
      %add3A_759 = arith.addi %add3A_393, %add3A_758 : i32
      %add3A_760 = arith.constant 3 : i32
      %add3A_761 = arith.addi %add3A_759, %add3A_760 : i32
      %dma_start3A_762 = arith.constant 3 : i32
      %dma_start3A_763 = arith.constant 3 : i32
      %dma_start3A_764 = arith.constant 0 : i32
      %dma_start3A_765 = arith.constant 0 : i32
      %dma_start3A_766 = tpu.memref_slice %arg8[%dma_start3A_762, %dma_start3A_764, %dma_start3A_765] : memref<4x200x64xf32, #tpu.memory_space<vmem>> -> memref<1x104x64xf32, #tpu.memory_space<vmem>>
      %dma_start3A_767 = tpu.memref_squeeze %dma_start3A_766 : memref<1x104x64xf32, #tpu.memory_space<vmem>> -> memref<104x64xf32, #tpu.memory_space<vmem>>
      %dma_start3A_768 = arith.constant 0 : i32
      %dma_start3A_769 = tpu.memref_slice %arg6[%add3A_761, %dma_start3A_768] : memref<128x200xi32, #tpu.memory_space<vmem>> -> memref<1x104xi32, #tpu.memory_space<vmem>>
      %dma_start3A_770 = tpu.memref_squeeze %dma_start3A_769 : memref<1x104xi32, #tpu.memory_space<vmem>> -> memref<104xi32, #tpu.memory_space<vmem>>
      %dma_start3A_771 = arith.constant 0 : i32
      %dma_start3A_772 = arith.constant 0 : i32
      %dma_start3A_773 = tpu.memref_slice %arg3[%dma_start3A_771, %dma_start3A_772] : memref<1000000x64xf32, #tpu.memory_space<hbm>> -> memref<1000000x64xf32, #tpu.memory_space<hbm>>
      %dma_start3A_774 = tpu.memref_slice %arg9[%dma_start3A_763] : memref<4x!tpu.dma_semaphore, #tpu.memory_space<semaphore_mem>> -> memref<1x!tpu.dma_semaphore, #tpu.memory_space<semaphore_mem>>
      %dma_start3A_775 = tpu.memref_squeeze %dma_start3A_774 : memref<1x!tpu.dma_semaphore, #tpu.memory_space<semaphore_mem>> -> memref<!tpu.dma_semaphore, #tpu.memory_space<semaphore_mem>>
      tpu.enqueue_indirect_dma source(%dma_start3A_773 : memref<1000000x64xf32, #tpu.memory_space<hbm>>) target(%dma_start3A_767 : memref<104x64xf32, #tpu.memory_space<vmem>>) offsets(%dma_start3A_770 : memref<104xi32, #tpu.memory_space<vmem>>) semaphore(%dma_start3A_775 : memref<!tpu.dma_semaphore, #tpu.memory_space<semaphore_mem>>)
      %dma_start3A_776 = arith.constant 3 : i32
      %dma_start3A_777 = arith.constant 3 : i32
      %dma_start3A_778 = arith.constant 104 : i32
      %dma_start3A_779 = arith.constant 0 : i32
      %dma_start3A_780 = tpu.memref_slice %arg8[%dma_start3A_776, %dma_start3A_778, %dma_start3A_779] : memref<4x200x64xf32, #tpu.memory_space<vmem>> -> memref<1x96x64xf32, #tpu.memory_space<vmem>>
      %dma_start3A_781 = tpu.memref_squeeze %dma_start3A_780 : memref<1x96x64xf32, #tpu.memory_space<vmem>> -> memref<96x64xf32, #tpu.memory_space<vmem>>
      %dma_start3A_782 = arith.constant 104 : i32
      %dma_start3A_783 = tpu.memref_slice %arg6[%add3A_761, %dma_start3A_782] : memref<128x200xi32, #tpu.memory_space<vmem>> -> memref<1x96xi32, #tpu.memory_space<vmem>>
      %dma_start3A_784 = tpu.memref_squeeze %dma_start3A_783 : memref<1x96xi32, #tpu.memory_space<vmem>> -> memref<96xi32, #tpu.memory_space<vmem>>
      %dma_start3A_785 = arith.constant 0 : i32
      %dma_start3A_786 = arith.constant 0 : i32
      %dma_start3A_787 = tpu.memref_slice %arg3[%dma_start3A_785, %dma_start3A_786] : memref<1000000x64xf32, #tpu.memory_space<hbm>> -> memref<1000000x64xf32, #tpu.memory_space<hbm>>
      %dma_start3A_788 = tpu.memref_slice %arg9[%dma_start3A_777] : memref<4x!tpu.dma_semaphore, #tpu.memory_space<semaphore_mem>> -> memref<1x!tpu.dma_semaphore, #tpu.memory_space<semaphore_mem>>
      %dma_start3A_789 = tpu.memref_squeeze %dma_start3A_788 : memref<1x!tpu.dma_semaphore, #tpu.memory_space<semaphore_mem>> -> memref<!tpu.dma_semaphore, #tpu.memory_space<semaphore_mem>>
      tpu.enqueue_indirect_dma source(%dma_start3A_787 : memref<1000000x64xf32, #tpu.memory_space<hbm>>) target(%dma_start3A_781 : memref<96x64xf32, #tpu.memory_space<vmem>>) offsets(%dma_start3A_784 : memref<96xi32, #tpu.memory_space<vmem>>) semaphore(%dma_start3A_789 : memref<!tpu.dma_semaphore, #tpu.memory_space<semaphore_mem>>)
    }
    %scan3A_125 = arith.constant 31 : i32
    %dma_wait3A = arith.constant 0 : i32
    %dma_wait3A_126 = arith.constant 0 : i32
    %dma_wait3A_127 = arith.constant 0 : i32
    %dma_wait3A_128 = arith.constant 0 : i32
    %dma_wait3A_129 = tpu.memref_slice %arg8[%dma_wait3A, %dma_wait3A_127, %dma_wait3A_128] : memref<4x200x64xf32, #tpu.memory_space<vmem>> -> memref<1x200x64xf32, #tpu.memory_space<vmem>>
    %dma_wait3A_130 = tpu.memref_squeeze %dma_wait3A_129 : memref<1x200x64xf32, #tpu.memory_space<vmem>> -> memref<200x64xf32, #tpu.memory_space<vmem>>
    %dma_wait3A_131 = arith.constant 0 : i32
    %dma_wait3A_132 = arith.constant 0 : i32
    %dma_wait3A_133 = tpu.memref_slice %arg3[%dma_wait3A_131, %dma_wait3A_132] : memref<1000000x64xf32, #tpu.memory_space<hbm>> -> memref<200x64xf32, #tpu.memory_space<hbm>>
    %dma_wait3A_134 = tpu.memref_slice %arg9[%dma_wait3A_126] : memref<4x!tpu.dma_semaphore, #tpu.memory_space<semaphore_mem>> -> memref<1x!tpu.dma_semaphore, #tpu.memory_space<semaphore_mem>>
    %dma_wait3A_135 = tpu.memref_squeeze %dma_wait3A_134 : memref<1x!tpu.dma_semaphore, #tpu.memory_space<semaphore_mem>> -> memref<!tpu.dma_semaphore, #tpu.memory_space<semaphore_mem>>
    %dma_wait3A_136 = arith.constant 0 : i32
    %dma_wait3A_137 = arith.constant 0 : i32
    %dma_wait3A_138 = tpu.memref_slice %arg8[%dma_wait3A, %dma_wait3A_136, %dma_wait3A_137] : memref<4x200x64xf32, #tpu.memory_space<vmem>> -> memref<1x200x64xf32, #tpu.memory_space<vmem>>
    %dma_wait3A_139 = tpu.memref_squeeze %dma_wait3A_138 : memref<1x200x64xf32, #tpu.memory_space<vmem>> -> memref<200x64xf32, #tpu.memory_space<vmem>>
    %dma_wait3A_140 = arith.constant 0 : i32
    %dma_wait3A_141 = arith.constant 0 : i32
    %dma_wait3A_142 = tpu.memref_slice %arg3[%dma_wait3A_140, %dma_wait3A_141] : memref<1000000x64xf32, #tpu.memory_space<hbm>> -> memref<200x64xf32, #tpu.memory_space<hbm>>
    tpu.wait_dma2 semaphore(%dma_wait3A_135 : memref<!tpu.dma_semaphore, #tpu.memory_space<semaphore_mem>>) src(%dma_wait3A_142 : memref<200x64xf32, #tpu.memory_space<hbm>>) dst(%dma_wait3A_139 : memref<200x64xf32, #tpu.memory_space<vmem>>)
    %scan3A_143 = arith.constant 0 : i32
    %scan3A_144 = arith.constant 200 : i32
    %scan3A_145 = arith.addi %scan3A_143, %scan3A_144 : i32
    %scan3A_146 = arith.constant 8 : i32
    scf.for %scan3A_389 = %scan3A_143 to %scan3A_145 step %scan3A_146  : i32 {
      %mul3A_390 = arith.constant 1 : i32
      %mul3A_391 = arith.muli %scan3A_389, %mul3A_390 : i32
      %add3A_392 = arith.constant 0 : i32
      %add3A_393 = arith.addi %add3A_392, %mul3A_391 : i32
      %get3A = arith.index_cast %add3A_393 : i32 to index
      %get3A_394 = arith.constant 0 : index
      %get3A_395 = tpu.vector_load %arg7[%get3A, %get3A_394] {strides = array<i32>} : memref<200x64xf32, #tpu.memory_space<vmem>>, vector<1x16xf32>,
      %get3A_396 = vector.shape_cast %get3A_395 : vector<1x16xf32> to vector<16xf32>
      %swap3A = arith.constant 0 : i32
      %swap3A_397 = arith.index_cast %swap3A : i32 to index
      %swap3A_398 = arith.index_cast %add3A_393 : i32 to index
      %swap3A_399 = arith.constant 0 : index
      %swap3A_400 = tpu.vector_load %arg8[%swap3A_397, %swap3A_398, %swap3A_399] {strides = array<i32>} : memref<4x200x64xf32, #tpu.memory_space<vmem>>, vector<1x1x16xf32>,
      %swap3A_401 = vector.shape_cast %swap3A_400 : vector<1x1x16xf32> to vector<16xf32>
      %swap3A_402 = vector.shape_cast %get3A_396 : vector<16xf32> to vector<1x1x16xf32>
      tpu.vector_store %arg8[%swap3A_397, %swap3A_398, %swap3A_399], %swap3A_402 {add = true, strides = array<i32>} : memref<4x200x64xf32, #tpu.memory_space<vmem>>, vector<1x1x16xf32>,
      %get3A_403 = arith.index_cast %add3A_393 : i32 to index
      %get3A_404 = arith.constant 16 : index
      %get3A_405 = tpu.vector_load %arg7[%get3A_403, %get3A_404] {strides = array<i32>} : memref<200x64xf32, #tpu.memory_space<vmem>>, vector<1x16xf32>,
      %get3A_406 = vector.shape_cast %get3A_405 : vector<1x16xf32> to vector<16xf32>
      %swap3A_407 = arith.constant 0 : i32
      %swap3A_408 = arith.index_cast %swap3A_407 : i32 to index
      %swap3A_409 = arith.index_cast %add3A_393 : i32 to index
      %swap3A_410 = arith.constant 16 : index
      %swap3A_411 = tpu.vector_load %arg8[%swap3A_408, %swap3A_409, %swap3A_410] {strides = array<i32>} : memref<4x200x64xf32, #tpu.memory_space<vmem>>, vector<1x1x16xf32>,
      %swap3A_412 = vector.shape_cast %swap3A_411 : vector<1x1x16xf32> to vector<16xf32>
      %swap3A_413 = vector.shape_cast %get3A_406 : vector<16xf32> to vector<1x1x16xf32>
      tpu.vector_store %arg8[%swap3A_408, %swap3A_409, %swap3A_410], %swap3A_413 {add = true, strides = array<i32>} : memref<4x200x64xf32, #tpu.memory_space<vmem>>, vector<1x1x16xf32>,
      %get3A_414 = arith.index_cast %add3A_393 : i32 to index
      %get3A_415 = arith.constant 32 : index
      %get3A_416 = tpu.vector_load %arg7[%get3A_414, %get3A_415] {strides = array<i32>} : memref<200x64xf32, #tpu.memory_space<vmem>>, vector<1x16xf32>,
      %get3A_417 = vector.shape_cast %get3A_416 : vector<1x16xf32> to vector<16xf32>
      %swap3A_418 = arith.constant 0 : i32
      %swap3A_419 = arith.index_cast %swap3A_418 : i32 to index
      %swap3A_420 = arith.index_cast %add3A_393 : i32 to index
      %swap3A_421 = arith.constant 32 : index
      %swap3A_422 = tpu.vector_load %arg8[%swap3A_419, %swap3A_420, %swap3A_421] {strides = array<i32>} : memref<4x200x64xf32, #tpu.memory_space<vmem>>, vector<1x1x16xf32>,
      %swap3A_423 = vector.shape_cast %swap3A_422 : vector<1x1x16xf32> to vector<16xf32>
      %swap3A_424 = vector.shape_cast %get3A_417 : vector<16xf32> to vector<1x1x16xf32>
      tpu.vector_store %arg8[%swap3A_419, %swap3A_420, %swap3A_421], %swap3A_424 {add = true, strides = array<i32>} : memref<4x200x64xf32, #tpu.memory_space<vmem>>, vector<1x1x16xf32>,
      %get3A_425 = arith.index_cast %add3A_393 : i32 to index
      %get3A_426 = arith.constant 48 : index
      %get3A_427 = tpu.vector_load %arg7[%get3A_425, %get3A_426] {strides = array<i32>} : memref<200x64xf32, #tpu.memory_space<vmem>>, vector<1x16xf32>,
      %get3A_428 = vector.shape_cast %get3A_427 : vector<1x16xf32> to vector<16xf32>
      %swap3A_429 = arith.constant 0 : i32
      %swap3A_430 = arith.index_cast %swap3A_429 : i32 to index
      %swap3A_431 = arith.index_cast %add3A_393 : i32 to index
      %swap3A_432 = arith.constant 48 : index
      %swap3A_433 = tpu.vector_load %arg8[%swap3A_430, %swap3A_431, %swap3A_432] {strides = array<i32>} : memref<4x200x64xf32, #tpu.memory_space<vmem>>, vector<1x1x16xf32>,
      %swap3A_434 = vector.shape_cast %swap3A_433 : vector<1x1x16xf32> to vector<16xf32>
      %swap3A_435 = vector.shape_cast %get3A_428 : vector<16xf32> to vector<1x1x16xf32>
      tpu.vector_store %arg8[%swap3A_430, %swap3A_431, %swap3A_432], %swap3A_435 {add = true, strides = array<i32>} : memref<4x200x64xf32, #tpu.memory_space<vmem>>, vector<1x1x16xf32>,
      %scan3A_436 = arith.constant 1 : i32
      %scan3A_437 = arith.addi %scan3A_389, %scan3A_436 : i32
      %mul3A_438 = arith.constant 1 : i32
      %mul3A_439 = arith.muli %scan3A_437, %mul3A_438 : i32
      %add3A_440 = arith.constant 0 : i32
      %add3A_441 = arith.addi %add3A_440, %mul3A_439 : i32
      %get3A_442 = arith.index_cast %add3A_441 : i32 to index
      %get3A_443 = arith.constant 0 : index
      %get3A_444 = tpu.vector_load %arg7[%get3A_442, %get3A_443] {strides = array<i32>} : memref<200x64xf32, #tpu.memory_space<vmem>>, vector<1x16xf32>,
      %get3A_445 = vector.shape_cast %get3A_444 : vector<1x16xf32> to vector<16xf32>
      %swap3A_446 = arith.constant 0 : i32
      %swap3A_447 = arith.index_cast %swap3A_446 : i32 to index
      %swap3A_448 = arith.index_cast %add3A_441 : i32 to index
      %swap3A_449 = arith.constant 0 : index
      %swap3A_450 = tpu.vector_load %arg8[%swap3A_447, %swap3A_448, %swap3A_449] {strides = array<i32>} : memref<4x200x64xf32, #tpu.memory_space<vmem>>, vector<1x1x16xf32>,
      %swap3A_451 = vector.shape_cast %swap3A_450 : vector<1x1x16xf32> to vector<16xf32>
      %swap3A_452 = vector.shape_cast %get3A_445 : vector<16xf32> to vector<1x1x16xf32>
      tpu.vector_store %arg8[%swap3A_447, %swap3A_448, %swap3A_449], %swap3A_452 {add = true, strides = array<i32>} : memref<4x200x64xf32, #tpu.memory_space<vmem>>, vector<1x1x16xf32>,
      %get3A_453 = arith.index_cast %add3A_441 : i32 to index
      %get3A_454 = arith.constant 16 : index
      %get3A_455 = tpu.vector_load %arg7[%get3A_453, %get3A_454] {strides = array<i32>} : memref<200x64xf32, #tpu.memory_space<vmem>>, vector<1x16xf32>,
      %get3A_456 = vector.shape_cast %get3A_455 : vector<1x16xf32> to vector<16xf32>
      %swap3A_457 = arith.constant 0 : i32
      %swap3A_458 = arith.index_cast %swap3A_457 : i32 to index
      %swap3A_459 = arith.index_cast %add3A_441 : i32 to index
      %swap3A_460 = arith.constant 16 : index
      %swap3A_461 = tpu.vector_load %arg8[%swap3A_458, %swap3A_459, %swap3A_460] {strides = array<i32>} : memref<4x200x64xf32, #tpu.memory_space<vmem>>, vector<1x1x16xf32>,
      %swap3A_462 = vector.shape_cast %swap3A_461 : vector<1x1x16xf32> to vector<16xf32>
      %swap3A_463 = vector.shape_cast %get3A_456 : vector<16xf32> to vector<1x1x16xf32>
      tpu.vector_store %arg8[%swap3A_458, %swap3A_459, %swap3A_460], %swap3A_463 {add = true, strides = array<i32>} : memref<4x200x64xf32, #tpu.memory_space<vmem>>, vector<1x1x16xf32>,
      %get3A_464 = arith.index_cast %add3A_441 : i32 to index
      %get3A_465 = arith.constant 32 : index
      %get3A_466 = tpu.vector_load %arg7[%get3A_464, %get3A_465] {strides = array<i32>} : memref<200x64xf32, #tpu.memory_space<vmem>>, vector<1x16xf32>,
      %get3A_467 = vector.shape_cast %get3A_466 : vector<1x16xf32> to vector<16xf32>
      %swap3A_468 = arith.constant 0 : i32
      %swap3A_469 = arith.index_cast %swap3A_468 : i32 to index
      %swap3A_470 = arith.index_cast %add3A_441 : i32 to index
      %swap3A_471 = arith.constant 32 : index
      %swap3A_472 = tpu.vector_load %arg8[%swap3A_469, %swap3A_470, %swap3A_471] {strides = array<i32>} : memref<4x200x64xf32, #tpu.memory_space<vmem>>, vector<1x1x16xf32>,
      %swap3A_473 = vector.shape_cast %swap3A_472 : vector<1x1x16xf32> to vector<16xf32>
      %swap3A_474 = vector.shape_cast %get3A_467 : vector<16xf32> to vector<1x1x16xf32>
      tpu.vector_store %arg8[%swap3A_469, %swap3A_470, %swap3A_471], %swap3A_474 {add = true, strides = array<i32>} : memref<4x200x64xf32, #tpu.memory_space<vmem>>, vector<1x1x16xf32>,
      %get3A_475 = arith.index_cast %add3A_441 : i32 to index
      %get3A_476 = arith.constant 48 : index
      %get3A_477 = tpu.vector_load %arg7[%get3A_475, %get3A_476] {strides = array<i32>} : memref<200x64xf32, #tpu.memory_space<vmem>>, vector<1x16xf32>,
      %get3A_478 = vector.shape_cast %get3A_477 : vector<1x16xf32> to vector<16xf32>
      %swap3A_479 = arith.constant 0 : i32
      %swap3A_480 = arith.index_cast %swap3A_479 : i32 to index
      %swap3A_481 = arith.index_cast %add3A_441 : i32 to index
      %swap3A_482 = arith.constant 48 : index
      %swap3A_483 = tpu.vector_load %arg8[%swap3A_480, %swap3A_481, %swap3A_482] {strides = array<i32>} : memref<4x200x64xf32, #tpu.memory_space<vmem>>, vector<1x1x16xf32>,
      %swap3A_484 = vector.shape_cast %swap3A_483 : vector<1x1x16xf32> to vector<16xf32>
      %swap3A_485 = vector.shape_cast %get3A_478 : vector<16xf32> to vector<1x1x16xf32>
      tpu.vector_store %arg8[%swap3A_480, %swap3A_481, %swap3A_482], %swap3A_485 {add = true, strides = array<i32>} : memref<4x200x64xf32, #tpu.memory_space<vmem>>, vector<1x1x16xf32>,
      %scan3A_486 = arith.constant 2 : i32
      %scan3A_487 = arith.addi %scan3A_389, %scan3A_486 : i32
      %mul3A_488 = arith.constant 1 : i32
      %mul3A_489 = arith.muli %scan3A_487, %mul3A_488 : i32
      %add3A_490 = arith.constant 0 : i32
      %add3A_491 = arith.addi %add3A_490, %mul3A_489 : i32
      %get3A_492 = arith.index_cast %add3A_491 : i32 to index
      %get3A_493 = arith.constant 0 : index
      %get3A_494 = tpu.vector_load %arg7[%get3A_492, %get3A_493] {strides = array<i32>} : memref<200x64xf32, #tpu.memory_space<vmem>>, vector<1x16xf32>,
      %get3A_495 = vector.shape_cast %get3A_494 : vector<1x16xf32> to vector<16xf32>
      %swap3A_496 = arith.constant 0 : i32
      %swap3A_497 = arith.index_cast %swap3A_496 : i32 to index
      %swap3A_498 = arith.index_cast %add3A_491 : i32 to index
      %swap3A_499 = arith.constant 0 : index
      %swap3A_500 = tpu.vector_load %arg8[%swap3A_497, %swap3A_498, %swap3A_499] {strides = array<i32>} : memref<4x200x64xf32, #tpu.memory_space<vmem>>, vector<1x1x16xf32>,
      %swap3A_501 = vector.shape_cast %swap3A_500 : vector<1x1x16xf32> to vector<16xf32>
      %swap3A_502 = vector.shape_cast %get3A_495 : vector<16xf32> to vector<1x1x16xf32>
      tpu.vector_store %arg8[%swap3A_497, %swap3A_498, %swap3A_499], %swap3A_502 {add = true, strides = array<i32>} : memref<4x200x64xf32, #tpu.memory_space<vmem>>, vector<1x1x16xf32>,
      %get3A_503 = arith.index_cast %add3A_491 : i32 to index
      %get3A_504 = arith.constant 16 : index
      %get3A_505 = tpu.vector_load %arg7[%get3A_503, %get3A_504] {strides = array<i32>} : memref<200x64xf32, #tpu.memory_space<vmem>>, vector<1x16xf32>,
      %get3A_506 = vector.shape_cast %get3A_505 : vector<1x16xf32> to vector<16xf32>
      %swap3A_507 = arith.constant 0 : i32
      %swap3A_508 = arith.index_cast %swap3A_507 : i32 to index
      %swap3A_509 = arith.index_cast %add3A_491 : i32 to index
      %swap3A_510 = arith.constant 16 : index
      %swap3A_511 = tpu.vector_load %arg8[%swap3A_508, %swap3A_509, %swap3A_510] {strides = array<i32>} : memref<4x200x64xf32, #tpu.memory_space<vmem>>, vector<1x1x16xf32>,
      %swap3A_512 = vector.shape_cast %swap3A_511 : vector<1x1x16xf32> to vector<16xf32>
      %swap3A_513 = vector.shape_cast %get3A_506 : vector<16xf32> to vector<1x1x16xf32>
      tpu.vector_store %arg8[%swap3A_508, %swap3A_509, %swap3A_510], %swap3A_513 {add = true, strides = array<i32>} : memref<4x200x64xf32, #tpu.memory_space<vmem>>, vector<1x1x16xf32>,
      %get3A_514 = arith.index_cast %add3A_491 : i32 to index
      %get3A_515 = arith.constant 32 : index
      %get3A_516 = tpu.vector_load %arg7[%get3A_514, %get3A_515] {strides = array<i32>} : memref<200x64xf32, #tpu.memory_space<vmem>>, vector<1x16xf32>,
      %get3A_517 = vector.shape_cast %get3A_516 : vector<1x16xf32> to vector<16xf32>
      %swap3A_518 = arith.constant 0 : i32
      %swap3A_519 = arith.index_cast %swap3A_518 : i32 to index
      %swap3A_520 = arith.index_cast %add3A_491 : i32 to index
      %swap3A_521 = arith.constant 32 : index
      %swap3A_522 = tpu.vector_load %arg8[%swap3A_519, %swap3A_520, %swap3A_521] {strides = array<i32>} : memref<4x200x64xf32, #tpu.memory_space<vmem>>, vector<1x1x16xf32>,
      %swap3A_523 = vector.shape_cast %swap3A_522 : vector<1x1x16xf32> to vector<16xf32>
      %swap3A_524 = vector.shape_cast %get3A_517 : vector<16xf32> to vector<1x1x16xf32>
      tpu.vector_store %arg8[%swap3A_519, %swap3A_520, %swap3A_521], %swap3A_524 {add = true, strides = array<i32>} : memref<4x200x64xf32, #tpu.memory_space<vmem>>, vector<1x1x16xf32>,
      %get3A_525 = arith.index_cast %add3A_491 : i32 to index
      %get3A_526 = arith.constant 48 : index
      %get3A_527 = tpu.vector_load %arg7[%get3A_525, %get3A_526] {strides = array<i32>} : memref<200x64xf32, #tpu.memory_space<vmem>>, vector<1x16xf32>,
      %get3A_528 = vector.shape_cast %get3A_527 : vector<1x16xf32> to vector<16xf32>
      %swap3A_529 = arith.constant 0 : i32
      %swap3A_530 = arith.index_cast %swap3A_529 : i32 to index
      %swap3A_531 = arith.index_cast %add3A_491 : i32 to index
      %swap3A_532 = arith.constant 48 : index
      %swap3A_533 = tpu.vector_load %arg8[%swap3A_530, %swap3A_531, %swap3A_532] {strides = array<i32>} : memref<4x200x64xf32, #tpu.memory_space<vmem>>, vector<1x1x16xf32>,
      %swap3A_534 = vector.shape_cast %swap3A_533 : vector<1x1x16xf32> to vector<16xf32>
      %swap3A_535 = vector.shape_cast %get3A_528 : vector<16xf32> to vector<1x1x16xf32>
      tpu.vector_store %arg8[%swap3A_530, %swap3A_531, %swap3A_532], %swap3A_535 {add = true, strides = array<i32>} : memref<4x200x64xf32, #tpu.memory_space<vmem>>, vector<1x1x16xf32>,
      %scan3A_536 = arith.constant 3 : i32
      %scan3A_537 = arith.addi %scan3A_389, %scan3A_536 : i32
      %mul3A_538 = arith.constant 1 : i32
      %mul3A_539 = arith.muli %scan3A_537, %mul3A_538 : i32
      %add3A_540 = arith.constant 0 : i32
      %add3A_541 = arith.addi %add3A_540, %mul3A_539 : i32
      %get3A_542 = arith.index_cast %add3A_541 : i32 to index
      %get3A_543 = arith.constant 0 : index
      %get3A_544 = tpu.vector_load %arg7[%get3A_542, %get3A_543] {strides = array<i32>} : memref<200x64xf32, #tpu.memory_space<vmem>>, vector<1x16xf32>,
      %get3A_545 = vector.shape_cast %get3A_544 : vector<1x16xf32> to vector<16xf32>
      %swap3A_546 = arith.constant 0 : i32
      %swap3A_547 = arith.index_cast %swap3A_546 : i32 to index
      %swap3A_548 = arith.index_cast %add3A_541 : i32 to index
      %swap3A_549 = arith.constant 0 : index
      %swap3A_550 = tpu.vector_load %arg8[%swap3A_547, %swap3A_548, %swap3A_549] {strides = array<i32>} : memref<4x200x64xf32, #tpu.memory_space<vmem>>, vector<1x1x16xf32>,
      %swap3A_551 = vector.shape_cast %swap3A_550 : vector<1x1x16xf32> to vector<16xf32>
      %swap3A_552 = vector.shape_cast %get3A_545 : vector<16xf32> to vector<1x1x16xf32>
      tpu.vector_store %arg8[%swap3A_547, %swap3A_548, %swap3A_549], %swap3A_552 {add = true, strides = array<i32>} : memref<4x200x64xf32, #tpu.memory_space<vmem>>, vector<1x1x16xf32>,
      %get3A_553 = arith.index_cast %add3A_541 : i32 to index
      %get3A_554 = arith.constant 16 : index
      %get3A_555 = tpu.vector_load %arg7[%get3A_553, %get3A_554] {strides = array<i32>} : memref<200x64xf32, #tpu.memory_space<vmem>>, vector<1x16xf32>,
      %get3A_556 = vector.shape_cast %get3A_555 : vector<1x16xf32> to vector<16xf32>
      %swap3A_557 = arith.constant 0 : i32
      %swap3A_558 = arith.index_cast %swap3A_557 : i32 to index
      %swap3A_559 = arith.index_cast %add3A_541 : i32 to index
      %swap3A_560 = arith.constant 16 : index
      %swap3A_561 = tpu.vector_load %arg8[%swap3A_558, %swap3A_559, %swap3A_560] {strides = array<i32>} : memref<4x200x64xf32, #tpu.memory_space<vmem>>, vector<1x1x16xf32>,
      %swap3A_562 = vector.shape_cast %swap3A_561 : vector<1x1x16xf32> to vector<16xf32>
      %swap3A_563 = vector.shape_cast %get3A_556 : vector<16xf32> to vector<1x1x16xf32>
      tpu.vector_store %arg8[%swap3A_558, %swap3A_559, %swap3A_560], %swap3A_563 {add = true, strides = array<i32>} : memref<4x200x64xf32, #tpu.memory_space<vmem>>, vector<1x1x16xf32>,
      %get3A_564 = arith.index_cast %add3A_541 : i32 to index
      %get3A_565 = arith.constant 32 : index
      %get3A_566 = tpu.vector_load %arg7[%get3A_564, %get3A_565] {strides = array<i32>} : memref<200x64xf32, #tpu.memory_space<vmem>>, vector<1x16xf32>,
      %get3A_567 = vector.shape_cast %get3A_566 : vector<1x16xf32> to vector<16xf32>
      %swap3A_568 = arith.constant 0 : i32
      %swap3A_569 = arith.index_cast %swap3A_568 : i32 to index
      %swap3A_570 = arith.index_cast %add3A_541 : i32 to index
      %swap3A_571 = arith.constant 32 : index
      %swap3A_572 = tpu.vector_load %arg8[%swap3A_569, %swap3A_570, %swap3A_571] {strides = array<i32>} : memref<4x200x64xf32, #tpu.memory_space<vmem>>, vector<1x1x16xf32>,
      %swap3A_573 = vector.shape_cast %swap3A_572 : vector<1x1x16xf32> to vector<16xf32>
      %swap3A_574 = vector.shape_cast %get3A_567 : vector<16xf32> to vector<1x1x16xf32>
      tpu.vector_store %arg8[%swap3A_569, %swap3A_570, %swap3A_571], %swap3A_574 {add = true, strides = array<i32>} : memref<4x200x64xf32, #tpu.memory_space<vmem>>, vector<1x1x16xf32>,
      %get3A_575 = arith.index_cast %add3A_541 : i32 to index
      %get3A_576 = arith.constant 48 : index
      %get3A_577 = tpu.vector_load %arg7[%get3A_575, %get3A_576] {strides = array<i32>} : memref<200x64xf32, #tpu.memory_space<vmem>>, vector<1x16xf32>,
      %get3A_578 = vector.shape_cast %get3A_577 : vector<1x16xf32> to vector<16xf32>
      %swap3A_579 = arith.constant 0 : i32
      %swap3A_580 = arith.index_cast %swap3A_579 : i32 to index
      %swap3A_581 = arith.index_cast %add3A_541 : i32 to index
      %swap3A_582 = arith.constant 48 : index
      %swap3A_583 = tpu.vector_load %arg8[%swap3A_580, %swap3A_581, %swap3A_582] {strides = array<i32>} : memref<4x200x64xf32, #tpu.memory_space<vmem>>, vector<1x1x16xf32>,
      %swap3A_584 = vector.shape_cast %swap3A_583 : vector<1x1x16xf32> to vector<16xf32>
      %swap3A_585 = vector.shape_cast %get3A_578 : vector<16xf32> to vector<1x1x16xf32>
      tpu.vector_store %arg8[%swap3A_580, %swap3A_581, %swap3A_582], %swap3A_585 {add = true, strides = array<i32>} : memref<4x200x64xf32, #tpu.memory_space<vmem>>, vector<1x1x16xf32>,
      %scan3A_586 = arith.constant 4 : i32
      %scan3A_587 = arith.addi %scan3A_389, %scan3A_586 : i32
      %mul3A_588 = arith.constant 1 : i32
      %mul3A_589 = arith.muli %scan3A_587, %mul3A_588 : i32
      %add3A_590 = arith.constant 0 : i32
      %add3A_591 = arith.addi %add3A_590, %mul3A_589 : i32
      %get3A_592 = arith.index_cast %add3A_591 : i32 to index
      %get3A_593 = arith.constant 0 : index
      %get3A_594 = tpu.vector_load %arg7[%get3A_592, %get3A_593] {strides = array<i32>} : memref<200x64xf32, #tpu.memory_space<vmem>>, vector<1x16xf32>,
      %get3A_595 = vector.shape_cast %get3A_594 : vector<1x16xf32> to vector<16xf32>
      %swap3A_596 = arith.constant 0 : i32
      %swap3A_597 = arith.index_cast %swap3A_596 : i32 to index
      %swap3A_598 = arith.index_cast %add3A_591 : i32 to index
      %swap3A_599 = arith.constant 0 : index
      %swap3A_600 = tpu.vector_load %arg8[%swap3A_597, %swap3A_598, %swap3A_599] {strides = array<i32>} : memref<4x200x64xf32, #tpu.memory_space<vmem>>, vector<1x1x16xf32>,
      %swap3A_601 = vector.shape_cast %swap3A_600 : vector<1x1x16xf32> to vector<16xf32>
      %swap3A_602 = vector.shape_cast %get3A_595 : vector<16xf32> to vector<1x1x16xf32>
      tpu.vector_store %arg8[%swap3A_597, %swap3A_598, %swap3A_599], %swap3A_602 {add = true, strides = array<i32>} : memref<4x200x64xf32, #tpu.memory_space<vmem>>, vector<1x1x16xf32>,
      %get3A_603 = arith.index_cast %add3A_591 : i32 to index
      %get3A_604 = arith.constant 16 : index
      %get3A_605 = tpu.vector_load %arg7[%get3A_603, %get3A_604] {strides = array<i32>} : memref<200x64xf32, #tpu.memory_space<vmem>>, vector<1x16xf32>,
      %get3A_606 = vector.shape_cast %get3A_605 : vector<1x16xf32> to vector<16xf32>
      %swap3A_607 = arith.constant 0 : i32
      %swap3A_608 = arith.index_cast %swap3A_607 : i32 to index
      %swap3A_609 = arith.index_cast %add3A_591 : i32 to index
      %swap3A_610 = arith.constant 16 : index
      %swap3A_611 = tpu.vector_load %arg8[%swap3A_608, %swap3A_609, %swap3A_610] {strides = array<i32>} : memref<4x200x64xf32, #tpu.memory_space<vmem>>, vector<1x1x16xf32>,
      %swap3A_612 = vector.shape_cast %swap3A_611 : vector<1x1x16xf32> to vector<16xf32>
      %swap3A_613 = vector.shape_cast %get3A_606 : vector<16xf32> to vector<1x1x16xf32>
      tpu.vector_store %arg8[%swap3A_608, %swap3A_609, %swap3A_610], %swap3A_613 {add = true, strides = array<i32>} : memref<4x200x64xf32, #tpu.memory_space<vmem>>, vector<1x1x16xf32>,
      %get3A_614 = arith.index_cast %add3A_591 : i32 to index
      %get3A_615 = arith.constant 32 : index
      %get3A_616 = tpu.vector_load %arg7[%get3A_614, %get3A_615] {strides = array<i32>} : memref<200x64xf32, #tpu.memory_space<vmem>>, vector<1x16xf32>,
      %get3A_617 = vector.shape_cast %get3A_616 : vector<1x16xf32> to vector<16xf32>
      %swap3A_618 = arith.constant 0 : i32
      %swap3A_619 = arith.index_cast %swap3A_618 : i32 to index
      %swap3A_620 = arith.index_cast %add3A_591 : i32 to index
      %swap3A_621 = arith.constant 32 : index
      %swap3A_622 = tpu.vector_load %arg8[%swap3A_619, %swap3A_620, %swap3A_621] {strides = array<i32>} : memref<4x200x64xf32, #tpu.memory_space<vmem>>, vector<1x1x16xf32>,
      %swap3A_623 = vector.shape_cast %swap3A_622 : vector<1x1x16xf32> to vector<16xf32>
      %swap3A_624 = vector.shape_cast %get3A_617 : vector<16xf32> to vector<1x1x16xf32>
      tpu.vector_store %arg8[%swap3A_619, %swap3A_620, %swap3A_621], %swap3A_624 {add = true, strides = array<i32>} : memref<4x200x64xf32, #tpu.memory_space<vmem>>, vector<1x1x16xf32>,
      %get3A_625 = arith.index_cast %add3A_591 : i32 to index
      %get3A_626 = arith.constant 48 : index
      %get3A_627 = tpu.vector_load %arg7[%get3A_625, %get3A_626] {strides = array<i32>} : memref<200x64xf32, #tpu.memory_space<vmem>>, vector<1x16xf32>,
      %get3A_628 = vector.shape_cast %get3A_627 : vector<1x16xf32> to vector<16xf32>
      %swap3A_629 = arith.constant 0 : i32
      %swap3A_630 = arith.index_cast %swap3A_629 : i32 to index
      %swap3A_631 = arith.index_cast %add3A_591 : i32 to index
      %swap3A_632 = arith.constant 48 : index
      %swap3A_633 = tpu.vector_load %arg8[%swap3A_630, %swap3A_631, %swap3A_632] {strides = array<i32>} : memref<4x200x64xf32, #tpu.memory_space<vmem>>, vector<1x1x16xf32>,
      %swap3A_634 = vector.shape_cast %swap3A_633 : vector<1x1x16xf32> to vector<16xf32>
      %swap3A_635 = vector.shape_cast %get3A_628 : vector<16xf32> to vector<1x1x16xf32>
      tpu.vector_store %arg8[%swap3A_630, %swap3A_631, %swap3A_632], %swap3A_635 {add = true, strides = array<i32>} : memref<4x200x64xf32, #tpu.memory_space<vmem>>, vector<1x1x16xf32>,
      %scan3A_636 = arith.constant 5 : i32
      %scan3A_637 = arith.addi %scan3A_389, %scan3A_636 : i32
      %mul3A_638 = arith.constant 1 : i32
      %mul3A_639 = arith.muli %scan3A_637, %mul3A_638 : i32
      %add3A_640 = arith.constant 0 : i32
      %add3A_641 = arith.addi %add3A_640, %mul3A_639 : i32
      %get3A_642 = arith.index_cast %add3A_641 : i32 to index
      %get3A_643 = arith.constant 0 : index
      %get3A_644 = tpu.vector_load %arg7[%get3A_642, %get3A_643] {strides = array<i32>} : memref<200x64xf32, #tpu.memory_space<vmem>>, vector<1x16xf32>,
      %get3A_645 = vector.shape_cast %get3A_644 : vector<1x16xf32> to vector<16xf32>
      %swap3A_646 = arith.constant 0 : i32
      %swap3A_647 = arith.index_cast %swap3A_646 : i32 to index
      %swap3A_648 = arith.index_cast %add3A_641 : i32 to index
      %swap3A_649 = arith.constant 0 : index
      %swap3A_650 = tpu.vector_load %arg8[%swap3A_647, %swap3A_648, %swap3A_649] {strides = array<i32>} : memref<4x200x64xf32, #tpu.memory_space<vmem>>, vector<1x1x16xf32>,
      %swap3A_651 = vector.shape_cast %swap3A_650 : vector<1x1x16xf32> to vector<16xf32>
      %swap3A_652 = vector.shape_cast %get3A_645 : vector<16xf32> to vector<1x1x16xf32>
      tpu.vector_store %arg8[%swap3A_647, %swap3A_648, %swap3A_649], %swap3A_652 {add = true, strides = array<i32>} : memref<4x200x64xf32, #tpu.memory_space<vmem>>, vector<1x1x16xf32>,
      %get3A_653 = arith.index_cast %add3A_641 : i32 to index
      %get3A_654 = arith.constant 16 : index
      %get3A_655 = tpu.vector_load %arg7[%get3A_653, %get3A_654] {strides = array<i32>} : memref<200x64xf32, #tpu.memory_space<vmem>>, vector<1x16xf32>,
      %get3A_656 = vector.shape_cast %get3A_655 : vector<1x16xf32> to vector<16xf32>
      %swap3A_657 = arith.constant 0 : i32
      %swap3A_658 = arith.index_cast %swap3A_657 : i32 to index
      %swap3A_659 = arith.index_cast %add3A_641 : i32 to index
      %swap3A_660 = arith.constant 16 : index
      %swap3A_661 = tpu.vector_load %arg8[%swap3A_658, %swap3A_659, %swap3A_660] {strides = array<i32>} : memref<4x200x64xf32, #tpu.memory_space<vmem>>, vector<1x1x16xf32>,
      %swap3A_662 = vector.shape_cast %swap3A_661 : vector<1x1x16xf32> to vector<16xf32>
      %swap3A_663 = vector.shape_cast %get3A_656 : vector<16xf32> to vector<1x1x16xf32>
      tpu.vector_store %arg8[%swap3A_658, %swap3A_659, %swap3A_660], %swap3A_663 {add = true, strides = array<i32>} : memref<4x200x64xf32, #tpu.memory_space<vmem>>, vector<1x1x16xf32>,
      %get3A_664 = arith.index_cast %add3A_641 : i32 to index
      %get3A_665 = arith.constant 32 : index
      %get3A_666 = tpu.vector_load %arg7[%get3A_664, %get3A_665] {strides = array<i32>} : memref<200x64xf32, #tpu.memory_space<vmem>>, vector<1x16xf32>,
      %get3A_667 = vector.shape_cast %get3A_666 : vector<1x16xf32> to vector<16xf32>
      %swap3A_668 = arith.constant 0 : i32
      %swap3A_669 = arith.index_cast %swap3A_668 : i32 to index
      %swap3A_670 = arith.index_cast %add3A_641 : i32 to index
      %swap3A_671 = arith.constant 32 : index
      %swap3A_672 = tpu.vector_load %arg8[%swap3A_669, %swap3A_670, %swap3A_671] {strides = array<i32>} : memref<4x200x64xf32, #tpu.memory_space<vmem>>, vector<1x1x16xf32>,
      %swap3A_673 = vector.shape_cast %swap3A_672 : vector<1x1x16xf32> to vector<16xf32>
      %swap3A_674 = vector.shape_cast %get3A_667 : vector<16xf32> to vector<1x1x16xf32>
      tpu.vector_store %arg8[%swap3A_669, %swap3A_670, %swap3A_671], %swap3A_674 {add = true, strides = array<i32>} : memref<4x200x64xf32, #tpu.memory_space<vmem>>, vector<1x1x16xf32>,
      %get3A_675 = arith.index_cast %add3A_641 : i32 to index
      %get3A_676 = arith.constant 48 : index
      %get3A_677 = tpu.vector_load %arg7[%get3A_675, %get3A_676] {strides = array<i32>} : memref<200x64xf32, #tpu.memory_space<vmem>>, vector<1x16xf32>,
      %get3A_678 = vector.shape_cast %get3A_677 : vector<1x16xf32> to vector<16xf32>
      %swap3A_679 = arith.constant 0 : i32
      %swap3A_680 = arith.index_cast %swap3A_679 : i32 to index
      %swap3A_681 = arith.index_cast %add3A_641 : i32 to index
      %swap3A_682 = arith.constant 48 : index
      %swap3A_683 = tpu.vector_load %arg8[%swap3A_680, %swap3A_681, %swap3A_682] {strides = array<i32>} : memref<4x200x64xf32, #tpu.memory_space<vmem>>, vector<1x1x16xf32>,
      %swap3A_684 = vector.shape_cast %swap3A_683 : vector<1x1x16xf32> to vector<16xf32>
      %swap3A_685 = vector.shape_cast %get3A_678 : vector<16xf32> to vector<1x1x16xf32>
      tpu.vector_store %arg8[%swap3A_680, %swap3A_681, %swap3A_682], %swap3A_685 {add = true, strides = array<i32>} : memref<4x200x64xf32, #tpu.memory_space<vmem>>, vector<1x1x16xf32>,
      %scan3A_686 = arith.constant 6 : i32
      %scan3A_687 = arith.addi %scan3A_389, %scan3A_686 : i32
      %mul3A_688 = arith.constant 1 : i32
      %mul3A_689 = arith.muli %scan3A_687, %mul3A_688 : i32
      %add3A_690 = arith.constant 0 : i32
      %add3A_691 = arith.addi %add3A_690, %mul3A_689 : i32
      %get3A_692 = arith.index_cast %add3A_691 : i32 to index
      %get3A_693 = arith.constant 0 : index
      %get3A_694 = tpu.vector_load %arg7[%get3A_692, %get3A_693] {strides = array<i32>} : memref<200x64xf32, #tpu.memory_space<vmem>>, vector<1x16xf32>,
      %get3A_695 = vector.shape_cast %get3A_694 : vector<1x16xf32> to vector<16xf32>
      %swap3A_696 = arith.constant 0 : i32
      %swap3A_697 = arith.index_cast %swap3A_696 : i32 to index
      %swap3A_698 = arith.index_cast %add3A_691 : i32 to index
      %swap3A_699 = arith.constant 0 : index
      %swap3A_700 = tpu.vector_load %arg8[%swap3A_697, %swap3A_698, %swap3A_699] {strides = array<i32>} : memref<4x200x64xf32, #tpu.memory_space<vmem>>, vector<1x1x16xf32>,
      %swap3A_701 = vector.shape_cast %swap3A_700 : vector<1x1x16xf32> to vector<16xf32>
      %swap3A_702 = vector.shape_cast %get3A_695 : vector<16xf32> to vector<1x1x16xf32>
      tpu.vector_store %arg8[%swap3A_697, %swap3A_698, %swap3A_699], %swap3A_702 {add = true, strides = array<i32>} : memref<4x200x64xf32, #tpu.memory_space<vmem>>, vector<1x1x16xf32>,
      %get3A_703 = arith.index_cast %add3A_691 : i32 to index
      %get3A_704 = arith.constant 16 : index
      %get3A_705 = tpu.vector_load %arg7[%get3A_703, %get3A_704] {strides = array<i32>} : memref<200x64xf32, #tpu.memory_space<vmem>>, vector<1x16xf32>,
      %get3A_706 = vector.shape_cast %get3A_705 : vector<1x16xf32> to vector<16xf32>
      %swap3A_707 = arith.constant 0 : i32
      %swap3A_708 = arith.index_cast %swap3A_707 : i32 to index
      %swap3A_709 = arith.index_cast %add3A_691 : i32 to index
      %swap3A_710 = arith.constant 16 : index
      %swap3A_711 = tpu.vector_load %arg8[%swap3A_708, %swap3A_709, %swap3A_710] {strides = array<i32>} : memref<4x200x64xf32, #tpu.memory_space<vmem>>, vector<1x1x16xf32>,
      %swap3A_712 = vector.shape_cast %swap3A_711 : vector<1x1x16xf32> to vector<16xf32>
      %swap3A_713 = vector.shape_cast %get3A_706 : vector<16xf32> to vector<1x1x16xf32>
      tpu.vector_store %arg8[%swap3A_708, %swap3A_709, %swap3A_710], %swap3A_713 {add = true, strides = array<i32>} : memref<4x200x64xf32, #tpu.memory_space<vmem>>, vector<1x1x16xf32>,
      %get3A_714 = arith.index_cast %add3A_691 : i32 to index
      %get3A_715 = arith.constant 32 : index
      %get3A_716 = tpu.vector_load %arg7[%get3A_714, %get3A_715] {strides = array<i32>} : memref<200x64xf32, #tpu.memory_space<vmem>>, vector<1x16xf32>,
      %get3A_717 = vector.shape_cast %get3A_716 : vector<1x16xf32> to vector<16xf32>
      %swap3A_718 = arith.constant 0 : i32
      %swap3A_719 = arith.index_cast %swap3A_718 : i32 to index
      %swap3A_720 = arith.index_cast %add3A_691 : i32 to index
      %swap3A_721 = arith.constant 32 : index
      %swap3A_722 = tpu.vector_load %arg8[%swap3A_719, %swap3A_720, %swap3A_721] {strides = array<i32>} : memref<4x200x64xf32, #tpu.memory_space<vmem>>, vector<1x1x16xf32>,
      %swap3A_723 = vector.shape_cast %swap3A_722 : vector<1x1x16xf32> to vector<16xf32>
      %swap3A_724 = vector.shape_cast %get3A_717 : vector<16xf32> to vector<1x1x16xf32>
      tpu.vector_store %arg8[%swap3A_719, %swap3A_720, %swap3A_721], %swap3A_724 {add = true, strides = array<i32>} : memref<4x200x64xf32, #tpu.memory_space<vmem>>, vector<1x1x16xf32>,
      %get3A_725 = arith.index_cast %add3A_691 : i32 to index
      %get3A_726 = arith.constant 48 : index
      %get3A_727 = tpu.vector_load %arg7[%get3A_725, %get3A_726] {strides = array<i32>} : memref<200x64xf32, #tpu.memory_space<vmem>>, vector<1x16xf32>,
      %get3A_728 = vector.shape_cast %get3A_727 : vector<1x16xf32> to vector<16xf32>
      %swap3A_729 = arith.constant 0 : i32
      %swap3A_730 = arith.index_cast %swap3A_729 : i32 to index
      %swap3A_731 = arith.index_cast %add3A_691 : i32 to index
      %swap3A_732 = arith.constant 48 : index
      %swap3A_733 = tpu.vector_load %arg8[%swap3A_730, %swap3A_731, %swap3A_732] {strides = array<i32>} : memref<4x200x64xf32, #tpu.memory_space<vmem>>, vector<1x1x16xf32>,
      %swap3A_734 = vector.shape_cast %swap3A_733 : vector<1x1x16xf32> to vector<16xf32>
      %swap3A_735 = vector.shape_cast %get3A_728 : vector<16xf32> to vector<1x1x16xf32>
      tpu.vector_store %arg8[%swap3A_730, %swap3A_731, %swap3A_732], %swap3A_735 {add = true, strides = array<i32>} : memref<4x200x64xf32, #tpu.memory_space<vmem>>, vector<1x1x16xf32>,
      %scan3A_736 = arith.constant 7 : i32
      %scan3A_737 = arith.addi %scan3A_389, %scan3A_736 : i32
      %mul3A_738 = arith.constant 1 : i32
      %mul3A_739 = arith.muli %scan3A_737, %mul3A_738 : i32
      %add3A_740 = arith.constant 0 : i32
      %add3A_741 = arith.addi %add3A_740, %mul3A_739 : i32
      %get3A_742 = arith.index_cast %add3A_741 : i32 to index
      %get3A_743 = arith.constant 0 : index
      %get3A_744 = tpu.vector_load %arg7[%get3A_742, %get3A_743] {strides = array<i32>} : memref<200x64xf32, #tpu.memory_space<vmem>>, vector<1x16xf32>,
      %get3A_745 = vector.shape_cast %get3A_744 : vector<1x16xf32> to vector<16xf32>
      %swap3A_746 = arith.constant 0 : i32
      %swap3A_747 = arith.index_cast %swap3A_746 : i32 to index
      %swap3A_748 = arith.index_cast %add3A_741 : i32 to index
      %swap3A_749 = arith.constant 0 : index
      %swap3A_750 = tpu.vector_load %arg8[%swap3A_747, %swap3A_748, %swap3A_749] {strides = array<i32>} : memref<4x200x64xf32, #tpu.memory_space<vmem>>, vector<1x1x16xf32>,
      %swap3A_751 = vector.shape_cast %swap3A_750 : vector<1x1x16xf32> to vector<16xf32>
      %swap3A_752 = vector.shape_cast %get3A_745 : vector<16xf32> to vector<1x1x16xf32>
      tpu.vector_store %arg8[%swap3A_747, %swap3A_748, %swap3A_749], %swap3A_752 {add = true, strides = array<i32>} : memref<4x200x64xf32, #tpu.memory_space<vmem>>, vector<1x1x16xf32>,
      %get3A_753 = arith.index_cast %add3A_741 : i32 to index
      %get3A_754 = arith.constant 16 : index
      %get3A_755 = tpu.vector_load %arg7[%get3A_753, %get3A_754] {strides = array<i32>} : memref<200x64xf32, #tpu.memory_space<vmem>>, vector<1x16xf32>,
      %get3A_756 = vector.shape_cast %get3A_755 : vector<1x16xf32> to vector<16xf32>
      %swap3A_757 = arith.constant 0 : i32
      %swap3A_758 = arith.index_cast %swap3A_757 : i32 to index
      %swap3A_759 = arith.index_cast %add3A_741 : i32 to index
      %swap3A_760 = arith.constant 16 : index
      %swap3A_761 = tpu.vector_load %arg8[%swap3A_758, %swap3A_759, %swap3A_760] {strides = array<i32>} : memref<4x200x64xf32, #tpu.memory_space<vmem>>, vector<1x1x16xf32>,
      %swap3A_762 = vector.shape_cast %swap3A_761 : vector<1x1x16xf32> to vector<16xf32>
      %swap3A_763 = vector.shape_cast %get3A_756 : vector<16xf32> to vector<1x1x16xf32>
      tpu.vector_store %arg8[%swap3A_758, %swap3A_759, %swap3A_760], %swap3A_763 {add = true, strides = array<i32>} : memref<4x200x64xf32, #tpu.memory_space<vmem>>, vector<1x1x16xf32>,
      %get3A_764 = arith.index_cast %add3A_741 : i32 to index
      %get3A_765 = arith.constant 32 : index
      %get3A_766 = tpu.vector_load %arg7[%get3A_764, %get3A_765] {strides = array<i32>} : memref<200x64xf32, #tpu.memory_space<vmem>>, vector<1x16xf32>,
      %get3A_767 = vector.shape_cast %get3A_766 : vector<1x16xf32> to vector<16xf32>
      %swap3A_768 = arith.constant 0 : i32
      %swap3A_769 = arith.index_cast %swap3A_768 : i32 to index
      %swap3A_770 = arith.index_cast %add3A_741 : i32 to index
      %swap3A_771 = arith.constant 32 : index
      %swap3A_772 = tpu.vector_load %arg8[%swap3A_769, %swap3A_770, %swap3A_771] {strides = array<i32>} : memref<4x200x64xf32, #tpu.memory_space<vmem>>, vector<1x1x16xf32>,
      %swap3A_773 = vector.shape_cast %swap3A_772 : vector<1x1x16xf32> to vector<16xf32>
      %swap3A_774 = vector.shape_cast %get3A_767 : vector<16xf32> to vector<1x1x16xf32>
      tpu.vector_store %arg8[%swap3A_769, %swap3A_770, %swap3A_771], %swap3A_774 {add = true, strides = array<i32>} : memref<4x200x64xf32, #tpu.memory_space<vmem>>, vector<1x1x16xf32>,
      %get3A_775 = arith.index_cast %add3A_741 : i32 to index
      %get3A_776 = arith.constant 48 : index
      %get3A_777 = tpu.vector_load %arg7[%get3A_775, %get3A_776] {strides = array<i32>} : memref<200x64xf32, #tpu.memory_space<vmem>>, vector<1x16xf32>,
      %get3A_778 = vector.shape_cast %get3A_777 : vector<1x16xf32> to vector<16xf32>
      %swap3A_779 = arith.constant 0 : i32
      %swap3A_780 = arith.index_cast %swap3A_779 : i32 to index
      %swap3A_781 = arith.index_cast %add3A_741 : i32 to index
      %swap3A_782 = arith.constant 48 : index
      %swap3A_783 = tpu.vector_load %arg8[%swap3A_780, %swap3A_781, %swap3A_782] {strides = array<i32>} : memref<4x200x64xf32, #tpu.memory_space<vmem>>, vector<1x1x16xf32>,
      %swap3A_784 = vector.shape_cast %swap3A_783 : vector<1x1x16xf32> to vector<16xf32>
      %swap3A_785 = vector.shape_cast %get3A_778 : vector<16xf32> to vector<1x1x16xf32>
      tpu.vector_store %arg8[%swap3A_780, %swap3A_781, %swap3A_782], %swap3A_785 {add = true, strides = array<i32>} : memref<4x200x64xf32, #tpu.memory_space<vmem>>, vector<1x1x16xf32>,
    }
    %scan3A_147 = arith.constant 200 : i32
    %add3A_148 = arith.constant 124 : i32
    %add3A_149 = arith.addi %mul3A_2, %add3A_148 : i32
    %dma_start3A_150 = arith.constant 0 : i32
    %dma_start3A_151 = arith.constant 0 : i32
    %dma_start3A_152 = arith.constant 0 : i32
    %dma_start3A_153 = arith.constant 0 : i32
    %dma_start3A_154 = tpu.memref_slice %arg8[%dma_start3A_150, %dma_start3A_152, %dma_start3A_153] : memref<4x200x64xf32, #tpu.memory_space<vmem>> -> memref<1x200x64xf32, #tpu.memory_space<vmem>>
    %dma_start3A_155 = tpu.memref_squeeze %dma_start3A_154 : memref<1x200x64xf32, #tpu.memory_space<vmem>> -> memref<200x64xf32, #tpu.memory_space<vmem>>
    %dma_start3A_156 = arith.constant 0 : i32
    %dma_start3A_157 = arith.constant 0 : i32
    %dma_start3A_158 = tpu.memref_slice %arg5[%add3A_149, %dma_start3A_156, %dma_start3A_157] : memref<4096x200x64xf32, #tpu.memory_space<hbm>> -> memref<1x200x64xf32, #tpu.memory_space<hbm>>
    %dma_start3A_159 = tpu.memref_squeeze %dma_start3A_158 : memref<1x200x64xf32, #tpu.memory_space<hbm>> -> memref<200x64xf32, #tpu.memory_space<hbm>>
    %dma_start3A_160 = tpu.memref_slice %arg10[%dma_start3A_151] : memref<4x!tpu.dma_semaphore, #tpu.memory_space<semaphore_mem>> -> memref<1x!tpu.dma_semaphore, #tpu.memory_space<semaphore_mem>>
    %dma_start3A_161 = tpu.memref_squeeze %dma_start3A_160 : memref<1x!tpu.dma_semaphore, #tpu.memory_space<semaphore_mem>> -> memref<!tpu.dma_semaphore, #tpu.memory_space<semaphore_mem>>
    %dma_start3A_162 = arith.constant 0 : i32
    %dma_start3A_163 = arith.constant 0 : i32
    %dma_start3A_164 = tpu.memref_slice %arg5[%add3A_149, %dma_start3A_162, %dma_start3A_163] : memref<4096x200x64xf32, #tpu.memory_space<hbm>> -> memref<1x200x64xf32, #tpu.memory_space<hbm>>
    %dma_start3A_165 = tpu.memref_squeeze %dma_start3A_164 : memref<1x200x64xf32, #tpu.memory_space<hbm>> -> memref<200x64xf32, #tpu.memory_space<hbm>>
    %dma_start3A_166 = arith.constant 0 : i32
    %dma_start3A_167 = arith.constant 0 : i32
    %dma_start3A_168 = tpu.memref_slice %arg8[%dma_start3A_150, %dma_start3A_166, %dma_start3A_167] : memref<4x200x64xf32, #tpu.memory_space<vmem>> -> memref<1x200x64xf32, #tpu.memory_space<vmem>>
    %dma_start3A_169 = tpu.memref_squeeze %dma_start3A_168 : memref<1x200x64xf32, #tpu.memory_space<vmem>> -> memref<200x64xf32, #tpu.memory_space<vmem>>
    tpu.enqueue_dma source(%dma_start3A_169 : memref<200x64xf32, #tpu.memory_space<vmem>>) target(%dma_start3A_165 : memref<200x64xf32, #tpu.memory_space<hbm>>) target_semaphore(%dma_start3A_161 : memref<!tpu.dma_semaphore, #tpu.memory_space<semaphore_mem>>)
    %dma_wait3A_170 = arith.constant 1 : i32
    %dma_wait3A_171 = arith.constant 1 : i32
    %dma_wait3A_172 = arith.constant 0 : i32
    %dma_wait3A_173 = arith.constant 0 : i32
    %dma_wait3A_174 = tpu.memref_slice %arg8[%dma_wait3A_170, %dma_wait3A_172, %dma_wait3A_173] : memref<4x200x64xf32, #tpu.memory_space<vmem>> -> memref<1x200x64xf32, #tpu.memory_space<vmem>>
    %dma_wait3A_175 = tpu.memref_squeeze %dma_wait3A_174 : memref<1x200x64xf32, #tpu.memory_space<vmem>> -> memref<200x64xf32, #tpu.memory_space<vmem>>
    %dma_wait3A_176 = arith.constant 0 : i32
    %dma_wait3A_177 = arith.constant 0 : i32
    %dma_wait3A_178 = tpu.memref_slice %arg3[%dma_wait3A_176, %dma_wait3A_177] : memref<1000000x64xf32, #tpu.memory_space<hbm>> -> memref<200x64xf32, #tpu.memory_space<hbm>>
    %dma_wait3A_179 = tpu.memref_slice %arg9[%dma_wait3A_171] : memref<4x!tpu.dma_semaphore, #tpu.memory_space<semaphore_mem>> -> memref<1x!tpu.dma_semaphore, #tpu.memory_space<semaphore_mem>>
    %dma_wait3A_180 = tpu.memref_squeeze %dma_wait3A_179 : memref<1x!tpu.dma_semaphore, #tpu.memory_space<semaphore_mem>> -> memref<!tpu.dma_semaphore, #tpu.memory_space<semaphore_mem>>
    %dma_wait3A_181 = arith.constant 0 : i32
    %dma_wait3A_182 = arith.constant 0 : i32
    %dma_wait3A_183 = tpu.memref_slice %arg8[%dma_wait3A_170, %dma_wait3A_181, %dma_wait3A_182] : memref<4x200x64xf32, #tpu.memory_space<vmem>> -> memref<1x200x64xf32, #tpu.memory_space<vmem>>
    %dma_wait3A_184 = tpu.memref_squeeze %dma_wait3A_183 : memref<1x200x64xf32, #tpu.memory_space<vmem>> -> memref<200x64xf32, #tpu.memory_space<vmem>>
    %dma_wait3A_185 = arith.constant 0 : i32
    %dma_wait3A_186 = arith.constant 0 : i32
    %dma_wait3A_187 = tpu.memref_slice %arg3[%dma_wait3A_185, %dma_wait3A_186] : memref<1000000x64xf32, #tpu.memory_space<hbm>> -> memref<200x64xf32, #tpu.memory_space<hbm>>
    tpu.wait_dma2 semaphore(%dma_wait3A_180 : memref<!tpu.dma_semaphore, #tpu.memory_space<semaphore_mem>>) src(%dma_wait3A_187 : memref<200x64xf32, #tpu.memory_space<hbm>>) dst(%dma_wait3A_184 : memref<200x64xf32, #tpu.memory_space<vmem>>)
    %scan3A_188 = arith.constant 0 : i32
    %scan3A_189 = arith.constant 200 : i32
    %scan3A_190 = arith.addi %scan3A_188, %scan3A_189 : i32
    %scan3A_191 = arith.constant 8 : i32
    scf.for %scan3A_389 = %scan3A_188 to %scan3A_190 step %scan3A_191  : i32 {
      %mul3A_390 = arith.constant 1 : i32
      %mul3A_391 = arith.muli %scan3A_389, %mul3A_390 : i32
      %add3A_392 = arith.constant 0 : i32
      %add3A_393 = arith.addi %add3A_392, %mul3A_391 : i32
      %get3A = arith.index_cast %add3A_393 : i32 to index
      %get3A_394 = arith.constant 0 : index
      %get3A_395 = tpu.vector_load %arg7[%get3A, %get3A_394] {strides = array<i32>} : memref<200x64xf32, #tpu.memory_space<vmem>>, vector<1x16xf32>,
      %get3A_396 = vector.shape_cast %get3A_395 : vector<1x16xf32> to vector<16xf32>
      %swap3A = arith.constant 1 : i32
      %swap3A_397 = arith.index_cast %swap3A : i32 to index
      %swap3A_398 = arith.index_cast %add3A_393 : i32 to index
      %swap3A_399 = arith.constant 0 : index
      %swap3A_400 = tpu.vector_load %arg8[%swap3A_397, %swap3A_398, %swap3A_399] {strides = array<i32>} : memref<4x200x64xf32, #tpu.memory_space<vmem>>, vector<1x1x16xf32>,
      %swap3A_401 = vector.shape_cast %swap3A_400 : vector<1x1x16xf32> to vector<16xf32>
      %swap3A_402 = vector.shape_cast %get3A_396 : vector<16xf32> to vector<1x1x16xf32>
      tpu.vector_store %arg8[%swap3A_397, %swap3A_398, %swap3A_399], %swap3A_402 {add = true, strides = array<i32>} : memref<4x200x64xf32, #tpu.memory_space<vmem>>, vector<1x1x16xf32>,
      %get3A_403 = arith.index_cast %add3A_393 : i32 to index
      %get3A_404 = arith.constant 16 : index
      %get3A_405 = tpu.vector_load %arg7[%get3A_403, %get3A_404] {strides = array<i32>} : memref<200x64xf32, #tpu.memory_space<vmem>>, vector<1x16xf32>,
      %get3A_406 = vector.shape_cast %get3A_405 : vector<1x16xf32> to vector<16xf32>
      %swap3A_407 = arith.constant 1 : i32
      %swap3A_408 = arith.index_cast %swap3A_407 : i32 to index
      %swap3A_409 = arith.index_cast %add3A_393 : i32 to index
      %swap3A_410 = arith.constant 16 : index
      %swap3A_411 = tpu.vector_load %arg8[%swap3A_408, %swap3A_409, %swap3A_410] {strides = array<i32>} : memref<4x200x64xf32, #tpu.memory_space<vmem>>, vector<1x1x16xf32>,
      %swap3A_412 = vector.shape_cast %swap3A_411 : vector<1x1x16xf32> to vector<16xf32>
      %swap3A_413 = vector.shape_cast %get3A_406 : vector<16xf32> to vector<1x1x16xf32>
      tpu.vector_store %arg8[%swap3A_408, %swap3A_409, %swap3A_410], %swap3A_413 {add = true, strides = array<i32>} : memref<4x200x64xf32, #tpu.memory_space<vmem>>, vector<1x1x16xf32>,
      %get3A_414 = arith.index_cast %add3A_393 : i32 to index
      %get3A_415 = arith.constant 32 : index
      %get3A_416 = tpu.vector_load %arg7[%get3A_414, %get3A_415] {strides = array<i32>} : memref<200x64xf32, #tpu.memory_space<vmem>>, vector<1x16xf32>,
      %get3A_417 = vector.shape_cast %get3A_416 : vector<1x16xf32> to vector<16xf32>
      %swap3A_418 = arith.constant 1 : i32
      %swap3A_419 = arith.index_cast %swap3A_418 : i32 to index
      %swap3A_420 = arith.index_cast %add3A_393 : i32 to index
      %swap3A_421 = arith.constant 32 : index
      %swap3A_422 = tpu.vector_load %arg8[%swap3A_419, %swap3A_420, %swap3A_421] {strides = array<i32>} : memref<4x200x64xf32, #tpu.memory_space<vmem>>, vector<1x1x16xf32>,
      %swap3A_423 = vector.shape_cast %swap3A_422 : vector<1x1x16xf32> to vector<16xf32>
      %swap3A_424 = vector.shape_cast %get3A_417 : vector<16xf32> to vector<1x1x16xf32>
      tpu.vector_store %arg8[%swap3A_419, %swap3A_420, %swap3A_421], %swap3A_424 {add = true, strides = array<i32>} : memref<4x200x64xf32, #tpu.memory_space<vmem>>, vector<1x1x16xf32>,
      %get3A_425 = arith.index_cast %add3A_393 : i32 to index
      %get3A_426 = arith.constant 48 : index
      %get3A_427 = tpu.vector_load %arg7[%get3A_425, %get3A_426] {strides = array<i32>} : memref<200x64xf32, #tpu.memory_space<vmem>>, vector<1x16xf32>,
      %get3A_428 = vector.shape_cast %get3A_427 : vector<1x16xf32> to vector<16xf32>
      %swap3A_429 = arith.constant 1 : i32
      %swap3A_430 = arith.index_cast %swap3A_429 : i32 to index
      %swap3A_431 = arith.index_cast %add3A_393 : i32 to index
      %swap3A_432 = arith.constant 48 : index
      %swap3A_433 = tpu.vector_load %arg8[%swap3A_430, %swap3A_431, %swap3A_432] {strides = array<i32>} : memref<4x200x64xf32, #tpu.memory_space<vmem>>, vector<1x1x16xf32>,
      %swap3A_434 = vector.shape_cast %swap3A_433 : vector<1x1x16xf32> to vector<16xf32>
      %swap3A_435 = vector.shape_cast %get3A_428 : vector<16xf32> to vector<1x1x16xf32>
      tpu.vector_store %arg8[%swap3A_430, %swap3A_431, %swap3A_432], %swap3A_435 {add = true, strides = array<i32>} : memref<4x200x64xf32, #tpu.memory_space<vmem>>, vector<1x1x16xf32>,
      %scan3A_436 = arith.constant 1 : i32
      %scan3A_437 = arith.addi %scan3A_389, %scan3A_436 : i32
      %mul3A_438 = arith.constant 1 : i32
      %mul3A_439 = arith.muli %scan3A_437, %mul3A_438 : i32
      %add3A_440 = arith.constant 0 : i32
      %add3A_441 = arith.addi %add3A_440, %mul3A_439 : i32
      %get3A_442 = arith.index_cast %add3A_441 : i32 to index
      %get3A_443 = arith.constant 0 : index
      %get3A_444 = tpu.vector_load %arg7[%get3A_442, %get3A_443] {strides = array<i32>} : memref<200x64xf32, #tpu.memory_space<vmem>>, vector<1x16xf32>,
      %get3A_445 = vector.shape_cast %get3A_444 : vector<1x16xf32> to vector<16xf32>
      %swap3A_446 = arith.constant 1 : i32
      %swap3A_447 = arith.index_cast %swap3A_446 : i32 to index
      %swap3A_448 = arith.index_cast %add3A_441 : i32 to index
      %swap3A_449 = arith.constant 0 : index
      %swap3A_450 = tpu.vector_load %arg8[%swap3A_447, %swap3A_448, %swap3A_449] {strides = array<i32>} : memref<4x200x64xf32, #tpu.memory_space<vmem>>, vector<1x1x16xf32>,
      %swap3A_451 = vector.shape_cast %swap3A_450 : vector<1x1x16xf32> to vector<16xf32>
      %swap3A_452 = vector.shape_cast %get3A_445 : vector<16xf32> to vector<1x1x16xf32>
      tpu.vector_store %arg8[%swap3A_447, %swap3A_448, %swap3A_449], %swap3A_452 {add = true, strides = array<i32>} : memref<4x200x64xf32, #tpu.memory_space<vmem>>, vector<1x1x16xf32>,
      %get3A_453 = arith.index_cast %add3A_441 : i32 to index
      %get3A_454 = arith.constant 16 : index
      %get3A_455 = tpu.vector_load %arg7[%get3A_453, %get3A_454] {strides = array<i32>} : memref<200x64xf32, #tpu.memory_space<vmem>>, vector<1x16xf32>,
      %get3A_456 = vector.shape_cast %get3A_455 : vector<1x16xf32> to vector<16xf32>
      %swap3A_457 = arith.constant 1 : i32
      %swap3A_458 = arith.index_cast %swap3A_457 : i32 to index
      %swap3A_459 = arith.index_cast %add3A_441 : i32 to index
      %swap3A_460 = arith.constant 16 : index
      %swap3A_461 = tpu.vector_load %arg8[%swap3A_458, %swap3A_459, %swap3A_460] {strides = array<i32>} : memref<4x200x64xf32, #tpu.memory_space<vmem>>, vector<1x1x16xf32>,
      %swap3A_462 = vector.shape_cast %swap3A_461 : vector<1x1x16xf32> to vector<16xf32>
      %swap3A_463 = vector.shape_cast %get3A_456 : vector<16xf32> to vector<1x1x16xf32>
      tpu.vector_store %arg8[%swap3A_458, %swap3A_459, %swap3A_460], %swap3A_463 {add = true, strides = array<i32>} : memref<4x200x64xf32, #tpu.memory_space<vmem>>, vector<1x1x16xf32>,
      %get3A_464 = arith.index_cast %add3A_441 : i32 to index
      %get3A_465 = arith.constant 32 : index
      %get3A_466 = tpu.vector_load %arg7[%get3A_464, %get3A_465] {strides = array<i32>} : memref<200x64xf32, #tpu.memory_space<vmem>>, vector<1x16xf32>,
      %get3A_467 = vector.shape_cast %get3A_466 : vector<1x16xf32> to vector<16xf32>
      %swap3A_468 = arith.constant 1 : i32
      %swap3A_469 = arith.index_cast %swap3A_468 : i32 to index
      %swap3A_470 = arith.index_cast %add3A_441 : i32 to index
      %swap3A_471 = arith.constant 32 : index
      %swap3A_472 = tpu.vector_load %arg8[%swap3A_469, %swap3A_470, %swap3A_471] {strides = array<i32>} : memref<4x200x64xf32, #tpu.memory_space<vmem>>, vector<1x1x16xf32>,
      %swap3A_473 = vector.shape_cast %swap3A_472 : vector<1x1x16xf32> to vector<16xf32>
      %swap3A_474 = vector.shape_cast %get3A_467 : vector<16xf32> to vector<1x1x16xf32>
      tpu.vector_store %arg8[%swap3A_469, %swap3A_470, %swap3A_471], %swap3A_474 {add = true, strides = array<i32>} : memref<4x200x64xf32, #tpu.memory_space<vmem>>, vector<1x1x16xf32>,
      %get3A_475 = arith.index_cast %add3A_441 : i32 to index
      %get3A_476 = arith.constant 48 : index
      %get3A_477 = tpu.vector_load %arg7[%get3A_475, %get3A_476] {strides = array<i32>} : memref<200x64xf32, #tpu.memory_space<vmem>>, vector<1x16xf32>,
      %get3A_478 = vector.shape_cast %get3A_477 : vector<1x16xf32> to vector<16xf32>
      %swap3A_479 = arith.constant 1 : i32
      %swap3A_480 = arith.index_cast %swap3A_479 : i32 to index
      %swap3A_481 = arith.index_cast %add3A_441 : i32 to index
      %swap3A_482 = arith.constant 48 : index
      %swap3A_483 = tpu.vector_load %arg8[%swap3A_480, %swap3A_481, %swap3A_482] {strides = array<i32>} : memref<4x200x64xf32, #tpu.memory_space<vmem>>, vector<1x1x16xf32>,
      %swap3A_484 = vector.shape_cast %swap3A_483 : vector<1x1x16xf32> to vector<16xf32>
      %swap3A_485 = vector.shape_cast %get3A_478 : vector<16xf32> to vector<1x1x16xf32>
      tpu.vector_store %arg8[%swap3A_480, %swap3A_481, %swap3A_482], %swap3A_485 {add = true, strides = array<i32>} : memref<4x200x64xf32, #tpu.memory_space<vmem>>, vector<1x1x16xf32>,
      %scan3A_486 = arith.constant 2 : i32
      %scan3A_487 = arith.addi %scan3A_389, %scan3A_486 : i32
      %mul3A_488 = arith.constant 1 : i32
      %mul3A_489 = arith.muli %scan3A_487, %mul3A_488 : i32
      %add3A_490 = arith.constant 0 : i32
      %add3A_491 = arith.addi %add3A_490, %mul3A_489 : i32
      %get3A_492 = arith.index_cast %add3A_491 : i32 to index
      %get3A_493 = arith.constant 0 : index
      %get3A_494 = tpu.vector_load %arg7[%get3A_492, %get3A_493] {strides = array<i32>} : memref<200x64xf32, #tpu.memory_space<vmem>>, vector<1x16xf32>,
      %get3A_495 = vector.shape_cast %get3A_494 : vector<1x16xf32> to vector<16xf32>
      %swap3A_496 = arith.constant 1 : i32
      %swap3A_497 = arith.index_cast %swap3A_496 : i32 to index
      %swap3A_498 = arith.index_cast %add3A_491 : i32 to index
      %swap3A_499 = arith.constant 0 : index
      %swap3A_500 = tpu.vector_load %arg8[%swap3A_497, %swap3A_498, %swap3A_499] {strides = array<i32>} : memref<4x200x64xf32, #tpu.memory_space<vmem>>, vector<1x1x16xf32>,
      %swap3A_501 = vector.shape_cast %swap3A_500 : vector<1x1x16xf32> to vector<16xf32>
      %swap3A_502 = vector.shape_cast %get3A_495 : vector<16xf32> to vector<1x1x16xf32>
      tpu.vector_store %arg8[%swap3A_497, %swap3A_498, %swap3A_499], %swap3A_502 {add = true, strides = array<i32>} : memref<4x200x64xf32, #tpu.memory_space<vmem>>, vector<1x1x16xf32>,
      %get3A_503 = arith.index_cast %add3A_491 : i32 to index
      %get3A_504 = arith.constant 16 : index
      %get3A_505 = tpu.vector_load %arg7[%get3A_503, %get3A_504] {strides = array<i32>} : memref<200x64xf32, #tpu.memory_space<vmem>>, vector<1x16xf32>,
      %get3A_506 = vector.shape_cast %get3A_505 : vector<1x16xf32> to vector<16xf32>
      %swap3A_507 = arith.constant 1 : i32
      %swap3A_508 = arith.index_cast %swap3A_507 : i32 to index
      %swap3A_509 = arith.index_cast %add3A_491 : i32 to index
      %swap3A_510 = arith.constant 16 : index
      %swap3A_511 = tpu.vector_load %arg8[%swap3A_508, %swap3A_509, %swap3A_510] {strides = array<i32>} : memref<4x200x64xf32, #tpu.memory_space<vmem>>, vector<1x1x16xf32>,
      %swap3A_512 = vector.shape_cast %swap3A_511 : vector<1x1x16xf32> to vector<16xf32>
      %swap3A_513 = vector.shape_cast %get3A_506 : vector<16xf32> to vector<1x1x16xf32>
      tpu.vector_store %arg8[%swap3A_508, %swap3A_509, %swap3A_510], %swap3A_513 {add = true, strides = array<i32>} : memref<4x200x64xf32, #tpu.memory_space<vmem>>, vector<1x1x16xf32>,
      %get3A_514 = arith.index_cast %add3A_491 : i32 to index
      %get3A_515 = arith.constant 32 : index
      %get3A_516 = tpu.vector_load %arg7[%get3A_514, %get3A_515] {strides = array<i32>} : memref<200x64xf32, #tpu.memory_space<vmem>>, vector<1x16xf32>,
      %get3A_517 = vector.shape_cast %get3A_516 : vector<1x16xf32> to vector<16xf32>
      %swap3A_518 = arith.constant 1 : i32
      %swap3A_519 = arith.index_cast %swap3A_518 : i32 to index
      %swap3A_520 = arith.index_cast %add3A_491 : i32 to index
      %swap3A_521 = arith.constant 32 : index
      %swap3A_522 = tpu.vector_load %arg8[%swap3A_519, %swap3A_520, %swap3A_521] {strides = array<i32>} : memref<4x200x64xf32, #tpu.memory_space<vmem>>, vector<1x1x16xf32>,
      %swap3A_523 = vector.shape_cast %swap3A_522 : vector<1x1x16xf32> to vector<16xf32>
      %swap3A_524 = vector.shape_cast %get3A_517 : vector<16xf32> to vector<1x1x16xf32>
      tpu.vector_store %arg8[%swap3A_519, %swap3A_520, %swap3A_521], %swap3A_524 {add = true, strides = array<i32>} : memref<4x200x64xf32, #tpu.memory_space<vmem>>, vector<1x1x16xf32>,
      %get3A_525 = arith.index_cast %add3A_491 : i32 to index
      %get3A_526 = arith.constant 48 : index
      %get3A_527 = tpu.vector_load %arg7[%get3A_525, %get3A_526] {strides = array<i32>} : memref<200x64xf32, #tpu.memory_space<vmem>>, vector<1x16xf32>,
      %get3A_528 = vector.shape_cast %get3A_527 : vector<1x16xf32> to vector<16xf32>
      %swap3A_529 = arith.constant 1 : i32
      %swap3A_530 = arith.index_cast %swap3A_529 : i32 to index
      %swap3A_531 = arith.index_cast %add3A_491 : i32 to index
      %swap3A_532 = arith.constant 48 : index
      %swap3A_533 = tpu.vector_load %arg8[%swap3A_530, %swap3A_531, %swap3A_532] {strides = array<i32>} : memref<4x200x64xf32, #tpu.memory_space<vmem>>, vector<1x1x16xf32>,
      %swap3A_534 = vector.shape_cast %swap3A_533 : vector<1x1x16xf32> to vector<16xf32>
      %swap3A_535 = vector.shape_cast %get3A_528 : vector<16xf32> to vector<1x1x16xf32>
      tpu.vector_store %arg8[%swap3A_530, %swap3A_531, %swap3A_532], %swap3A_535 {add = true, strides = array<i32>} : memref<4x200x64xf32, #tpu.memory_space<vmem>>, vector<1x1x16xf32>,
      %scan3A_536 = arith.constant 3 : i32
      %scan3A_537 = arith.addi %scan3A_389, %scan3A_536 : i32
      %mul3A_538 = arith.constant 1 : i32
      %mul3A_539 = arith.muli %scan3A_537, %mul3A_538 : i32
      %add3A_540 = arith.constant 0 : i32
      %add3A_541 = arith.addi %add3A_540, %mul3A_539 : i32
      %get3A_542 = arith.index_cast %add3A_541 : i32 to index
      %get3A_543 = arith.constant 0 : index
      %get3A_544 = tpu.vector_load %arg7[%get3A_542, %get3A_543] {strides = array<i32>} : memref<200x64xf32, #tpu.memory_space<vmem>>, vector<1x16xf32>,
      %get3A_545 = vector.shape_cast %get3A_544 : vector<1x16xf32> to vector<16xf32>
      %swap3A_546 = arith.constant 1 : i32
      %swap3A_547 = arith.index_cast %swap3A_546 : i32 to index
      %swap3A_548 = arith.index_cast %add3A_541 : i32 to index
      %swap3A_549 = arith.constant 0 : index
      %swap3A_550 = tpu.vector_load %arg8[%swap3A_547, %swap3A_548, %swap3A_549] {strides = array<i32>} : memref<4x200x64xf32, #tpu.memory_space<vmem>>, vector<1x1x16xf32>,
      %swap3A_551 = vector.shape_cast %swap3A_550 : vector<1x1x16xf32> to vector<16xf32>
      %swap3A_552 = vector.shape_cast %get3A_545 : vector<16xf32> to vector<1x1x16xf32>
      tpu.vector_store %arg8[%swap3A_547, %swap3A_548, %swap3A_549], %swap3A_552 {add = true, strides = array<i32>} : memref<4x200x64xf32, #tpu.memory_space<vmem>>, vector<1x1x16xf32>,
      %get3A_553 = arith.index_cast %add3A_541 : i32 to index
      %get3A_554 = arith.constant 16 : index
      %get3A_555 = tpu.vector_load %arg7[%get3A_553, %get3A_554] {strides = array<i32>} : memref<200x64xf32, #tpu.memory_space<vmem>>, vector<1x16xf32>,
      %get3A_556 = vector.shape_cast %get3A_555 : vector<1x16xf32> to vector<16xf32>
      %swap3A_557 = arith.constant 1 : i32
      %swap3A_558 = arith.index_cast %swap3A_557 : i32 to index
      %swap3A_559 = arith.index_cast %add3A_541 : i32 to index
      %swap3A_560 = arith.constant 16 : index
      %swap3A_561 = tpu.vector_load %arg8[%swap3A_558, %swap3A_559, %swap3A_560] {strides = array<i32>} : memref<4x200x64xf32, #tpu.memory_space<vmem>>, vector<1x1x16xf32>,
      %swap3A_562 = vector.shape_cast %swap3A_561 : vector<1x1x16xf32> to vector<16xf32>
      %swap3A_563 = vector.shape_cast %get3A_556 : vector<16xf32> to vector<1x1x16xf32>
      tpu.vector_store %arg8[%swap3A_558, %swap3A_559, %swap3A_560], %swap3A_563 {add = true, strides = array<i32>} : memref<4x200x64xf32, #tpu.memory_space<vmem>>, vector<1x1x16xf32>,
      %get3A_564 = arith.index_cast %add3A_541 : i32 to index
      %get3A_565 = arith.constant 32 : index
      %get3A_566 = tpu.vector_load %arg7[%get3A_564, %get3A_565] {strides = array<i32>} : memref<200x64xf32, #tpu.memory_space<vmem>>, vector<1x16xf32>,
      %get3A_567 = vector.shape_cast %get3A_566 : vector<1x16xf32> to vector<16xf32>
      %swap3A_568 = arith.constant 1 : i32
      %swap3A_569 = arith.index_cast %swap3A_568 : i32 to index
      %swap3A_570 = arith.index_cast %add3A_541 : i32 to index
      %swap3A_571 = arith.constant 32 : index
      %swap3A_572 = tpu.vector_load %arg8[%swap3A_569, %swap3A_570, %swap3A_571] {strides = array<i32>} : memref<4x200x64xf32, #tpu.memory_space<vmem>>, vector<1x1x16xf32>,
      %swap3A_573 = vector.shape_cast %swap3A_572 : vector<1x1x16xf32> to vector<16xf32>
      %swap3A_574 = vector.shape_cast %get3A_567 : vector<16xf32> to vector<1x1x16xf32>
      tpu.vector_store %arg8[%swap3A_569, %swap3A_570, %swap3A_571], %swap3A_574 {add = true, strides = array<i32>} : memref<4x200x64xf32, #tpu.memory_space<vmem>>, vector<1x1x16xf32>,
      %get3A_575 = arith.index_cast %add3A_541 : i32 to index
      %get3A_576 = arith.constant 48 : index
      %get3A_577 = tpu.vector_load %arg7[%get3A_575, %get3A_576] {strides = array<i32>} : memref<200x64xf32, #tpu.memory_space<vmem>>, vector<1x16xf32>,
      %get3A_578 = vector.shape_cast %get3A_577 : vector<1x16xf32> to vector<16xf32>
      %swap3A_579 = arith.constant 1 : i32
      %swap3A_580 = arith.index_cast %swap3A_579 : i32 to index
      %swap3A_581 = arith.index_cast %add3A_541 : i32 to index
      %swap3A_582 = arith.constant 48 : index
      %swap3A_583 = tpu.vector_load %arg8[%swap3A_580, %swap3A_581, %swap3A_582] {strides = array<i32>} : memref<4x200x64xf32, #tpu.memory_space<vmem>>, vector<1x1x16xf32>,
      %swap3A_584 = vector.shape_cast %swap3A_583 : vector<1x1x16xf32> to vector<16xf32>
      %swap3A_585 = vector.shape_cast %get3A_578 : vector<16xf32> to vector<1x1x16xf32>
      tpu.vector_store %arg8[%swap3A_580, %swap3A_581, %swap3A_582], %swap3A_585 {add = true, strides = array<i32>} : memref<4x200x64xf32, #tpu.memory_space<vmem>>, vector<1x1x16xf32>,
      %scan3A_586 = arith.constant 4 : i32
      %scan3A_587 = arith.addi %scan3A_389, %scan3A_586 : i32
      %mul3A_588 = arith.constant 1 : i32
      %mul3A_589 = arith.muli %scan3A_587, %mul3A_588 : i32
      %add3A_590 = arith.constant 0 : i32
      %add3A_591 = arith.addi %add3A_590, %mul3A_589 : i32
      %get3A_592 = arith.index_cast %add3A_591 : i32 to index
      %get3A_593 = arith.constant 0 : index
      %get3A_594 = tpu.vector_load %arg7[%get3A_592, %get3A_593] {strides = array<i32>} : memref<200x64xf32, #tpu.memory_space<vmem>>, vector<1x16xf32>,
      %get3A_595 = vector.shape_cast %get3A_594 : vector<1x16xf32> to vector<16xf32>
      %swap3A_596 = arith.constant 1 : i32
      %swap3A_597 = arith.index_cast %swap3A_596 : i32 to index
      %swap3A_598 = arith.index_cast %add3A_591 : i32 to index
      %swap3A_599 = arith.constant 0 : index
      %swap3A_600 = tpu.vector_load %arg8[%swap3A_597, %swap3A_598, %swap3A_599] {strides = array<i32>} : memref<4x200x64xf32, #tpu.memory_space<vmem>>, vector<1x1x16xf32>,
      %swap3A_601 = vector.shape_cast %swap3A_600 : vector<1x1x16xf32> to vector<16xf32>
      %swap3A_602 = vector.shape_cast %get3A_595 : vector<16xf32> to vector<1x1x16xf32>
      tpu.vector_store %arg8[%swap3A_597, %swap3A_598, %swap3A_599], %swap3A_602 {add = true, strides = array<i32>} : memref<4x200x64xf32, #tpu.memory_space<vmem>>, vector<1x1x16xf32>,
      %get3A_603 = arith.index_cast %add3A_591 : i32 to index
      %get3A_604 = arith.constant 16 : index
      %get3A_605 = tpu.vector_load %arg7[%get3A_603, %get3A_604] {strides = array<i32>} : memref<200x64xf32, #tpu.memory_space<vmem>>, vector<1x16xf32>,
      %get3A_606 = vector.shape_cast %get3A_605 : vector<1x16xf32> to vector<16xf32>
      %swap3A_607 = arith.constant 1 : i32
      %swap3A_608 = arith.index_cast %swap3A_607 : i32 to index
      %swap3A_609 = arith.index_cast %add3A_591 : i32 to index
      %swap3A_610 = arith.constant 16 : index
      %swap3A_611 = tpu.vector_load %arg8[%swap3A_608, %swap3A_609, %swap3A_610] {strides = array<i32>} : memref<4x200x64xf32, #tpu.memory_space<vmem>>, vector<1x1x16xf32>,
      %swap3A_612 = vector.shape_cast %swap3A_611 : vector<1x1x16xf32> to vector<16xf32>
      %swap3A_613 = vector.shape_cast %get3A_606 : vector<16xf32> to vector<1x1x16xf32>
      tpu.vector_store %arg8[%swap3A_608, %swap3A_609, %swap3A_610], %swap3A_613 {add = true, strides = array<i32>} : memref<4x200x64xf32, #tpu.memory_space<vmem>>, vector<1x1x16xf32>,
      %get3A_614 = arith.index_cast %add3A_591 : i32 to index
      %get3A_615 = arith.constant 32 : index
      %get3A_616 = tpu.vector_load %arg7[%get3A_614, %get3A_615] {strides = array<i32>} : memref<200x64xf32, #tpu.memory_space<vmem>>, vector<1x16xf32>,
      %get3A_617 = vector.shape_cast %get3A_616 : vector<1x16xf32> to vector<16xf32>
      %swap3A_618 = arith.constant 1 : i32
      %swap3A_619 = arith.index_cast %swap3A_618 : i32 to index
      %swap3A_620 = arith.index_cast %add3A_591 : i32 to index
      %swap3A_621 = arith.constant 32 : index
      %swap3A_622 = tpu.vector_load %arg8[%swap3A_619, %swap3A_620, %swap3A_621] {strides = array<i32>} : memref<4x200x64xf32, #tpu.memory_space<vmem>>, vector<1x1x16xf32>,
      %swap3A_623 = vector.shape_cast %swap3A_622 : vector<1x1x16xf32> to vector<16xf32>
      %swap3A_624 = vector.shape_cast %get3A_617 : vector<16xf32> to vector<1x1x16xf32>
      tpu.vector_store %arg8[%swap3A_619, %swap3A_620, %swap3A_621], %swap3A_624 {add = true, strides = array<i32>} : memref<4x200x64xf32, #tpu.memory_space<vmem>>, vector<1x1x16xf32>,
      %get3A_625 = arith.index_cast %add3A_591 : i32 to index
      %get3A_626 = arith.constant 48 : index
      %get3A_627 = tpu.vector_load %arg7[%get3A_625, %get3A_626] {strides = array<i32>} : memref<200x64xf32, #tpu.memory_space<vmem>>, vector<1x16xf32>,
      %get3A_628 = vector.shape_cast %get3A_627 : vector<1x16xf32> to vector<16xf32>
      %swap3A_629 = arith.constant 1 : i32
      %swap3A_630 = arith.index_cast %swap3A_629 : i32 to index
      %swap3A_631 = arith.index_cast %add3A_591 : i32 to index
      %swap3A_632 = arith.constant 48 : index
      %swap3A_633 = tpu.vector_load %arg8[%swap3A_630, %swap3A_631, %swap3A_632] {strides = array<i32>} : memref<4x200x64xf32, #tpu.memory_space<vmem>>, vector<1x1x16xf32>,
      %swap3A_634 = vector.shape_cast %swap3A_633 : vector<1x1x16xf32> to vector<16xf32>
      %swap3A_635 = vector.shape_cast %get3A_628 : vector<16xf32> to vector<1x1x16xf32>
      tpu.vector_store %arg8[%swap3A_630, %swap3A_631, %swap3A_632], %swap3A_635 {add = true, strides = array<i32>} : memref<4x200x64xf32, #tpu.memory_space<vmem>>, vector<1x1x16xf32>,
      %scan3A_636 = arith.constant 5 : i32
      %scan3A_637 = arith.addi %scan3A_389, %scan3A_636 : i32
      %mul3A_638 = arith.constant 1 : i32
      %mul3A_639 = arith.muli %scan3A_637, %mul3A_638 : i32
      %add3A_640 = arith.constant 0 : i32
      %add3A_641 = arith.addi %add3A_640, %mul3A_639 : i32
      %get3A_642 = arith.index_cast %add3A_641 : i32 to index
      %get3A_643 = arith.constant 0 : index
      %get3A_644 = tpu.vector_load %arg7[%get3A_642, %get3A_643] {strides = array<i32>} : memref<200x64xf32, #tpu.memory_space<vmem>>, vector<1x16xf32>,
      %get3A_645 = vector.shape_cast %get3A_644 : vector<1x16xf32> to vector<16xf32>
      %swap3A_646 = arith.constant 1 : i32
      %swap3A_647 = arith.index_cast %swap3A_646 : i32 to index
      %swap3A_648 = arith.index_cast %add3A_641 : i32 to index
      %swap3A_649 = arith.constant 0 : index
      %swap3A_650 = tpu.vector_load %arg8[%swap3A_647, %swap3A_648, %swap3A_649] {strides = array<i32>} : memref<4x200x64xf32, #tpu.memory_space<vmem>>, vector<1x1x16xf32>,
      %swap3A_651 = vector.shape_cast %swap3A_650 : vector<1x1x16xf32> to vector<16xf32>
      %swap3A_652 = vector.shape_cast %get3A_645 : vector<16xf32> to vector<1x1x16xf32>
      tpu.vector_store %arg8[%swap3A_647, %swap3A_648, %swap3A_649], %swap3A_652 {add = true, strides = array<i32>} : memref<4x200x64xf32, #tpu.memory_space<vmem>>, vector<1x1x16xf32>,
      %get3A_653 = arith.index_cast %add3A_641 : i32 to index
      %get3A_654 = arith.constant 16 : index
      %get3A_655 = tpu.vector_load %arg7[%get3A_653, %get3A_654] {strides = array<i32>} : memref<200x64xf32, #tpu.memory_space<vmem>>, vector<1x16xf32>,
      %get3A_656 = vector.shape_cast %get3A_655 : vector<1x16xf32> to vector<16xf32>
      %swap3A_657 = arith.constant 1 : i32
      %swap3A_658 = arith.index_cast %swap3A_657 : i32 to index
      %swap3A_659 = arith.index_cast %add3A_641 : i32 to index
      %swap3A_660 = arith.constant 16 : index
      %swap3A_661 = tpu.vector_load %arg8[%swap3A_658, %swap3A_659, %swap3A_660] {strides = array<i32>} : memref<4x200x64xf32, #tpu.memory_space<vmem>>, vector<1x1x16xf32>,
      %swap3A_662 = vector.shape_cast %swap3A_661 : vector<1x1x16xf32> to vector<16xf32>
      %swap3A_663 = vector.shape_cast %get3A_656 : vector<16xf32> to vector<1x1x16xf32>
      tpu.vector_store %arg8[%swap3A_658, %swap3A_659, %swap3A_660], %swap3A_663 {add = true, strides = array<i32>} : memref<4x200x64xf32, #tpu.memory_space<vmem>>, vector<1x1x16xf32>,
      %get3A_664 = arith.index_cast %add3A_641 : i32 to index
      %get3A_665 = arith.constant 32 : index
      %get3A_666 = tpu.vector_load %arg7[%get3A_664, %get3A_665] {strides = array<i32>} : memref<200x64xf32, #tpu.memory_space<vmem>>, vector<1x16xf32>,
      %get3A_667 = vector.shape_cast %get3A_666 : vector<1x16xf32> to vector<16xf32>
      %swap3A_668 = arith.constant 1 : i32
      %swap3A_669 = arith.index_cast %swap3A_668 : i32 to index
      %swap3A_670 = arith.index_cast %add3A_641 : i32 to index
      %swap3A_671 = arith.constant 32 : index
      %swap3A_672 = tpu.vector_load %arg8[%swap3A_669, %swap3A_670, %swap3A_671] {strides = array<i32>} : memref<4x200x64xf32, #tpu.memory_space<vmem>>, vector<1x1x16xf32>,
      %swap3A_673 = vector.shape_cast %swap3A_672 : vector<1x1x16xf32> to vector<16xf32>
      %swap3A_674 = vector.shape_cast %get3A_667 : vector<16xf32> to vector<1x1x16xf32>
      tpu.vector_store %arg8[%swap3A_669, %swap3A_670, %swap3A_671], %swap3A_674 {add = true, strides = array<i32>} : memref<4x200x64xf32, #tpu.memory_space<vmem>>, vector<1x1x16xf32>,
      %get3A_675 = arith.index_cast %add3A_641 : i32 to index
      %get3A_676 = arith.constant 48 : index
      %get3A_677 = tpu.vector_load %arg7[%get3A_675, %get3A_676] {strides = array<i32>} : memref<200x64xf32, #tpu.memory_space<vmem>>, vector<1x16xf32>,
      %get3A_678 = vector.shape_cast %get3A_677 : vector<1x16xf32> to vector<16xf32>
      %swap3A_679 = arith.constant 1 : i32
      %swap3A_680 = arith.index_cast %swap3A_679 : i32 to index
      %swap3A_681 = arith.index_cast %add3A_641 : i32 to index
      %swap3A_682 = arith.constant 48 : index
      %swap3A_683 = tpu.vector_load %arg8[%swap3A_680, %swap3A_681, %swap3A_682] {strides = array<i32>} : memref<4x200x64xf32, #tpu.memory_space<vmem>>, vector<1x1x16xf32>,
      %swap3A_684 = vector.shape_cast %swap3A_683 : vector<1x1x16xf32> to vector<16xf32>
      %swap3A_685 = vector.shape_cast %get3A_678 : vector<16xf32> to vector<1x1x16xf32>
      tpu.vector_store %arg8[%swap3A_680, %swap3A_681, %swap3A_682], %swap3A_685 {add = true, strides = array<i32>} : memref<4x200x64xf32, #tpu.memory_space<vmem>>, vector<1x1x16xf32>,
      %scan3A_686 = arith.constant 6 : i32
      %scan3A_687 = arith.addi %scan3A_389, %scan3A_686 : i32
      %mul3A_688 = arith.constant 1 : i32
      %mul3A_689 = arith.muli %scan3A_687, %mul3A_688 : i32
      %add3A_690 = arith.constant 0 : i32
      %add3A_691 = arith.addi %add3A_690, %mul3A_689 : i32
      %get3A_692 = arith.index_cast %add3A_691 : i32 to index
      %get3A_693 = arith.constant 0 : index
      %get3A_694 = tpu.vector_load %arg7[%get3A_692, %get3A_693] {strides = array<i32>} : memref<200x64xf32, #tpu.memory_space<vmem>>, vector<1x16xf32>,
      %get3A_695 = vector.shape_cast %get3A_694 : vector<1x16xf32> to vector<16xf32>
      %swap3A_696 = arith.constant 1 : i32
      %swap3A_697 = arith.index_cast %swap3A_696 : i32 to index
      %swap3A_698 = arith.index_cast %add3A_691 : i32 to index
      %swap3A_699 = arith.constant 0 : index
      %swap3A_700 = tpu.vector_load %arg8[%swap3A_697, %swap3A_698, %swap3A_699] {strides = array<i32>} : memref<4x200x64xf32, #tpu.memory_space<vmem>>, vector<1x1x16xf32>,
      %swap3A_701 = vector.shape_cast %swap3A_700 : vector<1x1x16xf32> to vector<16xf32>
      %swap3A_702 = vector.shape_cast %get3A_695 : vector<16xf32> to vector<1x1x16xf32>
      tpu.vector_store %arg8[%swap3A_697, %swap3A_698, %swap3A_699], %swap3A_702 {add = true, strides = array<i32>} : memref<4x200x64xf32, #tpu.memory_space<vmem>>, vector<1x1x16xf32>,
      %get3A_703 = arith.index_cast %add3A_691 : i32 to index
      %get3A_704 = arith.constant 16 : index
      %get3A_705 = tpu.vector_load %arg7[%get3A_703, %get3A_704] {strides = array<i32>} : memref<200x64xf32, #tpu.memory_space<vmem>>, vector<1x16xf32>,
      %get3A_706 = vector.shape_cast %get3A_705 : vector<1x16xf32> to vector<16xf32>
      %swap3A_707 = arith.constant 1 : i32
      %swap3A_708 = arith.index_cast %swap3A_707 : i32 to index
      %swap3A_709 = arith.index_cast %add3A_691 : i32 to index
      %swap3A_710 = arith.constant 16 : index
      %swap3A_711 = tpu.vector_load %arg8[%swap3A_708, %swap3A_709, %swap3A_710] {strides = array<i32>} : memref<4x200x64xf32, #tpu.memory_space<vmem>>, vector<1x1x16xf32>,
      %swap3A_712 = vector.shape_cast %swap3A_711 : vector<1x1x16xf32> to vector<16xf32>
      %swap3A_713 = vector.shape_cast %get3A_706 : vector<16xf32> to vector<1x1x16xf32>
      tpu.vector_store %arg8[%swap3A_708, %swap3A_709, %swap3A_710], %swap3A_713 {add = true, strides = array<i32>} : memref<4x200x64xf32, #tpu.memory_space<vmem>>, vector<1x1x16xf32>,
      %get3A_714 = arith.index_cast %add3A_691 : i32 to index
      %get3A_715 = arith.constant 32 : index
      %get3A_716 = tpu.vector_load %arg7[%get3A_714, %get3A_715] {strides = array<i32>} : memref<200x64xf32, #tpu.memory_space<vmem>>, vector<1x16xf32>,
      %get3A_717 = vector.shape_cast %get3A_716 : vector<1x16xf32> to vector<16xf32>
      %swap3A_718 = arith.constant 1 : i32
      %swap3A_719 = arith.index_cast %swap3A_718 : i32 to index
      %swap3A_720 = arith.index_cast %add3A_691 : i32 to index
      %swap3A_721 = arith.constant 32 : index
      %swap3A_722 = tpu.vector_load %arg8[%swap3A_719, %swap3A_720, %swap3A_721] {strides = array<i32>} : memref<4x200x64xf32, #tpu.memory_space<vmem>>, vector<1x1x16xf32>,
      %swap3A_723 = vector.shape_cast %swap3A_722 : vector<1x1x16xf32> to vector<16xf32>
      %swap3A_724 = vector.shape_cast %get3A_717 : vector<16xf32> to vector<1x1x16xf32>
      tpu.vector_store %arg8[%swap3A_719, %swap3A_720, %swap3A_721], %swap3A_724 {add = true, strides = array<i32>} : memref<4x200x64xf32, #tpu.memory_space<vmem>>, vector<1x1x16xf32>,
      %get3A_725 = arith.index_cast %add3A_691 : i32 to index
      %get3A_726 = arith.constant 48 : index
      %get3A_727 = tpu.vector_load %arg7[%get3A_725, %get3A_726] {strides = array<i32>} : memref<200x64xf32, #tpu.memory_space<vmem>>, vector<1x16xf32>,
      %get3A_728 = vector.shape_cast %get3A_727 : vector<1x16xf32> to vector<16xf32>
      %swap3A_729 = arith.constant 1 : i32
      %swap3A_730 = arith.index_cast %swap3A_729 : i32 to index
      %swap3A_731 = arith.index_cast %add3A_691 : i32 to index
      %swap3A_732 = arith.constant 48 : index
      %swap3A_733 = tpu.vector_load %arg8[%swap3A_730, %swap3A_731, %swap3A_732] {strides = array<i32>} : memref<4x200x64xf32, #tpu.memory_space<vmem>>, vector<1x1x16xf32>,
      %swap3A_734 = vector.shape_cast %swap3A_733 : vector<1x1x16xf32> to vector<16xf32>
      %swap3A_735 = vector.shape_cast %get3A_728 : vector<16xf32> to vector<1x1x16xf32>
      tpu.vector_store %arg8[%swap3A_730, %swap3A_731, %swap3A_732], %swap3A_735 {add = true, strides = array<i32>} : memref<4x200x64xf32, #tpu.memory_space<vmem>>, vector<1x1x16xf32>,
      %scan3A_736 = arith.constant 7 : i32
      %scan3A_737 = arith.addi %scan3A_389, %scan3A_736 : i32
      %mul3A_738 = arith.constant 1 : i32
      %mul3A_739 = arith.muli %scan3A_737, %mul3A_738 : i32
      %add3A_740 = arith.constant 0 : i32
      %add3A_741 = arith.addi %add3A_740, %mul3A_739 : i32
      %get3A_742 = arith.index_cast %add3A_741 : i32 to index
      %get3A_743 = arith.constant 0 : index
      %get3A_744 = tpu.vector_load %arg7[%get3A_742, %get3A_743] {strides = array<i32>} : memref<200x64xf32, #tpu.memory_space<vmem>>, vector<1x16xf32>,
      %get3A_745 = vector.shape_cast %get3A_744 : vector<1x16xf32> to vector<16xf32>
      %swap3A_746 = arith.constant 1 : i32
      %swap3A_747 = arith.index_cast %swap3A_746 : i32 to index
      %swap3A_748 = arith.index_cast %add3A_741 : i32 to index
      %swap3A_749 = arith.constant 0 : index
      %swap3A_750 = tpu.vector_load %arg8[%swap3A_747, %swap3A_748, %swap3A_749] {strides = array<i32>} : memref<4x200x64xf32, #tpu.memory_space<vmem>>, vector<1x1x16xf32>,
      %swap3A_751 = vector.shape_cast %swap3A_750 : vector<1x1x16xf32> to vector<16xf32>
      %swap3A_752 = vector.shape_cast %get3A_745 : vector<16xf32> to vector<1x1x16xf32>
      tpu.vector_store %arg8[%swap3A_747, %swap3A_748, %swap3A_749], %swap3A_752 {add = true, strides = array<i32>} : memref<4x200x64xf32, #tpu.memory_space<vmem>>, vector<1x1x16xf32>,
      %get3A_753 = arith.index_cast %add3A_741 : i32 to index
      %get3A_754 = arith.constant 16 : index
      %get3A_755 = tpu.vector_load %arg7[%get3A_753, %get3A_754] {strides = array<i32>} : memref<200x64xf32, #tpu.memory_space<vmem>>, vector<1x16xf32>,
      %get3A_756 = vector.shape_cast %get3A_755 : vector<1x16xf32> to vector<16xf32>
      %swap3A_757 = arith.constant 1 : i32
      %swap3A_758 = arith.index_cast %swap3A_757 : i32 to index
      %swap3A_759 = arith.index_cast %add3A_741 : i32 to index
      %swap3A_760 = arith.constant 16 : index
      %swap3A_761 = tpu.vector_load %arg8[%swap3A_758, %swap3A_759, %swap3A_760] {strides = array<i32>} : memref<4x200x64xf32, #tpu.memory_space<vmem>>, vector<1x1x16xf32>,
      %swap3A_762 = vector.shape_cast %swap3A_761 : vector<1x1x16xf32> to vector<16xf32>
      %swap3A_763 = vector.shape_cast %get3A_756 : vector<16xf32> to vector<1x1x16xf32>
      tpu.vector_store %arg8[%swap3A_758, %swap3A_759, %swap3A_760], %swap3A_763 {add = true, strides = array<i32>} : memref<4x200x64xf32, #tpu.memory_space<vmem>>, vector<1x1x16xf32>,
      %get3A_764 = arith.index_cast %add3A_741 : i32 to index
      %get3A_765 = arith.constant 32 : index
      %get3A_766 = tpu.vector_load %arg7[%get3A_764, %get3A_765] {strides = array<i32>} : memref<200x64xf32, #tpu.memory_space<vmem>>, vector<1x16xf32>,
      %get3A_767 = vector.shape_cast %get3A_766 : vector<1x16xf32> to vector<16xf32>
      %swap3A_768 = arith.constant 1 : i32
      %swap3A_769 = arith.index_cast %swap3A_768 : i32 to index
      %swap3A_770 = arith.index_cast %add3A_741 : i32 to index
      %swap3A_771 = arith.constant 32 : index
      %swap3A_772 = tpu.vector_load %arg8[%swap3A_769, %swap3A_770, %swap3A_771] {strides = array<i32>} : memref<4x200x64xf32, #tpu.memory_space<vmem>>, vector<1x1x16xf32>,
      %swap3A_773 = vector.shape_cast %swap3A_772 : vector<1x1x16xf32> to vector<16xf32>
      %swap3A_774 = vector.shape_cast %get3A_767 : vector<16xf32> to vector<1x1x16xf32>
      tpu.vector_store %arg8[%swap3A_769, %swap3A_770, %swap3A_771], %swap3A_774 {add = true, strides = array<i32>} : memref<4x200x64xf32, #tpu.memory_space<vmem>>, vector<1x1x16xf32>,
      %get3A_775 = arith.index_cast %add3A_741 : i32 to index
      %get3A_776 = arith.constant 48 : index
      %get3A_777 = tpu.vector_load %arg7[%get3A_775, %get3A_776] {strides = array<i32>} : memref<200x64xf32, #tpu.memory_space<vmem>>, vector<1x16xf32>,
      %get3A_778 = vector.shape_cast %get3A_777 : vector<1x16xf32> to vector<16xf32>
      %swap3A_779 = arith.constant 1 : i32
      %swap3A_780 = arith.index_cast %swap3A_779 : i32 to index
      %swap3A_781 = arith.index_cast %add3A_741 : i32 to index
      %swap3A_782 = arith.constant 48 : index
      %swap3A_783 = tpu.vector_load %arg8[%swap3A_780, %swap3A_781, %swap3A_782] {strides = array<i32>} : memref<4x200x64xf32, #tpu.memory_space<vmem>>, vector<1x1x16xf32>,
      %swap3A_784 = vector.shape_cast %swap3A_783 : vector<1x1x16xf32> to vector<16xf32>
      %swap3A_785 = vector.shape_cast %get3A_778 : vector<16xf32> to vector<1x1x16xf32>
      tpu.vector_store %arg8[%swap3A_780, %swap3A_781, %swap3A_782], %swap3A_785 {add = true, strides = array<i32>} : memref<4x200x64xf32, #tpu.memory_space<vmem>>, vector<1x1x16xf32>,
    }
    %scan3A_192 = arith.constant 200 : i32
    %add3A_193 = arith.constant 125 : i32
    %add3A_194 = arith.addi %mul3A_2, %add3A_193 : i32
    %dma_start3A_195 = arith.constant 1 : i32
    %dma_start3A_196 = arith.constant 1 : i32
    %dma_start3A_197 = arith.constant 0 : i32
    %dma_start3A_198 = arith.constant 0 : i32
    %dma_start3A_199 = tpu.memref_slice %arg8[%dma_start3A_195, %dma_start3A_197, %dma_start3A_198] : memref<4x200x64xf32, #tpu.memory_space<vmem>> -> memref<1x200x64xf32, #tpu.memory_space<vmem>>
    %dma_start3A_200 = tpu.memref_squeeze %dma_start3A_199 : memref<1x200x64xf32, #tpu.memory_space<vmem>> -> memref<200x64xf32, #tpu.memory_space<vmem>>
    %dma_start3A_201 = arith.constant 0 : i32
    %dma_start3A_202 = arith.constant 0 : i32
    %dma_start3A_203 = tpu.memref_slice %arg5[%add3A_194, %dma_start3A_201, %dma_start3A_202] : memref<4096x200x64xf32, #tpu.memory_space<hbm>> -> memref<1x200x64xf32, #tpu.memory_space<hbm>>
    %dma_start3A_204 = tpu.memref_squeeze %dma_start3A_203 : memref<1x200x64xf32, #tpu.memory_space<hbm>> -> memref<200x64xf32, #tpu.memory_space<hbm>>
    %dma_start3A_205 = tpu.memref_slice %arg10[%dma_start3A_196] : memref<4x!tpu.dma_semaphore, #tpu.memory_space<semaphore_mem>> -> memref<1x!tpu.dma_semaphore, #tpu.memory_space<semaphore_mem>>
    %dma_start3A_206 = tpu.memref_squeeze %dma_start3A_205 : memref<1x!tpu.dma_semaphore, #tpu.memory_space<semaphore_mem>> -> memref<!tpu.dma_semaphore, #tpu.memory_space<semaphore_mem>>
    %dma_start3A_207 = arith.constant 0 : i32
    %dma_start3A_208 = arith.constant 0 : i32
    %dma_start3A_209 = tpu.memref_slice %arg5[%add3A_194, %dma_start3A_207, %dma_start3A_208] : memref<4096x200x64xf32, #tpu.memory_space<hbm>> -> memref<1x200x64xf32, #tpu.memory_space<hbm>>
    %dma_start3A_210 = tpu.memref_squeeze %dma_start3A_209 : memref<1x200x64xf32, #tpu.memory_space<hbm>> -> memref<200x64xf32, #tpu.memory_space<hbm>>
    %dma_start3A_211 = arith.constant 0 : i32
    %dma_start3A_212 = arith.constant 0 : i32
    %dma_start3A_213 = tpu.memref_slice %arg8[%dma_start3A_195, %dma_start3A_211, %dma_start3A_212] : memref<4x200x64xf32, #tpu.memory_space<vmem>> -> memref<1x200x64xf32, #tpu.memory_space<vmem>>
    %dma_start3A_214 = tpu.memref_squeeze %dma_start3A_213 : memref<1x200x64xf32, #tpu.memory_space<vmem>> -> memref<200x64xf32, #tpu.memory_space<vmem>>
    tpu.enqueue_dma source(%dma_start3A_214 : memref<200x64xf32, #tpu.memory_space<vmem>>) target(%dma_start3A_210 : memref<200x64xf32, #tpu.memory_space<hbm>>) target_semaphore(%dma_start3A_206 : memref<!tpu.dma_semaphore, #tpu.memory_space<semaphore_mem>>)
    %dma_wait3A_215 = arith.constant 2 : i32
    %dma_wait3A_216 = arith.constant 2 : i32
    %dma_wait3A_217 = arith.constant 0 : i32
    %dma_wait3A_218 = arith.constant 0 : i32
    %dma_wait3A_219 = tpu.memref_slice %arg8[%dma_wait3A_215, %dma_wait3A_217, %dma_wait3A_218] : memref<4x200x64xf32, #tpu.memory_space<vmem>> -> memref<1x200x64xf32, #tpu.memory_space<vmem>>
    %dma_wait3A_220 = tpu.memref_squeeze %dma_wait3A_219 : memref<1x200x64xf32, #tpu.memory_space<vmem>> -> memref<200x64xf32, #tpu.memory_space<vmem>>
    %dma_wait3A_221 = arith.constant 0 : i32
    %dma_wait3A_222 = arith.constant 0 : i32
    %dma_wait3A_223 = tpu.memref_slice %arg3[%dma_wait3A_221, %dma_wait3A_222] : memref<1000000x64xf32, #tpu.memory_space<hbm>> -> memref<200x64xf32, #tpu.memory_space<hbm>>
    %dma_wait3A_224 = tpu.memref_slice %arg9[%dma_wait3A_216] : memref<4x!tpu.dma_semaphore, #tpu.memory_space<semaphore_mem>> -> memref<1x!tpu.dma_semaphore, #tpu.memory_space<semaphore_mem>>
    %dma_wait3A_225 = tpu.memref_squeeze %dma_wait3A_224 : memref<1x!tpu.dma_semaphore, #tpu.memory_space<semaphore_mem>> -> memref<!tpu.dma_semaphore, #tpu.memory_space<semaphore_mem>>
    %dma_wait3A_226 = arith.constant 0 : i32
    %dma_wait3A_227 = arith.constant 0 : i32
    %dma_wait3A_228 = tpu.memref_slice %arg8[%dma_wait3A_215, %dma_wait3A_226, %dma_wait3A_227] : memref<4x200x64xf32, #tpu.memory_space<vmem>> -> memref<1x200x64xf32, #tpu.memory_space<vmem>>
    %dma_wait3A_229 = tpu.memref_squeeze %dma_wait3A_228 : memref<1x200x64xf32, #tpu.memory_space<vmem>> -> memref<200x64xf32, #tpu.memory_space<vmem>>
    %dma_wait3A_230 = arith.constant 0 : i32
    %dma_wait3A_231 = arith.constant 0 : i32
    %dma_wait3A_232 = tpu.memref_slice %arg3[%dma_wait3A_230, %dma_wait3A_231] : memref<1000000x64xf32, #tpu.memory_space<hbm>> -> memref<200x64xf32, #tpu.memory_space<hbm>>
    tpu.wait_dma2 semaphore(%dma_wait3A_225 : memref<!tpu.dma_semaphore, #tpu.memory_space<semaphore_mem>>) src(%dma_wait3A_232 : memref<200x64xf32, #tpu.memory_space<hbm>>) dst(%dma_wait3A_229 : memref<200x64xf32, #tpu.memory_space<vmem>>)
    %scan3A_233 = arith.constant 0 : i32
    %scan3A_234 = arith.constant 200 : i32
    %scan3A_235 = arith.addi %scan3A_233, %scan3A_234 : i32
    %scan3A_236 = arith.constant 8 : i32
    scf.for %scan3A_389 = %scan3A_233 to %scan3A_235 step %scan3A_236  : i32 {
      %mul3A_390 = arith.constant 1 : i32
      %mul3A_391 = arith.muli %scan3A_389, %mul3A_390 : i32
      %add3A_392 = arith.constant 0 : i32
      %add3A_393 = arith.addi %add3A_392, %mul3A_391 : i32
      %get3A = arith.index_cast %add3A_393 : i32 to index
      %get3A_394 = arith.constant 0 : index
      %get3A_395 = tpu.vector_load %arg7[%get3A, %get3A_394] {strides = array<i32>} : memref<200x64xf32, #tpu.memory_space<vmem>>, vector<1x16xf32>,
      %get3A_396 = vector.shape_cast %get3A_395 : vector<1x16xf32> to vector<16xf32>
      %swap3A = arith.constant 2 : i32
      %swap3A_397 = arith.index_cast %swap3A : i32 to index
      %swap3A_398 = arith.index_cast %add3A_393 : i32 to index
      %swap3A_399 = arith.constant 0 : index
      %swap3A_400 = tpu.vector_load %arg8[%swap3A_397, %swap3A_398, %swap3A_399] {strides = array<i32>} : memref<4x200x64xf32, #tpu.memory_space<vmem>>, vector<1x1x16xf32>,
      %swap3A_401 = vector.shape_cast %swap3A_400 : vector<1x1x16xf32> to vector<16xf32>
      %swap3A_402 = vector.shape_cast %get3A_396 : vector<16xf32> to vector<1x1x16xf32>
      tpu.vector_store %arg8[%swap3A_397, %swap3A_398, %swap3A_399], %swap3A_402 {add = true, strides = array<i32>} : memref<4x200x64xf32, #tpu.memory_space<vmem>>, vector<1x1x16xf32>,
      %get3A_403 = arith.index_cast %add3A_393 : i32 to index
      %get3A_404 = arith.constant 16 : index
      %get3A_405 = tpu.vector_load %arg7[%get3A_403, %get3A_404] {strides = array<i32>} : memref<200x64xf32, #tpu.memory_space<vmem>>, vector<1x16xf32>,
      %get3A_406 = vector.shape_cast %get3A_405 : vector<1x16xf32> to vector<16xf32>
      %swap3A_407 = arith.constant 2 : i32
      %swap3A_408 = arith.index_cast %swap3A_407 : i32 to index
      %swap3A_409 = arith.index_cast %add3A_393 : i32 to index
      %swap3A_410 = arith.constant 16 : index
      %swap3A_411 = tpu.vector_load %arg8[%swap3A_408, %swap3A_409, %swap3A_410] {strides = array<i32>} : memref<4x200x64xf32, #tpu.memory_space<vmem>>, vector<1x1x16xf32>,
      %swap3A_412 = vector.shape_cast %swap3A_411 : vector<1x1x16xf32> to vector<16xf32>
      %swap3A_413 = vector.shape_cast %get3A_406 : vector<16xf32> to vector<1x1x16xf32>
      tpu.vector_store %arg8[%swap3A_408, %swap3A_409, %swap3A_410], %swap3A_413 {add = true, strides = array<i32>} : memref<4x200x64xf32, #tpu.memory_space<vmem>>, vector<1x1x16xf32>,
      %get3A_414 = arith.index_cast %add3A_393 : i32 to index
      %get3A_415 = arith.constant 32 : index
      %get3A_416 = tpu.vector_load %arg7[%get3A_414, %get3A_415] {strides = array<i32>} : memref<200x64xf32, #tpu.memory_space<vmem>>, vector<1x16xf32>,
      %get3A_417 = vector.shape_cast %get3A_416 : vector<1x16xf32> to vector<16xf32>
      %swap3A_418 = arith.constant 2 : i32
      %swap3A_419 = arith.index_cast %swap3A_418 : i32 to index
      %swap3A_420 = arith.index_cast %add3A_393 : i32 to index
      %swap3A_421 = arith.constant 32 : index
      %swap3A_422 = tpu.vector_load %arg8[%swap3A_419, %swap3A_420, %swap3A_421] {strides = array<i32>} : memref<4x200x64xf32, #tpu.memory_space<vmem>>, vector<1x1x16xf32>,
      %swap3A_423 = vector.shape_cast %swap3A_422 : vector<1x1x16xf32> to vector<16xf32>
      %swap3A_424 = vector.shape_cast %get3A_417 : vector<16xf32> to vector<1x1x16xf32>
      tpu.vector_store %arg8[%swap3A_419, %swap3A_420, %swap3A_421], %swap3A_424 {add = true, strides = array<i32>} : memref<4x200x64xf32, #tpu.memory_space<vmem>>, vector<1x1x16xf32>,
      %get3A_425 = arith.index_cast %add3A_393 : i32 to index
      %get3A_426 = arith.constant 48 : index
      %get3A_427 = tpu.vector_load %arg7[%get3A_425, %get3A_426] {strides = array<i32>} : memref<200x64xf32, #tpu.memory_space<vmem>>, vector<1x16xf32>,
      %get3A_428 = vector.shape_cast %get3A_427 : vector<1x16xf32> to vector<16xf32>
      %swap3A_429 = arith.constant 2 : i32
      %swap3A_430 = arith.index_cast %swap3A_429 : i32 to index
      %swap3A_431 = arith.index_cast %add3A_393 : i32 to index
      %swap3A_432 = arith.constant 48 : index
      %swap3A_433 = tpu.vector_load %arg8[%swap3A_430, %swap3A_431, %swap3A_432] {strides = array<i32>} : memref<4x200x64xf32, #tpu.memory_space<vmem>>, vector<1x1x16xf32>,
      %swap3A_434 = vector.shape_cast %swap3A_433 : vector<1x1x16xf32> to vector<16xf32>
      %swap3A_435 = vector.shape_cast %get3A_428 : vector<16xf32> to vector<1x1x16xf32>
      tpu.vector_store %arg8[%swap3A_430, %swap3A_431, %swap3A_432], %swap3A_435 {add = true, strides = array<i32>} : memref<4x200x64xf32, #tpu.memory_space<vmem>>, vector<1x1x16xf32>,
      %scan3A_436 = arith.constant 1 : i32
      %scan3A_437 = arith.addi %scan3A_389, %scan3A_436 : i32
      %mul3A_438 = arith.constant 1 : i32
      %mul3A_439 = arith.muli %scan3A_437, %mul3A_438 : i32
      %add3A_440 = arith.constant 0 : i32
      %add3A_441 = arith.addi %add3A_440, %mul3A_439 : i32
      %get3A_442 = arith.index_cast %add3A_441 : i32 to index
      %get3A_443 = arith.constant 0 : index
      %get3A_444 = tpu.vector_load %arg7[%get3A_442, %get3A_443] {strides = array<i32>} : memref<200x64xf32, #tpu.memory_space<vmem>>, vector<1x16xf32>,
      %get3A_445 = vector.shape_cast %get3A_444 : vector<1x16xf32> to vector<16xf32>
      %swap3A_446 = arith.constant 2 : i32
      %swap3A_447 = arith.index_cast %swap3A_446 : i32 to index
      %swap3A_448 = arith.index_cast %add3A_441 : i32 to index
      %swap3A_449 = arith.constant 0 : index
      %swap3A_450 = tpu.vector_load %arg8[%swap3A_447, %swap3A_448, %swap3A_449] {strides = array<i32>} : memref<4x200x64xf32, #tpu.memory_space<vmem>>, vector<1x1x16xf32>,
      %swap3A_451 = vector.shape_cast %swap3A_450 : vector<1x1x16xf32> to vector<16xf32>
      %swap3A_452 = vector.shape_cast %get3A_445 : vector<16xf32> to vector<1x1x16xf32>
      tpu.vector_store %arg8[%swap3A_447, %swap3A_448, %swap3A_449], %swap3A_452 {add = true, strides = array<i32>} : memref<4x200x64xf32, #tpu.memory_space<vmem>>, vector<1x1x16xf32>,
      %get3A_453 = arith.index_cast %add3A_441 : i32 to index
      %get3A_454 = arith.constant 16 : index
      %get3A_455 = tpu.vector_load %arg7[%get3A_453, %get3A_454] {strides = array<i32>} : memref<200x64xf32, #tpu.memory_space<vmem>>, vector<1x16xf32>,
      %get3A_456 = vector.shape_cast %get3A_455 : vector<1x16xf32> to vector<16xf32>
      %swap3A_457 = arith.constant 2 : i32
      %swap3A_458 = arith.index_cast %swap3A_457 : i32 to index
      %swap3A_459 = arith.index_cast %add3A_441 : i32 to index
      %swap3A_460 = arith.constant 16 : index
      %swap3A_461 = tpu.vector_load %arg8[%swap3A_458, %swap3A_459, %swap3A_460] {strides = array<i32>} : memref<4x200x64xf32, #tpu.memory_space<vmem>>, vector<1x1x16xf32>,
      %swap3A_462 = vector.shape_cast %swap3A_461 : vector<1x1x16xf32> to vector<16xf32>
      %swap3A_463 = vector.shape_cast %get3A_456 : vector<16xf32> to vector<1x1x16xf32>
      tpu.vector_store %arg8[%swap3A_458, %swap3A_459, %swap3A_460], %swap3A_463 {add = true, strides = array<i32>} : memref<4x200x64xf32, #tpu.memory_space<vmem>>, vector<1x1x16xf32>,
      %get3A_464 = arith.index_cast %add3A_441 : i32 to index
      %get3A_465 = arith.constant 32 : index
      %get3A_466 = tpu.vector_load %arg7[%get3A_464, %get3A_465] {strides = array<i32>} : memref<200x64xf32, #tpu.memory_space<vmem>>, vector<1x16xf32>,
      %get3A_467 = vector.shape_cast %get3A_466 : vector<1x16xf32> to vector<16xf32>
      %swap3A_468 = arith.constant 2 : i32
      %swap3A_469 = arith.index_cast %swap3A_468 : i32 to index
      %swap3A_470 = arith.index_cast %add3A_441 : i32 to index
      %swap3A_471 = arith.constant 32 : index
      %swap3A_472 = tpu.vector_load %arg8[%swap3A_469, %swap3A_470, %swap3A_471] {strides = array<i32>} : memref<4x200x64xf32, #tpu.memory_space<vmem>>, vector<1x1x16xf32>,
      %swap3A_473 = vector.shape_cast %swap3A_472 : vector<1x1x16xf32> to vector<16xf32>
      %swap3A_474 = vector.shape_cast %get3A_467 : vector<16xf32> to vector<1x1x16xf32>
      tpu.vector_store %arg8[%swap3A_469, %swap3A_470, %swap3A_471], %swap3A_474 {add = true, strides = array<i32>} : memref<4x200x64xf32, #tpu.memory_space<vmem>>, vector<1x1x16xf32>,
      %get3A_475 = arith.index_cast %add3A_441 : i32 to index
      %get3A_476 = arith.constant 48 : index
      %get3A_477 = tpu.vector_load %arg7[%get3A_475, %get3A_476] {strides = array<i32>} : memref<200x64xf32, #tpu.memory_space<vmem>>, vector<1x16xf32>,
      %get3A_478 = vector.shape_cast %get3A_477 : vector<1x16xf32> to vector<16xf32>
      %swap3A_479 = arith.constant 2 : i32
      %swap3A_480 = arith.index_cast %swap3A_479 : i32 to index
      %swap3A_481 = arith.index_cast %add3A_441 : i32 to index
      %swap3A_482 = arith.constant 48 : index
      %swap3A_483 = tpu.vector_load %arg8[%swap3A_480, %swap3A_481, %swap3A_482] {strides = array<i32>} : memref<4x200x64xf32, #tpu.memory_space<vmem>>, vector<1x1x16xf32>,
      %swap3A_484 = vector.shape_cast %swap3A_483 : vector<1x1x16xf32> to vector<16xf32>
      %swap3A_485 = vector.shape_cast %get3A_478 : vector<16xf32> to vector<1x1x16xf32>
      tpu.vector_store %arg8[%swap3A_480, %swap3A_481, %swap3A_482], %swap3A_485 {add = true, strides = array<i32>} : memref<4x200x64xf32, #tpu.memory_space<vmem>>, vector<1x1x16xf32>,
      %scan3A_486 = arith.constant 2 : i32
      %scan3A_487 = arith.addi %scan3A_389, %scan3A_486 : i32
      %mul3A_488 = arith.constant 1 : i32
      %mul3A_489 = arith.muli %scan3A_487, %mul3A_488 : i32
      %add3A_490 = arith.constant 0 : i32
      %add3A_491 = arith.addi %add3A_490, %mul3A_489 : i32
      %get3A_492 = arith.index_cast %add3A_491 : i32 to index
      %get3A_493 = arith.constant 0 : index
      %get3A_494 = tpu.vector_load %arg7[%get3A_492, %get3A_493] {strides = array<i32>} : memref<200x64xf32, #tpu.memory_space<vmem>>, vector<1x16xf32>,
      %get3A_495 = vector.shape_cast %get3A_494 : vector<1x16xf32> to vector<16xf32>
      %swap3A_496 = arith.constant 2 : i32
      %swap3A_497 = arith.index_cast %swap3A_496 : i32 to index
      %swap3A_498 = arith.index_cast %add3A_491 : i32 to index
      %swap3A_499 = arith.constant 0 : index
      %swap3A_500 = tpu.vector_load %arg8[%swap3A_497, %swap3A_498, %swap3A_499] {strides = array<i32>} : memref<4x200x64xf32, #tpu.memory_space<vmem>>, vector<1x1x16xf32>,
      %swap3A_501 = vector.shape_cast %swap3A_500 : vector<1x1x16xf32> to vector<16xf32>
      %swap3A_502 = vector.shape_cast %get3A_495 : vector<16xf32> to vector<1x1x16xf32>
      tpu.vector_store %arg8[%swap3A_497, %swap3A_498, %swap3A_499], %swap3A_502 {add = true, strides = array<i32>} : memref<4x200x64xf32, #tpu.memory_space<vmem>>, vector<1x1x16xf32>,
      %get3A_503 = arith.index_cast %add3A_491 : i32 to index
      %get3A_504 = arith.constant 16 : index
      %get3A_505 = tpu.vector_load %arg7[%get3A_503, %get3A_504] {strides = array<i32>} : memref<200x64xf32, #tpu.memory_space<vmem>>, vector<1x16xf32>,
      %get3A_506 = vector.shape_cast %get3A_505 : vector<1x16xf32> to vector<16xf32>
      %swap3A_507 = arith.constant 2 : i32
      %swap3A_508 = arith.index_cast %swap3A_507 : i32 to index
      %swap3A_509 = arith.index_cast %add3A_491 : i32 to index
      %swap3A_510 = arith.constant 16 : index
      %swap3A_511 = tpu.vector_load %arg8[%swap3A_508, %swap3A_509, %swap3A_510] {strides = array<i32>} : memref<4x200x64xf32, #tpu.memory_space<vmem>>, vector<1x1x16xf32>,
      %swap3A_512 = vector.shape_cast %swap3A_511 : vector<1x1x16xf32> to vector<16xf32>
      %swap3A_513 = vector.shape_cast %get3A_506 : vector<16xf32> to vector<1x1x16xf32>
      tpu.vector_store %arg8[%swap3A_508, %swap3A_509, %swap3A_510], %swap3A_513 {add = true, strides = array<i32>} : memref<4x200x64xf32, #tpu.memory_space<vmem>>, vector<1x1x16xf32>,
      %get3A_514 = arith.index_cast %add3A_491 : i32 to index
      %get3A_515 = arith.constant 32 : index
      %get3A_516 = tpu.vector_load %arg7[%get3A_514, %get3A_515] {strides = array<i32>} : memref<200x64xf32, #tpu.memory_space<vmem>>, vector<1x16xf32>,
      %get3A_517 = vector.shape_cast %get3A_516 : vector<1x16xf32> to vector<16xf32>
      %swap3A_518 = arith.constant 2 : i32
      %swap3A_519 = arith.index_cast %swap3A_518 : i32 to index
      %swap3A_520 = arith.index_cast %add3A_491 : i32 to index
      %swap3A_521 = arith.constant 32 : index
      %swap3A_522 = tpu.vector_load %arg8[%swap3A_519, %swap3A_520, %swap3A_521] {strides = array<i32>} : memref<4x200x64xf32, #tpu.memory_space<vmem>>, vector<1x1x16xf32>,
      %swap3A_523 = vector.shape_cast %swap3A_522 : vector<1x1x16xf32> to vector<16xf32>
      %swap3A_524 = vector.shape_cast %get3A_517 : vector<16xf32> to vector<1x1x16xf32>
      tpu.vector_store %arg8[%swap3A_519, %swap3A_520, %swap3A_521], %swap3A_524 {add = true, strides = array<i32>} : memref<4x200x64xf32, #tpu.memory_space<vmem>>, vector<1x1x16xf32>,
      %get3A_525 = arith.index_cast %add3A_491 : i32 to index
      %get3A_526 = arith.constant 48 : index
      %get3A_527 = tpu.vector_load %arg7[%get3A_525, %get3A_526] {strides = array<i32>} : memref<200x64xf32, #tpu.memory_space<vmem>>, vector<1x16xf32>,
      %get3A_528 = vector.shape_cast %get3A_527 : vector<1x16xf32> to vector<16xf32>
      %swap3A_529 = arith.constant 2 : i32
      %swap3A_530 = arith.index_cast %swap3A_529 : i32 to index
      %swap3A_531 = arith.index_cast %add3A_491 : i32 to index
      %swap3A_532 = arith.constant 48 : index
      %swap3A_533 = tpu.vector_load %arg8[%swap3A_530, %swap3A_531, %swap3A_532] {strides = array<i32>} : memref<4x200x64xf32, #tpu.memory_space<vmem>>, vector<1x1x16xf32>,
      %swap3A_534 = vector.shape_cast %swap3A_533 : vector<1x1x16xf32> to vector<16xf32>
      %swap3A_535 = vector.shape_cast %get3A_528 : vector<16xf32> to vector<1x1x16xf32>
      tpu.vector_store %arg8[%swap3A_530, %swap3A_531, %swap3A_532], %swap3A_535 {add = true, strides = array<i32>} : memref<4x200x64xf32, #tpu.memory_space<vmem>>, vector<1x1x16xf32>,
      %scan3A_536 = arith.constant 3 : i32
      %scan3A_537 = arith.addi %scan3A_389, %scan3A_536 : i32
      %mul3A_538 = arith.constant 1 : i32
      %mul3A_539 = arith.muli %scan3A_537, %mul3A_538 : i32
      %add3A_540 = arith.constant 0 : i32
      %add3A_541 = arith.addi %add3A_540, %mul3A_539 : i32
      %get3A_542 = arith.index_cast %add3A_541 : i32 to index
      %get3A_543 = arith.constant 0 : index
      %get3A_544 = tpu.vector_load %arg7[%get3A_542, %get3A_543] {strides = array<i32>} : memref<200x64xf32, #tpu.memory_space<vmem>>, vector<1x16xf32>,
      %get3A_545 = vector.shape_cast %get3A_544 : vector<1x16xf32> to vector<16xf32>
      %swap3A_546 = arith.constant 2 : i32
      %swap3A_547 = arith.index_cast %swap3A_546 : i32 to index
      %swap3A_548 = arith.index_cast %add3A_541 : i32 to index
      %swap3A_549 = arith.constant 0 : index
      %swap3A_550 = tpu.vector_load %arg8[%swap3A_547, %swap3A_548, %swap3A_549] {strides = array<i32>} : memref<4x200x64xf32, #tpu.memory_space<vmem>>, vector<1x1x16xf32>,
      %swap3A_551 = vector.shape_cast %swap3A_550 : vector<1x1x16xf32> to vector<16xf32>
      %swap3A_552 = vector.shape_cast %get3A_545 : vector<16xf32> to vector<1x1x16xf32>
      tpu.vector_store %arg8[%swap3A_547, %swap3A_548, %swap3A_549], %swap3A_552 {add = true, strides = array<i32>} : memref<4x200x64xf32, #tpu.memory_space<vmem>>, vector<1x1x16xf32>,
      %get3A_553 = arith.index_cast %add3A_541 : i32 to index
      %get3A_554 = arith.constant 16 : index
      %get3A_555 = tpu.vector_load %arg7[%get3A_553, %get3A_554] {strides = array<i32>} : memref<200x64xf32, #tpu.memory_space<vmem>>, vector<1x16xf32>,
      %get3A_556 = vector.shape_cast %get3A_555 : vector<1x16xf32> to vector<16xf32>
      %swap3A_557 = arith.constant 2 : i32
      %swap3A_558 = arith.index_cast %swap3A_557 : i32 to index
      %swap3A_559 = arith.index_cast %add3A_541 : i32 to index
      %swap3A_560 = arith.constant 16 : index
      %swap3A_561 = tpu.vector_load %arg8[%swap3A_558, %swap3A_559, %swap3A_560] {strides = array<i32>} : memref<4x200x64xf32, #tpu.memory_space<vmem>>, vector<1x1x16xf32>,
      %swap3A_562 = vector.shape_cast %swap3A_561 : vector<1x1x16xf32> to vector<16xf32>
      %swap3A_563 = vector.shape_cast %get3A_556 : vector<16xf32> to vector<1x1x16xf32>
      tpu.vector_store %arg8[%swap3A_558, %swap3A_559, %swap3A_560], %swap3A_563 {add = true, strides = array<i32>} : memref<4x200x64xf32, #tpu.memory_space<vmem>>, vector<1x1x16xf32>,
      %get3A_564 = arith.index_cast %add3A_541 : i32 to index
      %get3A_565 = arith.constant 32 : index
      %get3A_566 = tpu.vector_load %arg7[%get3A_564, %get3A_565] {strides = array<i32>} : memref<200x64xf32, #tpu.memory_space<vmem>>, vector<1x16xf32>,
      %get3A_567 = vector.shape_cast %get3A_566 : vector<1x16xf32> to vector<16xf32>
      %swap3A_568 = arith.constant 2 : i32
      %swap3A_569 = arith.index_cast %swap3A_568 : i32 to index
      %swap3A_570 = arith.index_cast %add3A_541 : i32 to index
      %swap3A_571 = arith.constant 32 : index
      %swap3A_572 = tpu.vector_load %arg8[%swap3A_569, %swap3A_570, %swap3A_571] {strides = array<i32>} : memref<4x200x64xf32, #tpu.memory_space<vmem>>, vector<1x1x16xf32>,
      %swap3A_573 = vector.shape_cast %swap3A_572 : vector<1x1x16xf32> to vector<16xf32>
      %swap3A_574 = vector.shape_cast %get3A_567 : vector<16xf32> to vector<1x1x16xf32>
      tpu.vector_store %arg8[%swap3A_569, %swap3A_570, %swap3A_571], %swap3A_574 {add = true, strides = array<i32>} : memref<4x200x64xf32, #tpu.memory_space<vmem>>, vector<1x1x16xf32>,
      %get3A_575 = arith.index_cast %add3A_541 : i32 to index
      %get3A_576 = arith.constant 48 : index
      %get3A_577 = tpu.vector_load %arg7[%get3A_575, %get3A_576] {strides = array<i32>} : memref<200x64xf32, #tpu.memory_space<vmem>>, vector<1x16xf32>,
      %get3A_578 = vector.shape_cast %get3A_577 : vector<1x16xf32> to vector<16xf32>
      %swap3A_579 = arith.constant 2 : i32
      %swap3A_580 = arith.index_cast %swap3A_579 : i32 to index
      %swap3A_581 = arith.index_cast %add3A_541 : i32 to index
      %swap3A_582 = arith.constant 48 : index
      %swap3A_583 = tpu.vector_load %arg8[%swap3A_580, %swap3A_581, %swap3A_582] {strides = array<i32>} : memref<4x200x64xf32, #tpu.memory_space<vmem>>, vector<1x1x16xf32>,
      %swap3A_584 = vector.shape_cast %swap3A_583 : vector<1x1x16xf32> to vector<16xf32>
      %swap3A_585 = vector.shape_cast %get3A_578 : vector<16xf32> to vector<1x1x16xf32>
      tpu.vector_store %arg8[%swap3A_580, %swap3A_581, %swap3A_582], %swap3A_585 {add = true, strides = array<i32>} : memref<4x200x64xf32, #tpu.memory_space<vmem>>, vector<1x1x16xf32>,
      %scan3A_586 = arith.constant 4 : i32
      %scan3A_587 = arith.addi %scan3A_389, %scan3A_586 : i32
      %mul3A_588 = arith.constant 1 : i32
      %mul3A_589 = arith.muli %scan3A_587, %mul3A_588 : i32
      %add3A_590 = arith.constant 0 : i32
      %add3A_591 = arith.addi %add3A_590, %mul3A_589 : i32
      %get3A_592 = arith.index_cast %add3A_591 : i32 to index
      %get3A_593 = arith.constant 0 : index
      %get3A_594 = tpu.vector_load %arg7[%get3A_592, %get3A_593] {strides = array<i32>} : memref<200x64xf32, #tpu.memory_space<vmem>>, vector<1x16xf32>,
      %get3A_595 = vector.shape_cast %get3A_594 : vector<1x16xf32> to vector<16xf32>
      %swap3A_596 = arith.constant 2 : i32
      %swap3A_597 = arith.index_cast %swap3A_596 : i32 to index
      %swap3A_598 = arith.index_cast %add3A_591 : i32 to index
      %swap3A_599 = arith.constant 0 : index
      %swap3A_600 = tpu.vector_load %arg8[%swap3A_597, %swap3A_598, %swap3A_599] {strides = array<i32>} : memref<4x200x64xf32, #tpu.memory_space<vmem>>, vector<1x1x16xf32>,
      %swap3A_601 = vector.shape_cast %swap3A_600 : vector<1x1x16xf32> to vector<16xf32>
      %swap3A_602 = vector.shape_cast %get3A_595 : vector<16xf32> to vector<1x1x16xf32>
      tpu.vector_store %arg8[%swap3A_597, %swap3A_598, %swap3A_599], %swap3A_602 {add = true, strides = array<i32>} : memref<4x200x64xf32, #tpu.memory_space<vmem>>, vector<1x1x16xf32>,
      %get3A_603 = arith.index_cast %add3A_591 : i32 to index
      %get3A_604 = arith.constant 16 : index
      %get3A_605 = tpu.vector_load %arg7[%get3A_603, %get3A_604] {strides = array<i32>} : memref<200x64xf32, #tpu.memory_space<vmem>>, vector<1x16xf32>,
      %get3A_606 = vector.shape_cast %get3A_605 : vector<1x16xf32> to vector<16xf32>
      %swap3A_607 = arith.constant 2 : i32
      %swap3A_608 = arith.index_cast %swap3A_607 : i32 to index
      %swap3A_609 = arith.index_cast %add3A_591 : i32 to index
      %swap3A_610 = arith.constant 16 : index
      %swap3A_611 = tpu.vector_load %arg8[%swap3A_608, %swap3A_609, %swap3A_610] {strides = array<i32>} : memref<4x200x64xf32, #tpu.memory_space<vmem>>, vector<1x1x16xf32>,
      %swap3A_612 = vector.shape_cast %swap3A_611 : vector<1x1x16xf32> to vector<16xf32>
      %swap3A_613 = vector.shape_cast %get3A_606 : vector<16xf32> to vector<1x1x16xf32>
      tpu.vector_store %arg8[%swap3A_608, %swap3A_609, %swap3A_610], %swap3A_613 {add = true, strides = array<i32>} : memref<4x200x64xf32, #tpu.memory_space<vmem>>, vector<1x1x16xf32>,
      %get3A_614 = arith.index_cast %add3A_591 : i32 to index
      %get3A_615 = arith.constant 32 : index
      %get3A_616 = tpu.vector_load %arg7[%get3A_614, %get3A_615] {strides = array<i32>} : memref<200x64xf32, #tpu.memory_space<vmem>>, vector<1x16xf32>,
      %get3A_617 = vector.shape_cast %get3A_616 : vector<1x16xf32> to vector<16xf32>
      %swap3A_618 = arith.constant 2 : i32
      %swap3A_619 = arith.index_cast %swap3A_618 : i32 to index
      %swap3A_620 = arith.index_cast %add3A_591 : i32 to index
      %swap3A_621 = arith.constant 32 : index
      %swap3A_622 = tpu.vector_load %arg8[%swap3A_619, %swap3A_620, %swap3A_621] {strides = array<i32>} : memref<4x200x64xf32, #tpu.memory_space<vmem>>, vector<1x1x16xf32>,
      %swap3A_623 = vector.shape_cast %swap3A_622 : vector<1x1x16xf32> to vector<16xf32>
      %swap3A_624 = vector.shape_cast %get3A_617 : vector<16xf32> to vector<1x1x16xf32>
      tpu.vector_store %arg8[%swap3A_619, %swap3A_620, %swap3A_621], %swap3A_624 {add = true, strides = array<i32>} : memref<4x200x64xf32, #tpu.memory_space<vmem>>, vector<1x1x16xf32>,
      %get3A_625 = arith.index_cast %add3A_591 : i32 to index
      %get3A_626 = arith.constant 48 : index
      %get3A_627 = tpu.vector_load %arg7[%get3A_625, %get3A_626] {strides = array<i32>} : memref<200x64xf32, #tpu.memory_space<vmem>>, vector<1x16xf32>,
      %get3A_628 = vector.shape_cast %get3A_627 : vector<1x16xf32> to vector<16xf32>
      %swap3A_629 = arith.constant 2 : i32
      %swap3A_630 = arith.index_cast %swap3A_629 : i32 to index
      %swap3A_631 = arith.index_cast %add3A_591 : i32 to index
      %swap3A_632 = arith.constant 48 : index
      %swap3A_633 = tpu.vector_load %arg8[%swap3A_630, %swap3A_631, %swap3A_632] {strides = array<i32>} : memref<4x200x64xf32, #tpu.memory_space<vmem>>, vector<1x1x16xf32>,
      %swap3A_634 = vector.shape_cast %swap3A_633 : vector<1x1x16xf32> to vector<16xf32>
      %swap3A_635 = vector.shape_cast %get3A_628 : vector<16xf32> to vector<1x1x16xf32>
      tpu.vector_store %arg8[%swap3A_630, %swap3A_631, %swap3A_632], %swap3A_635 {add = true, strides = array<i32>} : memref<4x200x64xf32, #tpu.memory_space<vmem>>, vector<1x1x16xf32>,
      %scan3A_636 = arith.constant 5 : i32
      %scan3A_637 = arith.addi %scan3A_389, %scan3A_636 : i32
      %mul3A_638 = arith.constant 1 : i32
      %mul3A_639 = arith.muli %scan3A_637, %mul3A_638 : i32
      %add3A_640 = arith.constant 0 : i32
      %add3A_641 = arith.addi %add3A_640, %mul3A_639 : i32
      %get3A_642 = arith.index_cast %add3A_641 : i32 to index
      %get3A_643 = arith.constant 0 : index
      %get3A_644 = tpu.vector_load %arg7[%get3A_642, %get3A_643] {strides = array<i32>} : memref<200x64xf32, #tpu.memory_space<vmem>>, vector<1x16xf32>,
      %get3A_645 = vector.shape_cast %get3A_644 : vector<1x16xf32> to vector<16xf32>
      %swap3A_646 = arith.constant 2 : i32
      %swap3A_647 = arith.index_cast %swap3A_646 : i32 to index
      %swap3A_648 = arith.index_cast %add3A_641 : i32 to index
      %swap3A_649 = arith.constant 0 : index
      %swap3A_650 = tpu.vector_load %arg8[%swap3A_647, %swap3A_648, %swap3A_649] {strides = array<i32>} : memref<4x200x64xf32, #tpu.memory_space<vmem>>, vector<1x1x16xf32>,
      %swap3A_651 = vector.shape_cast %swap3A_650 : vector<1x1x16xf32> to vector<16xf32>
      %swap3A_652 = vector.shape_cast %get3A_645 : vector<16xf32> to vector<1x1x16xf32>
      tpu.vector_store %arg8[%swap3A_647, %swap3A_648, %swap3A_649], %swap3A_652 {add = true, strides = array<i32>} : memref<4x200x64xf32, #tpu.memory_space<vmem>>, vector<1x1x16xf32>,
      %get3A_653 = arith.index_cast %add3A_641 : i32 to index
      %get3A_654 = arith.constant 16 : index
      %get3A_655 = tpu.vector_load %arg7[%get3A_653, %get3A_654] {strides = array<i32>} : memref<200x64xf32, #tpu.memory_space<vmem>>, vector<1x16xf32>,
      %get3A_656 = vector.shape_cast %get3A_655 : vector<1x16xf32> to vector<16xf32>
      %swap3A_657 = arith.constant 2 : i32
      %swap3A_658 = arith.index_cast %swap3A_657 : i32 to index
      %swap3A_659 = arith.index_cast %add3A_641 : i32 to index
      %swap3A_660 = arith.constant 16 : index
      %swap3A_661 = tpu.vector_load %arg8[%swap3A_658, %swap3A_659, %swap3A_660] {strides = array<i32>} : memref<4x200x64xf32, #tpu.memory_space<vmem>>, vector<1x1x16xf32>,
      %swap3A_662 = vector.shape_cast %swap3A_661 : vector<1x1x16xf32> to vector<16xf32>
      %swap3A_663 = vector.shape_cast %get3A_656 : vector<16xf32> to vector<1x1x16xf32>
      tpu.vector_store %arg8[%swap3A_658, %swap3A_659, %swap3A_660], %swap3A_663 {add = true, strides = array<i32>} : memref<4x200x64xf32, #tpu.memory_space<vmem>>, vector<1x1x16xf32>,
      %get3A_664 = arith.index_cast %add3A_641 : i32 to index
      %get3A_665 = arith.constant 32 : index
      %get3A_666 = tpu.vector_load %arg7[%get3A_664, %get3A_665] {strides = array<i32>} : memref<200x64xf32, #tpu.memory_space<vmem>>, vector<1x16xf32>,
      %get3A_667 = vector.shape_cast %get3A_666 : vector<1x16xf32> to vector<16xf32>
      %swap3A_668 = arith.constant 2 : i32
      %swap3A_669 = arith.index_cast %swap3A_668 : i32 to index
      %swap3A_670 = arith.index_cast %add3A_641 : i32 to index
      %swap3A_671 = arith.constant 32 : index
      %swap3A_672 = tpu.vector_load %arg8[%swap3A_669, %swap3A_670, %swap3A_671] {strides = array<i32>} : memref<4x200x64xf32, #tpu.memory_space<vmem>>, vector<1x1x16xf32>,
      %swap3A_673 = vector.shape_cast %swap3A_672 : vector<1x1x16xf32> to vector<16xf32>
      %swap3A_674 = vector.shape_cast %get3A_667 : vector<16xf32> to vector<1x1x16xf32>
      tpu.vector_store %arg8[%swap3A_669, %swap3A_670, %swap3A_671], %swap3A_674 {add = true, strides = array<i32>} : memref<4x200x64xf32, #tpu.memory_space<vmem>>, vector<1x1x16xf32>,
      %get3A_675 = arith.index_cast %add3A_641 : i32 to index
      %get3A_676 = arith.constant 48 : index
      %get3A_677 = tpu.vector_load %arg7[%get3A_675, %get3A_676] {strides = array<i32>} : memref<200x64xf32, #tpu.memory_space<vmem>>, vector<1x16xf32>,
      %get3A_678 = vector.shape_cast %get3A_677 : vector<1x16xf32> to vector<16xf32>
      %swap3A_679 = arith.constant 2 : i32
      %swap3A_680 = arith.index_cast %swap3A_679 : i32 to index
      %swap3A_681 = arith.index_cast %add3A_641 : i32 to index
      %swap3A_682 = arith.constant 48 : index
      %swap3A_683 = tpu.vector_load %arg8[%swap3A_680, %swap3A_681, %swap3A_682] {strides = array<i32>} : memref<4x200x64xf32, #tpu.memory_space<vmem>>, vector<1x1x16xf32>,
      %swap3A_684 = vector.shape_cast %swap3A_683 : vector<1x1x16xf32> to vector<16xf32>
      %swap3A_685 = vector.shape_cast %get3A_678 : vector<16xf32> to vector<1x1x16xf32>
      tpu.vector_store %arg8[%swap3A_680, %swap3A_681, %swap3A_682], %swap3A_685 {add = true, strides = array<i32>} : memref<4x200x64xf32, #tpu.memory_space<vmem>>, vector<1x1x16xf32>,
      %scan3A_686 = arith.constant 6 : i32
      %scan3A_687 = arith.addi %scan3A_389, %scan3A_686 : i32
      %mul3A_688 = arith.constant 1 : i32
      %mul3A_689 = arith.muli %scan3A_687, %mul3A_688 : i32
      %add3A_690 = arith.constant 0 : i32
      %add3A_691 = arith.addi %add3A_690, %mul3A_689 : i32
      %get3A_692 = arith.index_cast %add3A_691 : i32 to index
      %get3A_693 = arith.constant 0 : index
      %get3A_694 = tpu.vector_load %arg7[%get3A_692, %get3A_693] {strides = array<i32>} : memref<200x64xf32, #tpu.memory_space<vmem>>, vector<1x16xf32>,
      %get3A_695 = vector.shape_cast %get3A_694 : vector<1x16xf32> to vector<16xf32>
      %swap3A_696 = arith.constant 2 : i32
      %swap3A_697 = arith.index_cast %swap3A_696 : i32 to index
      %swap3A_698 = arith.index_cast %add3A_691 : i32 to index
      %swap3A_699 = arith.constant 0 : index
      %swap3A_700 = tpu.vector_load %arg8[%swap3A_697, %swap3A_698, %swap3A_699] {strides = array<i32>} : memref<4x200x64xf32, #tpu.memory_space<vmem>>, vector<1x1x16xf32>,
      %swap3A_701 = vector.shape_cast %swap3A_700 : vector<1x1x16xf32> to vector<16xf32>
      %swap3A_702 = vector.shape_cast %get3A_695 : vector<16xf32> to vector<1x1x16xf32>
      tpu.vector_store %arg8[%swap3A_697, %swap3A_698, %swap3A_699], %swap3A_702 {add = true, strides = array<i32>} : memref<4x200x64xf32, #tpu.memory_space<vmem>>, vector<1x1x16xf32>,
      %get3A_703 = arith.index_cast %add3A_691 : i32 to index
      %get3A_704 = arith.constant 16 : index
      %get3A_705 = tpu.vector_load %arg7[%get3A_703, %get3A_704] {strides = array<i32>} : memref<200x64xf32, #tpu.memory_space<vmem>>, vector<1x16xf32>,
      %get3A_706 = vector.shape_cast %get3A_705 : vector<1x16xf32> to vector<16xf32>
      %swap3A_707 = arith.constant 2 : i32
      %swap3A_708 = arith.index_cast %swap3A_707 : i32 to index
      %swap3A_709 = arith.index_cast %add3A_691 : i32 to index
      %swap3A_710 = arith.constant 16 : index
      %swap3A_711 = tpu.vector_load %arg8[%swap3A_708, %swap3A_709, %swap3A_710] {strides = array<i32>} : memref<4x200x64xf32, #tpu.memory_space<vmem>>, vector<1x1x16xf32>,
      %swap3A_712 = vector.shape_cast %swap3A_711 : vector<1x1x16xf32> to vector<16xf32>
      %swap3A_713 = vector.shape_cast %get3A_706 : vector<16xf32> to vector<1x1x16xf32>
      tpu.vector_store %arg8[%swap3A_708, %swap3A_709, %swap3A_710], %swap3A_713 {add = true, strides = array<i32>} : memref<4x200x64xf32, #tpu.memory_space<vmem>>, vector<1x1x16xf32>,
      %get3A_714 = arith.index_cast %add3A_691 : i32 to index
      %get3A_715 = arith.constant 32 : index
      %get3A_716 = tpu.vector_load %arg7[%get3A_714, %get3A_715] {strides = array<i32>} : memref<200x64xf32, #tpu.memory_space<vmem>>, vector<1x16xf32>,
      %get3A_717 = vector.shape_cast %get3A_716 : vector<1x16xf32> to vector<16xf32>
      %swap3A_718 = arith.constant 2 : i32
      %swap3A_719 = arith.index_cast %swap3A_718 : i32 to index
      %swap3A_720 = arith.index_cast %add3A_691 : i32 to index
      %swap3A_721 = arith.constant 32 : index
      %swap3A_722 = tpu.vector_load %arg8[%swap3A_719, %swap3A_720, %swap3A_721] {strides = array<i32>} : memref<4x200x64xf32, #tpu.memory_space<vmem>>, vector<1x1x16xf32>,
      %swap3A_723 = vector.shape_cast %swap3A_722 : vector<1x1x16xf32> to vector<16xf32>
      %swap3A_724 = vector.shape_cast %get3A_717 : vector<16xf32> to vector<1x1x16xf32>
      tpu.vector_store %arg8[%swap3A_719, %swap3A_720, %swap3A_721], %swap3A_724 {add = true, strides = array<i32>} : memref<4x200x64xf32, #tpu.memory_space<vmem>>, vector<1x1x16xf32>,
      %get3A_725 = arith.index_cast %add3A_691 : i32 to index
      %get3A_726 = arith.constant 48 : index
      %get3A_727 = tpu.vector_load %arg7[%get3A_725, %get3A_726] {strides = array<i32>} : memref<200x64xf32, #tpu.memory_space<vmem>>, vector<1x16xf32>,
      %get3A_728 = vector.shape_cast %get3A_727 : vector<1x16xf32> to vector<16xf32>
      %swap3A_729 = arith.constant 2 : i32
      %swap3A_730 = arith.index_cast %swap3A_729 : i32 to index
      %swap3A_731 = arith.index_cast %add3A_691 : i32 to index
      %swap3A_732 = arith.constant 48 : index
      %swap3A_733 = tpu.vector_load %arg8[%swap3A_730, %swap3A_731, %swap3A_732] {strides = array<i32>} : memref<4x200x64xf32, #tpu.memory_space<vmem>>, vector<1x1x16xf32>,
      %swap3A_734 = vector.shape_cast %swap3A_733 : vector<1x1x16xf32> to vector<16xf32>
      %swap3A_735 = vector.shape_cast %get3A_728 : vector<16xf32> to vector<1x1x16xf32>
      tpu.vector_store %arg8[%swap3A_730, %swap3A_731, %swap3A_732], %swap3A_735 {add = true, strides = array<i32>} : memref<4x200x64xf32, #tpu.memory_space<vmem>>, vector<1x1x16xf32>,
      %scan3A_736 = arith.constant 7 : i32
      %scan3A_737 = arith.addi %scan3A_389, %scan3A_736 : i32
      %mul3A_738 = arith.constant 1 : i32
      %mul3A_739 = arith.muli %scan3A_737, %mul3A_738 : i32
      %add3A_740 = arith.constant 0 : i32
      %add3A_741 = arith.addi %add3A_740, %mul3A_739 : i32
      %get3A_742 = arith.index_cast %add3A_741 : i32 to index
      %get3A_743 = arith.constant 0 : index
      %get3A_744 = tpu.vector_load %arg7[%get3A_742, %get3A_743] {strides = array<i32>} : memref<200x64xf32, #tpu.memory_space<vmem>>, vector<1x16xf32>,
      %get3A_745 = vector.shape_cast %get3A_744 : vector<1x16xf32> to vector<16xf32>
      %swap3A_746 = arith.constant 2 : i32
      %swap3A_747 = arith.index_cast %swap3A_746 : i32 to index
      %swap3A_748 = arith.index_cast %add3A_741 : i32 to index
      %swap3A_749 = arith.constant 0 : index
      %swap3A_750 = tpu.vector_load %arg8[%swap3A_747, %swap3A_748, %swap3A_749] {strides = array<i32>} : memref<4x200x64xf32, #tpu.memory_space<vmem>>, vector<1x1x16xf32>,
      %swap3A_751 = vector.shape_cast %swap3A_750 : vector<1x1x16xf32> to vector<16xf32>
      %swap3A_752 = vector.shape_cast %get3A_745 : vector<16xf32> to vector<1x1x16xf32>
      tpu.vector_store %arg8[%swap3A_747, %swap3A_748, %swap3A_749], %swap3A_752 {add = true, strides = array<i32>} : memref<4x200x64xf32, #tpu.memory_space<vmem>>, vector<1x1x16xf32>,
      %get3A_753 = arith.index_cast %add3A_741 : i32 to index
      %get3A_754 = arith.constant 16 : index
      %get3A_755 = tpu.vector_load %arg7[%get3A_753, %get3A_754] {strides = array<i32>} : memref<200x64xf32, #tpu.memory_space<vmem>>, vector<1x16xf32>,
      %get3A_756 = vector.shape_cast %get3A_755 : vector<1x16xf32> to vector<16xf32>
      %swap3A_757 = arith.constant 2 : i32
      %swap3A_758 = arith.index_cast %swap3A_757 : i32 to index
      %swap3A_759 = arith.index_cast %add3A_741 : i32 to index
      %swap3A_760 = arith.constant 16 : index
      %swap3A_761 = tpu.vector_load %arg8[%swap3A_758, %swap3A_759, %swap3A_760] {strides = array<i32>} : memref<4x200x64xf32, #tpu.memory_space<vmem>>, vector<1x1x16xf32>,
      %swap3A_762 = vector.shape_cast %swap3A_761 : vector<1x1x16xf32> to vector<16xf32>
      %swap3A_763 = vector.shape_cast %get3A_756 : vector<16xf32> to vector<1x1x16xf32>
      tpu.vector_store %arg8[%swap3A_758, %swap3A_759, %swap3A_760], %swap3A_763 {add = true, strides = array<i32>} : memref<4x200x64xf32, #tpu.memory_space<vmem>>, vector<1x1x16xf32>,
      %get3A_764 = arith.index_cast %add3A_741 : i32 to index
      %get3A_765 = arith.constant 32 : index
      %get3A_766 = tpu.vector_load %arg7[%get3A_764, %get3A_765] {strides = array<i32>} : memref<200x64xf32, #tpu.memory_space<vmem>>, vector<1x16xf32>,
      %get3A_767 = vector.shape_cast %get3A_766 : vector<1x16xf32> to vector<16xf32>
      %swap3A_768 = arith.constant 2 : i32
      %swap3A_769 = arith.index_cast %swap3A_768 : i32 to index
      %swap3A_770 = arith.index_cast %add3A_741 : i32 to index
      %swap3A_771 = arith.constant 32 : index
      %swap3A_772 = tpu.vector_load %arg8[%swap3A_769, %swap3A_770, %swap3A_771] {strides = array<i32>} : memref<4x200x64xf32, #tpu.memory_space<vmem>>, vector<1x1x16xf32>,
      %swap3A_773 = vector.shape_cast %swap3A_772 : vector<1x1x16xf32> to vector<16xf32>
      %swap3A_774 = vector.shape_cast %get3A_767 : vector<16xf32> to vector<1x1x16xf32>
      tpu.vector_store %arg8[%swap3A_769, %swap3A_770, %swap3A_771], %swap3A_774 {add = true, strides = array<i32>} : memref<4x200x64xf32, #tpu.memory_space<vmem>>, vector<1x1x16xf32>,
      %get3A_775 = arith.index_cast %add3A_741 : i32 to index
      %get3A_776 = arith.constant 48 : index
      %get3A_777 = tpu.vector_load %arg7[%get3A_775, %get3A_776] {strides = array<i32>} : memref<200x64xf32, #tpu.memory_space<vmem>>, vector<1x16xf32>,
      %get3A_778 = vector.shape_cast %get3A_777 : vector<1x16xf32> to vector<16xf32>
      %swap3A_779 = arith.constant 2 : i32
      %swap3A_780 = arith.index_cast %swap3A_779 : i32 to index
      %swap3A_781 = arith.index_cast %add3A_741 : i32 to index
      %swap3A_782 = arith.constant 48 : index
      %swap3A_783 = tpu.vector_load %arg8[%swap3A_780, %swap3A_781, %swap3A_782] {strides = array<i32>} : memref<4x200x64xf32, #tpu.memory_space<vmem>>, vector<1x1x16xf32>,
      %swap3A_784 = vector.shape_cast %swap3A_783 : vector<1x1x16xf32> to vector<16xf32>
      %swap3A_785 = vector.shape_cast %get3A_778 : vector<16xf32> to vector<1x1x16xf32>
      tpu.vector_store %arg8[%swap3A_780, %swap3A_781, %swap3A_782], %swap3A_785 {add = true, strides = array<i32>} : memref<4x200x64xf32, #tpu.memory_space<vmem>>, vector<1x1x16xf32>,
    }
    %scan3A_237 = arith.constant 200 : i32
    %add3A_238 = arith.constant 126 : i32
    %add3A_239 = arith.addi %mul3A_2, %add3A_238 : i32
    %dma_start3A_240 = arith.constant 2 : i32
    %dma_start3A_241 = arith.constant 2 : i32
    %dma_start3A_242 = arith.constant 0 : i32
    %dma_start3A_243 = arith.constant 0 : i32
    %dma_start3A_244 = tpu.memref_slice %arg8[%dma_start3A_240, %dma_start3A_242, %dma_start3A_243] : memref<4x200x64xf32, #tpu.memory_space<vmem>> -> memref<1x200x64xf32, #tpu.memory_space<vmem>>
    %dma_start3A_245 = tpu.memref_squeeze %dma_start3A_244 : memref<1x200x64xf32, #tpu.memory_space<vmem>> -> memref<200x64xf32, #tpu.memory_space<vmem>>
    %dma_start3A_246 = arith.constant 0 : i32
    %dma_start3A_247 = arith.constant 0 : i32
    %dma_start3A_248 = tpu.memref_slice %arg5[%add3A_239, %dma_start3A_246, %dma_start3A_247] : memref<4096x200x64xf32, #tpu.memory_space<hbm>> -> memref<1x200x64xf32, #tpu.memory_space<hbm>>
    %dma_start3A_249 = tpu.memref_squeeze %dma_start3A_248 : memref<1x200x64xf32, #tpu.memory_space<hbm>> -> memref<200x64xf32, #tpu.memory_space<hbm>>
    %dma_start3A_250 = tpu.memref_slice %arg10[%dma_start3A_241] : memref<4x!tpu.dma_semaphore, #tpu.memory_space<semaphore_mem>> -> memref<1x!tpu.dma_semaphore, #tpu.memory_space<semaphore_mem>>
    %dma_start3A_251 = tpu.memref_squeeze %dma_start3A_250 : memref<1x!tpu.dma_semaphore, #tpu.memory_space<semaphore_mem>> -> memref<!tpu.dma_semaphore, #tpu.memory_space<semaphore_mem>>
    %dma_start3A_252 = arith.constant 0 : i32
    %dma_start3A_253 = arith.constant 0 : i32
    %dma_start3A_254 = tpu.memref_slice %arg5[%add3A_239, %dma_start3A_252, %dma_start3A_253] : memref<4096x200x64xf32, #tpu.memory_space<hbm>> -> memref<1x200x64xf32, #tpu.memory_space<hbm>>
    %dma_start3A_255 = tpu.memref_squeeze %dma_start3A_254 : memref<1x200x64xf32, #tpu.memory_space<hbm>> -> memref<200x64xf32, #tpu.memory_space<hbm>>
    %dma_start3A_256 = arith.constant 0 : i32
    %dma_start3A_257 = arith.constant 0 : i32
    %dma_start3A_258 = tpu.memref_slice %arg8[%dma_start3A_240, %dma_start3A_256, %dma_start3A_257] : memref<4x200x64xf32, #tpu.memory_space<vmem>> -> memref<1x200x64xf32, #tpu.memory_space<vmem>>
    %dma_start3A_259 = tpu.memref_squeeze %dma_start3A_258 : memref<1x200x64xf32, #tpu.memory_space<vmem>> -> memref<200x64xf32, #tpu.memory_space<vmem>>
    tpu.enqueue_dma source(%dma_start3A_259 : memref<200x64xf32, #tpu.memory_space<vmem>>) target(%dma_start3A_255 : memref<200x64xf32, #tpu.memory_space<hbm>>) target_semaphore(%dma_start3A_251 : memref<!tpu.dma_semaphore, #tpu.memory_space<semaphore_mem>>)
    %dma_wait3A_260 = arith.constant 3 : i32
    %dma_wait3A_261 = arith.constant 3 : i32
    %dma_wait3A_262 = arith.constant 0 : i32
    %dma_wait3A_263 = arith.constant 0 : i32
    %dma_wait3A_264 = tpu.memref_slice %arg8[%dma_wait3A_260, %dma_wait3A_262, %dma_wait3A_263] : memref<4x200x64xf32, #tpu.memory_space<vmem>> -> memref<1x200x64xf32, #tpu.memory_space<vmem>>
    %dma_wait3A_265 = tpu.memref_squeeze %dma_wait3A_264 : memref<1x200x64xf32, #tpu.memory_space<vmem>> -> memref<200x64xf32, #tpu.memory_space<vmem>>
    %dma_wait3A_266 = arith.constant 0 : i32
    %dma_wait3A_267 = arith.constant 0 : i32
    %dma_wait3A_268 = tpu.memref_slice %arg3[%dma_wait3A_266, %dma_wait3A_267] : memref<1000000x64xf32, #tpu.memory_space<hbm>> -> memref<200x64xf32, #tpu.memory_space<hbm>>
    %dma_wait3A_269 = tpu.memref_slice %arg9[%dma_wait3A_261] : memref<4x!tpu.dma_semaphore, #tpu.memory_space<semaphore_mem>> -> memref<1x!tpu.dma_semaphore, #tpu.memory_space<semaphore_mem>>
    %dma_wait3A_270 = tpu.memref_squeeze %dma_wait3A_269 : memref<1x!tpu.dma_semaphore, #tpu.memory_space<semaphore_mem>> -> memref<!tpu.dma_semaphore, #tpu.memory_space<semaphore_mem>>
    %dma_wait3A_271 = arith.constant 0 : i32
    %dma_wait3A_272 = arith.constant 0 : i32
    %dma_wait3A_273 = tpu.memref_slice %arg8[%dma_wait3A_260, %dma_wait3A_271, %dma_wait3A_272] : memref<4x200x64xf32, #tpu.memory_space<vmem>> -> memref<1x200x64xf32, #tpu.memory_space<vmem>>
    %dma_wait3A_274 = tpu.memref_squeeze %dma_wait3A_273 : memref<1x200x64xf32, #tpu.memory_space<vmem>> -> memref<200x64xf32, #tpu.memory_space<vmem>>
    %dma_wait3A_275 = arith.constant 0 : i32
    %dma_wait3A_276 = arith.constant 0 : i32
    %dma_wait3A_277 = tpu.memref_slice %arg3[%dma_wait3A_275, %dma_wait3A_276] : memref<1000000x64xf32, #tpu.memory_space<hbm>> -> memref<200x64xf32, #tpu.memory_space<hbm>>
    tpu.wait_dma2 semaphore(%dma_wait3A_270 : memref<!tpu.dma_semaphore, #tpu.memory_space<semaphore_mem>>) src(%dma_wait3A_277 : memref<200x64xf32, #tpu.memory_space<hbm>>) dst(%dma_wait3A_274 : memref<200x64xf32, #tpu.memory_space<vmem>>)
    %scan3A_278 = arith.constant 0 : i32
    %scan3A_279 = arith.constant 200 : i32
    %scan3A_280 = arith.addi %scan3A_278, %scan3A_279 : i32
    %scan3A_281 = arith.constant 8 : i32
    scf.for %scan3A_389 = %scan3A_278 to %scan3A_280 step %scan3A_281  : i32 {
      %mul3A_390 = arith.constant 1 : i32
      %mul3A_391 = arith.muli %scan3A_389, %mul3A_390 : i32
      %add3A_392 = arith.constant 0 : i32
      %add3A_393 = arith.addi %add3A_392, %mul3A_391 : i32
      %get3A = arith.index_cast %add3A_393 : i32 to index
      %get3A_394 = arith.constant 0 : index
      %get3A_395 = tpu.vector_load %arg7[%get3A, %get3A_394] {strides = array<i32>} : memref<200x64xf32, #tpu.memory_space<vmem>>, vector<1x16xf32>,
      %get3A_396 = vector.shape_cast %get3A_395 : vector<1x16xf32> to vector<16xf32>
      %swap3A = arith.constant 3 : i32
      %swap3A_397 = arith.index_cast %swap3A : i32 to index
      %swap3A_398 = arith.index_cast %add3A_393 : i32 to index
      %swap3A_399 = arith.constant 0 : index
      %swap3A_400 = tpu.vector_load %arg8[%swap3A_397, %swap3A_398, %swap3A_399] {strides = array<i32>} : memref<4x200x64xf32, #tpu.memory_space<vmem>>, vector<1x1x16xf32>,
      %swap3A_401 = vector.shape_cast %swap3A_400 : vector<1x1x16xf32> to vector<16xf32>
      %swap3A_402 = vector.shape_cast %get3A_396 : vector<16xf32> to vector<1x1x16xf32>
      tpu.vector_store %arg8[%swap3A_397, %swap3A_398, %swap3A_399], %swap3A_402 {add = true, strides = array<i32>} : memref<4x200x64xf32, #tpu.memory_space<vmem>>, vector<1x1x16xf32>,
      %get3A_403 = arith.index_cast %add3A_393 : i32 to index
      %get3A_404 = arith.constant 16 : index
      %get3A_405 = tpu.vector_load %arg7[%get3A_403, %get3A_404] {strides = array<i32>} : memref<200x64xf32, #tpu.memory_space<vmem>>, vector<1x16xf32>,
      %get3A_406 = vector.shape_cast %get3A_405 : vector<1x16xf32> to vector<16xf32>
      %swap3A_407 = arith.constant 3 : i32
      %swap3A_408 = arith.index_cast %swap3A_407 : i32 to index
      %swap3A_409 = arith.index_cast %add3A_393 : i32 to index
      %swap3A_410 = arith.constant 16 : index
      %swap3A_411 = tpu.vector_load %arg8[%swap3A_408, %swap3A_409, %swap3A_410] {strides = array<i32>} : memref<4x200x64xf32, #tpu.memory_space<vmem>>, vector<1x1x16xf32>,
      %swap3A_412 = vector.shape_cast %swap3A_411 : vector<1x1x16xf32> to vector<16xf32>
      %swap3A_413 = vector.shape_cast %get3A_406 : vector<16xf32> to vector<1x1x16xf32>
      tpu.vector_store %arg8[%swap3A_408, %swap3A_409, %swap3A_410], %swap3A_413 {add = true, strides = array<i32>} : memref<4x200x64xf32, #tpu.memory_space<vmem>>, vector<1x1x16xf32>,
      %get3A_414 = arith.index_cast %add3A_393 : i32 to index
      %get3A_415 = arith.constant 32 : index
      %get3A_416 = tpu.vector_load %arg7[%get3A_414, %get3A_415] {strides = array<i32>} : memref<200x64xf32, #tpu.memory_space<vmem>>, vector<1x16xf32>,
      %get3A_417 = vector.shape_cast %get3A_416 : vector<1x16xf32> to vector<16xf32>
      %swap3A_418 = arith.constant 3 : i32
      %swap3A_419 = arith.index_cast %swap3A_418 : i32 to index
      %swap3A_420 = arith.index_cast %add3A_393 : i32 to index
      %swap3A_421 = arith.constant 32 : index
      %swap3A_422 = tpu.vector_load %arg8[%swap3A_419, %swap3A_420, %swap3A_421] {strides = array<i32>} : memref<4x200x64xf32, #tpu.memory_space<vmem>>, vector<1x1x16xf32>,
      %swap3A_423 = vector.shape_cast %swap3A_422 : vector<1x1x16xf32> to vector<16xf32>
      %swap3A_424 = vector.shape_cast %get3A_417 : vector<16xf32> to vector<1x1x16xf32>
      tpu.vector_store %arg8[%swap3A_419, %swap3A_420, %swap3A_421], %swap3A_424 {add = true, strides = array<i32>} : memref<4x200x64xf32, #tpu.memory_space<vmem>>, vector<1x1x16xf32>,
      %get3A_425 = arith.index_cast %add3A_393 : i32 to index
      %get3A_426 = arith.constant 48 : index
      %get3A_427 = tpu.vector_load %arg7[%get3A_425, %get3A_426] {strides = array<i32>} : memref<200x64xf32, #tpu.memory_space<vmem>>, vector<1x16xf32>,
      %get3A_428 = vector.shape_cast %get3A_427 : vector<1x16xf32> to vector<16xf32>
      %swap3A_429 = arith.constant 3 : i32
      %swap3A_430 = arith.index_cast %swap3A_429 : i32 to index
      %swap3A_431 = arith.index_cast %add3A_393 : i32 to index
      %swap3A_432 = arith.constant 48 : index
      %swap3A_433 = tpu.vector_load %arg8[%swap3A_430, %swap3A_431, %swap3A_432] {strides = array<i32>} : memref<4x200x64xf32, #tpu.memory_space<vmem>>, vector<1x1x16xf32>,
      %swap3A_434 = vector.shape_cast %swap3A_433 : vector<1x1x16xf32> to vector<16xf32>
      %swap3A_435 = vector.shape_cast %get3A_428 : vector<16xf32> to vector<1x1x16xf32>
      tpu.vector_store %arg8[%swap3A_430, %swap3A_431, %swap3A_432], %swap3A_435 {add = true, strides = array<i32>} : memref<4x200x64xf32, #tpu.memory_space<vmem>>, vector<1x1x16xf32>,
      %scan3A_436 = arith.constant 1 : i32
      %scan3A_437 = arith.addi %scan3A_389, %scan3A_436 : i32
      %mul3A_438 = arith.constant 1 : i32
      %mul3A_439 = arith.muli %scan3A_437, %mul3A_438 : i32
      %add3A_440 = arith.constant 0 : i32
      %add3A_441 = arith.addi %add3A_440, %mul3A_439 : i32
      %get3A_442 = arith.index_cast %add3A_441 : i32 to index
      %get3A_443 = arith.constant 0 : index
      %get3A_444 = tpu.vector_load %arg7[%get3A_442, %get3A_443] {strides = array<i32>} : memref<200x64xf32, #tpu.memory_space<vmem>>, vector<1x16xf32>,
      %get3A_445 = vector.shape_cast %get3A_444 : vector<1x16xf32> to vector<16xf32>
      %swap3A_446 = arith.constant 3 : i32
      %swap3A_447 = arith.index_cast %swap3A_446 : i32 to index
      %swap3A_448 = arith.index_cast %add3A_441 : i32 to index
      %swap3A_449 = arith.constant 0 : index
      %swap3A_450 = tpu.vector_load %arg8[%swap3A_447, %swap3A_448, %swap3A_449] {strides = array<i32>} : memref<4x200x64xf32, #tpu.memory_space<vmem>>, vector<1x1x16xf32>,
      %swap3A_451 = vector.shape_cast %swap3A_450 : vector<1x1x16xf32> to vector<16xf32>
      %swap3A_452 = vector.shape_cast %get3A_445 : vector<16xf32> to vector<1x1x16xf32>
      tpu.vector_store %arg8[%swap3A_447, %swap3A_448, %swap3A_449], %swap3A_452 {add = true, strides = array<i32>} : memref<4x200x64xf32, #tpu.memory_space<vmem>>, vector<1x1x16xf32>,
      %get3A_453 = arith.index_cast %add3A_441 : i32 to index
      %get3A_454 = arith.constant 16 : index
      %get3A_455 = tpu.vector_load %arg7[%get3A_453, %get3A_454] {strides = array<i32>} : memref<200x64xf32, #tpu.memory_space<vmem>>, vector<1x16xf32>,
      %get3A_456 = vector.shape_cast %get3A_455 : vector<1x16xf32> to vector<16xf32>
      %swap3A_457 = arith.constant 3 : i32
      %swap3A_458 = arith.index_cast %swap3A_457 : i32 to index
      %swap3A_459 = arith.index_cast %add3A_441 : i32 to index
      %swap3A_460 = arith.constant 16 : index
      %swap3A_461 = tpu.vector_load %arg8[%swap3A_458, %swap3A_459, %swap3A_460] {strides = array<i32>} : memref<4x200x64xf32, #tpu.memory_space<vmem>>, vector<1x1x16xf32>,
      %swap3A_462 = vector.shape_cast %swap3A_461 : vector<1x1x16xf32> to vector<16xf32>
      %swap3A_463 = vector.shape_cast %get3A_456 : vector<16xf32> to vector<1x1x16xf32>
      tpu.vector_store %arg8[%swap3A_458, %swap3A_459, %swap3A_460], %swap3A_463 {add = true, strides = array<i32>} : memref<4x200x64xf32, #tpu.memory_space<vmem>>, vector<1x1x16xf32>,
      %get3A_464 = arith.index_cast %add3A_441 : i32 to index
      %get3A_465 = arith.constant 32 : index
      %get3A_466 = tpu.vector_load %arg7[%get3A_464, %get3A_465] {strides = array<i32>} : memref<200x64xf32, #tpu.memory_space<vmem>>, vector<1x16xf32>,
      %get3A_467 = vector.shape_cast %get3A_466 : vector<1x16xf32> to vector<16xf32>
      %swap3A_468 = arith.constant 3 : i32
      %swap3A_469 = arith.index_cast %swap3A_468 : i32 to index
      %swap3A_470 = arith.index_cast %add3A_441 : i32 to index
      %swap3A_471 = arith.constant 32 : index
      %swap3A_472 = tpu.vector_load %arg8[%swap3A_469, %swap3A_470, %swap3A_471] {strides = array<i32>} : memref<4x200x64xf32, #tpu.memory_space<vmem>>, vector<1x1x16xf32>,
      %swap3A_473 = vector.shape_cast %swap3A_472 : vector<1x1x16xf32> to vector<16xf32>
      %swap3A_474 = vector.shape_cast %get3A_467 : vector<16xf32> to vector<1x1x16xf32>
      tpu.vector_store %arg8[%swap3A_469, %swap3A_470, %swap3A_471], %swap3A_474 {add = true, strides = array<i32>} : memref<4x200x64xf32, #tpu.memory_space<vmem>>, vector<1x1x16xf32>,
      %get3A_475 = arith.index_cast %add3A_441 : i32 to index
      %get3A_476 = arith.constant 48 : index
      %get3A_477 = tpu.vector_load %arg7[%get3A_475, %get3A_476] {strides = array<i32>} : memref<200x64xf32, #tpu.memory_space<vmem>>, vector<1x16xf32>,
      %get3A_478 = vector.shape_cast %get3A_477 : vector<1x16xf32> to vector<16xf32>
      %swap3A_479 = arith.constant 3 : i32
      %swap3A_480 = arith.index_cast %swap3A_479 : i32 to index
      %swap3A_481 = arith.index_cast %add3A_441 : i32 to index
      %swap3A_482 = arith.constant 48 : index
      %swap3A_483 = tpu.vector_load %arg8[%swap3A_480, %swap3A_481, %swap3A_482] {strides = array<i32>} : memref<4x200x64xf32, #tpu.memory_space<vmem>>, vector<1x1x16xf32>,
      %swap3A_484 = vector.shape_cast %swap3A_483 : vector<1x1x16xf32> to vector<16xf32>
      %swap3A_485 = vector.shape_cast %get3A_478 : vector<16xf32> to vector<1x1x16xf32>
      tpu.vector_store %arg8[%swap3A_480, %swap3A_481, %swap3A_482], %swap3A_485 {add = true, strides = array<i32>} : memref<4x200x64xf32, #tpu.memory_space<vmem>>, vector<1x1x16xf32>,
      %scan3A_486 = arith.constant 2 : i32
      %scan3A_487 = arith.addi %scan3A_389, %scan3A_486 : i32
      %mul3A_488 = arith.constant 1 : i32
      %mul3A_489 = arith.muli %scan3A_487, %mul3A_488 : i32
      %add3A_490 = arith.constant 0 : i32
      %add3A_491 = arith.addi %add3A_490, %mul3A_489 : i32
      %get3A_492 = arith.index_cast %add3A_491 : i32 to index
      %get3A_493 = arith.constant 0 : index
      %get3A_494 = tpu.vector_load %arg7[%get3A_492, %get3A_493] {strides = array<i32>} : memref<200x64xf32, #tpu.memory_space<vmem>>, vector<1x16xf32>,
      %get3A_495 = vector.shape_cast %get3A_494 : vector<1x16xf32> to vector<16xf32>
      %swap3A_496 = arith.constant 3 : i32
      %swap3A_497 = arith.index_cast %swap3A_496 : i32 to index
      %swap3A_498 = arith.index_cast %add3A_491 : i32 to index
      %swap3A_499 = arith.constant 0 : index
      %swap3A_500 = tpu.vector_load %arg8[%swap3A_497, %swap3A_498, %swap3A_499] {strides = array<i32>} : memref<4x200x64xf32, #tpu.memory_space<vmem>>, vector<1x1x16xf32>,
      %swap3A_501 = vector.shape_cast %swap3A_500 : vector<1x1x16xf32> to vector<16xf32>
      %swap3A_502 = vector.shape_cast %get3A_495 : vector<16xf32> to vector<1x1x16xf32>
      tpu.vector_store %arg8[%swap3A_497, %swap3A_498, %swap3A_499], %swap3A_502 {add = true, strides = array<i32>} : memref<4x200x64xf32, #tpu.memory_space<vmem>>, vector<1x1x16xf32>,
      %get3A_503 = arith.index_cast %add3A_491 : i32 to index
      %get3A_504 = arith.constant 16 : index
      %get3A_505 = tpu.vector_load %arg7[%get3A_503, %get3A_504] {strides = array<i32>} : memref<200x64xf32, #tpu.memory_space<vmem>>, vector<1x16xf32>,
      %get3A_506 = vector.shape_cast %get3A_505 : vector<1x16xf32> to vector<16xf32>
      %swap3A_507 = arith.constant 3 : i32
      %swap3A_508 = arith.index_cast %swap3A_507 : i32 to index
      %swap3A_509 = arith.index_cast %add3A_491 : i32 to index
      %swap3A_510 = arith.constant 16 : index
      %swap3A_511 = tpu.vector_load %arg8[%swap3A_508, %swap3A_509, %swap3A_510] {strides = array<i32>} : memref<4x200x64xf32, #tpu.memory_space<vmem>>, vector<1x1x16xf32>,
      %swap3A_512 = vector.shape_cast %swap3A_511 : vector<1x1x16xf32> to vector<16xf32>
      %swap3A_513 = vector.shape_cast %get3A_506 : vector<16xf32> to vector<1x1x16xf32>
      tpu.vector_store %arg8[%swap3A_508, %swap3A_509, %swap3A_510], %swap3A_513 {add = true, strides = array<i32>} : memref<4x200x64xf32, #tpu.memory_space<vmem>>, vector<1x1x16xf32>,
      %get3A_514 = arith.index_cast %add3A_491 : i32 to index
      %get3A_515 = arith.constant 32 : index
      %get3A_516 = tpu.vector_load %arg7[%get3A_514, %get3A_515] {strides = array<i32>} : memref<200x64xf32, #tpu.memory_space<vmem>>, vector<1x16xf32>,
      %get3A_517 = vector.shape_cast %get3A_516 : vector<1x16xf32> to vector<16xf32>
      %swap3A_518 = arith.constant 3 : i32
      %swap3A_519 = arith.index_cast %swap3A_518 : i32 to index
      %swap3A_520 = arith.index_cast %add3A_491 : i32 to index
      %swap3A_521 = arith.constant 32 : index
      %swap3A_522 = tpu.vector_load %arg8[%swap3A_519, %swap3A_520, %swap3A_521] {strides = array<i32>} : memref<4x200x64xf32, #tpu.memory_space<vmem>>, vector<1x1x16xf32>,
      %swap3A_523 = vector.shape_cast %swap3A_522 : vector<1x1x16xf32> to vector<16xf32>
      %swap3A_524 = vector.shape_cast %get3A_517 : vector<16xf32> to vector<1x1x16xf32>
      tpu.vector_store %arg8[%swap3A_519, %swap3A_520, %swap3A_521], %swap3A_524 {add = true, strides = array<i32>} : memref<4x200x64xf32, #tpu.memory_space<vmem>>, vector<1x1x16xf32>,
      %get3A_525 = arith.index_cast %add3A_491 : i32 to index
      %get3A_526 = arith.constant 48 : index
      %get3A_527 = tpu.vector_load %arg7[%get3A_525, %get3A_526] {strides = array<i32>} : memref<200x64xf32, #tpu.memory_space<vmem>>, vector<1x16xf32>,
      %get3A_528 = vector.shape_cast %get3A_527 : vector<1x16xf32> to vector<16xf32>
      %swap3A_529 = arith.constant 3 : i32
      %swap3A_530 = arith.index_cast %swap3A_529 : i32 to index
      %swap3A_531 = arith.index_cast %add3A_491 : i32 to index
      %swap3A_532 = arith.constant 48 : index
      %swap3A_533 = tpu.vector_load %arg8[%swap3A_530, %swap3A_531, %swap3A_532] {strides = array<i32>} : memref<4x200x64xf32, #tpu.memory_space<vmem>>, vector<1x1x16xf32>,
      %swap3A_534 = vector.shape_cast %swap3A_533 : vector<1x1x16xf32> to vector<16xf32>
      %swap3A_535 = vector.shape_cast %get3A_528 : vector<16xf32> to vector<1x1x16xf32>
      tpu.vector_store %arg8[%swap3A_530, %swap3A_531, %swap3A_532], %swap3A_535 {add = true, strides = array<i32>} : memref<4x200x64xf32, #tpu.memory_space<vmem>>, vector<1x1x16xf32>,
      %scan3A_536 = arith.constant 3 : i32
      %scan3A_537 = arith.addi %scan3A_389, %scan3A_536 : i32
      %mul3A_538 = arith.constant 1 : i32
      %mul3A_539 = arith.muli %scan3A_537, %mul3A_538 : i32
      %add3A_540 = arith.constant 0 : i32
      %add3A_541 = arith.addi %add3A_540, %mul3A_539 : i32
      %get3A_542 = arith.index_cast %add3A_541 : i32 to index
      %get3A_543 = arith.constant 0 : index
      %get3A_544 = tpu.vector_load %arg7[%get3A_542, %get3A_543] {strides = array<i32>} : memref<200x64xf32, #tpu.memory_space<vmem>>, vector<1x16xf32>,
      %get3A_545 = vector.shape_cast %get3A_544 : vector<1x16xf32> to vector<16xf32>
      %swap3A_546 = arith.constant 3 : i32
      %swap3A_547 = arith.index_cast %swap3A_546 : i32 to index
      %swap3A_548 = arith.index_cast %add3A_541 : i32 to index
      %swap3A_549 = arith.constant 0 : index
      %swap3A_550 = tpu.vector_load %arg8[%swap3A_547, %swap3A_548, %swap3A_549] {strides = array<i32>} : memref<4x200x64xf32, #tpu.memory_space<vmem>>, vector<1x1x16xf32>,
      %swap3A_551 = vector.shape_cast %swap3A_550 : vector<1x1x16xf32> to vector<16xf32>
      %swap3A_552 = vector.shape_cast %get3A_545 : vector<16xf32> to vector<1x1x16xf32>
      tpu.vector_store %arg8[%swap3A_547, %swap3A_548, %swap3A_549], %swap3A_552 {add = true, strides = array<i32>} : memref<4x200x64xf32, #tpu.memory_space<vmem>>, vector<1x1x16xf32>,
      %get3A_553 = arith.index_cast %add3A_541 : i32 to index
      %get3A_554 = arith.constant 16 : index
      %get3A_555 = tpu.vector_load %arg7[%get3A_553, %get3A_554] {strides = array<i32>} : memref<200x64xf32, #tpu.memory_space<vmem>>, vector<1x16xf32>,
      %get3A_556 = vector.shape_cast %get3A_555 : vector<1x16xf32> to vector<16xf32>
      %swap3A_557 = arith.constant 3 : i32
      %swap3A_558 = arith.index_cast %swap3A_557 : i32 to index
      %swap3A_559 = arith.index_cast %add3A_541 : i32 to index
      %swap3A_560 = arith.constant 16 : index
      %swap3A_561 = tpu.vector_load %arg8[%swap3A_558, %swap3A_559, %swap3A_560] {strides = array<i32>} : memref<4x200x64xf32, #tpu.memory_space<vmem>>, vector<1x1x16xf32>,
      %swap3A_562 = vector.shape_cast %swap3A_561 : vector<1x1x16xf32> to vector<16xf32>
      %swap3A_563 = vector.shape_cast %get3A_556 : vector<16xf32> to vector<1x1x16xf32>
      tpu.vector_store %arg8[%swap3A_558, %swap3A_559, %swap3A_560], %swap3A_563 {add = true, strides = array<i32>} : memref<4x200x64xf32, #tpu.memory_space<vmem>>, vector<1x1x16xf32>,
      %get3A_564 = arith.index_cast %add3A_541 : i32 to index
      %get3A_565 = arith.constant 32 : index
      %get3A_566 = tpu.vector_load %arg7[%get3A_564, %get3A_565] {strides = array<i32>} : memref<200x64xf32, #tpu.memory_space<vmem>>, vector<1x16xf32>,
      %get3A_567 = vector.shape_cast %get3A_566 : vector<1x16xf32> to vector<16xf32>
      %swap3A_568 = arith.constant 3 : i32
      %swap3A_569 = arith.index_cast %swap3A_568 : i32 to index
      %swap3A_570 = arith.index_cast %add3A_541 : i32 to index
      %swap3A_571 = arith.constant 32 : index
      %swap3A_572 = tpu.vector_load %arg8[%swap3A_569, %swap3A_570, %swap3A_571] {strides = array<i32>} : memref<4x200x64xf32, #tpu.memory_space<vmem>>, vector<1x1x16xf32>,
      %swap3A_573 = vector.shape_cast %swap3A_572 : vector<1x1x16xf32> to vector<16xf32>
      %swap3A_574 = vector.shape_cast %get3A_567 : vector<16xf32> to vector<1x1x16xf32>
      tpu.vector_store %arg8[%swap3A_569, %swap3A_570, %swap3A_571], %swap3A_574 {add = true, strides = array<i32>} : memref<4x200x64xf32, #tpu.memory_space<vmem>>, vector<1x1x16xf32>,
      %get3A_575 = arith.index_cast %add3A_541 : i32 to index
      %get3A_576 = arith.constant 48 : index
      %get3A_577 = tpu.vector_load %arg7[%get3A_575, %get3A_576] {strides = array<i32>} : memref<200x64xf32, #tpu.memory_space<vmem>>, vector<1x16xf32>,
      %get3A_578 = vector.shape_cast %get3A_577 : vector<1x16xf32> to vector<16xf32>
      %swap3A_579 = arith.constant 3 : i32
      %swap3A_580 = arith.index_cast %swap3A_579 : i32 to index
      %swap3A_581 = arith.index_cast %add3A_541 : i32 to index
      %swap3A_582 = arith.constant 48 : index
      %swap3A_583 = tpu.vector_load %arg8[%swap3A_580, %swap3A_581, %swap3A_582] {strides = array<i32>} : memref<4x200x64xf32, #tpu.memory_space<vmem>>, vector<1x1x16xf32>,
      %swap3A_584 = vector.shape_cast %swap3A_583 : vector<1x1x16xf32> to vector<16xf32>
      %swap3A_585 = vector.shape_cast %get3A_578 : vector<16xf32> to vector<1x1x16xf32>
      tpu.vector_store %arg8[%swap3A_580, %swap3A_581, %swap3A_582], %swap3A_585 {add = true, strides = array<i32>} : memref<4x200x64xf32, #tpu.memory_space<vmem>>, vector<1x1x16xf32>,
      %scan3A_586 = arith.constant 4 : i32
      %scan3A_587 = arith.addi %scan3A_389, %scan3A_586 : i32
      %mul3A_588 = arith.constant 1 : i32
      %mul3A_589 = arith.muli %scan3A_587, %mul3A_588 : i32
      %add3A_590 = arith.constant 0 : i32
      %add3A_591 = arith.addi %add3A_590, %mul3A_589 : i32
      %get3A_592 = arith.index_cast %add3A_591 : i32 to index
      %get3A_593 = arith.constant 0 : index
      %get3A_594 = tpu.vector_load %arg7[%get3A_592, %get3A_593] {strides = array<i32>} : memref<200x64xf32, #tpu.memory_space<vmem>>, vector<1x16xf32>,
      %get3A_595 = vector.shape_cast %get3A_594 : vector<1x16xf32> to vector<16xf32>
      %swap3A_596 = arith.constant 3 : i32
      %swap3A_597 = arith.index_cast %swap3A_596 : i32 to index
      %swap3A_598 = arith.index_cast %add3A_591 : i32 to index
      %swap3A_599 = arith.constant 0 : index
      %swap3A_600 = tpu.vector_load %arg8[%swap3A_597, %swap3A_598, %swap3A_599] {strides = array<i32>} : memref<4x200x64xf32, #tpu.memory_space<vmem>>, vector<1x1x16xf32>,
      %swap3A_601 = vector.shape_cast %swap3A_600 : vector<1x1x16xf32> to vector<16xf32>
      %swap3A_602 = vector.shape_cast %get3A_595 : vector<16xf32> to vector<1x1x16xf32>
      tpu.vector_store %arg8[%swap3A_597, %swap3A_598, %swap3A_599], %swap3A_602 {add = true, strides = array<i32>} : memref<4x200x64xf32, #tpu.memory_space<vmem>>, vector<1x1x16xf32>,
      %get3A_603 = arith.index_cast %add3A_591 : i32 to index
      %get3A_604 = arith.constant 16 : index
      %get3A_605 = tpu.vector_load %arg7[%get3A_603, %get3A_604] {strides = array<i32>} : memref<200x64xf32, #tpu.memory_space<vmem>>, vector<1x16xf32>,
      %get3A_606 = vector.shape_cast %get3A_605 : vector<1x16xf32> to vector<16xf32>
      %swap3A_607 = arith.constant 3 : i32
      %swap3A_608 = arith.index_cast %swap3A_607 : i32 to index
      %swap3A_609 = arith.index_cast %add3A_591 : i32 to index
      %swap3A_610 = arith.constant 16 : index
      %swap3A_611 = tpu.vector_load %arg8[%swap3A_608, %swap3A_609, %swap3A_610] {strides = array<i32>} : memref<4x200x64xf32, #tpu.memory_space<vmem>>, vector<1x1x16xf32>,
      %swap3A_612 = vector.shape_cast %swap3A_611 : vector<1x1x16xf32> to vector<16xf32>
      %swap3A_613 = vector.shape_cast %get3A_606 : vector<16xf32> to vector<1x1x16xf32>
      tpu.vector_store %arg8[%swap3A_608, %swap3A_609, %swap3A_610], %swap3A_613 {add = true, strides = array<i32>} : memref<4x200x64xf32, #tpu.memory_space<vmem>>, vector<1x1x16xf32>,
      %get3A_614 = arith.index_cast %add3A_591 : i32 to index
      %get3A_615 = arith.constant 32 : index
      %get3A_616 = tpu.vector_load %arg7[%get3A_614, %get3A_615] {strides = array<i32>} : memref<200x64xf32, #tpu.memory_space<vmem>>, vector<1x16xf32>,
      %get3A_617 = vector.shape_cast %get3A_616 : vector<1x16xf32> to vector<16xf32>
      %swap3A_618 = arith.constant 3 : i32
      %swap3A_619 = arith.index_cast %swap3A_618 : i32 to index
      %swap3A_620 = arith.index_cast %add3A_591 : i32 to index
      %swap3A_621 = arith.constant 32 : index
      %swap3A_622 = tpu.vector_load %arg8[%swap3A_619, %swap3A_620, %swap3A_621] {strides = array<i32>} : memref<4x200x64xf32, #tpu.memory_space<vmem>>, vector<1x1x16xf32>,
      %swap3A_623 = vector.shape_cast %swap3A_622 : vector<1x1x16xf32> to vector<16xf32>
      %swap3A_624 = vector.shape_cast %get3A_617 : vector<16xf32> to vector<1x1x16xf32>
      tpu.vector_store %arg8[%swap3A_619, %swap3A_620, %swap3A_621], %swap3A_624 {add = true, strides = array<i32>} : memref<4x200x64xf32, #tpu.memory_space<vmem>>, vector<1x1x16xf32>,
      %get3A_625 = arith.index_cast %add3A_591 : i32 to index
      %get3A_626 = arith.constant 48 : index
      %get3A_627 = tpu.vector_load %arg7[%get3A_625, %get3A_626] {strides = array<i32>} : memref<200x64xf32, #tpu.memory_space<vmem>>, vector<1x16xf32>,
      %get3A_628 = vector.shape_cast %get3A_627 : vector<1x16xf32> to vector<16xf32>
      %swap3A_629 = arith.constant 3 : i32
      %swap3A_630 = arith.index_cast %swap3A_629 : i32 to index
      %swap3A_631 = arith.index_cast %add3A_591 : i32 to index
      %swap3A_632 = arith.constant 48 : index
      %swap3A_633 = tpu.vector_load %arg8[%swap3A_630, %swap3A_631, %swap3A_632] {strides = array<i32>} : memref<4x200x64xf32, #tpu.memory_space<vmem>>, vector<1x1x16xf32>,
      %swap3A_634 = vector.shape_cast %swap3A_633 : vector<1x1x16xf32> to vector<16xf32>
      %swap3A_635 = vector.shape_cast %get3A_628 : vector<16xf32> to vector<1x1x16xf32>
      tpu.vector_store %arg8[%swap3A_630, %swap3A_631, %swap3A_632], %swap3A_635 {add = true, strides = array<i32>} : memref<4x200x64xf32, #tpu.memory_space<vmem>>, vector<1x1x16xf32>,
      %scan3A_636 = arith.constant 5 : i32
      %scan3A_637 = arith.addi %scan3A_389, %scan3A_636 : i32
      %mul3A_638 = arith.constant 1 : i32
      %mul3A_639 = arith.muli %scan3A_637, %mul3A_638 : i32
      %add3A_640 = arith.constant 0 : i32
      %add3A_641 = arith.addi %add3A_640, %mul3A_639 : i32
      %get3A_642 = arith.index_cast %add3A_641 : i32 to index
      %get3A_643 = arith.constant 0 : index
      %get3A_644 = tpu.vector_load %arg7[%get3A_642, %get3A_643] {strides = array<i32>} : memref<200x64xf32, #tpu.memory_space<vmem>>, vector<1x16xf32>,
      %get3A_645 = vector.shape_cast %get3A_644 : vector<1x16xf32> to vector<16xf32>
      %swap3A_646 = arith.constant 3 : i32
      %swap3A_647 = arith.index_cast %swap3A_646 : i32 to index
      %swap3A_648 = arith.index_cast %add3A_641 : i32 to index
      %swap3A_649 = arith.constant 0 : index
      %swap3A_650 = tpu.vector_load %arg8[%swap3A_647, %swap3A_648, %swap3A_649] {strides = array<i32>} : memref<4x200x64xf32, #tpu.memory_space<vmem>>, vector<1x1x16xf32>,
      %swap3A_651 = vector.shape_cast %swap3A_650 : vector<1x1x16xf32> to vector<16xf32>
      %swap3A_652 = vector.shape_cast %get3A_645 : vector<16xf32> to vector<1x1x16xf32>
      tpu.vector_store %arg8[%swap3A_647, %swap3A_648, %swap3A_649], %swap3A_652 {add = true, strides = array<i32>} : memref<4x200x64xf32, #tpu.memory_space<vmem>>, vector<1x1x16xf32>,
      %get3A_653 = arith.index_cast %add3A_641 : i32 to index
      %get3A_654 = arith.constant 16 : index
      %get3A_655 = tpu.vector_load %arg7[%get3A_653, %get3A_654] {strides = array<i32>} : memref<200x64xf32, #tpu.memory_space<vmem>>, vector<1x16xf32>,
      %get3A_656 = vector.shape_cast %get3A_655 : vector<1x16xf32> to vector<16xf32>
      %swap3A_657 = arith.constant 3 : i32
      %swap3A_658 = arith.index_cast %swap3A_657 : i32 to index
      %swap3A_659 = arith.index_cast %add3A_641 : i32 to index
      %swap3A_660 = arith.constant 16 : index
      %swap3A_661 = tpu.vector_load %arg8[%swap3A_658, %swap3A_659, %swap3A_660] {strides = array<i32>} : memref<4x200x64xf32, #tpu.memory_space<vmem>>, vector<1x1x16xf32>,
      %swap3A_662 = vector.shape_cast %swap3A_661 : vector<1x1x16xf32> to vector<16xf32>
      %swap3A_663 = vector.shape_cast %get3A_656 : vector<16xf32> to vector<1x1x16xf32>
      tpu.vector_store %arg8[%swap3A_658, %swap3A_659, %swap3A_660], %swap3A_663 {add = true, strides = array<i32>} : memref<4x200x64xf32, #tpu.memory_space<vmem>>, vector<1x1x16xf32>,
      %get3A_664 = arith.index_cast %add3A_641 : i32 to index
      %get3A_665 = arith.constant 32 : index
      %get3A_666 = tpu.vector_load %arg7[%get3A_664, %get3A_665] {strides = array<i32>} : memref<200x64xf32, #tpu.memory_space<vmem>>, vector<1x16xf32>,
      %get3A_667 = vector.shape_cast %get3A_666 : vector<1x16xf32> to vector<16xf32>
      %swap3A_668 = arith.constant 3 : i32
      %swap3A_669 = arith.index_cast %swap3A_668 : i32 to index
      %swap3A_670 = arith.index_cast %add3A_641 : i32 to index
      %swap3A_671 = arith.constant 32 : index
      %swap3A_672 = tpu.vector_load %arg8[%swap3A_669, %swap3A_670, %swap3A_671] {strides = array<i32>} : memref<4x200x64xf32, #tpu.memory_space<vmem>>, vector<1x1x16xf32>,
      %swap3A_673 = vector.shape_cast %swap3A_672 : vector<1x1x16xf32> to vector<16xf32>
      %swap3A_674 = vector.shape_cast %get3A_667 : vector<16xf32> to vector<1x1x16xf32>
      tpu.vector_store %arg8[%swap3A_669, %swap3A_670, %swap3A_671], %swap3A_674 {add = true, strides = array<i32>} : memref<4x200x64xf32, #tpu.memory_space<vmem>>, vector<1x1x16xf32>,
      %get3A_675 = arith.index_cast %add3A_641 : i32 to index
      %get3A_676 = arith.constant 48 : index
      %get3A_677 = tpu.vector_load %arg7[%get3A_675, %get3A_676] {strides = array<i32>} : memref<200x64xf32, #tpu.memory_space<vmem>>, vector<1x16xf32>,
      %get3A_678 = vector.shape_cast %get3A_677 : vector<1x16xf32> to vector<16xf32>
      %swap3A_679 = arith.constant 3 : i32
      %swap3A_680 = arith.index_cast %swap3A_679 : i32 to index
      %swap3A_681 = arith.index_cast %add3A_641 : i32 to index
      %swap3A_682 = arith.constant 48 : index
      %swap3A_683 = tpu.vector_load %arg8[%swap3A_680, %swap3A_681, %swap3A_682] {strides = array<i32>} : memref<4x200x64xf32, #tpu.memory_space<vmem>>, vector<1x1x16xf32>,
      %swap3A_684 = vector.shape_cast %swap3A_683 : vector<1x1x16xf32> to vector<16xf32>
      %swap3A_685 = vector.shape_cast %get3A_678 : vector<16xf32> to vector<1x1x16xf32>
      tpu.vector_store %arg8[%swap3A_680, %swap3A_681, %swap3A_682], %swap3A_685 {add = true, strides = array<i32>} : memref<4x200x64xf32, #tpu.memory_space<vmem>>, vector<1x1x16xf32>,
      %scan3A_686 = arith.constant 6 : i32
      %scan3A_687 = arith.addi %scan3A_389, %scan3A_686 : i32
      %mul3A_688 = arith.constant 1 : i32
      %mul3A_689 = arith.muli %scan3A_687, %mul3A_688 : i32
      %add3A_690 = arith.constant 0 : i32
      %add3A_691 = arith.addi %add3A_690, %mul3A_689 : i32
      %get3A_692 = arith.index_cast %add3A_691 : i32 to index
      %get3A_693 = arith.constant 0 : index
      %get3A_694 = tpu.vector_load %arg7[%get3A_692, %get3A_693] {strides = array<i32>} : memref<200x64xf32, #tpu.memory_space<vmem>>, vector<1x16xf32>,
      %get3A_695 = vector.shape_cast %get3A_694 : vector<1x16xf32> to vector<16xf32>
      %swap3A_696 = arith.constant 3 : i32
      %swap3A_697 = arith.index_cast %swap3A_696 : i32 to index
      %swap3A_698 = arith.index_cast %add3A_691 : i32 to index
      %swap3A_699 = arith.constant 0 : index
      %swap3A_700 = tpu.vector_load %arg8[%swap3A_697, %swap3A_698, %swap3A_699] {strides = array<i32>} : memref<4x200x64xf32, #tpu.memory_space<vmem>>, vector<1x1x16xf32>,
      %swap3A_701 = vector.shape_cast %swap3A_700 : vector<1x1x16xf32> to vector<16xf32>
      %swap3A_702 = vector.shape_cast %get3A_695 : vector<16xf32> to vector<1x1x16xf32>
      tpu.vector_store %arg8[%swap3A_697, %swap3A_698, %swap3A_699], %swap3A_702 {add = true, strides = array<i32>} : memref<4x200x64xf32, #tpu.memory_space<vmem>>, vector<1x1x16xf32>,
      %get3A_703 = arith.index_cast %add3A_691 : i32 to index
      %get3A_704 = arith.constant 16 : index
      %get3A_705 = tpu.vector_load %arg7[%get3A_703, %get3A_704] {strides = array<i32>} : memref<200x64xf32, #tpu.memory_space<vmem>>, vector<1x16xf32>,
      %get3A_706 = vector.shape_cast %get3A_705 : vector<1x16xf32> to vector<16xf32>
      %swap3A_707 = arith.constant 3 : i32
      %swap3A_708 = arith.index_cast %swap3A_707 : i32 to index
      %swap3A_709 = arith.index_cast %add3A_691 : i32 to index
      %swap3A_710 = arith.constant 16 : index
      %swap3A_711 = tpu.vector_load %arg8[%swap3A_708, %swap3A_709, %swap3A_710] {strides = array<i32>} : memref<4x200x64xf32, #tpu.memory_space<vmem>>, vector<1x1x16xf32>,
      %swap3A_712 = vector.shape_cast %swap3A_711 : vector<1x1x16xf32> to vector<16xf32>
      %swap3A_713 = vector.shape_cast %get3A_706 : vector<16xf32> to vector<1x1x16xf32>
      tpu.vector_store %arg8[%swap3A_708, %swap3A_709, %swap3A_710], %swap3A_713 {add = true, strides = array<i32>} : memref<4x200x64xf32, #tpu.memory_space<vmem>>, vector<1x1x16xf32>,
      %get3A_714 = arith.index_cast %add3A_691 : i32 to index
      %get3A_715 = arith.constant 32 : index
      %get3A_716 = tpu.vector_load %arg7[%get3A_714, %get3A_715] {strides = array<i32>} : memref<200x64xf32, #tpu.memory_space<vmem>>, vector<1x16xf32>,
      %get3A_717 = vector.shape_cast %get3A_716 : vector<1x16xf32> to vector<16xf32>
      %swap3A_718 = arith.constant 3 : i32
      %swap3A_719 = arith.index_cast %swap3A_718 : i32 to index
      %swap3A_720 = arith.index_cast %add3A_691 : i32 to index
      %swap3A_721 = arith.constant 32 : index
      %swap3A_722 = tpu.vector_load %arg8[%swap3A_719, %swap3A_720, %swap3A_721] {strides = array<i32>} : memref<4x200x64xf32, #tpu.memory_space<vmem>>, vector<1x1x16xf32>,
      %swap3A_723 = vector.shape_cast %swap3A_722 : vector<1x1x16xf32> to vector<16xf32>
      %swap3A_724 = vector.shape_cast %get3A_717 : vector<16xf32> to vector<1x1x16xf32>
      tpu.vector_store %arg8[%swap3A_719, %swap3A_720, %swap3A_721], %swap3A_724 {add = true, strides = array<i32>} : memref<4x200x64xf32, #tpu.memory_space<vmem>>, vector<1x1x16xf32>,
      %get3A_725 = arith.index_cast %add3A_691 : i32 to index
      %get3A_726 = arith.constant 48 : index
      %get3A_727 = tpu.vector_load %arg7[%get3A_725, %get3A_726] {strides = array<i32>} : memref<200x64xf32, #tpu.memory_space<vmem>>, vector<1x16xf32>,
      %get3A_728 = vector.shape_cast %get3A_727 : vector<1x16xf32> to vector<16xf32>
      %swap3A_729 = arith.constant 3 : i32
      %swap3A_730 = arith.index_cast %swap3A_729 : i32 to index
      %swap3A_731 = arith.index_cast %add3A_691 : i32 to index
      %swap3A_732 = arith.constant 48 : index
      %swap3A_733 = tpu.vector_load %arg8[%swap3A_730, %swap3A_731, %swap3A_732] {strides = array<i32>} : memref<4x200x64xf32, #tpu.memory_space<vmem>>, vector<1x1x16xf32>,
      %swap3A_734 = vector.shape_cast %swap3A_733 : vector<1x1x16xf32> to vector<16xf32>
      %swap3A_735 = vector.shape_cast %get3A_728 : vector<16xf32> to vector<1x1x16xf32>
      tpu.vector_store %arg8[%swap3A_730, %swap3A_731, %swap3A_732], %swap3A_735 {add = true, strides = array<i32>} : memref<4x200x64xf32, #tpu.memory_space<vmem>>, vector<1x1x16xf32>,
      %scan3A_736 = arith.constant 7 : i32
      %scan3A_737 = arith.addi %scan3A_389, %scan3A_736 : i32
      %mul3A_738 = arith.constant 1 : i32
      %mul3A_739 = arith.muli %scan3A_737, %mul3A_738 : i32
      %add3A_740 = arith.constant 0 : i32
      %add3A_741 = arith.addi %add3A_740, %mul3A_739 : i32
      %get3A_742 = arith.index_cast %add3A_741 : i32 to index
      %get3A_743 = arith.constant 0 : index
      %get3A_744 = tpu.vector_load %arg7[%get3A_742, %get3A_743] {strides = array<i32>} : memref<200x64xf32, #tpu.memory_space<vmem>>, vector<1x16xf32>,
      %get3A_745 = vector.shape_cast %get3A_744 : vector<1x16xf32> to vector<16xf32>
      %swap3A_746 = arith.constant 3 : i32
      %swap3A_747 = arith.index_cast %swap3A_746 : i32 to index
      %swap3A_748 = arith.index_cast %add3A_741 : i32 to index
      %swap3A_749 = arith.constant 0 : index
      %swap3A_750 = tpu.vector_load %arg8[%swap3A_747, %swap3A_748, %swap3A_749] {strides = array<i32>} : memref<4x200x64xf32, #tpu.memory_space<vmem>>, vector<1x1x16xf32>,
      %swap3A_751 = vector.shape_cast %swap3A_750 : vector<1x1x16xf32> to vector<16xf32>
      %swap3A_752 = vector.shape_cast %get3A_745 : vector<16xf32> to vector<1x1x16xf32>
      tpu.vector_store %arg8[%swap3A_747, %swap3A_748, %swap3A_749], %swap3A_752 {add = true, strides = array<i32>} : memref<4x200x64xf32, #tpu.memory_space<vmem>>, vector<1x1x16xf32>,
      %get3A_753 = arith.index_cast %add3A_741 : i32 to index
      %get3A_754 = arith.constant 16 : index
      %get3A_755 = tpu.vector_load %arg7[%get3A_753, %get3A_754] {strides = array<i32>} : memref<200x64xf32, #tpu.memory_space<vmem>>, vector<1x16xf32>,
      %get3A_756 = vector.shape_cast %get3A_755 : vector<1x16xf32> to vector<16xf32>
      %swap3A_757 = arith.constant 3 : i32
      %swap3A_758 = arith.index_cast %swap3A_757 : i32 to index
      %swap3A_759 = arith.index_cast %add3A_741 : i32 to index
      %swap3A_760 = arith.constant 16 : index
      %swap3A_761 = tpu.vector_load %arg8[%swap3A_758, %swap3A_759, %swap3A_760] {strides = array<i32>} : memref<4x200x64xf32, #tpu.memory_space<vmem>>, vector<1x1x16xf32>,
      %swap3A_762 = vector.shape_cast %swap3A_761 : vector<1x1x16xf32> to vector<16xf32>
      %swap3A_763 = vector.shape_cast %get3A_756 : vector<16xf32> to vector<1x1x16xf32>
      tpu.vector_store %arg8[%swap3A_758, %swap3A_759, %swap3A_760], %swap3A_763 {add = true, strides = array<i32>} : memref<4x200x64xf32, #tpu.memory_space<vmem>>, vector<1x1x16xf32>,
      %get3A_764 = arith.index_cast %add3A_741 : i32 to index
      %get3A_765 = arith.constant 32 : index
      %get3A_766 = tpu.vector_load %arg7[%get3A_764, %get3A_765] {strides = array<i32>} : memref<200x64xf32, #tpu.memory_space<vmem>>, vector<1x16xf32>,
      %get3A_767 = vector.shape_cast %get3A_766 : vector<1x16xf32> to vector<16xf32>
      %swap3A_768 = arith.constant 3 : i32
      %swap3A_769 = arith.index_cast %swap3A_768 : i32 to index
      %swap3A_770 = arith.index_cast %add3A_741 : i32 to index
      %swap3A_771 = arith.constant 32 : index
      %swap3A_772 = tpu.vector_load %arg8[%swap3A_769, %swap3A_770, %swap3A_771] {strides = array<i32>} : memref<4x200x64xf32, #tpu.memory_space<vmem>>, vector<1x1x16xf32>,
      %swap3A_773 = vector.shape_cast %swap3A_772 : vector<1x1x16xf32> to vector<16xf32>
      %swap3A_774 = vector.shape_cast %get3A_767 : vector<16xf32> to vector<1x1x16xf32>
      tpu.vector_store %arg8[%swap3A_769, %swap3A_770, %swap3A_771], %swap3A_774 {add = true, strides = array<i32>} : memref<4x200x64xf32, #tpu.memory_space<vmem>>, vector<1x1x16xf32>,
      %get3A_775 = arith.index_cast %add3A_741 : i32 to index
      %get3A_776 = arith.constant 48 : index
      %get3A_777 = tpu.vector_load %arg7[%get3A_775, %get3A_776] {strides = array<i32>} : memref<200x64xf32, #tpu.memory_space<vmem>>, vector<1x16xf32>,
      %get3A_778 = vector.shape_cast %get3A_777 : vector<1x16xf32> to vector<16xf32>
      %swap3A_779 = arith.constant 3 : i32
      %swap3A_780 = arith.index_cast %swap3A_779 : i32 to index
      %swap3A_781 = arith.index_cast %add3A_741 : i32 to index
      %swap3A_782 = arith.constant 48 : index
      %swap3A_783 = tpu.vector_load %arg8[%swap3A_780, %swap3A_781, %swap3A_782] {strides = array<i32>} : memref<4x200x64xf32, #tpu.memory_space<vmem>>, vector<1x1x16xf32>,
      %swap3A_784 = vector.shape_cast %swap3A_783 : vector<1x1x16xf32> to vector<16xf32>
      %swap3A_785 = vector.shape_cast %get3A_778 : vector<16xf32> to vector<1x1x16xf32>
      tpu.vector_store %arg8[%swap3A_780, %swap3A_781, %swap3A_782], %swap3A_785 {add = true, strides = array<i32>} : memref<4x200x64xf32, #tpu.memory_space<vmem>>, vector<1x1x16xf32>,
    }
    %scan3A_282 = arith.constant 200 : i32
    %add3A_283 = arith.constant 127 : i32
    %add3A_284 = arith.addi %mul3A_2, %add3A_283 : i32
    %dma_start3A_285 = arith.constant 3 : i32
    %dma_start3A_286 = arith.constant 3 : i32
    %dma_start3A_287 = arith.constant 0 : i32
    %dma_start3A_288 = arith.constant 0 : i32
    %dma_start3A_289 = tpu.memref_slice %arg8[%dma_start3A_285, %dma_start3A_287, %dma_start3A_288] : memref<4x200x64xf32, #tpu.memory_space<vmem>> -> memref<1x200x64xf32, #tpu.memory_space<vmem>>
    %dma_start3A_290 = tpu.memref_squeeze %dma_start3A_289 : memref<1x200x64xf32, #tpu.memory_space<vmem>> -> memref<200x64xf32, #tpu.memory_space<vmem>>
    %dma_start3A_291 = arith.constant 0 : i32
    %dma_start3A_292 = arith.constant 0 : i32
    %dma_start3A_293 = tpu.memref_slice %arg5[%add3A_284, %dma_start3A_291, %dma_start3A_292] : memref<4096x200x64xf32, #tpu.memory_space<hbm>> -> memref<1x200x64xf32, #tpu.memory_space<hbm>>
    %dma_start3A_294 = tpu.memref_squeeze %dma_start3A_293 : memref<1x200x64xf32, #tpu.memory_space<hbm>> -> memref<200x64xf32, #tpu.memory_space<hbm>>
    %dma_start3A_295 = tpu.memref_slice %arg10[%dma_start3A_286] : memref<4x!tpu.dma_semaphore, #tpu.memory_space<semaphore_mem>> -> memref<1x!tpu.dma_semaphore, #tpu.memory_space<semaphore_mem>>
    %dma_start3A_296 = tpu.memref_squeeze %dma_start3A_295 : memref<1x!tpu.dma_semaphore, #tpu.memory_space<semaphore_mem>> -> memref<!tpu.dma_semaphore, #tpu.memory_space<semaphore_mem>>
    %dma_start3A_297 = arith.constant 0 : i32
    %dma_start3A_298 = arith.constant 0 : i32
    %dma_start3A_299 = tpu.memref_slice %arg5[%add3A_284, %dma_start3A_297, %dma_start3A_298] : memref<4096x200x64xf32, #tpu.memory_space<hbm>> -> memref<1x200x64xf32, #tpu.memory_space<hbm>>
    %dma_start3A_300 = tpu.memref_squeeze %dma_start3A_299 : memref<1x200x64xf32, #tpu.memory_space<hbm>> -> memref<200x64xf32, #tpu.memory_space<hbm>>
    %dma_start3A_301 = arith.constant 0 : i32
    %dma_start3A_302 = arith.constant 0 : i32
    %dma_start3A_303 = tpu.memref_slice %arg8[%dma_start3A_285, %dma_start3A_301, %dma_start3A_302] : memref<4x200x64xf32, #tpu.memory_space<vmem>> -> memref<1x200x64xf32, #tpu.memory_space<vmem>>
    %dma_start3A_304 = tpu.memref_squeeze %dma_start3A_303 : memref<1x200x64xf32, #tpu.memory_space<vmem>> -> memref<200x64xf32, #tpu.memory_space<vmem>>
    tpu.enqueue_dma source(%dma_start3A_304 : memref<200x64xf32, #tpu.memory_space<vmem>>) target(%dma_start3A_300 : memref<200x64xf32, #tpu.memory_space<hbm>>) target_semaphore(%dma_start3A_296 : memref<!tpu.dma_semaphore, #tpu.memory_space<semaphore_mem>>)
    %dma_wait3A_305 = arith.constant 0 : i32
    %dma_wait3A_306 = arith.constant 0 : i32
    %dma_wait3A_307 = arith.constant 0 : i32
    %dma_wait3A_308 = arith.constant 0 : i32
    %dma_wait3A_309 = arith.constant 0 : i32
    %dma_wait3A_310 = tpu.memref_slice %arg8[%dma_wait3A_305, %dma_wait3A_308, %dma_wait3A_309] : memref<4x200x64xf32, #tpu.memory_space<vmem>> -> memref<1x200x64xf32, #tpu.memory_space<vmem>>
    %dma_wait3A_311 = tpu.memref_squeeze %dma_wait3A_310 : memref<1x200x64xf32, #tpu.memory_space<vmem>> -> memref<200x64xf32, #tpu.memory_space<vmem>>
    %dma_wait3A_312 = arith.constant 0 : i32
    %dma_wait3A_313 = arith.constant 0 : i32
    %dma_wait3A_314 = tpu.memref_slice %arg5[%dma_wait3A_306, %dma_wait3A_312, %dma_wait3A_313] : memref<4096x200x64xf32, #tpu.memory_space<hbm>> -> memref<1x200x64xf32, #tpu.memory_space<hbm>>
    %dma_wait3A_315 = tpu.memref_squeeze %dma_wait3A_314 : memref<1x200x64xf32, #tpu.memory_space<hbm>> -> memref<200x64xf32, #tpu.memory_space<hbm>>
    %dma_wait3A_316 = tpu.memref_slice %arg10[%dma_wait3A_307] : memref<4x!tpu.dma_semaphore, #tpu.memory_space<semaphore_mem>> -> memref<1x!tpu.dma_semaphore, #tpu.memory_space<semaphore_mem>>
    %dma_wait3A_317 = tpu.memref_squeeze %dma_wait3A_316 : memref<1x!tpu.dma_semaphore, #tpu.memory_space<semaphore_mem>> -> memref<!tpu.dma_semaphore, #tpu.memory_space<semaphore_mem>>
    %dma_wait3A_318 = arith.constant 0 : i32
    %dma_wait3A_319 = arith.constant 0 : i32
    %dma_wait3A_320 = tpu.memref_slice %arg5[%dma_wait3A_306, %dma_wait3A_318, %dma_wait3A_319] : memref<4096x200x64xf32, #tpu.memory_space<hbm>> -> memref<1x200x64xf32, #tpu.memory_space<hbm>>
    %dma_wait3A_321 = tpu.memref_squeeze %dma_wait3A_320 : memref<1x200x64xf32, #tpu.memory_space<hbm>> -> memref<200x64xf32, #tpu.memory_space<hbm>>
    %dma_wait3A_322 = arith.constant 0 : i32
    %dma_wait3A_323 = arith.constant 0 : i32
    %dma_wait3A_324 = tpu.memref_slice %arg8[%dma_wait3A_305, %dma_wait3A_322, %dma_wait3A_323] : memref<4x200x64xf32, #tpu.memory_space<vmem>> -> memref<1x200x64xf32, #tpu.memory_space<vmem>>
    %dma_wait3A_325 = tpu.memref_squeeze %dma_wait3A_324 : memref<1x200x64xf32, #tpu.memory_space<vmem>> -> memref<200x64xf32, #tpu.memory_space<vmem>>
    tpu.wait_dma2 semaphore(%dma_wait3A_317 : memref<!tpu.dma_semaphore, #tpu.memory_space<semaphore_mem>>) src(%dma_wait3A_325 : memref<200x64xf32, #tpu.memory_space<vmem>>) dst(%dma_wait3A_321 : memref<200x64xf32, #tpu.memory_space<hbm>>)
    %dma_wait3A_326 = arith.constant 1 : i32
    %dma_wait3A_327 = arith.constant 0 : i32
    %dma_wait3A_328 = arith.constant 1 : i32
    %dma_wait3A_329 = arith.constant 0 : i32
    %dma_wait3A_330 = arith.constant 0 : i32
    %dma_wait3A_331 = tpu.memref_slice %arg8[%dma_wait3A_326, %dma_wait3A_329, %dma_wait3A_330] : memref<4x200x64xf32, #tpu.memory_space<vmem>> -> memref<1x200x64xf32, #tpu.memory_space<vmem>>
    %dma_wait3A_332 = tpu.memref_squeeze %dma_wait3A_331 : memref<1x200x64xf32, #tpu.memory_space<vmem>> -> memref<200x64xf32, #tpu.memory_space<vmem>>
    %dma_wait3A_333 = arith.constant 0 : i32
    %dma_wait3A_334 = arith.constant 0 : i32
    %dma_wait3A_335 = tpu.memref_slice %arg5[%dma_wait3A_327, %dma_wait3A_333, %dma_wait3A_334] : memref<4096x200x64xf32, #tpu.memory_space<hbm>> -> memref<1x200x64xf32, #tpu.memory_space<hbm>>
    %dma_wait3A_336 = tpu.memref_squeeze %dma_wait3A_335 : memref<1x200x64xf32, #tpu.memory_space<hbm>> -> memref<200x64xf32, #tpu.memory_space<hbm>>
    %dma_wait3A_337 = tpu.memref_slice %arg10[%dma_wait3A_328] : memref<4x!tpu.dma_semaphore, #tpu.memory_space<semaphore_mem>> -> memref<1x!tpu.dma_semaphore, #tpu.memory_space<semaphore_mem>>
    %dma_wait3A_338 = tpu.memref_squeeze %dma_wait3A_337 : memref<1x!tpu.dma_semaphore, #tpu.memory_space<semaphore_mem>> -> memref<!tpu.dma_semaphore, #tpu.memory_space<semaphore_mem>>
    %dma_wait3A_339 = arith.constant 0 : i32
    %dma_wait3A_340 = arith.constant 0 : i32
    %dma_wait3A_341 = tpu.memref_slice %arg5[%dma_wait3A_327, %dma_wait3A_339, %dma_wait3A_340] : memref<4096x200x64xf32, #tpu.memory_space<hbm>> -> memref<1x200x64xf32, #tpu.memory_space<hbm>>
    %dma_wait3A_342 = tpu.memref_squeeze %dma_wait3A_341 : memref<1x200x64xf32, #tpu.memory_space<hbm>> -> memref<200x64xf32, #tpu.memory_space<hbm>>
    %dma_wait3A_343 = arith.constant 0 : i32
    %dma_wait3A_344 = arith.constant 0 : i32
    %dma_wait3A_345 = tpu.memref_slice %arg8[%dma_wait3A_326, %dma_wait3A_343, %dma_wait3A_344] : memref<4x200x64xf32, #tpu.memory_space<vmem>> -> memref<1x200x64xf32, #tpu.memory_space<vmem>>
    %dma_wait3A_346 = tpu.memref_squeeze %dma_wait3A_345 : memref<1x200x64xf32, #tpu.memory_space<vmem>> -> memref<200x64xf32, #tpu.memory_space<vmem>>
    tpu.wait_dma2 semaphore(%dma_wait3A_338 : memref<!tpu.dma_semaphore, #tpu.memory_space<semaphore_mem>>) src(%dma_wait3A_346 : memref<200x64xf32, #tpu.memory_space<vmem>>) dst(%dma_wait3A_342 : memref<200x64xf32, #tpu.memory_space<hbm>>)
    %dma_wait3A_347 = arith.constant 2 : i32
    %dma_wait3A_348 = arith.constant 0 : i32
    %dma_wait3A_349 = arith.constant 2 : i32
    %dma_wait3A_350 = arith.constant 0 : i32
    %dma_wait3A_351 = arith.constant 0 : i32
    %dma_wait3A_352 = tpu.memref_slice %arg8[%dma_wait3A_347, %dma_wait3A_350, %dma_wait3A_351] : memref<4x200x64xf32, #tpu.memory_space<vmem>> -> memref<1x200x64xf32, #tpu.memory_space<vmem>>
    %dma_wait3A_353 = tpu.memref_squeeze %dma_wait3A_352 : memref<1x200x64xf32, #tpu.memory_space<vmem>> -> memref<200x64xf32, #tpu.memory_space<vmem>>
    %dma_wait3A_354 = arith.constant 0 : i32
    %dma_wait3A_355 = arith.constant 0 : i32
    %dma_wait3A_356 = tpu.memref_slice %arg5[%dma_wait3A_348, %dma_wait3A_354, %dma_wait3A_355] : memref<4096x200x64xf32, #tpu.memory_space<hbm>> -> memref<1x200x64xf32, #tpu.memory_space<hbm>>
    %dma_wait3A_357 = tpu.memref_squeeze %dma_wait3A_356 : memref<1x200x64xf32, #tpu.memory_space<hbm>> -> memref<200x64xf32, #tpu.memory_space<hbm>>
    %dma_wait3A_358 = tpu.memref_slice %arg10[%dma_wait3A_349] : memref<4x!tpu.dma_semaphore, #tpu.memory_space<semaphore_mem>> -> memref<1x!tpu.dma_semaphore, #tpu.memory_space<semaphore_mem>>
    %dma_wait3A_359 = tpu.memref_squeeze %dma_wait3A_358 : memref<1x!tpu.dma_semaphore, #tpu.memory_space<semaphore_mem>> -> memref<!tpu.dma_semaphore, #tpu.memory_space<semaphore_mem>>
    %dma_wait3A_360 = arith.constant 0 : i32
    %dma_wait3A_361 = arith.constant 0 : i32
    %dma_wait3A_362 = tpu.memref_slice %arg5[%dma_wait3A_348, %dma_wait3A_360, %dma_wait3A_361] : memref<4096x200x64xf32, #tpu.memory_space<hbm>> -> memref<1x200x64xf32, #tpu.memory_space<hbm>>
    %dma_wait3A_363 = tpu.memref_squeeze %dma_wait3A_362 : memref<1x200x64xf32, #tpu.memory_space<hbm>> -> memref<200x64xf32, #tpu.memory_space<hbm>>
    %dma_wait3A_364 = arith.constant 0 : i32
    %dma_wait3A_365 = arith.constant 0 : i32
    %dma_wait3A_366 = tpu.memref_slice %arg8[%dma_wait3A_347, %dma_wait3A_364, %dma_wait3A_365] : memref<4x200x64xf32, #tpu.memory_space<vmem>> -> memref<1x200x64xf32, #tpu.memory_space<vmem>>
    %dma_wait3A_367 = tpu.memref_squeeze %dma_wait3A_366 : memref<1x200x64xf32, #tpu.memory_space<vmem>> -> memref<200x64xf32, #tpu.memory_space<vmem>>
    tpu.wait_dma2 semaphore(%dma_wait3A_359 : memref<!tpu.dma_semaphore, #tpu.memory_space<semaphore_mem>>) src(%dma_wait3A_367 : memref<200x64xf32, #tpu.memory_space<vmem>>) dst(%dma_wait3A_363 : memref<200x64xf32, #tpu.memory_space<hbm>>)
    %dma_wait3A_368 = arith.constant 3 : i32
    %dma_wait3A_369 = arith.constant 0 : i32
    %dma_wait3A_370 = arith.constant 3 : i32
    %dma_wait3A_371 = arith.constant 0 : i32
    %dma_wait3A_372 = arith.constant 0 : i32
    %dma_wait3A_373 = tpu.memref_slice %arg8[%dma_wait3A_368, %dma_wait3A_371, %dma_wait3A_372] : memref<4x200x64xf32, #tpu.memory_space<vmem>> -> memref<1x200x64xf32, #tpu.memory_space<vmem>>
    %dma_wait3A_374 = tpu.memref_squeeze %dma_wait3A_373 : memref<1x200x64xf32, #tpu.memory_space<vmem>> -> memref<200x64xf32, #tpu.memory_space<vmem>>
    %dma_wait3A_375 = arith.constant 0 : i32
    %dma_wait3A_376 = arith.constant 0 : i32
    %dma_wait3A_377 = tpu.memref_slice %arg5[%dma_wait3A_369, %dma_wait3A_375, %dma_wait3A_376] : memref<4096x200x64xf32, #tpu.memory_space<hbm>> -> memref<1x200x64xf32, #tpu.memory_space<hbm>>
    %dma_wait3A_378 = tpu.memref_squeeze %dma_wait3A_377 : memref<1x200x64xf32, #tpu.memory_space<hbm>> -> memref<200x64xf32, #tpu.memory_space<hbm>>
    %dma_wait3A_379 = tpu.memref_slice %arg10[%dma_wait3A_370] : memref<4x!tpu.dma_semaphore, #tpu.memory_space<semaphore_mem>> -> memref<1x!tpu.dma_semaphore, #tpu.memory_space<semaphore_mem>>
    %dma_wait3A_380 = tpu.memref_squeeze %dma_wait3A_379 : memref<1x!tpu.dma_semaphore, #tpu.memory_space<semaphore_mem>> -> memref<!tpu.dma_semaphore, #tpu.memory_space<semaphore_mem>>
    %dma_wait3A_381 = arith.constant 0 : i32
    %dma_wait3A_382 = arith.constant 0 : i32
    %dma_wait3A_383 = tpu.memref_slice %arg5[%dma_wait3A_369, %dma_wait3A_381, %dma_wait3A_382] : memref<4096x200x64xf32, #tpu.memory_space<hbm>> -> memref<1x200x64xf32, #tpu.memory_space<hbm>>
    %dma_wait3A_384 = tpu.memref_squeeze %dma_wait3A_383 : memref<1x200x64xf32, #tpu.memory_space<hbm>> -> memref<200x64xf32, #tpu.memory_space<hbm>>
    %dma_wait3A_385 = arith.constant 0 : i32
    %dma_wait3A_386 = arith.constant 0 : i32
    %dma_wait3A_387 = tpu.memref_slice %arg8[%dma_wait3A_368, %dma_wait3A_385, %dma_wait3A_386] : memref<4x200x64xf32, #tpu.memory_space<vmem>> -> memref<1x200x64xf32, #tpu.memory_space<vmem>>
    %dma_wait3A_388 = tpu.memref_squeeze %dma_wait3A_387 : memref<1x200x64xf32, #tpu.memory_space<vmem>> -> memref<200x64xf32, #tpu.memory_space<vmem>>
    tpu.wait_dma2 semaphore(%dma_wait3A_380 : memref<!tpu.dma_semaphore, #tpu.memory_space<semaphore_mem>>) src(%dma_wait3A_388 : memref<200x64xf32, #tpu.memory_space<vmem>>) dst(%dma_wait3A_384 : memref<200x64xf32, #tpu.memory_space<hbm>>)
    return
  }
}

</mosaic_0001>

<sc_bundles>
// kernel: kernel.3.cloned.1.call-start
scs
__scs_entry_jumppad:
0x0: {  	(pc) =	sbr.rel $0x88, $3  }
0x1: {  	(tag) =	ssettag $0x0;
	lr =	simm.s32 $0x1  }
0x2: {  	[smem:$0x3F9E] =	sst lr;
	_ =	strace $0xD0000000  }
0x3: {  	_ = 	snop  }
0x4: {  	_ = 	snop  }
0x5: {  	_ = 	snop  }
0x6: {  	_ = 	snop  }
0x7: {  	_ = 	snop  }
__scs_overlays_trampoline_lowered:
0x8: {  	[smem:$0x3FAD] =	sst s0  }
0x9: {  	[smem:$0x3FAE] =	sst s1  }
0xa: {  	[smem:$0x3FAF] =	sst s2  }
0xb: {  	[smem:$0x3FB0] =	sst s3  }
0xc: {  	[smem:$0x3FB1] =	sst s4  }
0xd: {  	[smem:$0x3FB2] =	sst s5  }
0xe: {  	[smem:$0x3FB3] =	sst s6  }
0xf: {  	[smem:$0x3FB4] =	sst s7  }
0x10: {  	[smem:$0x3FB5] =	sst s8  }
0x11: {  	[smem:$0x3FB6] =	sst s9;
	s0 =	simm.s32 @!p0 $0x0  }
0x12: {  	s1 =	sld [smem:$0x3F9C];
	s0 =	simm.s32 @p0 $0x1  }
0x13: {  	[smem:$0x3FB7] =	sst s0;
	s0 =	simm.s32 @!p1 $0x0  }
0x14: {  	s2 =	sld [smem:$0x3F9B];
	s0 =	simm.s32 @p1 $0x1  }
0x15: {  	[smem:$0x3FB8] =	sst s0;
	s0 =	simm.s32 @!p2 $0x0  }
0x16: {  	s3 =	sld [smem:$0x3FDB];
	s0 =	simm.s32 @p2 $0x1  }
0x17: {  	s4 =	simm.s32 $0x1BF5;
	[smem:$0x3FBA] =	sst s0  }
0x18: {  	s0 =	sld [smem:$0x3F9D];
	_ =	swait.ge [sflag:s4], $0x0  }
0x19: {  	s7 =	sld [smem:$0x3F9E]  }
0x1a: {  	s8 =	sadd.s32 $0xFFFFE003, lr  }
0x1b: {  	s9 =	sadd.s32 $0xFFFFFEF7, lr;
	s5 =	simm.s32 $0xFFFFFFFF;
	p2 =	slt.u32 s8, $0xFFFFF086  }
0x1c: {  	p1 =	slt.u32 s9, $0xF7A;
	s5 =	simm.s32 @!p2 $0x0  }
0x1d: {  	s5 =	simm.s32 @p1 $0x1;
	p0 =	seq.s32 s7, s2  }
0x1e: {  	s7 =	smul.u32 @!p0 $0xF7A, s2;
	p2 =	seq.s32 @!p0 s5, $0x0  }
0x1f: {  	s9 =	smul.u32 $0xF7A, s1;
	s8 =	simm.s32 @!p0 $0x1BF5;
	p2 =	por !p2, p0  }
0x20: {  	[sflag:s8] =	ssyncset.s32 @!p0 $0xFFFFF086;
	s6 =	sadd.s32 @!p0 s3, s7;
	s7 =	simm.s32 @!p0 $0x108  }
0x21: {  	s3 =	sadd.s32 s3, s9;
	s6 =	sadd.s32 @!p0 $0x88, s6;
	s7 =	simm.s32 @p2 $0x1082  }
0x22: {  	[simem:s7], [sflag:s8] =	dma.local @!p0 [hbm:s6], $0xF7A  }
0x23: {  	s9 =	sor.u32 $0xD0000000, s2;
	s6 =	simm.s32 $0x108;
	_ =	swait.ge @!p0 [sflag:s8], $0x0  }
0x24: {  	s3 =	sadd.s32 $0x88, s3;
	s6 =	simm.s32 @!p1 $0x1082;
	[sflag:s4] =	ssyncset.s32 $0xFFFFF086  }
0x25: {  	[simem:s6], [sflag:s4] =	dma.local [hbm:s3], $0xF7A  }
0x26: {  	[smem:$0x3F9E] =	sst s1;
	(tag) =	ssettag s2;
	_ =	strace s9  }
0x27: {  	s1 =	sld [smem:$0x3FAE]  }
0x28: {  	s2 =	sld [smem:$0x3FAF]  }
0x29: {  	s4 =	sld [smem:$0x3FB1]  }
0x2a: {  	p0 =	seq.s32 s5, $0x0;
	s5 =	sld [smem:$0x3FB2]  }
0x2b: {  	s6 =	sld [smem:$0x3FB3]  }
0x2c: {  	s7 =	sld [smem:$0x3FB4]  }
0x2d: {  	s3 =	simm.s32 $0x108;
	s8 =	sld [smem:$0x3FB5]  }
0x2e: {  	s3 =	simm.s32 @!p0 $0x1082;
	s9 =	sld [smem:$0x3FB6]  }
0x2f: {  	lr =	sadd.s32 s0, s3;
	s0 =	sld [smem:$0x3FAD]  }
0x30: {  	s3 =	sld [smem:$0x3FB0]  }
0x31: {  	[smem:$0x3FB9] =	sst s10  }
0x32: {  	s10 =	sld [smem:$0x3FB7];
	_ =	sdelay $0x3  }
0x33: {  	p0 =	seq.s32 s10, $0x1;
	s10 =	sld [smem:$0x3FB9];
	_ =	sdelay $0x3  }
0x34: {  	[smem:$0x3FB9] =	sst s10  }
0x35: {  	s10 =	sld [smem:$0x3FB8];
	_ =	sdelay $0x3  }
0x36: {  	p1 =	seq.s32 s10, $0x1;
	s10 =	sld [smem:$0x3FB9];
	_ =	sdelay $0x3  }
0x37: {  	[smem:$0x3FB9] =	sst s10  }
0x38: {  	s10 =	sld [smem:$0x3FBA]  }
0x39: {  	_ = 	snop;
	(pc) =	sbr.ind lr, $3  }
0x3a: {  	_ = 	snop  }
0x3b: {  	_ = 	snop  }
0x3c: {  	p2 =	seq.s32 s10, $0x1;
	s10 =	sld [smem:$0x3FB9]  }
0x3d: {  	_ =	shalt  }
0x3e: {  	_ =	shalt  }
0x3f: {  	_ =	shalt  }
0x40: {  	_ =	shalt  }
0x41: {  	_ =	shalt  }
0x42: {  	_ =	shalt  }
0x43: {  	_ =	shalt  }
0x44: {  	_ =	shalt  }
0x45: {  	_ =	shalt  }
0x46: {  	_ =	shalt  }
0x47: {  	_ =	shalt  }
0x48: {  	_ =	shalt  }
0x49: {  	_ =	shalt  }
0x4a: {  	_ =	shalt  }
0x4b: {  	_ =	shalt  }
0x4c: {  	_ =	shalt  }
0x4d: {  	_ =	shalt  }
0x4e: {  	_ =	shalt  }
0x4f: {  	_ =	shalt  }
0x50: {  	_ =	shalt  }
0x51: {  	_ =	shalt  }
0x52: {  	_ =	shalt  }
0x53: {  	_ =	shalt  }
0x54: {  	_ =	shalt  }
0x55: {  	_ =	shalt  }
0x56: {  	_ =	shalt  }
0x57: {  	_ =	shalt  }
0x58: {  	_ =	shalt  }
0x59: {  	_ =	shalt  }
0x5a: {  	_ =	shalt  }
0x5b: {  	_ =	shalt  }
0x5c: {  	_ =	shalt  }
0x5d: {  	_ =	shalt  }
0x5e: {  	_ =	shalt  }
0x5f: {  	_ =	shalt  }
0x60: {  	_ =	shalt  }
0x61: {  	_ =	shalt  }
0x62: {  	_ =	shalt  }
0x63: {  	_ =	shalt  }
0x64: {  	_ =	shalt  }
0x65: {  	_ =	shalt  }
0x66: {  	_ =	shalt  }
0x67: {  	_ =	shalt  }
0x68: {  	_ =	shalt  }
0x69: {  	_ =	shalt  }
0x6a: {  	_ =	shalt  }
0x6b: {  	_ =	shalt  }
0x6c: {  	_ =	shalt  }
0x6d: {  	_ =	shalt  }
0x6e: {  	_ =	shalt  }
0x6f: {  	_ =	shalt  }
0x70: {  	_ =	shalt  }
0x71: {  	_ =	shalt  }
0x72: {  	_ =	shalt  }
0x73: {  	_ =	shalt  }
0x74: {  	_ =	shalt  }
0x75: {  	_ =	shalt  }
0x76: {  	_ =	shalt  }
0x77: {  	_ =	shalt  }
0x78: {  	_ =	shalt  }
0x79: {  	_ =	shalt  }
0x7a: {  	_ =	shalt  }
0x7b: {  	_ =	shalt  }
0x7c: {  	_ =	shalt  }
0x7d: {  	_ =	shalt  }
0x7e: {  	_ =	shalt  }
0x7f: {  	_ =	shalt  }
0x80: {  	_ =	shalt  }
0x81: {  	_ =	shalt  }
0x82: {  	_ =	shalt  }
0x83: {  	_ =	shalt  }
0x84: {  	_ =	shalt  }
0x85: {  	_ =	shalt  }
0x86: {  	_ =	shalt  }
0x87: {  	_ =	shalt  }
.Lfunc_end0:
.L_simem_size_0:
called_computation.1_lowered:
.L_overlay_start_0:
0x88: {  	s2 =	sld [smem:$0x3FD9]  }
0x89: {  	s3 =	sld [smem:$0x3FFE];
	_ =	sdelay $0x1  }
0x8a: {  	s1 =	srdreg.scid  }
0x8b: {  	s0 =	sand.u32 $0x1, s1  }
0x8c: {  	s17 =	sshll.u32 s0, $0xA;
	s2 =	sadd.s32 s3, s2  }
0x8d: {  	s2 =	sadd.s32 s2, s17  }
0x8e: {  	[smem:$0x3FC5] =	sst s2  }
0x8f: {  	_ = 	snop  }
0x90: {  	s2 =	sld [smem:$0x3FD0];
	(tm) =	ssettm $0x1  }
0x91: {  	s18 =	sld [smem:$0x3FFB];
	_ =	sdelay $0x3  }
0x92: {  	_ =	strace s18  }
0x93: {  	s3 =	sld [smem:$0x3FFC];
	_ =	sdelay $0x3  }
0x94: {  	_ =	strace s3  }
0x95: {  	s3 =	sld [smem:$0x3FFD];
	_ =	sdelay $0x3  }
0x96: {  	_ =	strace s3  }
0x97: {  	_ =	strace $0x8FFFFFFF  }
0x98: {  	s19 =	sld [smem:$0x3FDB];
	_ =	sdelay $0x1  }
0x99: {  	s4 =	simm.s32 $_scs_section_size  }
0x9a: {  	s5 =	simm.s32 $_size__tile_overlayer_lowered;
	s6 =	simm.s32 $_tile_overlayer_lowered  }
0x9b: {  	s22 =	simm.s32 $0x1BFF;
	s21 =	sshll.u32 s6, $0x1;
	s3 =	sadd.s32 s4, s19  }
0x9c: {  	s7 =	simm.s32 $0x0;
	s20 =	sshll.u32 s5, $0x1;
	s5 =	sadd.s32 s21, s3  }
0x9d: {  	[timem:s7], [sflag:s22] =	dma.local [hbm:s5], s20  }
0x9e: {  	_ =	swait.ge [sflag:s22], s20  }
0x9f: {  	s4 =	ssub.s32 $0x0, s20;
	[sflag:s22] =	ssyncset.done $0x0  }
0xa0: {  	[sflag:s22] =	ssyncadd.s32 s4;
	_ =	sdelay $0x1  }
0xa1: {  	s23 =	simm.s32 $0x1B8B  }
0xa2: {  	_ =	swait.ge [sflag:s23], $0x1  }
0xa3: {  	[sflag:s23] =	ssyncset.done $0x0  }
0xa4: {  	s25 =	simm.s32 $0x1B8E;
	s24 =	sld [smem:$0x3FFE];
	[sflag:s23] =	ssyncadd.s32 $0xFFFFFFFF  }
0xa5: {  	s26 =	simm.s32 $execute0_lowered;
	[smem:$0x3FD2] =	sst s25  }
0xa6: {  	s5 =	sshll.u32 s26, $0x1;
	_ =	strace $0x80000046;
	[dreg:$0x1] =	wrdreg $0xFFFFFFFF  }
0xa7: {  	s28 =	simm.s32 $_size_execute0_lowered;
	s3 =	sadd.s32 s3, s5;
	[dreg:$0x0] =	wrdreg $0x0  }
0xa8: {  	s5 =	sshll.u32 s28, $0x1;
	[dreg:$0x2] =	wrdreg s3  }
0xa9: {  	[dreg:$0x3] =	wrdreg s5  }
0xaa: {  	[dreg:$0x4] =	wrdreg $0xC0  }
0xab: {  	_ =	task [dreg:s7], $0x5FFFF  }
0xac: {  	[dreg:$0x1] =	wrdreg $0xFFFFFFFF  }
0xad: {  	[dreg:$0x0] =	wrdreg $0x60  }
0xae: {  	[dreg:$0x2] =	wrdreg s24  }
0xaf: {  	[dreg:$0x3] =	wrdreg s2  }
0xb0: {  	[dreg:$0x4] =	wrdreg $0x9  }
0xb1: {  	_ =	task.clear_ibuf [dreg:s7], $0x5FFFF;
	_ =	strace $0x90000046  }
0xb2: {  	s29 =	simm.s32 $0x9;
	_ =	strace $0x80000048  }
0xb3: {  	_ =	swait.ge [sflag:s29], $0x1  }
0xb4: {  	[sflag:s29] =	ssyncadd.s32 $0xFFFFFFFF  }
0xb5: {  	_ =	strace $0x90000048  }
0xb6: {  	_ =	sfence  }
0xb7: {  	s30 =	sld [smem:$0x0];
	_ =	sdelay $0x2  }
0xb8: {  	s31 =	sshll.u32 s1, $0xD;
	s1 =	sshrl.u32 s1, $0x2  }
0xb9: {  	s3 =	sand.u32 $0x4000, s31;
	s1 =	sadd.s32 s1, s30  }
0xba: {  	s0 =	sor.u32 s3, s0;
	s1 =	sshll.u32 s1, $0x11  }
0xbb: {  	s0 =	sor.u32 s1, s0  }
0xbc: {  	s0 =	sadd.s32 $0x8F2B, s0  }
0xbd: {  	[sflag:s0] =	ssyncadd.remote.s32 $0x1  }
0xbe: {  	_ =	sfence.sel $0xFFFF  }
0xbf: {  	[dreg:$0x0] =	wrdreg $0xFFFFFFFF;
	(pc) =	sbr.abs _section_cstart, $3  }
0xc0: {  	[dreg:$0x1] =	wrdreg $0xFFFFFFFF  }
0xc1: {  	_ =	task.clear_ibuf [dreg:s7], $0x2FFFF;
	_ =	strace $0x9FFFFFFF  }
0xc2: {  	(tm) =	ssettm $0x7FFFFFFF  }
0xc3: {  	_ =	shalt  }
tec
execute0_lowered:
.L_overlay_start_1:
0x0: {  	(tag) =	ssettag $0x1  }
0x1: {  	s0 =	srdreg.scid  }
0x2: {  	s2 =	stileid.u32;
	s1 =	rddreg [dreg:$0x0];
	s14 =	simm.s32 $0x9  }
0x3: {  	s15 =	simm.s32 $0x68;
	s16 =	simm.s32 $0x9600;
	s17 =	simm.s32 $0x60  }
0x4: {  	s18 =	simm.s32 $0xB000;
	s20 =	simm.s32 $0xC800;
	s29 =	simm.s32 $0x12C00  }
0x5: {  	s31 =	simm.s32 $0x14600;
	s13 =	simm.s32 $0x3;
	s19 =	simm.s32 $0x4  }
0x6: {  	s21 =	simm.s32 $0x5;
	s28 =	simm.s32 $0x8;
	s0 =	sand.u32 $0x1, s0  }
0x7: {  	s30 =	simm.s32 $0x0;
	s3 =	sshll.u32 s2, $0x8;
	s4 =	sshll.u32 s0, $0x7  }
0x8: {  	s2 =	rddreg [dreg:$0x1];
	s0 =	ssub.s32 $0x2, s0;
	s3 =	sor.u32 s4, s3  }
0x9: {  	s4 =	simm.s32 $0x0;
	s8 =	sshrl.u32 s0, $0x1;
	s5 =	smul.u32 $0x19, s3  }
0xa: {  	[smem:$0x7FF] =	sst s4;
	s6 =	smul.u32 $0x3200, s3;
	s0 =	ssub.s32 s0, s8  }
0xb: {  	_ =	strace $0x80000047;
	s12 =	smax.u32 s0, $0x1;
	s7 =	sadd.s32 s5, s1  }
0xc: {  	s5 =	sadd.s32 $0xF43000, s1;
	s6 =	sshrl.u32 s6, $0x3;
	s1 =	sadd.s32 $0x19C00, s1  }
0xd: {  	[dreg:$0x3] =	wrdreg s1;
	s22 =	sadd.s32 s2, s6;
	s23 =	sadd.s32 $0xC00, s7  }
0xe: {  	s0 =	simm.s32 $0x2;
	[dreg:$0x4] =	wrdreg s23;
	s24 =	sadd.s32 $0x30700, s22  }
0xf: {  	s1 =	simm.s32 $0x1;
	s25 =	sadd.s32 $0x30D40, s22;
	[dreg:$0x5] =	wrdreg s24  }
0x10: {  	s26 =	sadd.s32 $0x31380, s22;
	s11 =	sadd.s32 $0x319C0, s22;
	[dreg:$0x6] =	wrdreg s25  }
0x11: {  	s22 =	simm.s32 $0xE200;
	s23 =	simm.s32 $0x6;
	[dreg:$0x7] =	wrdreg s26  }
0x12: {  	s24 =	simm.s32 $0xFA00;
	s26 =	simm.s32 $0x11400;
	s25 =	simm.s32 $0x7  }
.LBB2_1:
0x13: {  	s6 =	rddreg [dreg:$0x3];
	s7 =	simm.s32 $0x6400  }
0x14: {  	[tilespmem:s7], [sflag:$0x9] =	stream.linear.gather [hbm4b:s6+s4], $0x3200, $0x38;
	[tilespmem:$0x15E00] =	vst v63  }
0x15: {  	_ =	swait.ge [sflag:s14], $0x3200  }
0x16: {  	[sflag:s14] =	ssyncset.done $0x0  }
0x17: {  	s8 =	rddreg [dreg:$0x4];
	[sflag:s14] =	ssyncadd.s32 $0xFFFFCE00  }
0x18: {  	[tilespmem:s4], [sflag:$0x9] =	stream.linear.gather [hbm4b:s8+s4], $0x6400, $0x38;
	[tilespmem:$0x15E00] =	vst v63  }
0x19: {  	_ =	swait.ge [sflag:s14], $0x6400  }
0x1a: {  	[sflag:s14] =	ssyncset.done $0x0  }
0x1b: {  	[sflag:s14] =	ssyncadd.s32 $0xFFFF9C00  }
0x1c: {  	[tilespmem:s16], [sflag:$0x1] =	stream.indirect.gather [hbm4b:s5+s15], $0x40, s4, s15, $0xb8;
	[tilespmem:$0x15E00] =	vst v63  }
0x1d: {  	_ = 	snop  }
0x1e: {  	[tilespmem:s18], [sflag:$0x1] =	stream.indirect.gather [hbm4b:s5+s17], $0x40, s15, s17, $0xb8;
	[tilespmem:$0x15E00] =	vst v63  }
0x1f: {  	s9 =	simm.s32 $0xC8  }
0x20: {  	[tilespmem:s20], [sflag:$0x2] =	stream.indirect.gather [hbm4b:s5+s15], $0x40, s9, s15, $0xb8;
	[tilespmem:$0x15E00] =	vst v63  }
0x21: {  	s10 =	simm.s32 $0x130  }
0x22: {  	[tilespmem:s22], [sflag:$0x2] =	stream.indirect.gather [hbm4b:s5+s17], $0x40, s10, s17, $0xb8;
	[tilespmem:$0x15E00] =	vst v63  }
0x23: {  	s7 =	simm.s32 $0x190  }
0x24: {  	[tilespmem:s24], [sflag:$0x3] =	stream.indirect.gather [hbm4b:s5+s15], $0x40, s7, s15, $0xb8;
	[tilespmem:$0x15E00] =	vst v63  }
0x25: {  	s8 =	simm.s32 $0x1F8  }
0x26: {  	[tilespmem:s26], [sflag:$0x3] =	stream.indirect.gather [hbm4b:s5+s17], $0x40, s8, s17, $0xb8;
	[tilespmem:$0x15E00] =	vst v63  }
0x27: {  	s9 =	simm.s32 $0x258  }
0x28: {  	[tilespmem:s29], [sflag:$0x4] =	stream.indirect.gather [hbm4b:s5+s15], $0x40, s9, s15, $0xb8;
	[tilespmem:$0x15E00] =	vst v63  }
0x29: {  	s6 =	simm.s32 $0x0;
	s10 =	simm.s32 $0x2C0  }
0x2a: {  	[tilespmem:s31], [sflag:$0x4] =	stream.indirect.gather [hbm4b:s5+s17], $0x40, s10, s17, $0xb8;
	[tilespmem:$0x15E00] =	vst v63  }
.LBB2_2:
0x2b: {  	_ =	swait.ge [sflag:s1], $0x3200  }
0x2c: {  	[sflag:s1] =	ssyncset.done $0x0  }
0x2d: {  	s8 =	simm.s32 $0x0;
	[sflag:s1] =	ssyncadd.s32 $0xFFFFCE00  }
0x2e: {  	v0 =	vld [tilespmem:s8+$0x65F0]  }
0x2f: {  	v1 =	vld [tilespmem:s8+$0x6400]  }
0x30: {  	v2 =	vld [tilespmem:s8+$0x6410]  }
0x31: {  	v3 =	vld [tilespmem:s8+$0x6420]  }
0x32: {  	v4 =	vld [tilespmem:s8+$0x6430]  }
0x33: {  	v5 =	vld [tilespmem:s8+$0x6440]  }
0x34: {  	v6 =	vld [tilespmem:s8+$0x6450]  }
0x35: {  	v7 =	vld [tilespmem:s8+$0x6460]  }
0x36: {  	v8 =	vld [tilespmem:s8+$0x6470]  }
0x37: {  	v9 =	vld [tilespmem:s8+$0x6480]  }
0x38: {  	v10 =	vld [tilespmem:s8+$0x6490]  }
0x39: {  	v11 =	vld [tilespmem:s8+$0x64A0]  }
0x3a: {  	v12 =	vld [tilespmem:s8+$0x64B0]  }
0x3b: {  	v13 =	vld [tilespmem:s8+$0x64C0]  }
0x3c: {  	v14 =	vld [tilespmem:s8+$0x64D0]  }
0x3d: {  	v15 =	vld [tilespmem:s8+$0x64E0]  }
0x3e: {  	v16 =	vld [tilespmem:s8+$0x64F0]  }
0x3f: {  	v17 =	vld [tilespmem:s8+$0x6500]  }
0x40: {  	v18 =	vld [tilespmem:s8+$0x6510]  }
0x41: {  	v19 =	vld [tilespmem:s8+$0x6520]  }
0x42: {  	v20 =	vld [tilespmem:s8+$0x6530]  }
0x43: {  	v21 =	vld [tilespmem:s8+$0x6540]  }
0x44: {  	v22 =	vld [tilespmem:s8+$0x6550]  }
0x45: {  	v23 =	vld [tilespmem:s8+$0x6560]  }
0x46: {  	v24 =	vld [tilespmem:s8+$0x6570]  }
0x47: {  	v25 =	vld [tilespmem:s8+$0x6580]  }
0x48: {  	v26 =	vld [tilespmem:s8+$0x6590]  }
0x49: {  	v27 =	vld [tilespmem:s8+$0x65A0]  }
0x4a: {  	v28 =	vld [tilespmem:s8+$0x65B0]  }
0x4b: {  	v29 =	vld [tilespmem:s8+$0x65C0]  }
0x4c: {  	v30 =	vld [tilespmem:s8+$0x65D0]  }
0x4d: {  	[tilespmem:s8+$0x97F0] =	vst.add.f32.msk $0xffff, v0  }
0x4e: {  	v0 =	vld [tilespmem:s8+$0x65E0]  }
0x4f: {  	[tilespmem:s8+$0x9600] =	vst.add.f32.msk $0xffff, v1  }
0x50: {  	[tilespmem:s8+$0x9610] =	vst.add.f32.msk $0xffff, v2  }
0x51: {  	[tilespmem:s8+$0x9620] =	vst.add.f32.msk $0xffff, v3  }
0x52: {  	[tilespmem:s8+$0x9630] =	vst.add.f32.msk $0xffff, v4  }
0x53: {  	[tilespmem:s8+$0x9640] =	vst.add.f32.msk $0xffff, v5  }
0x54: {  	[tilespmem:s8+$0x9650] =	vst.add.f32.msk $0xffff, v6  }
0x55: {  	[tilespmem:s8+$0x9660] =	vst.add.f32.msk $0xffff, v7  }
0x56: {  	[tilespmem:s8+$0x9670] =	vst.add.f32.msk $0xffff, v8  }
0x57: {  	[tilespmem:s8+$0x9680] =	vst.add.f32.msk $0xffff, v9  }
0x58: {  	[tilespmem:s8+$0x9690] =	vst.add.f32.msk $0xffff, v10  }
0x59: {  	[tilespmem:s8+$0x96A0] =	vst.add.f32.msk $0xffff, v11  }
0x5a: {  	[tilespmem:s8+$0x96B0] =	vst.add.f32.msk $0xffff, v12  }
0x5b: {  	[tilespmem:s8+$0x96C0] =	vst.add.f32.msk $0xffff, v13  }
0x5c: {  	[tilespmem:s8+$0x96D0] =	vst.add.f32.msk $0xffff, v14  }
0x5d: {  	[tilespmem:s8+$0x96E0] =	vst.add.f32.msk $0xffff, v15  }
0x5e: {  	[tilespmem:s8+$0x96F0] =	vst.add.f32.msk $0xffff, v16  }
0x5f: {  	[tilespmem:s8+$0x9700] =	vst.add.f32.msk $0xffff, v17  }
0x60: {  	[tilespmem:s8+$0x9710] =	vst.add.f32.msk $0xffff, v18  }
0x61: {  	[tilespmem:s8+$0x9720] =	vst.add.f32.msk $0xffff, v19  }
0x62: {  	[tilespmem:s8+$0x9730] =	vst.add.f32.msk $0xffff, v20  }
0x63: {  	[tilespmem:s8+$0x9740] =	vst.add.f32.msk $0xffff, v21  }
0x64: {  	[tilespmem:s8+$0x9750] =	vst.add.f32.msk $0xffff, v22  }
0x65: {  	[tilespmem:s8+$0x9760] =	vst.add.f32.msk $0xffff, v23  }
0x66: {  	[tilespmem:s8+$0x9770] =	vst.add.f32.msk $0xffff, v24  }
0x67: {  	[tilespmem:s8+$0x9780] =	vst.add.f32.msk $0xffff, v25  }
0x68: {  	[tilespmem:s8+$0x9790] =	vst.add.f32.msk $0xffff, v26  }
0x69: {  	[tilespmem:s8+$0x97A0] =	vst.add.f32.msk $0xffff, v27  }
0x6a: {  	[tilespmem:s8+$0x97B0] =	vst.add.f32.msk $0xffff, v28  }
0x6b: {  	[tilespmem:s8+$0x97C0] =	vst.add.f32.msk $0xffff, v29  }
0x6c: {  	s7 =	simm.s32 $0x0;
	s9 =	simm.s32 $0x800;
	[tilespmem:s8+$0x97D0] =	vst.add.f32.msk $0xffff, v30  }
.LBB2_3:
0x6d: {  	s7 =	sadd.s32 $0x8, s7;
	[tilespmem:s8+$0x97E0] =	vst.add.f32.msk $0xffff, v0;
	s8 =	sshra.s32 s9, $0x2  }
0x6e: {  	v0 =	vld [tilespmem:s8+$0x65F0];
	p0 =	slt.u32 s7, $0xC0  }
0x6f: {  	v1 =	vld [tilespmem:s8+$0x6400]  }
0x70: {  	v2 =	vld [tilespmem:s8+$0x6410]  }
0x71: {  	v3 =	vld [tilespmem:s8+$0x6420]  }
0x72: {  	v4 =	vld [tilespmem:s8+$0x6430]  }
0x73: {  	[tilespmem:s8+$0x97F0] =	vst.add.f32.msk $0xffff, v0  }
0x74: {  	v5 =	vld [tilespmem:s8+$0x6440]  }
0x75: {  	v6 =	vld [tilespmem:s8+$0x6450]  }
0x76: {  	v7 =	vld [tilespmem:s8+$0x6460]  }
0x77: {  	v8 =	vld [tilespmem:s8+$0x6470]  }
0x78: {  	v9 =	vld [tilespmem:s8+$0x6480]  }
0x79: {  	v10 =	vld [tilespmem:s8+$0x6490]  }
0x7a: {  	v11 =	vld [tilespmem:s8+$0x64A0]  }
0x7b: {  	v12 =	vld [tilespmem:s8+$0x64B0]  }
0x7c: {  	v13 =	vld [tilespmem:s8+$0x64C0]  }
0x7d: {  	v14 =	vld [tilespmem:s8+$0x64D0]  }
0x7e: {  	v15 =	vld [tilespmem:s8+$0x64E0]  }
0x7f: {  	v16 =	vld [tilespmem:s8+$0x64F0]  }
0x80: {  	v17 =	vld [tilespmem:s8+$0x6500]  }
0x81: {  	v18 =	vld [tilespmem:s8+$0x6510]  }
0x82: {  	v19 =	vld [tilespmem:s8+$0x6520]  }
0x83: {  	v20 =	vld [tilespmem:s8+$0x6530]  }
0x84: {  	v21 =	vld [tilespmem:s8+$0x6540]  }
0x85: {  	v22 =	vld [tilespmem:s8+$0x6550]  }
0x86: {  	v23 =	vld [tilespmem:s8+$0x6560]  }
0x87: {  	v24 =	vld [tilespmem:s8+$0x6570]  }
0x88: {  	v25 =	vld [tilespmem:s8+$0x6580]  }
0x89: {  	v26 =	vld [tilespmem:s8+$0x6590]  }
0x8a: {  	v27 =	vld [tilespmem:s8+$0x65A0]  }
0x8b: {  	v28 =	vld [tilespmem:s8+$0x65B0]  }
0x8c: {  	v29 =	vld [tilespmem:s8+$0x65C0]  }
0x8d: {  	v30 =	vld [tilespmem:s8+$0x65D0]  }
0x8e: {  	v0 =	vld [tilespmem:s8+$0x65E0]  }
0x8f: {  	[tilespmem:s8+$0x9600] =	vst.add.f32.msk $0xffff, v1  }
0x90: {  	[tilespmem:s8+$0x9610] =	vst.add.f32.msk $0xffff, v2  }
0x91: {  	[tilespmem:s8+$0x9620] =	vst.add.f32.msk $0xffff, v3  }
0x92: {  	[tilespmem:s8+$0x9630] =	vst.add.f32.msk $0xffff, v4  }
0x93: {  	[tilespmem:s8+$0x9640] =	vst.add.f32.msk $0xffff, v5  }
0x94: {  	[tilespmem:s8+$0x9650] =	vst.add.f32.msk $0xffff, v6  }
0x95: {  	[tilespmem:s8+$0x9660] =	vst.add.f32.msk $0xffff, v7  }
0x96: {  	[tilespmem:s8+$0x9670] =	vst.add.f32.msk $0xffff, v8  }
0x97: {  	[tilespmem:s8+$0x9680] =	vst.add.f32.msk $0xffff, v9  }
0x98: {  	[tilespmem:s8+$0x9690] =	vst.add.f32.msk $0xffff, v10  }
0x99: {  	[tilespmem:s8+$0x96A0] =	vst.add.f32.msk $0xffff, v11  }
0x9a: {  	[tilespmem:s8+$0x96B0] =	vst.add.f32.msk $0xffff, v12  }
0x9b: {  	[tilespmem:s8+$0x96C0] =	vst.add.f32.msk $0xffff, v13  }
0x9c: {  	[tilespmem:s8+$0x96D0] =	vst.add.f32.msk $0xffff, v14  }
0x9d: {  	[tilespmem:s8+$0x96E0] =	vst.add.f32.msk $0xffff, v15  }
0x9e: {  	[tilespmem:s8+$0x96F0] =	vst.add.f32.msk $0xffff, v16  }
0x9f: {  	[tilespmem:s8+$0x9700] =	vst.add.f32.msk $0xffff, v17  }
0xa0: {  	[tilespmem:s8+$0x9710] =	vst.add.f32.msk $0xffff, v18  }
0xa1: {  	[tilespmem:s8+$0x9720] =	vst.add.f32.msk $0xffff, v19  }
0xa2: {  	[tilespmem:s8+$0x9730] =	vst.add.f32.msk $0xffff, v20  }
0xa3: {  	[tilespmem:s8+$0x9740] =	vst.add.f32.msk $0xffff, v21  }
0xa4: {  	[tilespmem:s8+$0x9750] =	vst.add.f32.msk $0xffff, v22  }
0xa5: {  	[tilespmem:s8+$0x9760] =	vst.add.f32.msk $0xffff, v23  }
0xa6: {  	[tilespmem:s8+$0x9770] =	vst.add.f32.msk $0xffff, v24  }
0xa7: {  	[tilespmem:s8+$0x9780] =	vst.add.f32.msk $0xffff, v25  }
.Ltmp0:
0xa8: {  	[tilespmem:s8+$0x9790] =	vst.add.f32.msk $0xffff, v26;
	(pc) =	sbr.rel @p0 .LBB2_3-.Ltmp0, $4  }
0xa9: {  	[tilespmem:s8+$0x97A0] =	vst.add.f32.msk $0xffff, v27  }
0xaa: {  	[tilespmem:s8+$0x97B0] =	vst.add.f32.msk $0xffff, v28  }
0xab: {  	[tilespmem:s8+$0x97C0] =	vst.add.f32.msk $0xffff, v29  }
0xac: {  	s9 =	sadd.s32 $0x800, s9;
	[tilespmem:s8+$0x97D0] =	vst.add.f32.msk $0xffff, v30  }
0xad: {  	s7 =	sshll.u32 s6, $0x2  }
0xae: {  	s9 =	sadd.s32 s3, s7  }
0xaf: {  	s9 =	smul.u32 $0x640, s9;
	_ =	sdelay $0x1  }
0xb0: {  	[tilespmem:s8+$0x97E0] =	vst.add.f32.msk $0xffff, v0;
	s10 =	simm.s32 $0x0;
	s9 =	sadd.s32 s2, s9  }
0xb1: {  	[hbm4b:s9+s10] =	stream.linear.scatter [tilespmem:s16], [sflag:$0x5], $0x3200, $0x38;
	[tilespmem:$0x15E00] =	vst v63  }
0xb2: {  	_ =	swait.ge [sflag:s0], $0x3200  }
0xb3: {  	[sflag:s0] =	ssyncset.done $0x0  }
0xb4: {  	s8 =	simm.s32 $0x0;
	[sflag:s0] =	ssyncadd.s32 $0xFFFFCE00  }
0xb5: {  	v0 =	vld [tilespmem:s8+$0x65F0]  }
0xb6: {  	v1 =	vld [tilespmem:s8+$0x6400]  }
0xb7: {  	v2 =	vld [tilespmem:s8+$0x6410]  }
0xb8: {  	v3 =	vld [tilespmem:s8+$0x6420]  }
0xb9: {  	v4 =	vld [tilespmem:s8+$0x6430]  }
0xba: {  	v5 =	vld [tilespmem:s8+$0x6440]  }
0xbb: {  	v6 =	vld [tilespmem:s8+$0x6450]  }
0xbc: {  	v7 =	vld [tilespmem:s8+$0x6460]  }
0xbd: {  	v8 =	vld [tilespmem:s8+$0x6470]  }
0xbe: {  	v9 =	vld [tilespmem:s8+$0x6480]  }
0xbf: {  	v10 =	vld [tilespmem:s8+$0x6490]  }
0xc0: {  	v11 =	vld [tilespmem:s8+$0x64A0]  }
0xc1: {  	v12 =	vld [tilespmem:s8+$0x64B0]  }
0xc2: {  	v13 =	vld [tilespmem:s8+$0x64C0]  }
0xc3: {  	v14 =	vld [tilespmem:s8+$0x64D0]  }
0xc4: {  	v15 =	vld [tilespmem:s8+$0x64E0]  }
0xc5: {  	v16 =	vld [tilespmem:s8+$0x64F0]  }
0xc6: {  	v17 =	vld [tilespmem:s8+$0x6500]  }
0xc7: {  	v18 =	vld [tilespmem:s8+$0x6510]  }
0xc8: {  	v19 =	vld [tilespmem:s8+$0x6520]  }
0xc9: {  	v20 =	vld [tilespmem:s8+$0x6530]  }
0xca: {  	v21 =	vld [tilespmem:s8+$0x6540]  }
0xcb: {  	v22 =	vld [tilespmem:s8+$0x6550]  }
0xcc: {  	v23 =	vld [tilespmem:s8+$0x6560]  }
0xcd: {  	v24 =	vld [tilespmem:s8+$0x6570]  }
0xce: {  	v25 =	vld [tilespmem:s8+$0x6580]  }
0xcf: {  	v26 =	vld [tilespmem:s8+$0x6590]  }
0xd0: {  	v27 =	vld [tilespmem:s8+$0x65A0]  }
0xd1: {  	v28 =	vld [tilespmem:s8+$0x65B0]  }
0xd2: {  	v29 =	vld [tilespmem:s8+$0x65C0]  }
0xd3: {  	v30 =	vld [tilespmem:s8+$0x65D0]  }
0xd4: {  	[tilespmem:s8+$0xC9F0] =	vst.add.f32.msk $0xffff, v0  }
0xd5: {  	v0 =	vld [tilespmem:s8+$0x65E0]  }
0xd6: {  	[tilespmem:s8+$0xC800] =	vst.add.f32.msk $0xffff, v1  }
0xd7: {  	[tilespmem:s8+$0xC810] =	vst.add.f32.msk $0xffff, v2  }
0xd8: {  	[tilespmem:s8+$0xC820] =	vst.add.f32.msk $0xffff, v3  }
0xd9: {  	[tilespmem:s8+$0xC830] =	vst.add.f32.msk $0xffff, v4  }
0xda: {  	[tilespmem:s8+$0xC840] =	vst.add.f32.msk $0xffff, v5  }
0xdb: {  	[tilespmem:s8+$0xC850] =	vst.add.f32.msk $0xffff, v6  }
0xdc: {  	[tilespmem:s8+$0xC860] =	vst.add.f32.msk $0xffff, v7  }
0xdd: {  	[tilespmem:s8+$0xC870] =	vst.add.f32.msk $0xffff, v8  }
0xde: {  	[tilespmem:s8+$0xC880] =	vst.add.f32.msk $0xffff, v9  }
0xdf: {  	[tilespmem:s8+$0xC890] =	vst.add.f32.msk $0xffff, v10  }
0xe0: {  	[tilespmem:s8+$0xC8A0] =	vst.add.f32.msk $0xffff, v11  }
0xe1: {  	[tilespmem:s8+$0xC8B0] =	vst.add.f32.msk $0xffff, v12  }
0xe2: {  	[tilespmem:s8+$0xC8C0] =	vst.add.f32.msk $0xffff, v13  }
0xe3: {  	[tilespmem:s8+$0xC8D0] =	vst.add.f32.msk $0xffff, v14  }
0xe4: {  	[tilespmem:s8+$0xC8E0] =	vst.add.f32.msk $0xffff, v15  }
0xe5: {  	[tilespmem:s8+$0xC8F0] =	vst.add.f32.msk $0xffff, v16  }
0xe6: {  	[tilespmem:s8+$0xC900] =	vst.add.f32.msk $0xffff, v17  }
0xe7: {  	[tilespmem:s8+$0xC910] =	vst.add.f32.msk $0xffff, v18  }
0xe8: {  	[tilespmem:s8+$0xC920] =	vst.add.f32.msk $0xffff, v19  }
0xe9: {  	[tilespmem:s8+$0xC930] =	vst.add.f32.msk $0xffff, v20  }
0xea: {  	[tilespmem:s8+$0xC940] =	vst.add.f32.msk $0xffff, v21  }
0xeb: {  	[tilespmem:s8+$0xC950] =	vst.add.f32.msk $0xffff, v22  }
0xec: {  	[tilespmem:s8+$0xC960] =	vst.add.f32.msk $0xffff, v23  }
0xed: {  	[tilespmem:s8+$0xC970] =	vst.add.f32.msk $0xffff, v24  }
0xee: {  	[tilespmem:s8+$0xC980] =	vst.add.f32.msk $0xffff, v25  }
0xef: {  	[tilespmem:s8+$0xC990] =	vst.add.f32.msk $0xffff, v26  }
0xf0: {  	[tilespmem:s8+$0xC9A0] =	vst.add.f32.msk $0xffff, v27  }
0xf1: {  	[tilespmem:s8+$0xC9B0] =	vst.add.f32.msk $0xffff, v28  }
0xf2: {  	[tilespmem:s8+$0xC9C0] =	vst.add.f32.msk $0xffff, v29  }
0xf3: {  	s9 =	simm.s32 $0x0;
	s10 =	simm.s32 $0x800;
	[tilespmem:s8+$0xC9D0] =	vst.add.f32.msk $0xffff, v30  }
.LBB2_5:
0xf4: {  	s9 =	sadd.s32 $0x8, s9;
	[tilespmem:s8+$0xC9E0] =	vst.add.f32.msk $0xffff, v0;
	s8 =	sshra.s32 s10, $0x2  }
0xf5: {  	v0 =	vld [tilespmem:s8+$0x65F0];
	p0 =	slt.u32 s9, $0xC0  }
0xf6: {  	v1 =	vld [tilespmem:s8+$0x6400]  }
0xf7: {  	v2 =	vld [tilespmem:s8+$0x6410]  }
0xf8: {  	v3 =	vld [tilespmem:s8+$0x6420]  }
0xf9: {  	v4 =	vld [tilespmem:s8+$0x6430]  }
0xfa: {  	[tilespmem:s8+$0xC9F0] =	vst.add.f32.msk $0xffff, v0  }
0xfb: {  	v5 =	vld [tilespmem:s8+$0x6440]  }
0xfc: {  	v6 =	vld [tilespmem:s8+$0x6450]  }
0xfd: {  	v7 =	vld [tilespmem:s8+$0x6460]  }
0xfe: {  	v8 =	vld [tilespmem:s8+$0x6470]  }
0xff: {  	v9 =	vld [tilespmem:s8+$0x6480]  }
0x100: {  	v10 =	vld [tilespmem:s8+$0x6490]  }
0x101: {  	v11 =	vld [tilespmem:s8+$0x64A0]  }
0x102: {  	v12 =	vld [tilespmem:s8+$0x64B0]  }
0x103: {  	v13 =	vld [tilespmem:s8+$0x64C0]  }
0x104: {  	v14 =	vld [tilespmem:s8+$0x64D0]  }
0x105: {  	v15 =	vld [tilespmem:s8+$0x64E0]  }
0x106: {  	v16 =	vld [tilespmem:s8+$0x64F0]  }
0x107: {  	v17 =	vld [tilespmem:s8+$0x6500]  }
0x108: {  	v18 =	vld [tilespmem:s8+$0x6510]  }
0x109: {  	v19 =	vld [tilespmem:s8+$0x6520]  }
0x10a: {  	v20 =	vld [tilespmem:s8+$0x6530]  }
0x10b: {  	v21 =	vld [tilespmem:s8+$0x6540]  }
0x10c: {  	v22 =	vld [tilespmem:s8+$0x6550]  }
0x10d: {  	v23 =	vld [tilespmem:s8+$0x6560]  }
0x10e: {  	v24 =	vld [tilespmem:s8+$0x6570]  }
0x10f: {  	v25 =	vld [tilespmem:s8+$0x6580]  }
0x110: {  	v26 =	vld [tilespmem:s8+$0x6590]  }
0x111: {  	v27 =	vld [tilespmem:s8+$0x65A0]  }
0x112: {  	v28 =	vld [tilespmem:s8+$0x65B0]  }
0x113: {  	v29 =	vld [tilespmem:s8+$0x65C0]  }
0x114: {  	v30 =	vld [tilespmem:s8+$0x65D0]  }
0x115: {  	v0 =	vld [tilespmem:s8+$0x65E0]  }
0x116: {  	[tilespmem:s8+$0xC800] =	vst.add.f32.msk $0xffff, v1  }
0x117: {  	[tilespmem:s8+$0xC810] =	vst.add.f32.msk $0xffff, v2  }
0x118: {  	[tilespmem:s8+$0xC820] =	vst.add.f32.msk $0xffff, v3  }
0x119: {  	[tilespmem:s8+$0xC830] =	vst.add.f32.msk $0xffff, v4  }
0x11a: {  	[tilespmem:s8+$0xC840] =	vst.add.f32.msk $0xffff, v5  }
0x11b: {  	[tilespmem:s8+$0xC850] =	vst.add.f32.msk $0xffff, v6  }
0x11c: {  	[tilespmem:s8+$0xC860] =	vst.add.f32.msk $0xffff, v7  }
0x11d: {  	[tilespmem:s8+$0xC870] =	vst.add.f32.msk $0xffff, v8  }
0x11e: {  	[tilespmem:s8+$0xC880] =	vst.add.f32.msk $0xffff, v9  }
0x11f: {  	[tilespmem:s8+$0xC890] =	vst.add.f32.msk $0xffff, v10  }
0x120: {  	[tilespmem:s8+$0xC8A0] =	vst.add.f32.msk $0xffff, v11  }
0x121: {  	[tilespmem:s8+$0xC8B0] =	vst.add.f32.msk $0xffff, v12  }
0x122: {  	[tilespmem:s8+$0xC8C0] =	vst.add.f32.msk $0xffff, v13  }
0x123: {  	[tilespmem:s8+$0xC8D0] =	vst.add.f32.msk $0xffff, v14  }
0x124: {  	[tilespmem:s8+$0xC8E0] =	vst.add.f32.msk $0xffff, v15  }
0x125: {  	[tilespmem:s8+$0xC8F0] =	vst.add.f32.msk $0xffff, v16  }
0x126: {  	[tilespmem:s8+$0xC900] =	vst.add.f32.msk $0xffff, v17  }
0x127: {  	[tilespmem:s8+$0xC910] =	vst.add.f32.msk $0xffff, v18  }
0x128: {  	[tilespmem:s8+$0xC920] =	vst.add.f32.msk $0xffff, v19  }
0x129: {  	[tilespmem:s8+$0xC930] =	vst.add.f32.msk $0xffff, v20  }
0x12a: {  	[tilespmem:s8+$0xC940] =	vst.add.f32.msk $0xffff, v21  }
0x12b: {  	[tilespmem:s8+$0xC950] =	vst.add.f32.msk $0xffff, v22  }
0x12c: {  	[tilespmem:s8+$0xC960] =	vst.add.f32.msk $0xffff, v23  }
0x12d: {  	[tilespmem:s8+$0xC970] =	vst.add.f32.msk $0xffff, v24  }
0x12e: {  	[tilespmem:s8+$0xC980] =	vst.add.f32.msk $0xffff, v25  }
.Ltmp1:
0x12f: {  	[tilespmem:s8+$0xC990] =	vst.add.f32.msk $0xffff, v26;
	(pc) =	sbr.rel @p0 .LBB2_5-.Ltmp1, $4  }
0x130: {  	[tilespmem:s8+$0xC9A0] =	vst.add.f32.msk $0xffff, v27  }
0x131: {  	[tilespmem:s8+$0xC9B0] =	vst.add.f32.msk $0xffff, v28  }
0x132: {  	[tilespmem:s8+$0xC9C0] =	vst.add.f32.msk $0xffff, v29  }
0x133: {  	s10 =	sadd.s32 $0x800, s10;
	[tilespmem:s8+$0xC9D0] =	vst.add.f32.msk $0xffff, v30  }
0x134: {  	s7 =	sadd.s32 s7, s3  }
0x135: {  	s7 =	smul.u32 $0x640, s7;
	_ =	sdelay $0x1  }
0x136: {  	s7 =	sadd.s32 s2, s7  }
0x137: {  	[tilespmem:s8+$0xC9E0] =	vst.add.f32.msk $0xffff, v0;
	s9 =	simm.s32 $0x0;
	s10 =	sadd.s32 $0x640, s7  }
0x138: {  	[hbm4b:s10+s9] =	stream.linear.scatter [tilespmem:s20], [sflag:$0x6], $0x3200, $0x38;
	[tilespmem:$0x15E00] =	vst v63  }
0x139: {  	_ =	swait.ge [sflag:s13], $0x3200  }
0x13a: {  	[sflag:s13] =	ssyncset.done $0x0  }
0x13b: {  	s8 =	simm.s32 $0x0;
	[sflag:s13] =	ssyncadd.s32 $0xFFFFCE00  }
0x13c: {  	v0 =	vld [tilespmem:s8+$0x65F0]  }
0x13d: {  	v1 =	vld [tilespmem:s8+$0x6400]  }
0x13e: {  	v2 =	vld [tilespmem:s8+$0x6410]  }
0x13f: {  	v3 =	vld [tilespmem:s8+$0x6420]  }
0x140: {  	v4 =	vld [tilespmem:s8+$0x6430]  }
0x141: {  	v5 =	vld [tilespmem:s8+$0x6440]  }
0x142: {  	v6 =	vld [tilespmem:s8+$0x6450]  }
0x143: {  	v7 =	vld [tilespmem:s8+$0x6460]  }
0x144: {  	v8 =	vld [tilespmem:s8+$0x6470]  }
0x145: {  	v9 =	vld [tilespmem:s8+$0x6480]  }
0x146: {  	v10 =	vld [tilespmem:s8+$0x6490]  }
0x147: {  	v11 =	vld [tilespmem:s8+$0x64A0]  }
0x148: {  	v12 =	vld [tilespmem:s8+$0x64B0]  }
0x149: {  	v13 =	vld [tilespmem:s8+$0x64C0]  }
0x14a: {  	v14 =	vld [tilespmem:s8+$0x64D0]  }
0x14b: {  	v15 =	vld [tilespmem:s8+$0x64E0]  }
0x14c: {  	v16 =	vld [tilespmem:s8+$0x64F0]  }
0x14d: {  	v17 =	vld [tilespmem:s8+$0x6500]  }
0x14e: {  	v18 =	vld [tilespmem:s8+$0x6510]  }
0x14f: {  	v19 =	vld [tilespmem:s8+$0x6520]  }
0x150: {  	v20 =	vld [tilespmem:s8+$0x6530]  }
0x151: {  	v21 =	vld [tilespmem:s8+$0x6540]  }
0x152: {  	v22 =	vld [tilespmem:s8+$0x6550]  }
0x153: {  	v23 =	vld [tilespmem:s8+$0x6560]  }
0x154: {  	v24 =	vld [tilespmem:s8+$0x6570]  }
0x155: {  	v25 =	vld [tilespmem:s8+$0x6580]  }
0x156: {  	v26 =	vld [tilespmem:s8+$0x6590]  }
0x157: {  	v27 =	vld [tilespmem:s8+$0x65A0]  }
0x158: {  	v28 =	vld [tilespmem:s8+$0x65B0]  }
0x159: {  	v29 =	vld [tilespmem:s8+$0x65C0]  }
0x15a: {  	v30 =	vld [tilespmem:s8+$0x65D0]  }
0x15b: {  	[tilespmem:s8+$0xFBF0] =	vst.add.f32.msk $0xffff, v0  }
0x15c: {  	v0 =	vld [tilespmem:s8+$0x65E0]  }
0x15d: {  	[tilespmem:s8+$0xFA00] =	vst.add.f32.msk $0xffff, v1  }
0x15e: {  	[tilespmem:s8+$0xFA10] =	vst.add.f32.msk $0xffff, v2  }
0x15f: {  	[tilespmem:s8+$0xFA20] =	vst.add.f32.msk $0xffff, v3  }
0x160: {  	[tilespmem:s8+$0xFA30] =	vst.add.f32.msk $0xffff, v4  }
0x161: {  	[tilespmem:s8+$0xFA40] =	vst.add.f32.msk $0xffff, v5  }
0x162: {  	[tilespmem:s8+$0xFA50] =	vst.add.f32.msk $0xffff, v6  }
0x163: {  	[tilespmem:s8+$0xFA60] =	vst.add.f32.msk $0xffff, v7  }
0x164: {  	[tilespmem:s8+$0xFA70] =	vst.add.f32.msk $0xffff, v8  }
0x165: {  	[tilespmem:s8+$0xFA80] =	vst.add.f32.msk $0xffff, v9  }
0x166: {  	[tilespmem:s8+$0xFA90] =	vst.add.f32.msk $0xffff, v10  }
0x167: {  	[tilespmem:s8+$0xFAA0] =	vst.add.f32.msk $0xffff, v11  }
0x168: {  	[tilespmem:s8+$0xFAB0] =	vst.add.f32.msk $0xffff, v12  }
0x169: {  	[tilespmem:s8+$0xFAC0] =	vst.add.f32.msk $0xffff, v13  }
0x16a: {  	[tilespmem:s8+$0xFAD0] =	vst.add.f32.msk $0xffff, v14  }
0x16b: {  	[tilespmem:s8+$0xFAE0] =	vst.add.f32.msk $0xffff, v15  }
0x16c: {  	[tilespmem:s8+$0xFAF0] =	vst.add.f32.msk $0xffff, v16  }
0x16d: {  	[tilespmem:s8+$0xFB00] =	vst.add.f32.msk $0xffff, v17  }
0x16e: {  	[tilespmem:s8+$0xFB10] =	vst.add.f32.msk $0xffff, v18  }
0x16f: {  	[tilespmem:s8+$0xFB20] =	vst.add.f32.msk $0xffff, v19  }
0x170: {  	[tilespmem:s8+$0xFB30] =	vst.add.f32.msk $0xffff, v20  }
0x171: {  	[tilespmem:s8+$0xFB40] =	vst.add.f32.msk $0xffff, v21  }
0x172: {  	[tilespmem:s8+$0xFB50] =	vst.add.f32.msk $0xffff, v22  }
0x173: {  	[tilespmem:s8+$0xFB60] =	vst.add.f32.msk $0xffff, v23  }
0x174: {  	[tilespmem:s8+$0xFB70] =	vst.add.f32.msk $0xffff, v24  }
0x175: {  	[tilespmem:s8+$0xFB80] =	vst.add.f32.msk $0xffff, v25  }
0x176: {  	[tilespmem:s8+$0xFB90] =	vst.add.f32.msk $0xffff, v26  }
0x177: {  	[tilespmem:s8+$0xFBA0] =	vst.add.f32.msk $0xffff, v27  }
0x178: {  	[tilespmem:s8+$0xFBB0] =	vst.add.f32.msk $0xffff, v28  }
0x179: {  	[tilespmem:s8+$0xFBC0] =	vst.add.f32.msk $0xffff, v29  }
0x17a: {  	s9 =	simm.s32 $0x0;
	s10 =	simm.s32 $0x800;
	[tilespmem:s8+$0xFBD0] =	vst.add.f32.msk $0xffff, v30  }
.LBB2_7:
0x17b: {  	s9 =	sadd.s32 $0x8, s9;
	[tilespmem:s8+$0xFBE0] =	vst.add.f32.msk $0xffff, v0;
	s8 =	sshra.s32 s10, $0x2  }
0x17c: {  	v0 =	vld [tilespmem:s8+$0x65F0];
	p0 =	slt.u32 s9, $0xC0  }
0x17d: {  	v1 =	vld [tilespmem:s8+$0x6400]  }
0x17e: {  	v2 =	vld [tilespmem:s8+$0x6410]  }
0x17f: {  	v3 =	vld [tilespmem:s8+$0x6420]  }
0x180: {  	v4 =	vld [tilespmem:s8+$0x6430]  }
0x181: {  	[tilespmem:s8+$0xFBF0] =	vst.add.f32.msk $0xffff, v0  }
0x182: {  	v5 =	vld [tilespmem:s8+$0x6440]  }
0x183: {  	v6 =	vld [tilespmem:s8+$0x6450]  }
0x184: {  	v7 =	vld [tilespmem:s8+$0x6460]  }
0x185: {  	v8 =	vld [tilespmem:s8+$0x6470]  }
0x186: {  	v9 =	vld [tilespmem:s8+$0x6480]  }
0x187: {  	v10 =	vld [tilespmem:s8+$0x6490]  }
0x188: {  	v11 =	vld [tilespmem:s8+$0x64A0]  }
0x189: {  	v12 =	vld [tilespmem:s8+$0x64B0]  }
0x18a: {  	v13 =	vld [tilespmem:s8+$0x64C0]  }
0x18b: {  	v14 =	vld [tilespmem:s8+$0x64D0]  }
0x18c: {  	v15 =	vld [tilespmem:s8+$0x64E0]  }
0x18d: {  	v16 =	vld [tilespmem:s8+$0x64F0]  }
0x18e: {  	v17 =	vld [tilespmem:s8+$0x6500]  }
0x18f: {  	v18 =	vld [tilespmem:s8+$0x6510]  }
0x190: {  	v19 =	vld [tilespmem:s8+$0x6520]  }
0x191: {  	v20 =	vld [tilespmem:s8+$0x6530]  }
0x192: {  	v21 =	vld [tilespmem:s8+$0x6540]  }
0x193: {  	v22 =	vld [tilespmem:s8+$0x6550]  }
0x194: {  	v23 =	vld [tilespmem:s8+$0x6560]  }
0x195: {  	v24 =	vld [tilespmem:s8+$0x6570]  }
0x196: {  	v25 =	vld [tilespmem:s8+$0x6580]  }
0x197: {  	v26 =	vld [tilespmem:s8+$0x6590]  }
0x198: {  	v27 =	vld [tilespmem:s8+$0x65A0]  }
0x199: {  	v28 =	vld [tilespmem:s8+$0x65B0]  }
0x19a: {  	v29 =	vld [tilespmem:s8+$0x65C0]  }
0x19b: {  	v30 =	vld [tilespmem:s8+$0x65D0]  }
0x19c: {  	v0 =	vld [tilespmem:s8+$0x65E0]  }
0x19d: {  	[tilespmem:s8+$0xFA00] =	vst.add.f32.msk $0xffff, v1  }
0x19e: {  	[tilespmem:s8+$0xFA10] =	vst.add.f32.msk $0xffff, v2  }
0x19f: {  	[tilespmem:s8+$0xFA20] =	vst.add.f32.msk $0xffff, v3  }
0x1a0: {  	[tilespmem:s8+$0xFA30] =	vst.add.f32.msk $0xffff, v4  }
0x1a1: {  	[tilespmem:s8+$0xFA40] =	vst.add.f32.msk $0xffff, v5  }
0x1a2: {  	[tilespmem:s8+$0xFA50] =	vst.add.f32.msk $0xffff, v6  }
0x1a3: {  	[tilespmem:s8+$0xFA60] =	vst.add.f32.msk $0xffff, v7  }
0x1a4: {  	[tilespmem:s8+$0xFA70] =	vst.add.f32.msk $0xffff, v8  }
0x1a5: {  	[tilespmem:s8+$0xFA80] =	vst.add.f32.msk $0xffff, v9  }
0x1a6: {  	[tilespmem:s8+$0xFA90] =	vst.add.f32.msk $0xffff, v10  }
0x1a7: {  	[tilespmem:s8+$0xFAA0] =	vst.add.f32.msk $0xffff, v11  }
0x1a8: {  	[tilespmem:s8+$0xFAB0] =	vst.add.f32.msk $0xffff, v12  }
0x1a9: {  	[tilespmem:s8+$0xFAC0] =	vst.add.f32.msk $0xffff, v13  }
0x1aa: {  	[tilespmem:s8+$0xFAD0] =	vst.add.f32.msk $0xffff, v14  }
0x1ab: {  	[tilespmem:s8+$0xFAE0] =	vst.add.f32.msk $0xffff, v15  }
0x1ac: {  	[tilespmem:s8+$0xFAF0] =	vst.add.f32.msk $0xffff, v16  }
0x1ad: {  	[tilespmem:s8+$0xFB00] =	vst.add.f32.msk $0xffff, v17  }
0x1ae: {  	[tilespmem:s8+$0xFB10] =	vst.add.f32.msk $0xffff, v18  }
0x1af: {  	[tilespmem:s8+$0xFB20] =	vst.add.f32.msk $0xffff, v19  }
0x1b0: {  	[tilespmem:s8+$0xFB30] =	vst.add.f32.msk $0xffff, v20  }
0x1b1: {  	[tilespmem:s8+$0xFB40] =	vst.add.f32.msk $0xffff, v21  }
0x1b2: {  	[tilespmem:s8+$0xFB50] =	vst.add.f32.msk $0xffff, v22  }
0x1b3: {  	[tilespmem:s8+$0xFB60] =	vst.add.f32.msk $0xffff, v23  }
0x1b4: {  	[tilespmem:s8+$0xFB70] =	vst.add.f32.msk $0xffff, v24  }
0x1b5: {  	[tilespmem:s8+$0xFB80] =	vst.add.f32.msk $0xffff, v25  }
.Ltmp2:
0x1b6: {  	[tilespmem:s8+$0xFB90] =	vst.add.f32.msk $0xffff, v26;
	(pc) =	sbr.rel @p0 .LBB2_7-.Ltmp2, $4  }
0x1b7: {  	[tilespmem:s8+$0xFBA0] =	vst.add.f32.msk $0xffff, v27  }
0x1b8: {  	[tilespmem:s8+$0xFBB0] =	vst.add.f32.msk $0xffff, v28  }
0x1b9: {  	[tilespmem:s8+$0xFBC0] =	vst.add.f32.msk $0xffff, v29  }
0x1ba: {  	s10 =	sadd.s32 $0x800, s10;
	[tilespmem:s8+$0xFBD0] =	vst.add.f32.msk $0xffff, v30  }
0x1bb: {  	[tilespmem:s8+$0xFBE0] =	vst.add.f32.msk $0xffff, v0;
	s10 =	sadd.s32 $0xC80, s7;
	s9 =	simm.s32 $0x0  }
0x1bc: {  	[hbm4b:s10+s9] =	stream.linear.scatter [tilespmem:s24], [sflag:$0x7], $0x3200, $0x38;
	[tilespmem:$0x15E00] =	vst v63  }
0x1bd: {  	_ =	swait.ge [sflag:s19], $0x3200  }
0x1be: {  	[sflag:s19] =	ssyncset.done $0x0  }
0x1bf: {  	s8 =	simm.s32 $0x0;
	[sflag:s19] =	ssyncadd.s32 $0xFFFFCE00  }
0x1c0: {  	v0 =	vld [tilespmem:s8+$0x65F0]  }
0x1c1: {  	v1 =	vld [tilespmem:s8+$0x6400]  }
0x1c2: {  	v2 =	vld [tilespmem:s8+$0x6410]  }
0x1c3: {  	v3 =	vld [tilespmem:s8+$0x6420]  }
0x1c4: {  	v4 =	vld [tilespmem:s8+$0x6430]  }
0x1c5: {  	v5 =	vld [tilespmem:s8+$0x6440]  }
0x1c6: {  	v6 =	vld [tilespmem:s8+$0x6450]  }
0x1c7: {  	v7 =	vld [tilespmem:s8+$0x6460]  }
0x1c8: {  	v8 =	vld [tilespmem:s8+$0x6470]  }
0x1c9: {  	v9 =	vld [tilespmem:s8+$0x6480]  }
0x1ca: {  	v10 =	vld [tilespmem:s8+$0x6490]  }
0x1cb: {  	v11 =	vld [tilespmem:s8+$0x64A0]  }
0x1cc: {  	v12 =	vld [tilespmem:s8+$0x64B0]  }
0x1cd: {  	v13 =	vld [tilespmem:s8+$0x64C0]  }
0x1ce: {  	v14 =	vld [tilespmem:s8+$0x64D0]  }
0x1cf: {  	v15 =	vld [tilespmem:s8+$0x64E0]  }
0x1d0: {  	v16 =	vld [tilespmem:s8+$0x64F0]  }
0x1d1: {  	v17 =	vld [tilespmem:s8+$0x6500]  }
0x1d2: {  	v18 =	vld [tilespmem:s8+$0x6510]  }
0x1d3: {  	v19 =	vld [tilespmem:s8+$0x6520]  }
0x1d4: {  	v20 =	vld [tilespmem:s8+$0x6530]  }
0x1d5: {  	v21 =	vld [tilespmem:s8+$0x6540]  }
0x1d6: {  	v22 =	vld [tilespmem:s8+$0x6550]  }
0x1d7: {  	v23 =	vld [tilespmem:s8+$0x6560]  }
0x1d8: {  	v24 =	vld [tilespmem:s8+$0x6570]  }
0x1d9: {  	v25 =	vld [tilespmem:s8+$0x6580]  }
0x1da: {  	v26 =	vld [tilespmem:s8+$0x6590]  }
0x1db: {  	v27 =	vld [tilespmem:s8+$0x65A0]  }
0x1dc: {  	v28 =	vld [tilespmem:s8+$0x65B0]  }
0x1dd: {  	v29 =	vld [tilespmem:s8+$0x65C0]  }
0x1de: {  	v30 =	vld [tilespmem:s8+$0x65D0]  }
0x1df: {  	[tilespmem:s8+$0x12DF0] =	vst.add.f32.msk $0xffff, v0  }
0x1e0: {  	v0 =	vld [tilespmem:s8+$0x65E0]  }
0x1e1: {  	[tilespmem:s8+$0x12C00] =	vst.add.f32.msk $0xffff, v1  }
0x1e2: {  	[tilespmem:s8+$0x12C10] =	vst.add.f32.msk $0xffff, v2  }
0x1e3: {  	[tilespmem:s8+$0x12C20] =	vst.add.f32.msk $0xffff, v3  }
0x1e4: {  	[tilespmem:s8+$0x12C30] =	vst.add.f32.msk $0xffff, v4  }
0x1e5: {  	[tilespmem:s8+$0x12C40] =	vst.add.f32.msk $0xffff, v5  }
0x1e6: {  	[tilespmem:s8+$0x12C50] =	vst.add.f32.msk $0xffff, v6  }
0x1e7: {  	[tilespmem:s8+$0x12C60] =	vst.add.f32.msk $0xffff, v7  }
0x1e8: {  	[tilespmem:s8+$0x12C70] =	vst.add.f32.msk $0xffff, v8  }
0x1e9: {  	[tilespmem:s8+$0x12C80] =	vst.add.f32.msk $0xffff, v9  }
0x1ea: {  	[tilespmem:s8+$0x12C90] =	vst.add.f32.msk $0xffff, v10  }
0x1eb: {  	[tilespmem:s8+$0x12CA0] =	vst.add.f32.msk $0xffff, v11  }
0x1ec: {  	[tilespmem:s8+$0x12CB0] =	vst.add.f32.msk $0xffff, v12  }
0x1ed: {  	[tilespmem:s8+$0x12CC0] =	vst.add.f32.msk $0xffff, v13  }
0x1ee: {  	[tilespmem:s8+$0x12CD0] =	vst.add.f32.msk $0xffff, v14  }
0x1ef: {  	[tilespmem:s8+$0x12CE0] =	vst.add.f32.msk $0xffff, v15  }
0x1f0: {  	[tilespmem:s8+$0x12CF0] =	vst.add.f32.msk $0xffff, v16  }
0x1f1: {  	[tilespmem:s8+$0x12D00] =	vst.add.f32.msk $0xffff, v17  }
0x1f2: {  	[tilespmem:s8+$0x12D10] =	vst.add.f32.msk $0xffff, v18  }
0x1f3: {  	[tilespmem:s8+$0x12D20] =	vst.add.f32.msk $0xffff, v19  }
0x1f4: {  	[tilespmem:s8+$0x12D30] =	vst.add.f32.msk $0xffff, v20  }
0x1f5: {  	[tilespmem:s8+$0x12D40] =	vst.add.f32.msk $0xffff, v21  }
0x1f6: {  	[tilespmem:s8+$0x12D50] =	vst.add.f32.msk $0xffff, v22  }
0x1f7: {  	[tilespmem:s8+$0x12D60] =	vst.add.f32.msk $0xffff, v23  }
0x1f8: {  	[tilespmem:s8+$0x12D70] =	vst.add.f32.msk $0xffff, v24  }
0x1f9: {  	[tilespmem:s8+$0x12D80] =	vst.add.f32.msk $0xffff, v25  }
0x1fa: {  	[tilespmem:s8+$0x12D90] =	vst.add.f32.msk $0xffff, v26  }
0x1fb: {  	[tilespmem:s8+$0x12DA0] =	vst.add.f32.msk $0xffff, v27  }
0x1fc: {  	[tilespmem:s8+$0x12DB0] =	vst.add.f32.msk $0xffff, v28  }
0x1fd: {  	[tilespmem:s8+$0x12DC0] =	vst.add.f32.msk $0xffff, v29  }
0x1fe: {  	s9 =	simm.s32 $0x0;
	s10 =	simm.s32 $0x800;
	[tilespmem:s8+$0x12DD0] =	vst.add.f32.msk $0xffff, v30  }
.LBB2_9:
0x1ff: {  	s9 =	sadd.s32 $0x8, s9;
	[tilespmem:s8+$0x12DE0] =	vst.add.f32.msk $0xffff, v0;
	s8 =	sshra.s32 s10, $0x2  }
0x200: {  	v0 =	vld [tilespmem:s8+$0x65F0];
	p0 =	slt.u32 s9, $0xC0  }
0x201: {  	v1 =	vld [tilespmem:s8+$0x6400]  }
0x202: {  	v2 =	vld [tilespmem:s8+$0x6410]  }
0x203: {  	v3 =	vld [tilespmem:s8+$0x6420]  }
0x204: {  	v4 =	vld [tilespmem:s8+$0x6430]  }
0x205: {  	[tilespmem:s8+$0x12DF0] =	vst.add.f32.msk $0xffff, v0  }
0x206: {  	v5 =	vld [tilespmem:s8+$0x6440]  }
0x207: {  	v6 =	vld [tilespmem:s8+$0x6450]  }
0x208: {  	v7 =	vld [tilespmem:s8+$0x6460]  }
0x209: {  	v8 =	vld [tilespmem:s8+$0x6470]  }
0x20a: {  	v9 =	vld [tilespmem:s8+$0x6480]  }
0x20b: {  	v10 =	vld [tilespmem:s8+$0x6490]  }
0x20c: {  	v11 =	vld [tilespmem:s8+$0x64A0]  }
0x20d: {  	v12 =	vld [tilespmem:s8+$0x64B0]  }
0x20e: {  	v13 =	vld [tilespmem:s8+$0x64C0]  }
0x20f: {  	v14 =	vld [tilespmem:s8+$0x64D0]  }
0x210: {  	v15 =	vld [tilespmem:s8+$0x64E0]  }
0x211: {  	v16 =	vld [tilespmem:s8+$0x64F0]  }
0x212: {  	v17 =	vld [tilespmem:s8+$0x6500]  }
0x213: {  	v18 =	vld [tilespmem:s8+$0x6510]  }
0x214: {  	v19 =	vld [tilespmem:s8+$0x6520]  }
0x215: {  	v20 =	vld [tilespmem:s8+$0x6530]  }
0x216: {  	v21 =	vld [tilespmem:s8+$0x6540]  }
0x217: {  	v22 =	vld [tilespmem:s8+$0x6550]  }
0x218: {  	v23 =	vld [tilespmem:s8+$0x6560]  }
0x219: {  	v24 =	vld [tilespmem:s8+$0x6570]  }
0x21a: {  	v25 =	vld [tilespmem:s8+$0x6580]  }
0x21b: {  	v26 =	vld [tilespmem:s8+$0x6590]  }
0x21c: {  	v27 =	vld [tilespmem:s8+$0x65A0]  }
0x21d: {  	v28 =	vld [tilespmem:s8+$0x65B0]  }
0x21e: {  	v29 =	vld [tilespmem:s8+$0x65C0]  }
0x21f: {  	v30 =	vld [tilespmem:s8+$0x65D0]  }
0x220: {  	v0 =	vld [tilespmem:s8+$0x65E0]  }
0x221: {  	[tilespmem:s8+$0x12C00] =	vst.add.f32.msk $0xffff, v1  }
0x222: {  	[tilespmem:s8+$0x12C10] =	vst.add.f32.msk $0xffff, v2  }
0x223: {  	[tilespmem:s8+$0x12C20] =	vst.add.f32.msk $0xffff, v3  }
0x224: {  	[tilespmem:s8+$0x12C30] =	vst.add.f32.msk $0xffff, v4  }
0x225: {  	[tilespmem:s8+$0x12C40] =	vst.add.f32.msk $0xffff, v5  }
0x226: {  	[tilespmem:s8+$0x12C50] =	vst.add.f32.msk $0xffff, v6  }
0x227: {  	[tilespmem:s8+$0x12C60] =	vst.add.f32.msk $0xffff, v7  }
0x228: {  	[tilespmem:s8+$0x12C70] =	vst.add.f32.msk $0xffff, v8  }
0x229: {  	[tilespmem:s8+$0x12C80] =	vst.add.f32.msk $0xffff, v9  }
0x22a: {  	[tilespmem:s8+$0x12C90] =	vst.add.f32.msk $0xffff, v10  }
0x22b: {  	[tilespmem:s8+$0x12CA0] =	vst.add.f32.msk $0xffff, v11  }
0x22c: {  	[tilespmem:s8+$0x12CB0] =	vst.add.f32.msk $0xffff, v12  }
0x22d: {  	[tilespmem:s8+$0x12CC0] =	vst.add.f32.msk $0xffff, v13  }
0x22e: {  	[tilespmem:s8+$0x12CD0] =	vst.add.f32.msk $0xffff, v14  }
0x22f: {  	[tilespmem:s8+$0x12CE0] =	vst.add.f32.msk $0xffff, v15  }
0x230: {  	[tilespmem:s8+$0x12CF0] =	vst.add.f32.msk $0xffff, v16  }
0x231: {  	[tilespmem:s8+$0x12D00] =	vst.add.f32.msk $0xffff, v17  }
0x232: {  	[tilespmem:s8+$0x12D10] =	vst.add.f32.msk $0xffff, v18  }
0x233: {  	[tilespmem:s8+$0x12D20] =	vst.add.f32.msk $0xffff, v19  }
0x234: {  	[tilespmem:s8+$0x12D30] =	vst.add.f32.msk $0xffff, v20  }
0x235: {  	[tilespmem:s8+$0x12D40] =	vst.add.f32.msk $0xffff, v21  }
0x236: {  	[tilespmem:s8+$0x12D50] =	vst.add.f32.msk $0xffff, v22  }
0x237: {  	[tilespmem:s8+$0x12D60] =	vst.add.f32.msk $0xffff, v23  }
0x238: {  	[tilespmem:s8+$0x12D70] =	vst.add.f32.msk $0xffff, v24  }
0x239: {  	[tilespmem:s8+$0x12D80] =	vst.add.f32.msk $0xffff, v25  }
.Ltmp3:
0x23a: {  	[tilespmem:s8+$0x12D90] =	vst.add.f32.msk $0xffff, v26;
	(pc) =	sbr.rel @p0 .LBB2_9-.Ltmp3, $4  }
0x23b: {  	[tilespmem:s8+$0x12DA0] =	vst.add.f32.msk $0xffff, v27  }
0x23c: {  	[tilespmem:s8+$0x12DB0] =	vst.add.f32.msk $0xffff, v28  }
0x23d: {  	[tilespmem:s8+$0x12DC0] =	vst.add.f32.msk $0xffff, v29  }
0x23e: {  	s10 =	sadd.s32 $0x800, s10;
	[tilespmem:s8+$0x12DD0] =	vst.add.f32.msk $0xffff, v30  }
0x23f: {  	[tilespmem:s8+$0x12DE0] =	vst.add.f32.msk $0xffff, v0;
	s7 =	sadd.s32 $0x12C0, s7;
	s9 =	smul.u32 $0xC80, s6  }
0x240: {  	[hbm4b:s7+s4] =	stream.linear.scatter [tilespmem:s29], [sflag:$0x8], $0x3200, $0x38;
	[tilespmem:$0x15E00] =	vst v63  }
0x241: {  	_ =	swait.ge [sflag:s21], $0x3200  }
0x242: {  	s7 =	sshra.s32 s9, $0x2;
	[sflag:s21] =	ssyncset.done $0x0  }
0x243: {  	s10 =	sadd.s32 $0x320, s7;
	[sflag:s21] =	ssyncadd.s32 $0xFFFFCE00  }
0x244: {  	[tilespmem:s16], [sflag:$0x1] =	stream.indirect.gather [hbm4b:s5+s15], $0x40, s10, s15, $0xb8;
	[tilespmem:$0x15E00] =	vst v63  }
0x245: {  	s9 =	sadd.s32 $0x388, s7  }
0x246: {  	[tilespmem:s18], [sflag:$0x1] =	stream.indirect.gather [hbm4b:s5+s17], $0x40, s9, s17, $0xb8;
	[tilespmem:$0x15E00] =	vst v63  }
0x247: {  	_ =	swait.ge [sflag:s23], $0x3200  }
0x248: {  	[sflag:s23] =	ssyncset.done $0x0  }
0x249: {  	s10 =	sadd.s32 $0x3E8, s7;
	[sflag:s23] =	ssyncadd.s32 $0xFFFFCE00  }
0x24a: {  	[tilespmem:s20], [sflag:$0x2] =	stream.indirect.gather [hbm4b:s5+s15], $0x40, s10, s15, $0xb8;
	[tilespmem:$0x15E00] =	vst v63  }
0x24b: {  	s9 =	sadd.s32 $0x450, s7  }
0x24c: {  	[tilespmem:s22], [sflag:$0x2] =	stream.indirect.gather [hbm4b:s5+s17], $0x40, s9, s17, $0xb8;
	[tilespmem:$0x15E00] =	vst v63  }
0x24d: {  	_ =	swait.ge [sflag:s25], $0x3200  }
0x24e: {  	[sflag:s25] =	ssyncset.done $0x0  }
0x24f: {  	s10 =	sadd.s32 $0x4B0, s7;
	[sflag:s25] =	ssyncadd.s32 $0xFFFFCE00  }
0x250: {  	[tilespmem:s24], [sflag:$0x3] =	stream.indirect.gather [hbm4b:s5+s15], $0x40, s10, s15, $0xb8;
	[tilespmem:$0x15E00] =	vst v63  }
0x251: {  	s6 =	sadd.s32 $0x1, s6;
	s9 =	sadd.s32 $0x518, s7  }
0x252: {  	[tilespmem:s26], [sflag:$0x3] =	stream.indirect.gather [hbm4b:s5+s17], $0x40, s9, s17, $0xb8;
	[tilespmem:$0x15E00] =	vst v63  }
0x253: {  	p0 =	sne.s32 s6, $0x1F;
	_ =	swait.ge [sflag:s28], $0x3200  }
.Ltmp4:
0x254: {  	[sflag:s28] =	ssyncset.done $0x0;
	(pc) =	sbr.rel @p0 .LBB2_2-.Ltmp4, $4  }
0x255: {  	s10 =	sadd.s32 $0x578, s7;
	[sflag:s28] =	ssyncadd.s32 $0xFFFFCE00  }
0x256: {  	[tilespmem:s29], [sflag:$0x4] =	stream.indirect.gather [hbm4b:s5+s15], $0x40, s10, s15, $0xb8;
	[tilespmem:$0x15E00] =	vst v63  }
0x257: {  	s7 =	sadd.s32 $0x5E0, s7  }
0x258: {  	[tilespmem:s31], [sflag:$0x4] =	stream.indirect.gather [hbm4b:s5+s17], $0x40, s7, s17, $0xb8;
	[tilespmem:$0x15E00] =	vst v63  }
0x259: {  	_ =	swait.ge [sflag:s1], $0x3200  }
0x25a: {  	[sflag:s1] =	ssyncset.done $0x0  }
0x25b: {  	s6 =	simm.s32 $0x0;
	[sflag:s1] =	ssyncadd.s32 $0xFFFFCE00  }
0x25c: {  	v0 =	vld [tilespmem:s6+$0x65F0]  }
0x25d: {  	v1 =	vld [tilespmem:s6+$0x6400]  }
0x25e: {  	v2 =	vld [tilespmem:s6+$0x6410]  }
0x25f: {  	v3 =	vld [tilespmem:s6+$0x6420]  }
0x260: {  	v4 =	vld [tilespmem:s6+$0x6430]  }
0x261: {  	v5 =	vld [tilespmem:s6+$0x6440]  }
0x262: {  	v6 =	vld [tilespmem:s6+$0x6450]  }
0x263: {  	v7 =	vld [tilespmem:s6+$0x6460]  }
0x264: {  	v8 =	vld [tilespmem:s6+$0x6470]  }
0x265: {  	v9 =	vld [tilespmem:s6+$0x6480]  }
0x266: {  	v10 =	vld [tilespmem:s6+$0x6490]  }
0x267: {  	v11 =	vld [tilespmem:s6+$0x64A0]  }
0x268: {  	v12 =	vld [tilespmem:s6+$0x64B0]  }
0x269: {  	v13 =	vld [tilespmem:s6+$0x64C0]  }
0x26a: {  	v14 =	vld [tilespmem:s6+$0x64D0]  }
0x26b: {  	v15 =	vld [tilespmem:s6+$0x64E0]  }
0x26c: {  	v16 =	vld [tilespmem:s6+$0x64F0]  }
0x26d: {  	v17 =	vld [tilespmem:s6+$0x6500]  }
0x26e: {  	v18 =	vld [tilespmem:s6+$0x6510]  }
0x26f: {  	v19 =	vld [tilespmem:s6+$0x6520]  }
0x270: {  	v20 =	vld [tilespmem:s6+$0x6530]  }
0x271: {  	v21 =	vld [tilespmem:s6+$0x6540]  }
0x272: {  	v22 =	vld [tilespmem:s6+$0x6550]  }
0x273: {  	v23 =	vld [tilespmem:s6+$0x6560]  }
0x274: {  	v24 =	vld [tilespmem:s6+$0x6570]  }
0x275: {  	v25 =	vld [tilespmem:s6+$0x6580]  }
0x276: {  	v26 =	vld [tilespmem:s6+$0x6590]  }
0x277: {  	v27 =	vld [tilespmem:s6+$0x65A0]  }
0x278: {  	v28 =	vld [tilespmem:s6+$0x65B0]  }
0x279: {  	v29 =	vld [tilespmem:s6+$0x65C0]  }
0x27a: {  	v30 =	vld [tilespmem:s6+$0x65D0]  }
0x27b: {  	[tilespmem:s6+$0x97F0] =	vst.add.f32.msk $0xffff, v0  }
0x27c: {  	v0 =	vld [tilespmem:s6+$0x65E0]  }
0x27d: {  	[tilespmem:s6+$0x9600] =	vst.add.f32.msk $0xffff, v1  }
0x27e: {  	[tilespmem:s6+$0x9610] =	vst.add.f32.msk $0xffff, v2  }
0x27f: {  	[tilespmem:s6+$0x9620] =	vst.add.f32.msk $0xffff, v3  }
0x280: {  	[tilespmem:s6+$0x9630] =	vst.add.f32.msk $0xffff, v4  }
0x281: {  	[tilespmem:s6+$0x9640] =	vst.add.f32.msk $0xffff, v5  }
0x282: {  	[tilespmem:s6+$0x9650] =	vst.add.f32.msk $0xffff, v6  }
0x283: {  	[tilespmem:s6+$0x9660] =	vst.add.f32.msk $0xffff, v7  }
0x284: {  	[tilespmem:s6+$0x9670] =	vst.add.f32.msk $0xffff, v8  }
0x285: {  	[tilespmem:s6+$0x9680] =	vst.add.f32.msk $0xffff, v9  }
0x286: {  	[tilespmem:s6+$0x9690] =	vst.add.f32.msk $0xffff, v10  }
0x287: {  	[tilespmem:s6+$0x96A0] =	vst.add.f32.msk $0xffff, v11  }
0x288: {  	[tilespmem:s6+$0x96B0] =	vst.add.f32.msk $0xffff, v12  }
0x289: {  	[tilespmem:s6+$0x96C0] =	vst.add.f32.msk $0xffff, v13  }
0x28a: {  	[tilespmem:s6+$0x96D0] =	vst.add.f32.msk $0xffff, v14  }
0x28b: {  	[tilespmem:s6+$0x96E0] =	vst.add.f32.msk $0xffff, v15  }
0x28c: {  	[tilespmem:s6+$0x96F0] =	vst.add.f32.msk $0xffff, v16  }
0x28d: {  	[tilespmem:s6+$0x9700] =	vst.add.f32.msk $0xffff, v17  }
0x28e: {  	[tilespmem:s6+$0x9710] =	vst.add.f32.msk $0xffff, v18  }
0x28f: {  	[tilespmem:s6+$0x9720] =	vst.add.f32.msk $0xffff, v19  }
0x290: {  	[tilespmem:s6+$0x9730] =	vst.add.f32.msk $0xffff, v20  }
0x291: {  	[tilespmem:s6+$0x9740] =	vst.add.f32.msk $0xffff, v21  }
0x292: {  	[tilespmem:s6+$0x9750] =	vst.add.f32.msk $0xffff, v22  }
0x293: {  	[tilespmem:s6+$0x9760] =	vst.add.f32.msk $0xffff, v23  }
0x294: {  	[tilespmem:s6+$0x9770] =	vst.add.f32.msk $0xffff, v24  }
0x295: {  	[tilespmem:s6+$0x9780] =	vst.add.f32.msk $0xffff, v25  }
0x296: {  	[tilespmem:s6+$0x9790] =	vst.add.f32.msk $0xffff, v26  }
0x297: {  	[tilespmem:s6+$0x97A0] =	vst.add.f32.msk $0xffff, v27  }
0x298: {  	[tilespmem:s6+$0x97B0] =	vst.add.f32.msk $0xffff, v28  }
0x299: {  	[tilespmem:s6+$0x97C0] =	vst.add.f32.msk $0xffff, v29  }
0x29a: {  	s7 =	simm.s32 $0x0;
	s8 =	simm.s32 $0x800;
	[tilespmem:s6+$0x97D0] =	vst.add.f32.msk $0xffff, v30  }
.LBB2_12:
0x29b: {  	s7 =	sadd.s32 $0x8, s7;
	[tilespmem:s6+$0x97E0] =	vst.add.f32.msk $0xffff, v0;
	s6 =	sshra.s32 s8, $0x2  }
0x29c: {  	v0 =	vld [tilespmem:s6+$0x65F0];
	p0 =	slt.u32 s7, $0xC0  }
0x29d: {  	v1 =	vld [tilespmem:s6+$0x6400]  }
0x29e: {  	v2 =	vld [tilespmem:s6+$0x6410]  }
0x29f: {  	v3 =	vld [tilespmem:s6+$0x6420]  }
0x2a0: {  	v4 =	vld [tilespmem:s6+$0x6430]  }
0x2a1: {  	[tilespmem:s6+$0x97F0] =	vst.add.f32.msk $0xffff, v0  }
0x2a2: {  	v5 =	vld [tilespmem:s6+$0x6440]  }
0x2a3: {  	v6 =	vld [tilespmem:s6+$0x6450]  }
0x2a4: {  	v7 =	vld [tilespmem:s6+$0x6460]  }
0x2a5: {  	v8 =	vld [tilespmem:s6+$0x6470]  }
0x2a6: {  	v9 =	vld [tilespmem:s6+$0x6480]  }
0x2a7: {  	v10 =	vld [tilespmem:s6+$0x6490]  }
0x2a8: {  	v11 =	vld [tilespmem:s6+$0x64A0]  }
0x2a9: {  	v12 =	vld [tilespmem:s6+$0x64B0]  }
0x2aa: {  	v13 =	vld [tilespmem:s6+$0x64C0]  }
0x2ab: {  	v14 =	vld [tilespmem:s6+$0x64D0]  }
0x2ac: {  	v15 =	vld [tilespmem:s6+$0x64E0]  }
0x2ad: {  	v16 =	vld [tilespmem:s6+$0x64F0]  }
0x2ae: {  	v17 =	vld [tilespmem:s6+$0x6500]  }
0x2af: {  	v18 =	vld [tilespmem:s6+$0x6510]  }
0x2b0: {  	v19 =	vld [tilespmem:s6+$0x6520]  }
0x2b1: {  	v20 =	vld [tilespmem:s6+$0x6530]  }
0x2b2: {  	v21 =	vld [tilespmem:s6+$0x6540]  }
0x2b3: {  	v22 =	vld [tilespmem:s6+$0x6550]  }
0x2b4: {  	v23 =	vld [tilespmem:s6+$0x6560]  }
0x2b5: {  	v24 =	vld [tilespmem:s6+$0x6570]  }
0x2b6: {  	v25 =	vld [tilespmem:s6+$0x6580]  }
0x2b7: {  	v26 =	vld [tilespmem:s6+$0x6590]  }
0x2b8: {  	v27 =	vld [tilespmem:s6+$0x65A0]  }
0x2b9: {  	v28 =	vld [tilespmem:s6+$0x65B0]  }
0x2ba: {  	v29 =	vld [tilespmem:s6+$0x65C0]  }
0x2bb: {  	v30 =	vld [tilespmem:s6+$0x65D0]  }
0x2bc: {  	v0 =	vld [tilespmem:s6+$0x65E0]  }
0x2bd: {  	[tilespmem:s6+$0x9600] =	vst.add.f32.msk $0xffff, v1  }
0x2be: {  	[tilespmem:s6+$0x9610] =	vst.add.f32.msk $0xffff, v2  }
0x2bf: {  	[tilespmem:s6+$0x9620] =	vst.add.f32.msk $0xffff, v3  }
0x2c0: {  	[tilespmem:s6+$0x9630] =	vst.add.f32.msk $0xffff, v4  }
0x2c1: {  	[tilespmem:s6+$0x9640] =	vst.add.f32.msk $0xffff, v5  }
0x2c2: {  	[tilespmem:s6+$0x9650] =	vst.add.f32.msk $0xffff, v6  }
0x2c3: {  	[tilespmem:s6+$0x9660] =	vst.add.f32.msk $0xffff, v7  }
0x2c4: {  	[tilespmem:s6+$0x9670] =	vst.add.f32.msk $0xffff, v8  }
0x2c5: {  	[tilespmem:s6+$0x9680] =	vst.add.f32.msk $0xffff, v9  }
0x2c6: {  	[tilespmem:s6+$0x9690] =	vst.add.f32.msk $0xffff, v10  }
0x2c7: {  	[tilespmem:s6+$0x96A0] =	vst.add.f32.msk $0xffff, v11  }
0x2c8: {  	[tilespmem:s6+$0x96B0] =	vst.add.f32.msk $0xffff, v12  }
0x2c9: {  	[tilespmem:s6+$0x96C0] =	vst.add.f32.msk $0xffff, v13  }
0x2ca: {  	[tilespmem:s6+$0x96D0] =	vst.add.f32.msk $0xffff, v14  }
0x2cb: {  	[tilespmem:s6+$0x96E0] =	vst.add.f32.msk $0xffff, v15  }
0x2cc: {  	[tilespmem:s6+$0x96F0] =	vst.add.f32.msk $0xffff, v16  }
0x2cd: {  	[tilespmem:s6+$0x9700] =	vst.add.f32.msk $0xffff, v17  }
0x2ce: {  	[tilespmem:s6+$0x9710] =	vst.add.f32.msk $0xffff, v18  }
0x2cf: {  	[tilespmem:s6+$0x9720] =	vst.add.f32.msk $0xffff, v19  }
0x2d0: {  	[tilespmem:s6+$0x9730] =	vst.add.f32.msk $0xffff, v20  }
0x2d1: {  	[tilespmem:s6+$0x9740] =	vst.add.f32.msk $0xffff, v21  }
0x2d2: {  	[tilespmem:s6+$0x9750] =	vst.add.f32.msk $0xffff, v22  }
0x2d3: {  	[tilespmem:s6+$0x9760] =	vst.add.f32.msk $0xffff, v23  }
0x2d4: {  	[tilespmem:s6+$0x9770] =	vst.add.f32.msk $0xffff, v24  }
0x2d5: {  	[tilespmem:s6+$0x9780] =	vst.add.f32.msk $0xffff, v25  }
.Ltmp5:
0x2d6: {  	[tilespmem:s6+$0x9790] =	vst.add.f32.msk $0xffff, v26;
	(pc) =	sbr.rel @p0 .LBB2_12-.Ltmp5, $4  }
0x2d7: {  	[tilespmem:s6+$0x97A0] =	vst.add.f32.msk $0xffff, v27  }
0x2d8: {  	[tilespmem:s6+$0x97B0] =	vst.add.f32.msk $0xffff, v28  }
0x2d9: {  	[tilespmem:s6+$0x97C0] =	vst.add.f32.msk $0xffff, v29  }
0x2da: {  	s8 =	sadd.s32 $0x800, s8;
	[tilespmem:s6+$0x97D0] =	vst.add.f32.msk $0xffff, v30  }
0x2db: {  	[tilespmem:s6+$0x97E0] =	vst.add.f32.msk $0xffff, v0;
	s10 =	simm.s32 $0x0;
	s7 =	rddreg [dreg:$0x5]  }
0x2dc: {  	[hbm4b:s7+s10] =	stream.linear.scatter [tilespmem:s16], [sflag:$0x5], $0x3200, $0x38;
	[tilespmem:$0x15E00] =	vst v63  }
0x2dd: {  	_ =	swait.ge [sflag:s0], $0x3200  }
0x2de: {  	[sflag:s0] =	ssyncset.done $0x0  }
0x2df: {  	s6 =	simm.s32 $0x0;
	[sflag:s0] =	ssyncadd.s32 $0xFFFFCE00  }
0x2e0: {  	v0 =	vld [tilespmem:s6+$0x65F0]  }
0x2e1: {  	v1 =	vld [tilespmem:s6+$0x6400]  }
0x2e2: {  	v2 =	vld [tilespmem:s6+$0x6410]  }
0x2e3: {  	v3 =	vld [tilespmem:s6+$0x6420]  }
0x2e4: {  	v4 =	vld [tilespmem:s6+$0x6430]  }
0x2e5: {  	v5 =	vld [tilespmem:s6+$0x6440]  }
0x2e6: {  	v6 =	vld [tilespmem:s6+$0x6450]  }
0x2e7: {  	v7 =	vld [tilespmem:s6+$0x6460]  }
0x2e8: {  	v8 =	vld [tilespmem:s6+$0x6470]  }
0x2e9: {  	v9 =	vld [tilespmem:s6+$0x6480]  }
0x2ea: {  	v10 =	vld [tilespmem:s6+$0x6490]  }
0x2eb: {  	v11 =	vld [tilespmem:s6+$0x64A0]  }
0x2ec: {  	v12 =	vld [tilespmem:s6+$0x64B0]  }
0x2ed: {  	v13 =	vld [tilespmem:s6+$0x64C0]  }
0x2ee: {  	v14 =	vld [tilespmem:s6+$0x64D0]  }
0x2ef: {  	v15 =	vld [tilespmem:s6+$0x64E0]  }
0x2f0: {  	v16 =	vld [tilespmem:s6+$0x64F0]  }
0x2f1: {  	v17 =	vld [tilespmem:s6+$0x6500]  }
0x2f2: {  	v18 =	vld [tilespmem:s6+$0x6510]  }
0x2f3: {  	v19 =	vld [tilespmem:s6+$0x6520]  }
0x2f4: {  	v20 =	vld [tilespmem:s6+$0x6530]  }
0x2f5: {  	v21 =	vld [tilespmem:s6+$0x6540]  }
0x2f6: {  	v22 =	vld [tilespmem:s6+$0x6550]  }
0x2f7: {  	v23 =	vld [tilespmem:s6+$0x6560]  }
0x2f8: {  	v24 =	vld [tilespmem:s6+$0x6570]  }
0x2f9: {  	v25 =	vld [tilespmem:s6+$0x6580]  }
0x2fa: {  	v26 =	vld [tilespmem:s6+$0x6590]  }
0x2fb: {  	v27 =	vld [tilespmem:s6+$0x65A0]  }
0x2fc: {  	v28 =	vld [tilespmem:s6+$0x65B0]  }
0x2fd: {  	v29 =	vld [tilespmem:s6+$0x65C0]  }
0x2fe: {  	v30 =	vld [tilespmem:s6+$0x65D0]  }
0x2ff: {  	[tilespmem:s6+$0xC9F0] =	vst.add.f32.msk $0xffff, v0  }
0x300: {  	v0 =	vld [tilespmem:s6+$0x65E0]  }
0x301: {  	[tilespmem:s6+$0xC800] =	vst.add.f32.msk $0xffff, v1  }
0x302: {  	[tilespmem:s6+$0xC810] =	vst.add.f32.msk $0xffff, v2  }
0x303: {  	[tilespmem:s6+$0xC820] =	vst.add.f32.msk $0xffff, v3  }
0x304: {  	[tilespmem:s6+$0xC830] =	vst.add.f32.msk $0xffff, v4  }
0x305: {  	[tilespmem:s6+$0xC840] =	vst.add.f32.msk $0xffff, v5  }
0x306: {  	[tilespmem:s6+$0xC850] =	vst.add.f32.msk $0xffff, v6  }
0x307: {  	[tilespmem:s6+$0xC860] =	vst.add.f32.msk $0xffff, v7  }
0x308: {  	[tilespmem:s6+$0xC870] =	vst.add.f32.msk $0xffff, v8  }
0x309: {  	[tilespmem:s6+$0xC880] =	vst.add.f32.msk $0xffff, v9  }
0x30a: {  	[tilespmem:s6+$0xC890] =	vst.add.f32.msk $0xffff, v10  }
0x30b: {  	[tilespmem:s6+$0xC8A0] =	vst.add.f32.msk $0xffff, v11  }
0x30c: {  	[tilespmem:s6+$0xC8B0] =	vst.add.f32.msk $0xffff, v12  }
0x30d: {  	[tilespmem:s6+$0xC8C0] =	vst.add.f32.msk $0xffff, v13  }
0x30e: {  	[tilespmem:s6+$0xC8D0] =	vst.add.f32.msk $0xffff, v14  }
0x30f: {  	[tilespmem:s6+$0xC8E0] =	vst.add.f32.msk $0xffff, v15  }
0x310: {  	[tilespmem:s6+$0xC8F0] =	vst.add.f32.msk $0xffff, v16  }
0x311: {  	[tilespmem:s6+$0xC900] =	vst.add.f32.msk $0xffff, v17  }
0x312: {  	[tilespmem:s6+$0xC910] =	vst.add.f32.msk $0xffff, v18  }
0x313: {  	[tilespmem:s6+$0xC920] =	vst.add.f32.msk $0xffff, v19  }
0x314: {  	[tilespmem:s6+$0xC930] =	vst.add.f32.msk $0xffff, v20  }
0x315: {  	[tilespmem:s6+$0xC940] =	vst.add.f32.msk $0xffff, v21  }
0x316: {  	[tilespmem:s6+$0xC950] =	vst.add.f32.msk $0xffff, v22  }
0x317: {  	[tilespmem:s6+$0xC960] =	vst.add.f32.msk $0xffff, v23  }
0x318: {  	[tilespmem:s6+$0xC970] =	vst.add.f32.msk $0xffff, v24  }
0x319: {  	[tilespmem:s6+$0xC980] =	vst.add.f32.msk $0xffff, v25  }
0x31a: {  	[tilespmem:s6+$0xC990] =	vst.add.f32.msk $0xffff, v26  }
0x31b: {  	[tilespmem:s6+$0xC9A0] =	vst.add.f32.msk $0xffff, v27  }
0x31c: {  	[tilespmem:s6+$0xC9B0] =	vst.add.f32.msk $0xffff, v28  }
0x31d: {  	[tilespmem:s6+$0xC9C0] =	vst.add.f32.msk $0xffff, v29  }
0x31e: {  	s8 =	simm.s32 $0x800;
	s7 =	simm.s32 $0x0;
	[tilespmem:s6+$0xC9D0] =	vst.add.f32.msk $0xffff, v30  }
.LBB2_14:
0x31f: {  	s7 =	sadd.s32 $0x8, s7;
	[tilespmem:s6+$0xC9E0] =	vst.add.f32.msk $0xffff, v0;
	s6 =	sshra.s32 s8, $0x2  }
0x320: {  	v0 =	vld [tilespmem:s6+$0x65F0];
	p0 =	slt.u32 s7, $0xC0  }
0x321: {  	v1 =	vld [tilespmem:s6+$0x6400]  }
0x322: {  	v2 =	vld [tilespmem:s6+$0x6410]  }
0x323: {  	v3 =	vld [tilespmem:s6+$0x6420]  }
0x324: {  	v4 =	vld [tilespmem:s6+$0x6430]  }
0x325: {  	[tilespmem:s6+$0xC9F0] =	vst.add.f32.msk $0xffff, v0  }
0x326: {  	v5 =	vld [tilespmem:s6+$0x6440]  }
0x327: {  	v6 =	vld [tilespmem:s6+$0x6450]  }
0x328: {  	v7 =	vld [tilespmem:s6+$0x6460]  }
0x329: {  	v8 =	vld [tilespmem:s6+$0x6470]  }
0x32a: {  	v9 =	vld [tilespmem:s6+$0x6480]  }
0x32b: {  	v10 =	vld [tilespmem:s6+$0x6490]  }
0x32c: {  	v11 =	vld [tilespmem:s6+$0x64A0]  }
0x32d: {  	v12 =	vld [tilespmem:s6+$0x64B0]  }
0x32e: {  	v13 =	vld [tilespmem:s6+$0x64C0]  }
0x32f: {  	v14 =	vld [tilespmem:s6+$0x64D0]  }
0x330: {  	v15 =	vld [tilespmem:s6+$0x64E0]  }
0x331: {  	v16 =	vld [tilespmem:s6+$0x64F0]  }
0x332: {  	v17 =	vld [tilespmem:s6+$0x6500]  }
0x333: {  	v18 =	vld [tilespmem:s6+$0x6510]  }
0x334: {  	v19 =	vld [tilespmem:s6+$0x6520]  }
0x335: {  	v20 =	vld [tilespmem:s6+$0x6530]  }
0x336: {  	v21 =	vld [tilespmem:s6+$0x6540]  }
0x337: {  	v22 =	vld [tilespmem:s6+$0x6550]  }
0x338: {  	v23 =	vld [tilespmem:s6+$0x6560]  }
0x339: {  	v24 =	vld [tilespmem:s6+$0x6570]  }
0x33a: {  	v25 =	vld [tilespmem:s6+$0x6580]  }
0x33b: {  	v26 =	vld [tilespmem:s6+$0x6590]  }
0x33c: {  	v27 =	vld [tilespmem:s6+$0x65A0]  }
0x33d: {  	v28 =	vld [tilespmem:s6+$0x65B0]  }
0x33e: {  	v29 =	vld [tilespmem:s6+$0x65C0]  }
0x33f: {  	v30 =	vld [tilespmem:s6+$0x65D0]  }
0x340: {  	v0 =	vld [tilespmem:s6+$0x65E0]  }
0x341: {  	[tilespmem:s6+$0xC800] =	vst.add.f32.msk $0xffff, v1  }
0x342: {  	[tilespmem:s6+$0xC810] =	vst.add.f32.msk $0xffff, v2  }
0x343: {  	[tilespmem:s6+$0xC820] =	vst.add.f32.msk $0xffff, v3  }
0x344: {  	[tilespmem:s6+$0xC830] =	vst.add.f32.msk $0xffff, v4  }
0x345: {  	[tilespmem:s6+$0xC840] =	vst.add.f32.msk $0xffff, v5  }
0x346: {  	[tilespmem:s6+$0xC850] =	vst.add.f32.msk $0xffff, v6  }
0x347: {  	[tilespmem:s6+$0xC860] =	vst.add.f32.msk $0xffff, v7  }
0x348: {  	[tilespmem:s6+$0xC870] =	vst.add.f32.msk $0xffff, v8  }
0x349: {  	[tilespmem:s6+$0xC880] =	vst.add.f32.msk $0xffff, v9  }
0x34a: {  	[tilespmem:s6+$0xC890] =	vst.add.f32.msk $0xffff, v10  }
0x34b: {  	[tilespmem:s6+$0xC8A0] =	vst.add.f32.msk $0xffff, v11  }
0x34c: {  	[tilespmem:s6+$0xC8B0] =	vst.add.f32.msk $0xffff, v12  }
0x34d: {  	[tilespmem:s6+$0xC8C0] =	vst.add.f32.msk $0xffff, v13  }
0x34e: {  	[tilespmem:s6+$0xC8D0] =	vst.add.f32.msk $0xffff, v14  }
0x34f: {  	[tilespmem:s6+$0xC8E0] =	vst.add.f32.msk $0xffff, v15  }
0x350: {  	[tilespmem:s6+$0xC8F0] =	vst.add.f32.msk $0xffff, v16  }
0x351: {  	[tilespmem:s6+$0xC900] =	vst.add.f32.msk $0xffff, v17  }
0x352: {  	[tilespmem:s6+$0xC910] =	vst.add.f32.msk $0xffff, v18  }
0x353: {  	[tilespmem:s6+$0xC920] =	vst.add.f32.msk $0xffff, v19  }
0x354: {  	[tilespmem:s6+$0xC930] =	vst.add.f32.msk $0xffff, v20  }
0x355: {  	[tilespmem:s6+$0xC940] =	vst.add.f32.msk $0xffff, v21  }
0x356: {  	[tilespmem:s6+$0xC950] =	vst.add.f32.msk $0xffff, v22  }
0x357: {  	[tilespmem:s6+$0xC960] =	vst.add.f32.msk $0xffff, v23  }
0x358: {  	[tilespmem:s6+$0xC970] =	vst.add.f32.msk $0xffff, v24  }
0x359: {  	[tilespmem:s6+$0xC980] =	vst.add.f32.msk $0xffff, v25  }
.Ltmp6:
0x35a: {  	[tilespmem:s6+$0xC990] =	vst.add.f32.msk $0xffff, v26;
	(pc) =	sbr.rel @p0 .LBB2_14-.Ltmp6, $4  }
0x35b: {  	[tilespmem:s6+$0xC9A0] =	vst.add.f32.msk $0xffff, v27  }
0x35c: {  	[tilespmem:s6+$0xC9B0] =	vst.add.f32.msk $0xffff, v28  }
0x35d: {  	[tilespmem:s6+$0xC9C0] =	vst.add.f32.msk $0xffff, v29  }
0x35e: {  	s8 =	sadd.s32 $0x800, s8;
	[tilespmem:s6+$0xC9D0] =	vst.add.f32.msk $0xffff, v30  }
0x35f: {  	[tilespmem:s6+$0xC9E0] =	vst.add.f32.msk $0xffff, v0;
	s10 =	simm.s32 $0x0;
	s7 =	rddreg [dreg:$0x6]  }
0x360: {  	[hbm4b:s7+s10] =	stream.linear.scatter [tilespmem:s20], [sflag:$0x6], $0x3200, $0x38;
	[tilespmem:$0x15E00] =	vst v63  }
0x361: {  	_ =	swait.ge [sflag:s13], $0x3200  }
0x362: {  	[sflag:s13] =	ssyncset.done $0x0  }
0x363: {  	s6 =	simm.s32 $0x0;
	[sflag:s13] =	ssyncadd.s32 $0xFFFFCE00  }
0x364: {  	v0 =	vld [tilespmem:s6+$0x65F0]  }
0x365: {  	v1 =	vld [tilespmem:s6+$0x6400]  }
0x366: {  	v2 =	vld [tilespmem:s6+$0x6410]  }
0x367: {  	v3 =	vld [tilespmem:s6+$0x6420]  }
0x368: {  	v4 =	vld [tilespmem:s6+$0x6430]  }
0x369: {  	v5 =	vld [tilespmem:s6+$0x6440]  }
0x36a: {  	v6 =	vld [tilespmem:s6+$0x6450]  }
0x36b: {  	v7 =	vld [tilespmem:s6+$0x6460]  }
0x36c: {  	v8 =	vld [tilespmem:s6+$0x6470]  }
0x36d: {  	v9 =	vld [tilespmem:s6+$0x6480]  }
0x36e: {  	v10 =	vld [tilespmem:s6+$0x6490]  }
0x36f: {  	v11 =	vld [tilespmem:s6+$0x64A0]  }
0x370: {  	v12 =	vld [tilespmem:s6+$0x64B0]  }
0x371: {  	v13 =	vld [tilespmem:s6+$0x64C0]  }
0x372: {  	v14 =	vld [tilespmem:s6+$0x64D0]  }
0x373: {  	v15 =	vld [tilespmem:s6+$0x64E0]  }
0x374: {  	v16 =	vld [tilespmem:s6+$0x64F0]  }
0x375: {  	v17 =	vld [tilespmem:s6+$0x6500]  }
0x376: {  	v18 =	vld [tilespmem:s6+$0x6510]  }
0x377: {  	v19 =	vld [tilespmem:s6+$0x6520]  }
0x378: {  	v20 =	vld [tilespmem:s6+$0x6530]  }
0x379: {  	v21 =	vld [tilespmem:s6+$0x6540]  }
0x37a: {  	v22 =	vld [tilespmem:s6+$0x6550]  }
0x37b: {  	v23 =	vld [tilespmem:s6+$0x6560]  }
0x37c: {  	v24 =	vld [tilespmem:s6+$0x6570]  }
0x37d: {  	v25 =	vld [tilespmem:s6+$0x6580]  }
0x37e: {  	v26 =	vld [tilespmem:s6+$0x6590]  }
0x37f: {  	v27 =	vld [tilespmem:s6+$0x65A0]  }
0x380: {  	v28 =	vld [tilespmem:s6+$0x65B0]  }
0x381: {  	v29 =	vld [tilespmem:s6+$0x65C0]  }
0x382: {  	v30 =	vld [tilespmem:s6+$0x65D0]  }
0x383: {  	[tilespmem:s6+$0xFBF0] =	vst.add.f32.msk $0xffff, v0  }
0x384: {  	v0 =	vld [tilespmem:s6+$0x65E0]  }
0x385: {  	[tilespmem:s6+$0xFA00] =	vst.add.f32.msk $0xffff, v1  }
0x386: {  	[tilespmem:s6+$0xFA10] =	vst.add.f32.msk $0xffff, v2  }
0x387: {  	[tilespmem:s6+$0xFA20] =	vst.add.f32.msk $0xffff, v3  }
0x388: {  	[tilespmem:s6+$0xFA30] =	vst.add.f32.msk $0xffff, v4  }
0x389: {  	[tilespmem:s6+$0xFA40] =	vst.add.f32.msk $0xffff, v5  }
0x38a: {  	[tilespmem:s6+$0xFA50] =	vst.add.f32.msk $0xffff, v6  }
0x38b: {  	[tilespmem:s6+$0xFA60] =	vst.add.f32.msk $0xffff, v7  }
0x38c: {  	[tilespmem:s6+$0xFA70] =	vst.add.f32.msk $0xffff, v8  }
0x38d: {  	[tilespmem:s6+$0xFA80] =	vst.add.f32.msk $0xffff, v9  }
0x38e: {  	[tilespmem:s6+$0xFA90] =	vst.add.f32.msk $0xffff, v10  }
0x38f: {  	[tilespmem:s6+$0xFAA0] =	vst.add.f32.msk $0xffff, v11  }
0x390: {  	[tilespmem:s6+$0xFAB0] =	vst.add.f32.msk $0xffff, v12  }
0x391: {  	[tilespmem:s6+$0xFAC0] =	vst.add.f32.msk $0xffff, v13  }
0x392: {  	[tilespmem:s6+$0xFAD0] =	vst.add.f32.msk $0xffff, v14  }
0x393: {  	[tilespmem:s6+$0xFAE0] =	vst.add.f32.msk $0xffff, v15  }
0x394: {  	[tilespmem:s6+$0xFAF0] =	vst.add.f32.msk $0xffff, v16  }
0x395: {  	[tilespmem:s6+$0xFB00] =	vst.add.f32.msk $0xffff, v17  }
0x396: {  	[tilespmem:s6+$0xFB10] =	vst.add.f32.msk $0xffff, v18  }
0x397: {  	[tilespmem:s6+$0xFB20] =	vst.add.f32.msk $0xffff, v19  }
0x398: {  	[tilespmem:s6+$0xFB30] =	vst.add.f32.msk $0xffff, v20  }
0x399: {  	[tilespmem:s6+$0xFB40] =	vst.add.f32.msk $0xffff, v21  }
0x39a: {  	[tilespmem:s6+$0xFB50] =	vst.add.f32.msk $0xffff, v22  }
0x39b: {  	[tilespmem:s6+$0xFB60] =	vst.add.f32.msk $0xffff, v23  }
0x39c: {  	[tilespmem:s6+$0xFB70] =	vst.add.f32.msk $0xffff, v24  }
0x39d: {  	[tilespmem:s6+$0xFB80] =	vst.add.f32.msk $0xffff, v25  }
0x39e: {  	[tilespmem:s6+$0xFB90] =	vst.add.f32.msk $0xffff, v26  }
0x39f: {  	[tilespmem:s6+$0xFBA0] =	vst.add.f32.msk $0xffff, v27  }
0x3a0: {  	[tilespmem:s6+$0xFBB0] =	vst.add.f32.msk $0xffff, v28  }
0x3a1: {  	[tilespmem:s6+$0xFBC0] =	vst.add.f32.msk $0xffff, v29  }
0x3a2: {  	s8 =	simm.s32 $0x800;
	s7 =	simm.s32 $0x0;
	[tilespmem:s6+$0xFBD0] =	vst.add.f32.msk $0xffff, v30  }
.LBB2_16:
0x3a3: {  	s7 =	sadd.s32 $0x8, s7;
	[tilespmem:s6+$0xFBE0] =	vst.add.f32.msk $0xffff, v0;
	s6 =	sshra.s32 s8, $0x2  }
0x3a4: {  	v0 =	vld [tilespmem:s6+$0x65F0];
	p0 =	slt.u32 s7, $0xC0  }
0x3a5: {  	v1 =	vld [tilespmem:s6+$0x6400]  }
0x3a6: {  	v2 =	vld [tilespmem:s6+$0x6410]  }
0x3a7: {  	v3 =	vld [tilespmem:s6+$0x6420]  }
0x3a8: {  	v4 =	vld [tilespmem:s6+$0x6430]  }
0x3a9: {  	[tilespmem:s6+$0xFBF0] =	vst.add.f32.msk $0xffff, v0  }
0x3aa: {  	v5 =	vld [tilespmem:s6+$0x6440]  }
0x3ab: {  	v6 =	vld [tilespmem:s6+$0x6450]  }
0x3ac: {  	v7 =	vld [tilespmem:s6+$0x6460]  }
0x3ad: {  	v8 =	vld [tilespmem:s6+$0x6470]  }
0x3ae: {  	v9 =	vld [tilespmem:s6+$0x6480]  }
0x3af: {  	v10 =	vld [tilespmem:s6+$0x6490]  }
0x3b0: {  	v11 =	vld [tilespmem:s6+$0x64A0]  }
0x3b1: {  	v12 =	vld [tilespmem:s6+$0x64B0]  }
0x3b2: {  	v13 =	vld [tilespmem:s6+$0x64C0]  }
0x3b3: {  	v14 =	vld [tilespmem:s6+$0x64D0]  }
0x3b4: {  	v15 =	vld [tilespmem:s6+$0x64E0]  }
0x3b5: {  	v16 =	vld [tilespmem:s6+$0x64F0]  }
0x3b6: {  	v17 =	vld [tilespmem:s6+$0x6500]  }
0x3b7: {  	v18 =	vld [tilespmem:s6+$0x6510]  }
0x3b8: {  	v19 =	vld [tilespmem:s6+$0x6520]  }
0x3b9: {  	v20 =	vld [tilespmem:s6+$0x6530]  }
0x3ba: {  	v21 =	vld [tilespmem:s6+$0x6540]  }
0x3bb: {  	v22 =	vld [tilespmem:s6+$0x6550]  }
0x3bc: {  	v23 =	vld [tilespmem:s6+$0x6560]  }
0x3bd: {  	v24 =	vld [tilespmem:s6+$0x6570]  }
0x3be: {  	v25 =	vld [tilespmem:s6+$0x6580]  }
0x3bf: {  	v26 =	vld [tilespmem:s6+$0x6590]  }
0x3c0: {  	v27 =	vld [tilespmem:s6+$0x65A0]  }
0x3c1: {  	v28 =	vld [tilespmem:s6+$0x65B0]  }
0x3c2: {  	v29 =	vld [tilespmem:s6+$0x65C0]  }
0x3c3: {  	v30 =	vld [tilespmem:s6+$0x65D0]  }
0x3c4: {  	v0 =	vld [tilespmem:s6+$0x65E0]  }
0x3c5: {  	[tilespmem:s6+$0xFA00] =	vst.add.f32.msk $0xffff, v1  }
0x3c6: {  	[tilespmem:s6+$0xFA10] =	vst.add.f32.msk $0xffff, v2  }
0x3c7: {  	[tilespmem:s6+$0xFA20] =	vst.add.f32.msk $0xffff, v3  }
0x3c8: {  	[tilespmem:s6+$0xFA30] =	vst.add.f32.msk $0xffff, v4  }
0x3c9: {  	[tilespmem:s6+$0xFA40] =	vst.add.f32.msk $0xffff, v5  }
0x3ca: {  	[tilespmem:s6+$0xFA50] =	vst.add.f32.msk $0xffff, v6  }
0x3cb: {  	[tilespmem:s6+$0xFA60] =	vst.add.f32.msk $0xffff, v7  }
0x3cc: {  	[tilespmem:s6+$0xFA70] =	vst.add.f32.msk $0xffff, v8  }
0x3cd: {  	[tilespmem:s6+$0xFA80] =	vst.add.f32.msk $0xffff, v9  }
0x3ce: {  	[tilespmem:s6+$0xFA90] =	vst.add.f32.msk $0xffff, v10  }
0x3cf: {  	[tilespmem:s6+$0xFAA0] =	vst.add.f32.msk $0xffff, v11  }
0x3d0: {  	[tilespmem:s6+$0xFAB0] =	vst.add.f32.msk $0xffff, v12  }
0x3d1: {  	[tilespmem:s6+$0xFAC0] =	vst.add.f32.msk $0xffff, v13  }
0x3d2: {  	[tilespmem:s6+$0xFAD0] =	vst.add.f32.msk $0xffff, v14  }
0x3d3: {  	[tilespmem:s6+$0xFAE0] =	vst.add.f32.msk $0xffff, v15  }
0x3d4: {  	[tilespmem:s6+$0xFAF0] =	vst.add.f32.msk $0xffff, v16  }
0x3d5: {  	[tilespmem:s6+$0xFB00] =	vst.add.f32.msk $0xffff, v17  }
0x3d6: {  	[tilespmem:s6+$0xFB10] =	vst.add.f32.msk $0xffff, v18  }
0x3d7: {  	[tilespmem:s6+$0xFB20] =	vst.add.f32.msk $0xffff, v19  }
0x3d8: {  	[tilespmem:s6+$0xFB30] =	vst.add.f32.msk $0xffff, v20  }
0x3d9: {  	[tilespmem:s6+$0xFB40] =	vst.add.f32.msk $0xffff, v21  }
0x3da: {  	[tilespmem:s6+$0xFB50] =	vst.add.f32.msk $0xffff, v22  }
0x3db: {  	[tilespmem:s6+$0xFB60] =	vst.add.f32.msk $0xffff, v23  }
0x3dc: {  	[tilespmem:s6+$0xFB70] =	vst.add.f32.msk $0xffff, v24  }
0x3dd: {  	[tilespmem:s6+$0xFB80] =	vst.add.f32.msk $0xffff, v25  }
.Ltmp7:
0x3de: {  	[tilespmem:s6+$0xFB90] =	vst.add.f32.msk $0xffff, v26;
	(pc) =	sbr.rel @p0 .LBB2_16-.Ltmp7, $4  }
0x3df: {  	[tilespmem:s6+$0xFBA0] =	vst.add.f32.msk $0xffff, v27  }
0x3e0: {  	[tilespmem:s6+$0xFBB0] =	vst.add.f32.msk $0xffff, v28  }
0x3e1: {  	[tilespmem:s6+$0xFBC0] =	vst.add.f32.msk $0xffff, v29  }
0x3e2: {  	s8 =	sadd.s32 $0x800, s8;
	[tilespmem:s6+$0xFBD0] =	vst.add.f32.msk $0xffff, v30  }
0x3e3: {  	[tilespmem:s6+$0xFBE0] =	vst.add.f32.msk $0xffff, v0;
	s10 =	simm.s32 $0x0;
	s7 =	rddreg [dreg:$0x7]  }
0x3e4: {  	[hbm4b:s7+s10] =	stream.linear.scatter [tilespmem:s24], [sflag:$0x7], $0x3200, $0x38;
	[tilespmem:$0x15E00] =	vst v63  }
0x3e5: {  	_ =	swait.ge [sflag:s19], $0x3200  }
0x3e6: {  	[sflag:s19] =	ssyncset.done $0x0  }
0x3e7: {  	s6 =	simm.s32 $0x0;
	[sflag:s19] =	ssyncadd.s32 $0xFFFFCE00  }
0x3e8: {  	v0 =	vld [tilespmem:s6+$0x65F0]  }
0x3e9: {  	v1 =	vld [tilespmem:s6+$0x6400]  }
0x3ea: {  	v2 =	vld [tilespmem:s6+$0x6410]  }
0x3eb: {  	v3 =	vld [tilespmem:s6+$0x6420]  }
0x3ec: {  	v4 =	vld [tilespmem:s6+$0x6430]  }
0x3ed: {  	v5 =	vld [tilespmem:s6+$0x6440]  }
0x3ee: {  	v6 =	vld [tilespmem:s6+$0x6450]  }
0x3ef: {  	v7 =	vld [tilespmem:s6+$0x6460]  }
0x3f0: {  	v8 =	vld [tilespmem:s6+$0x6470]  }
0x3f1: {  	v9 =	vld [tilespmem:s6+$0x6480]  }
0x3f2: {  	v10 =	vld [tilespmem:s6+$0x6490]  }
0x3f3: {  	v11 =	vld [tilespmem:s6+$0x64A0]  }
0x3f4: {  	v12 =	vld [tilespmem:s6+$0x64B0]  }
0x3f5: {  	v13 =	vld [tilespmem:s6+$0x64C0]  }
0x3f6: {  	v14 =	vld [tilespmem:s6+$0x64D0]  }
0x3f7: {  	v15 =	vld [tilespmem:s6+$0x64E0]  }
0x3f8: {  	v16 =	vld [tilespmem:s6+$0x64F0]  }
0x3f9: {  	v17 =	vld [tilespmem:s6+$0x6500]  }
0x3fa: {  	v18 =	vld [tilespmem:s6+$0x6510]  }
0x3fb: {  	v19 =	vld [tilespmem:s6+$0x6520]  }
0x3fc: {  	v20 =	vld [tilespmem:s6+$0x6530]  }
0x3fd: {  	v21 =	vld [tilespmem:s6+$0x6540]  }
0x3fe: {  	v22 =	vld [tilespmem:s6+$0x6550]  }
0x3ff: {  	v23 =	vld [tilespmem:s6+$0x6560]  }
0x400: {  	v24 =	vld [tilespmem:s6+$0x6570]  }
0x401: {  	v25 =	vld [tilespmem:s6+$0x6580]  }
0x402: {  	v26 =	vld [tilespmem:s6+$0x6590]  }
0x403: {  	v27 =	vld [tilespmem:s6+$0x65A0]  }
0x404: {  	v28 =	vld [tilespmem:s6+$0x65B0]  }
0x405: {  	v29 =	vld [tilespmem:s6+$0x65C0]  }
0x406: {  	v30 =	vld [tilespmem:s6+$0x65D0]  }
0x407: {  	[tilespmem:s6+$0x12DF0] =	vst.add.f32.msk $0xffff, v0  }
0x408: {  	v0 =	vld [tilespmem:s6+$0x65E0]  }
0x409: {  	[tilespmem:s6+$0x12C00] =	vst.add.f32.msk $0xffff, v1  }
0x40a: {  	[tilespmem:s6+$0x12C10] =	vst.add.f32.msk $0xffff, v2  }
0x40b: {  	[tilespmem:s6+$0x12C20] =	vst.add.f32.msk $0xffff, v3  }
0x40c: {  	[tilespmem:s6+$0x12C30] =	vst.add.f32.msk $0xffff, v4  }
0x40d: {  	[tilespmem:s6+$0x12C40] =	vst.add.f32.msk $0xffff, v5  }
0x40e: {  	[tilespmem:s6+$0x12C50] =	vst.add.f32.msk $0xffff, v6  }
0x40f: {  	[tilespmem:s6+$0x12C60] =	vst.add.f32.msk $0xffff, v7  }
0x410: {  	[tilespmem:s6+$0x12C70] =	vst.add.f32.msk $0xffff, v8  }
0x411: {  	[tilespmem:s6+$0x12C80] =	vst.add.f32.msk $0xffff, v9  }
0x412: {  	[tilespmem:s6+$0x12C90] =	vst.add.f32.msk $0xffff, v10  }
0x413: {  	[tilespmem:s6+$0x12CA0] =	vst.add.f32.msk $0xffff, v11  }
0x414: {  	[tilespmem:s6+$0x12CB0] =	vst.add.f32.msk $0xffff, v12  }
0x415: {  	[tilespmem:s6+$0x12CC0] =	vst.add.f32.msk $0xffff, v13  }
0x416: {  	[tilespmem:s6+$0x12CD0] =	vst.add.f32.msk $0xffff, v14  }
0x417: {  	[tilespmem:s6+$0x12CE0] =	vst.add.f32.msk $0xffff, v15  }
0x418: {  	[tilespmem:s6+$0x12CF0] =	vst.add.f32.msk $0xffff, v16  }
0x419: {  	[tilespmem:s6+$0x12D00] =	vst.add.f32.msk $0xffff, v17  }
0x41a: {  	[tilespmem:s6+$0x12D10] =	vst.add.f32.msk $0xffff, v18  }
0x41b: {  	[tilespmem:s6+$0x12D20] =	vst.add.f32.msk $0xffff, v19  }
0x41c: {  	[tilespmem:s6+$0x12D30] =	vst.add.f32.msk $0xffff, v20  }
0x41d: {  	[tilespmem:s6+$0x12D40] =	vst.add.f32.msk $0xffff, v21  }
0x41e: {  	[tilespmem:s6+$0x12D50] =	vst.add.f32.msk $0xffff, v22  }
0x41f: {  	[tilespmem:s6+$0x12D60] =	vst.add.f32.msk $0xffff, v23  }
0x420: {  	[tilespmem:s6+$0x12D70] =	vst.add.f32.msk $0xffff, v24  }
0x421: {  	[tilespmem:s6+$0x12D80] =	vst.add.f32.msk $0xffff, v25  }
0x422: {  	[tilespmem:s6+$0x12D90] =	vst.add.f32.msk $0xffff, v26  }
0x423: {  	[tilespmem:s6+$0x12DA0] =	vst.add.f32.msk $0xffff, v27  }
0x424: {  	[tilespmem:s6+$0x12DB0] =	vst.add.f32.msk $0xffff, v28  }
0x425: {  	[tilespmem:s6+$0x12DC0] =	vst.add.f32.msk $0xffff, v29  }
0x426: {  	s8 =	simm.s32 $0x800;
	s7 =	simm.s32 $0x0;
	[tilespmem:s6+$0x12DD0] =	vst.add.f32.msk $0xffff, v30  }
.LBB2_18:
0x427: {  	s7 =	sadd.s32 $0x8, s7;
	[tilespmem:s6+$0x12DE0] =	vst.add.f32.msk $0xffff, v0;
	s6 =	sshra.s32 s8, $0x2  }
0x428: {  	v0 =	vld [tilespmem:s6+$0x65F0];
	p0 =	slt.u32 s7, $0xC0  }
0x429: {  	v1 =	vld [tilespmem:s6+$0x6400]  }
0x42a: {  	v2 =	vld [tilespmem:s6+$0x6410]  }
0x42b: {  	v3 =	vld [tilespmem:s6+$0x6420]  }
0x42c: {  	v4 =	vld [tilespmem:s6+$0x6430]  }
0x42d: {  	[tilespmem:s6+$0x12DF0] =	vst.add.f32.msk $0xffff, v0  }
0x42e: {  	v5 =	vld [tilespmem:s6+$0x6440]  }
0x42f: {  	v6 =	vld [tilespmem:s6+$0x6450]  }
0x430: {  	v7 =	vld [tilespmem:s6+$0x6460]  }
0x431: {  	v8 =	vld [tilespmem:s6+$0x6470]  }
0x432: {  	v9 =	vld [tilespmem:s6+$0x6480]  }
0x433: {  	v10 =	vld [tilespmem:s6+$0x6490]  }
0x434: {  	v11 =	vld [tilespmem:s6+$0x64A0]  }
0x435: {  	v12 =	vld [tilespmem:s6+$0x64B0]  }
0x436: {  	v13 =	vld [tilespmem:s6+$0x64C0]  }
0x437: {  	v14 =	vld [tilespmem:s6+$0x64D0]  }
0x438: {  	v15 =	vld [tilespmem:s6+$0x64E0]  }
0x439: {  	v16 =	vld [tilespmem:s6+$0x64F0]  }
0x43a: {  	v17 =	vld [tilespmem:s6+$0x6500]  }
0x43b: {  	v18 =	vld [tilespmem:s6+$0x6510]  }
0x43c: {  	v19 =	vld [tilespmem:s6+$0x6520]  }
0x43d: {  	v20 =	vld [tilespmem:s6+$0x6530]  }
0x43e: {  	v21 =	vld [tilespmem:s6+$0x6540]  }
0x43f: {  	v22 =	vld [tilespmem:s6+$0x6550]  }
0x440: {  	v23 =	vld [tilespmem:s6+$0x6560]  }
0x441: {  	v24 =	vld [tilespmem:s6+$0x6570]  }
0x442: {  	v25 =	vld [tilespmem:s6+$0x6580]  }
0x443: {  	v26 =	vld [tilespmem:s6+$0x6590]  }
0x444: {  	v27 =	vld [tilespmem:s6+$0x65A0]  }
0x445: {  	v28 =	vld [tilespmem:s6+$0x65B0]  }
0x446: {  	v29 =	vld [tilespmem:s6+$0x65C0]  }
0x447: {  	v30 =	vld [tilespmem:s6+$0x65D0]  }
0x448: {  	v0 =	vld [tilespmem:s6+$0x65E0]  }
0x449: {  	[tilespmem:s6+$0x12C00] =	vst.add.f32.msk $0xffff, v1  }
0x44a: {  	[tilespmem:s6+$0x12C10] =	vst.add.f32.msk $0xffff, v2  }
0x44b: {  	[tilespmem:s6+$0x12C20] =	vst.add.f32.msk $0xffff, v3  }
0x44c: {  	[tilespmem:s6+$0x12C30] =	vst.add.f32.msk $0xffff, v4  }
0x44d: {  	[tilespmem:s6+$0x12C40] =	vst.add.f32.msk $0xffff, v5  }
0x44e: {  	[tilespmem:s6+$0x12C50] =	vst.add.f32.msk $0xffff, v6  }
0x44f: {  	[tilespmem:s6+$0x12C60] =	vst.add.f32.msk $0xffff, v7  }
0x450: {  	[tilespmem:s6+$0x12C70] =	vst.add.f32.msk $0xffff, v8  }
0x451: {  	[tilespmem:s6+$0x12C80] =	vst.add.f32.msk $0xffff, v9  }
0x452: {  	[tilespmem:s6+$0x12C90] =	vst.add.f32.msk $0xffff, v10  }
0x453: {  	[tilespmem:s6+$0x12CA0] =	vst.add.f32.msk $0xffff, v11  }
0x454: {  	[tilespmem:s6+$0x12CB0] =	vst.add.f32.msk $0xffff, v12  }
0x455: {  	[tilespmem:s6+$0x12CC0] =	vst.add.f32.msk $0xffff, v13  }
0x456: {  	[tilespmem:s6+$0x12CD0] =	vst.add.f32.msk $0xffff, v14  }
0x457: {  	[tilespmem:s6+$0x12CE0] =	vst.add.f32.msk $0xffff, v15  }
0x458: {  	[tilespmem:s6+$0x12CF0] =	vst.add.f32.msk $0xffff, v16  }
0x459: {  	[tilespmem:s6+$0x12D00] =	vst.add.f32.msk $0xffff, v17  }
0x45a: {  	[tilespmem:s6+$0x12D10] =	vst.add.f32.msk $0xffff, v18  }
0x45b: {  	[tilespmem:s6+$0x12D20] =	vst.add.f32.msk $0xffff, v19  }
0x45c: {  	[tilespmem:s6+$0x12D30] =	vst.add.f32.msk $0xffff, v20  }
0x45d: {  	[tilespmem:s6+$0x12D40] =	vst.add.f32.msk $0xffff, v21  }
0x45e: {  	[tilespmem:s6+$0x12D50] =	vst.add.f32.msk $0xffff, v22  }
0x45f: {  	[tilespmem:s6+$0x12D60] =	vst.add.f32.msk $0xffff, v23  }
0x460: {  	[tilespmem:s6+$0x12D70] =	vst.add.f32.msk $0xffff, v24  }
0x461: {  	[tilespmem:s6+$0x12D80] =	vst.add.f32.msk $0xffff, v25  }
.Ltmp8:
0x462: {  	[tilespmem:s6+$0x12D90] =	vst.add.f32.msk $0xffff, v26;
	(pc) =	sbr.rel @p0 .LBB2_18-.Ltmp8, $4  }
0x463: {  	[tilespmem:s6+$0x12DA0] =	vst.add.f32.msk $0xffff, v27  }
0x464: {  	[tilespmem:s6+$0x12DB0] =	vst.add.f32.msk $0xffff, v28  }
0x465: {  	[tilespmem:s6+$0x12DC0] =	vst.add.f32.msk $0xffff, v29  }
0x466: {  	s8 =	sadd.s32 $0x800, s8;
	[tilespmem:s6+$0x12DD0] =	vst.add.f32.msk $0xffff, v30  }
0x467: {  	[tilespmem:s6+$0x12DE0] =	vst.add.f32.msk $0xffff, v0  }
0x468: {  	[hbm4b:s11+s4] =	stream.linear.scatter [tilespmem:s29], [sflag:$0x8], $0x3200, $0x38;
	[tilespmem:$0x15E00] =	vst v63  }
0x469: {  	_ =	swait.ge [sflag:s21], $0x3200  }
0x46a: {  	[sflag:s21] =	ssyncset.done $0x0  }
0x46b: {  	[sflag:s21] =	ssyncadd.s32 $0xFFFFCE00  }
0x46c: {  	_ =	swait.ge [sflag:s23], $0x3200  }
0x46d: {  	[sflag:s23] =	ssyncset.done $0x0  }
0x46e: {  	s30 =	sadd.s32 $0x1, s30;
	[sflag:s23] =	ssyncadd.s32 $0xFFFFCE00  }
0x46f: {  	p0 =	sne.s32 s30, s12;
	_ =	swait.ge [sflag:s25], $0x3200  }
.Ltmp9:
0x470: {  	[sflag:s25] =	ssyncset.done $0x0;
	(pc) =	sbr.rel @p0 .LBB2_1-.Ltmp9, $4  }
0x471: {  	[sflag:s25] =	ssyncadd.s32 $0xFFFFCE00  }
0x472: {  	_ =	swait.ge [sflag:s28], $0x3200  }
0x473: {  	[sflag:s28] =	ssyncset.done $0x0  }
0x474: {  	[sflag:s28] =	ssyncadd.s32 $0xFFFFCE00  }
0x475: {  	_ =	sfence.sel $0x180000  }
0x476: {  	[bflag:$0x0] =	sbarrier.arrive $0xFFFF  }
0x477: {  	_ =	strace $0x90000047  }
0x478: {  	s0 =	stileid.u32;
	[bflag:$0x2] =	sbarrier.arrive $0xFFFF  }
0x479: {  	p0 =	sne.s32 s0, $0x0;
	s0 =	rddreg [dreg:$0x2]  }
0x47a: {  	s0 =	sadd.s32 @!p0 $0x100000, s0  }
0x47b: {  	[sflag:s0] =	ssyncadd.tile.s32 @!p0 $0x1;
	_ =	shalt  }
.Lfunc_end2:
_tile_overlayer_lowered:
.L_overlay_start_2:
0x47c: {  	(tag) =	ssettag $0x2  }
0x47d: {  	s0 =	rddreg [dreg:$0x0];
	s2 =	stileid.u32  }
0x47e: {  	s1 =	rddreg [dreg:$0x1];
	p0 =	sne.s32 s2, $0x0  }
0x47f: {  	s3 =	rddreg [dreg:$0x2];
	[bflag:$0x3] =	sbarrier.arrive $0xFFFF;
	s2 =	simm.s32 @!p0 $0x1C09  }
0x480: {  	[timem:s3], [sflag:s2] =	dma.local @!p0 [hbm:s0], s1  }
0x481: {  	s0 =	simm.s32 @!p0 $0x9  }
0x482: {  	_ =	swait.ge @!p0 [sflag:s0], s1  }
0x483: {  	s1 =	ssub.s32 @!p0 $0x0, s1;
	[sflag:s0] =	ssyncset.done @!p0 $0x0  }
0x484: {  	[sflag:s0] =	ssyncadd.s32 @!p0 s1  }
0x485: {  	[bflag:$0x3] =	sbarrier.arrive $0xFFFF  }
0x486: {  	_ =	shalt  }

// kernel: sparse-core-data-format-call.cloned.1.call-start
scs
called_computation_lowered:
.L_overlay_start_0:
0x0: {  	s2 =	sld [smem:$0x3FD9]  }
0x1: {  	s3 =	sld [smem:$0x3FFE];
	_ =	sdelay $0x1  }
0x2: {  	s1 =	srdreg.scid  }
0x3: {  	s0 =	sand.u32 $0x1, s1  }
0x4: {  	s18 =	sshll.u32 s0, $0xA;
	s2 =	sadd.s32 s3, s2  }
0x5: {  	s2 =	sadd.s32 s2, s18  }
0x6: {  	[smem:$0x3FC5] =	sst s2  }
0x7: {  	_ = 	snop  }
0x8: {  	s2 =	sld [smem:$0x3FD0];
	(tm) =	ssettm $0x1  }
0x9: {  	s19 =	sld [smem:$0x3FFB];
	_ =	sdelay $0x3  }
0xa: {  	_ =	strace s19  }
0xb: {  	s3 =	sld [smem:$0x3FFC];
	_ =	sdelay $0x3  }
0xc: {  	_ =	strace s3  }
0xd: {  	s3 =	sld [smem:$0x3FFD];
	_ =	sdelay $0x3  }
0xe: {  	_ =	strace s3  }
0xf: {  	_ =	strace $0x8FFFFFFF  }
0x10: {  	s20 =	sld [smem:$0x3FDB];
	_ =	sdelay $0x1  }
0x11: {  	s4 =	simm.s32 $_scs_section_size  }
0x12: {  	s5 =	simm.s32 $_size__tile_overlayer_lowered;
	s6 =	simm.s32 $_tile_overlayer_lowered  }
0x13: {  	s23 =	simm.s32 $0x1BFF;
	s22 =	sshll.u32 s6, $0x1;
	s3 =	sadd.s32 s4, s20  }
0x14: {  	s7 =	simm.s32 $0x0;
	s21 =	sshll.u32 s5, $0x1;
	s5 =	sadd.s32 s22, s3  }
0x15: {  	[timem:s7], [sflag:s23] =	dma.local [hbm:s5], s21  }
0x16: {  	_ =	swait.ge [sflag:s23], s21  }
0x17: {  	s4 =	ssub.s32 $0x0, s21;
	[sflag:s23] =	ssyncset.done $0x0  }
0x18: {  	[sflag:s23] =	ssyncadd.s32 s4;
	_ =	sdelay $0x1  }
0x19: {  	s24 =	simm.s32 $0x1B8B  }
0x1a: {  	_ =	swait.ge [sflag:s24], $0x1  }
0x1b: {  	[sflag:s24] =	ssyncset.done $0x0  }
0x1c: {  	s26 =	simm.s32 $0x1B8E;
	s25 =	sld [smem:$0x3FFE];
	[sflag:s24] =	ssyncadd.s32 $0xFFFFFFFF  }
0x1d: {  	s27 =	simm.s32 $execute0_lowered;
	[smem:$0x3FD2] =	sst s26  }
0x1e: {  	s5 =	sshll.u32 s27, $0x1;
	_ =	strace $0x80000049;
	[dreg:$0x1] =	wrdreg $0xFFFFFFFF  }
0x1f: {  	s28 =	simm.s32 $_size_execute0_lowered;
	s3 =	sadd.s32 s3, s5;
	[dreg:$0x0] =	wrdreg $0x0  }
0x20: {  	s5 =	sshll.u32 s28, $0x1;
	[dreg:$0x2] =	wrdreg s3  }
0x21: {  	[dreg:$0x3] =	wrdreg s5  }
0x22: {  	[dreg:$0x4] =	wrdreg $0xC0  }
0x23: {  	_ =	task [dreg:s7], $0x5FFFF  }
0x24: {  	[dreg:$0x1] =	wrdreg $0xFFFFFFFF  }
0x25: {  	[dreg:$0x0] =	wrdreg $0x60  }
0x26: {  	[dreg:$0x2] =	wrdreg s25  }
0x27: {  	[dreg:$0x3] =	wrdreg s2  }
0x28: {  	[dreg:$0x4] =	wrdreg $0x9  }
0x29: {  	_ =	task.clear_ibuf [dreg:s7], $0x5FFFF;
	_ =	strace $0x90000049  }
0x2a: {  	s29 =	simm.s32 $0x9;
	_ =	strace $0x8000004B  }
0x2b: {  	_ =	swait.ge [sflag:s29], $0x1  }
0x2c: {  	[sflag:s29] =	ssyncadd.s32 $0xFFFFFFFF  }
0x2d: {  	_ =	strace $0x9000004B  }
0x2e: {  	_ =	sfence  }
0x2f: {  	s30 =	sld [smem:$0x0];
	_ =	sdelay $0x2  }
0x30: {  	s31 =	sshll.u32 s1, $0xD;
	s1 =	sshrl.u32 s1, $0x2  }
0x31: {  	s3 =	sand.u32 $0x4000, s31;
	s1 =	sadd.s32 s1, s30  }
0x32: {  	s0 =	sor.u32 s3, s0;
	s1 =	sshll.u32 s1, $0x11  }
0x33: {  	s0 =	sor.u32 s1, s0  }
0x34: {  	s0 =	sadd.s32 $0x8F2B, s0  }
0x35: {  	[sflag:s0] =	ssyncadd.remote.s32 $0x1  }
0x36: {  	_ =	sfence.sel $0xFFFF  }
0x37: {  	[dreg:$0x0] =	wrdreg $0xFFFFFFFF;
	(pc) =	sbr.abs _section_cstart, $3  }
0x38: {  	[dreg:$0x1] =	wrdreg $0xFFFFFFFF  }
0x39: {  	_ =	task.clear_ibuf [dreg:s7], $0x2FFFF;
	_ =	strace $0x9FFFFFFF  }
0x3a: {  	(tm) =	ssettm $0x7FFFFFFF  }
0x3b: {  	_ =	shalt  }
tec
execute0_lowered:
.L_overlay_start_1:
0x0: {  	(tag) =	ssettag $0x1  }
0x1: {  	s0 =	srdreg.scid  }
0x2: {  	s1 =	sshll.u32 s0, $0x4  }
0x3: {  	s0 =	stileid.u32;
	s1 =	sand.u32 $0x10, s1  }
0x4: {  	s1 =	sor.u32 s0, s1  }
0x5: {  	s6 =	rddreg [dreg:$0x0];
	s4 =	simm.s32 $0x1;
	s2 =	sshll.u32 s1, $0x7  }
0x6: {  	s7 =	simm.s32 $0x2;
	s12 =	simm.s32 $0x0;
	s1 =	ssub.s32 $0x1000, s2  }
0x7: {  	s8 =	simm.s32 $0x8000;
	s13 =	simm.s32 $0x0;
	s3 =	sand.u32 $0xF80, s1  }
0x8: {  	s9 =	simm.s32 $0x0;
	s5 =	sshrl.u32 s1, $0xC;
	p0 =	sne.s32 s3, $0x0  }
.Ltmp0:
0x9: {  	s1 =	rddreg [dreg:$0x2];
	s4 =	simm.s32 @!p0 $0x0;
	(pc) =	sbr.rel .LBB1_1-.Ltmp0, $4  }
0xa: {  	s11 =	simm.s32 $0x0;
	s3 =	rddreg [dreg:$0x1];
	s5 =	sadd.s32 s4, s5  }
0xb: {  	_ =	strace $0x8000004A;
	s4 =	simm.s32 $0x1;
	s5 =	smul.u32 $0xC8, s5  }
0xc: {  	s6 =	sadd.s32 $0xC00, s6;
	s10 =	smov.u32 s2;
	[sflag:s4] =	ssyncpa.u1 $0x0  }
0xd: {  	p0 =	por $0x0, $0x0;
	[sflag:s7] =	ssyncpa.u1 $0x0;
	s7 =	sor.u32 $0x1, s5  }
.LBB1_4:
0xe: {  	s16 =	sshll.u32 s13, $0x3;
	s17 =	sand.u32 $0x78, s13  }
0xf: {  	s30 =	sand.u32 $0x7E00, s13;
	s12 =	sshll.u32 s12, $0xF;
	s16 =	sand.u32 $0xC00, s16  }
0x10: {  	[tilespmem:s15+$0x810 ss:$0x81] =	vst.msk $0xffff, v2;
	s31 =	sand.u32 $0x7, s13;
	s16 =	sor.u32 s17, s16;
	s17 =	sadd.s32 s3, s30  }
0x11: {  	[tilespmem:s15+$0x1020 ss:$0x81] =	vst.msk $0xffff, v0;
	s13 =	sshll.u32 s31, $0x12;
	s12 =	sadd.s32 s12, s17;
	s16 =	sshrl.u32 s16, $0x3  }
0x12: {  	[tilespmem:s15+$0x0 ss:$0x81] =	vst.msk $0xffff, v1;
	s13 =	sor.u32 $0x400, s13;
	s12 =	sadd.s32 s16, s12  }
0x13: {  	[hbm4b:s12+s13] =	stream.strided.scatter [tilespmem:s14], [sflag:$0x2], $0x2000, s8, s13, $0x20;
	[tilespmem:$0x8080] =	vst v63  }
.LBB1_5:
0x14: {  	s14 =	sadd.s32 $0x1, s9  }
0x15: {  	s12 =	sadd.s32 $0x1000, s10;
	s16 =	smov.u32 s10;
	p2 =	sgt.s32 s14, $0xC7  }
0x16: {  	s16 =	smov.u32 @p2 s12  }
0x17: {  	s14 =	simm.s32 @p2 $0x0;
	p2 =	sgt.s32 s16, $0xFFF  }
0x18: {  	s16 =	smov.u32 @p2 s2;
	p2 =	sne.s32 s11, s7  }
.Ltmp1:
0x19: {  	p1 =	slt.u32 s11, $0x2;
	(pc) =	sbr.rel @!p2 .LBB1_6-.Ltmp1, $4  }
0x1a: {  	s15 =	simm.s32 @!p1 $0x2  }
0x1b: {  	s13 =	smov.u32 s10;
	p0 =	por !p0, !p0;
	_ =	swait.ge @!p1 [sflag:s15], $0x2000  }
0x1c: {  	s12 =	smov.u32 s9;
	[sflag:s15] =	ssyncset.done @!p1 $0x0;
	s9 =	smov.u32 s14  }
0x1d: {  	s11 =	sadd.s32 $0x1, s11;
	[sflag:s15] =	ssyncadd.s32 @!p1 $0xFFFFE000;
	s10 =	smov.u32 s16  }
.LBB1_1:
0x1e: {  	p1 =	sge.u32 s11, s5  }
0x1f: {  	s14 =	sand.u32 @!p1 $0x1FFFFFF, s9  }
0x20: {  	s15 =	smulhi.u32 @!p1 $0x147AE15, s14;
	_ =	sdelay $0x1  }
0x21: {  	s15 =	smul.u32 @!p1 $0xC8, s15  }
0x22: {  	s16 =	sxor.u32 @!p1 $0xFFFFFFFF, s11;
	s17 =	smul.u32 @!p1 $0xC80, s10  }
0x23: {  	s31 =	sadd.s32 $0xFFFFFFFF, s11;
	s16 =	sshll.u32 @!p1 s16, $0xD;
	s14 =	ssub.s32 @!p1 s14, s15  }
0x24: {  	s15 =	sand.u32 @!p1 $0x2000, s16;
	s16 =	sadd.s32 @!p1 s6, s17;
	s14 =	sshll.u32 @!p1 s14, $0x4  }
0x25: {  	s17 =	simm.s32 @!p1 $0x6400;
	s14 =	sadd.s32 @!p1 s14, s16;
	s16 =	simm.s32 @!p1 $0x40  }
0x26: {  	[tilespmem:s15], [sflag:$0x1] =	stream.strided.gather @!p1 [hbm4b:s14+s16], $0x2000, s17, s16, $0x38;
	[tilespmem:$0x8080] =	vst v63  }
0x27: {  	p1 =	sge.u32 s31, s5  }
.Ltmp2:
0x28: {  	_ = 	snop;
	(pc) =	sbr.rel @p1 .LBB1_5-.Ltmp2, $1  }
0x29: {  	_ =	sdelay $0x3  }
0x2a: {  	s14 =	simm.s32 $0x1  }
0x2b: {  	_ =	swait.ge [sflag:s4], $0x2000;
	s14 =	simm.s32 @!p0 $0x0  }
0x2c: {  	[sflag:s4] =	ssyncset.done $0x0;
	s15 =	sshll.u32 s14, $0xD  }
0x2d: {  	[sflag:s4] =	ssyncadd.s32 $0xFFFFE000;
	s18 =	sor.u32 $0x20, s15  }
0x2e: {  	s14 =	smul.u32 $0x8100, s14;
	v3 =	vld [tilespmem:s18+$0x10]  }
0x2f: {  	s30 =	sand.u32 $0x1, s11;
	v2 =	vld [tilespmem:s18+$0xFFFFFFF0]  }
0x30: {  	s15 =	smul.u32 $0x8100, s30;
	s14 =	sshrl.u32 s14, $0x2;
	v0 =	vld [tilespmem:s18+$0x0]  }
0x31: {  	v1 =	vld [tilespmem:s18+$0xFFFFFFE0];
	s16 =	sor.u32 $0x4000, s14  }
0x32: {  	s31 =	sshrl.u32 s15, $0x2;
	s15 =	sadd.s32 $0x0, s16  }
0x33: {  	s17 =	simm.s32 $0x4;
	s18 =	sadd.s32 $0x40, s18;
	s14 =	sor.u32 $0x4000, s31;
	[tilespmem:s15+$0x1830 ss:$0x81] =	vst.msk $0xffff, v3  }
.LBB1_3:
0x34: {  	v3 =	vld [tilespmem:s18+$0x10];
	p1 =	sne.s32 s17, $0x1FC;
	[tilespmem:s15+$0x810 ss:$0x81] =	vst.msk $0xffff, v2;
	s19 =	smov.u32 s17;
	s17 =	sadd.s32 $0x4, s17  }
.Ltmp3:
0x35: {  	v2 =	vld [tilespmem:s18+$0xFFFFFFF0];
	[tilespmem:s15+$0x1020 ss:$0x81] =	vst.msk $0xffff, v0;
	(pc) =	sbr.rel @p1 .LBB1_3-.Ltmp3, $4  }
0x36: {  	v0 =	vld [tilespmem:s18+$0x0];
	[tilespmem:s15+$0x0 ss:$0x81] =	vst.msk $0xffff, v1  }
0x37: {  	s15 =	sshra.s32 s19, $0x2;
	v1 =	vld [tilespmem:s18+$0xFFFFFFE0]  }
0x38: {  	s15 =	sadd.s32 s15, s16  }
0x39: {  	s18 =	sadd.s32 $0x40, s18;
	[tilespmem:s15+$0x1830 ss:$0x81] =	vst.msk $0xffff, v3  }
.Ltmp4:
0x3a: {  	_ = 	snop;
	(pc) =	sbr.rel .LBB1_4-.Ltmp4, $1  }
0x3b: {  	_ =	sdelay $0x3  }
.LBB1_6:
0x3c: {  	_ =	sfence.sel $0x180000  }
0x3d: {  	s2 =	simm.s32 $0x1;
	[bflag:$0x0] =	sbarrier.arrive $0xFFFF  }
0x3e: {  	s31 =	simm.s32 $0x2;
	[sflag:s2] =	ssyncpa.u1 $0x1  }
0x3f: {  	[sflag:s31] =	ssyncpa.u1 $0x1  }
0x40: {  	p0 =	sne.s32 s0, $0x0;
	_ =	strace $0x9000004A  }
0x41: {  	s0 =	sadd.s32 @!p0 $0x100000, s1;
	[bflag:$0x2] =	sbarrier.arrive $0xFFFF  }
0x42: {  	[sflag:s0] =	ssyncadd.tile.s32 @!p0 $0x1;
	_ =	shalt  }
.Lfunc_end1:
_tile_overlayer_lowered:
.L_overlay_start_2:
0x43: {  	(tag) =	ssettag $0x2  }
0x44: {  	s0 =	rddreg [dreg:$0x0];
	s2 =	stileid.u32  }
0x45: {  	s1 =	rddreg [dreg:$0x1];
	p0 =	sne.s32 s2, $0x0  }
0x46: {  	s3 =	rddreg [dreg:$0x2];
	[bflag:$0x3] =	sbarrier.arrive $0xFFFF;
	s2 =	simm.s32 @!p0 $0x1C01  }
0x47: {  	[timem:s3], [sflag:s2] =	dma.local @!p0 [hbm:s0], s1  }
0x48: {  	s0 =	simm.s32 @!p0 $0x1  }
0x49: {  	_ =	swait.ge @!p0 [sflag:s0], s1  }
0x4a: {  	s1 =	ssub.s32 @!p0 $0x0, s1;
	[sflag:s0] =	ssyncset.done @!p0 $0x0  }
0x4b: {  	[sflag:s0] =	ssyncadd.s32 @!p0 s1  }
0x4c: {  	[bflag:$0x3] =	sbarrier.arrive $0xFFFF  }
0x4d: {  	_ =	shalt  }

</sc_bundles>
